<compile_context>
chip_gen: v7x
topology: tpu7x:2x2x1
jax: 0.10.2.dev20260603
libtpu: 0.0.44.dev20260713+nightly
codegen_flags: <defaults>
</compile_context>

<pallas_src>
import functools

import jax
import jax.numpy as jnp
from jax import lax
from jax.experimental import pallas as pl
from jax.experimental.pallas import tpu as pltpu
from jax.experimental.pallas import tpu_sc as plsc

N = 10000
E = 320000
D = 128
H = 128
C = 10

NC = 2
NS = 16
NW = NC * NS
NP = 10240
RPT = NP // NS
EPW = E // NW
K = 80
NCHUNK = EPW // K

_sc_mesh = plsc.VectorSubcoreMesh(core_axis_name="c", subcore_axis_name="s")


NBUF = 5
NGRP = NCHUNK // NBUF


def _fill_idx(buf, slab, e):
    for i in range(K // 16):
        buf[pl.ds(i * 16, 16)] = slab[pl.ds(e * K + i * 16, 16)]


@functools.partial(
    pl.kernel,
    out_type=jax.ShapeDtypeStruct((NC, 2, NP), jnp.float32),
    mesh=_sc_mesh,
    scratch_types=[
        pltpu.VMEM((EPW,), jnp.int32),
        pltpu.VMEM((EPW,), jnp.int32),
        pltpu.VMEM((K,), jnp.float32),
        pltpu.VMEM_SHARED((NP,), jnp.float32),
        pltpu.VMEM_SHARED((NP,), jnp.float32),
    ] + [pltpu.VMEM((K,), jnp.int32)] * NBUF
      + [pltpu.SemaphoreType.DMA] * NBUF,
)
def _deg_kernel(src_hbm, dst_hbm, zrow_hbm, out_hbm, srcs, dsts, ones_v, acc_o, acc_i, *rest):
    idxb = rest[:NBUF]
    sems = rest[NBUF:]
    c = lax.axis_index("c")
    s = lax.axis_index("s")
    wid = s * NC + c

    for j in range(K // 16):
        ones_v[pl.ds(j * 16, 16)] = jnp.ones((16,), jnp.float32)

    pltpu.sync_copy(src_hbm.at[wid], srcs)
    pltpu.sync_copy(dst_hbm.at[wid], dsts)

    pltpu.sync_copy(zrow_hbm, acc_o.at[pl.ds(s * RPT, RPT)])
    pltpu.sync_copy(zrow_hbm, acc_i.at[pl.ds(s * RPT, RPT)])
    plsc.subcore_barrier()

    def mkbody(slab, acc):
        def body(j, _):
            i0 = j * NBUF
            d = []
            for b in range(NBUF):
                _fill_idx(idxb[b], slab, i0 + b)
                d.append(pltpu.async_copy(ones_v, acc.at[idxb[b]], sems[b], add=True))
            for x in d:
                x.wait()
            return 0
        return body

    lax.fori_loop(0, NGRP, mkbody(srcs, acc_o), 0)
    lax.fori_loop(0, NGRP, mkbody(dsts, acc_i), 0)
    plsc.subcore_barrier()

    pltpu.sync_copy(acc_o.at[pl.ds(s * RPT, RPT)], out_hbm.at[c, 0, pl.ds(s * RPT, RPT)])
    pltpu.sync_copy(acc_i.at[pl.ds(s * RPT, RPT)], out_hbm.at[c, 1, pl.ds(s * RPT, RPT)])


@functools.partial(
    pl.kernel,
    out_type=jax.ShapeDtypeStruct((NC, NP, H), jnp.float32),
    mesh=_sc_mesh,
    scratch_types=[
        pltpu.VMEM((EPW,), jnp.int32),
        pltpu.VMEM((EPW,), jnp.int32),
        pltpu.VMEM_SHARED((NP, H), jnp.float32),
        pltpu.VMEM((K, H), jnp.float32),
        pltpu.VMEM((K, H), jnp.float32),
        pltpu.VMEM((K,), jnp.int32),
        pltpu.VMEM((K,), jnp.int32),
        pltpu.VMEM((K,), jnp.int32),
        pltpu.VMEM((K,), jnp.int32),
        pltpu.SemaphoreType.DMA,
        pltpu.SemaphoreType.DMA,
        pltpu.SemaphoreType.DMA,
        pltpu.SemaphoreType.DMA,
    ],
)
def _agg_kernel(t_hbm, src_hbm, dst_hbm, zrows_hbm, out_hbm, srcs, dsts, acc,
                rows0, rows1, sb0, sb1, db0, db1, gsem0, gsem1, ssem0, ssem1):
    rows = (rows0, rows1)
    sbuf = (sb0, sb1)
    dbuf = (db0, db1)
    gsem = (gsem0, gsem1)
    ssem = (ssem0, ssem1)
    c = lax.axis_index("c")
    s = lax.axis_index("s")
    wid = s * NC + c

    d0 = pltpu.async_copy(src_hbm.at[wid], srcs, gsem0)
    d1 = pltpu.async_copy(dst_hbm.at[wid], dsts, gsem1)
    d2 = pltpu.async_copy(zrows_hbm, acc.at[pl.ds(s * RPT, RPT)], ssem0)
    d0.wait()
    d1.wait()
    d2.wait()
    plsc.subcore_barrier()

    KH = K // 2

    def wait_g(b):
        for h in range(2):
            pltpu.make_async_copy(t_hbm.at[sbuf[b].at[pl.ds(h * KH, KH)]],
                                  rows[b].at[pl.ds(h * KH, KH)], gsem[b]).wait()

    def wait_s(b):
        pltpu.make_async_copy(rows[b], acc.at[dbuf[b]], ssem[b]).wait()

    def issue_g(b, e):
        _fill_idx(sbuf[b], srcs, e)
        for h in range(2):
            pltpu.async_copy(t_hbm.at[sbuf[b].at[pl.ds(h * KH, KH)]],
                             rows[b].at[pl.ds(h * KH, KH)], gsem[b])

    def issue_s(b, e):
        _fill_idx(dbuf[b], dsts, e)
        pltpu.async_copy(rows[b], acc.at[dbuf[b]], ssem[b], add=True)

    issue_g(0, 0)
    issue_g(1, 1)

    def body(j, _):
        for b in range(2):
            e = 2 * j + b
            wait_g(b)
            issue_s(b, e)
            wait_s(b)

            @pl.when(e + 2 < NCHUNK)
            def _():
                issue_g(b, e + 2)
        return 0

    lax.fori_loop(0, NCHUNK // 2, body, 0)
    wait_g(0)
    issue_s(0, NCHUNK - 1)
    wait_s(0)

    plsc.subcore_barrier()
    pltpu.sync_copy(acc.at[pl.ds(s * RPT, RPT)], out_hbm.at[c, pl.ds(s * RPT, RPT)])


R = 2000
GRID = N // R


def _norms(deg_blk):
    ns = lax.rsqrt(jnp.clip(deg_blk[0, 0] + deg_blk[1, 0], 1.0, None))
    nd = lax.rsqrt(jnp.clip(deg_blk[0, 1] + deg_blk[1, 1], 1.0, None))
    return ns, nd


def _tc_h1_body(x_ref, wfc_ref, bfc_ref, o_ref):
    o_ref[...] = jnp.maximum(jnp.dot(x_ref[...], wfc_ref[...],
                                     preferred_element_type=jnp.float32) + bfc_ref[...], 0.0)


def _tc_h1(x, W_fc, b_fc2):
    return pl.pallas_call(
        _tc_h1_body,
        grid=(GRID,),
        in_specs=[
            pl.BlockSpec((R, D), lambda i: (i, 0)),
            pl.BlockSpec((D, H), lambda i: (0, 0)),
            pl.BlockSpec((1, H), lambda i: (0, 0)),
        ],
        out_specs=pl.BlockSpec((R, H), lambda i: (i, 0)),
        out_shape=jax.ShapeDtypeStruct((N, H), jnp.float32),
    )(x, W_fc, b_fc2)


def _tc_s1_body(h_ref, deg_ref, w1_ref, o_ref):
    ns, _ = _norms(deg_ref[...])
    o_ref[...] = jnp.dot(h_ref[...] * ns, w1_ref[...], preferred_element_type=jnp.float32)


def _tc_s1(h1, degp, W1):
    return pl.pallas_call(
        _tc_s1_body,
        grid=(GRID,),
        in_specs=[
            pl.BlockSpec((R, H), lambda i: (i, 0)),
            pl.BlockSpec((NC, 2, R, 1), lambda i: (0, 0, i, 0)),
            pl.BlockSpec((H, H), lambda i: (0, 0)),
        ],
        out_specs=pl.BlockSpec((R, H), lambda i: (i, 0)),
        out_shape=jax.ShapeDtypeStruct((N, H), jnp.float32),
    )(h1, degp, W1)


def _tc_mid_body(p_ref, deg_ref, b_ref, w_ref, o_ref):
    agg = p_ref[0] + p_ref[1]
    ns, nd = _norms(deg_ref[...])
    h = jnp.maximum(agg * nd + b_ref[...], 0.0)
    o_ref[...] = jnp.dot(h * ns, w_ref[...], preferred_element_type=jnp.float32)


def _tc_mid(p, degp, b2, W):
    return pl.pallas_call(
        _tc_mid_body,
        grid=(GRID,),
        in_specs=[
            pl.BlockSpec((NC, R, H), lambda i: (0, i, 0)),
            pl.BlockSpec((NC, 2, R, 1), lambda i: (0, 0, i, 0)),
            pl.BlockSpec((1, H), lambda i: (0, 0)),
            pl.BlockSpec((H, H), lambda i: (0, 0)),
        ],
        out_specs=pl.BlockSpec((R, H), lambda i: (i, 0)),
        out_shape=jax.ShapeDtypeStruct((N, H), jnp.float32),
    )(p, degp, b2, W)


def _tc_out_body(p_ref, deg_ref, b_ref, wc_ref, bc_ref, o_ref):
    agg = p_ref[0] + p_ref[1]
    nd = lax.rsqrt(jnp.clip(deg_ref[0, 1] + deg_ref[1, 1], 1.0, None))
    h4 = jnp.maximum(agg * nd + b_ref[...], 0.0)
    rep = jnp.sum(h4, axis=0, keepdims=True) * (1.0 / N)
    o_ref[...] = jnp.dot(rep, wc_ref[...], preferred_element_type=jnp.float32) + bc_ref[...]


def _tc_out(p, degp, b2, Wc, bc2):
    return pl.pallas_call(
        _tc_out_body,
        grid=(1,),
        in_specs=[
            pl.BlockSpec((NC, N, H), lambda i: (0, 0, 0)),
            pl.BlockSpec((NC, 2, N, 1), lambda i: (0, 0, 0, 0)),
            pl.BlockSpec((1, H), lambda i: (0, 0)),
            pl.BlockSpec((H, C), lambda i: (0, 0)),
            pl.BlockSpec((1, C), lambda i: (0, 0)),
        ],
        out_specs=pl.BlockSpec((1, C), lambda i: (0, 0)),
        out_shape=jax.ShapeDtypeStruct((1, C), jnp.float32),
    )(p, degp, b2, Wc, bc2)


def kernel(inputs, edge_index, W_fc, b_fc, W1, b1, W2, b2, W3, b3, Wc, bc):
    src = edge_index[0].astype(jnp.int32).reshape(NW, EPW)
    dst = edge_index[1].astype(jnp.int32).reshape(NW, EPW)
    zrow = jnp.zeros((RPT,), jnp.float32)
    zrows = jnp.zeros((RPT, H), jnp.float32)

    degp = _deg_kernel(src, dst, zrow)
    h1 = _tc_h1(inputs, W_fc, b_fc[None, :])
    degp = degp[:, :, :, None]

    t1 = _tc_s1(h1, degp, W1)
    p1 = _agg_kernel(t1, src, dst, zrows)
    t2 = _tc_mid(p1, degp, b1[None, :], W2)
    p2 = _agg_kernel(t2, src, dst, zrows)
    t3 = _tc_mid(p2, degp, b2[None, :], W3)
    p3 = _agg_kernel(t3, src, dst, zrows)
    return _tc_out(p3, degp, b3[None, :], Wc, bc[None, :])

# --- scband reference (transcript-rebuilt; emitter-appended) ---
"""Pipeline reference for scband-slp-gcn-4graph-34394098106635 (READ-ONLY COPY).

The authoritative reference and input builder live on the scoring server;
editing this copy changes nothing except your own understanding.
"""

import jax, jax.numpy as jnp
import numpy as np

N = 10000
E = 320000
D = 128
H = 128
C = 10


def setup_inputs(seed: int = 0) -> dict:
    key = jax.random.key(seed)
    ks = jax.random.split(key, 13)
    x = jax.random.normal(ks[0], (N, D), dtype=jnp.float32)
    edge_index = jax.random.randint(ks[1], (2, E), 0, N).astype(jnp.int64)
    W_fc = jax.random.normal(ks[2], (D, H), dtype=jnp.float32) * 0.05
    b_fc = jnp.zeros((H,), dtype=jnp.float32)
    W1 = jax.random.normal(ks[3], (H, H), dtype=jnp.float32) * 0.05
    b1 = jnp.zeros((H,), dtype=jnp.float32)
    W2 = jax.random.normal(ks[4], (H, H), dtype=jnp.float32) * 0.05
    b2 = jnp.zeros((H,), dtype=jnp.float32)
    W3 = jax.random.normal(ks[5], (H, H), dtype=jnp.float32) * 0.05
    b3 = jnp.zeros((H,), dtype=jnp.float32)
    Wc = jax.random.normal(ks[6], (H, C), dtype=jnp.float32) * 0.05
    bc = jnp.zeros((C,), dtype=jnp.float32)
    return {"inputs": x, "edge_index": edge_index, "W_fc": W_fc, "b_fc": b_fc,
            "W1": W1, "b1": b1, "W2": W2, "b2": b2, "W3": W3, "b3": b3,
            "Wc": Wc, "bc": bc}


def _gcn_layer(h, src, dst, W, b):
    # DGL GraphConv with norm='both': h' = D_in^{-1/2} A D_out^{-1/2} h W + b
    deg_out = jnp.bincount(src, length=N).astype(jnp.float32)
    deg_in = jnp.bincount(dst, length=N).astype(jnp.float32)
    norm_src = jax.lax.rsqrt(jnp.clip(deg_out, 1.0, None))
    norm_dst = jax.lax.rsqrt(jnp.clip(deg_in, 1.0, None))
    h = h * norm_src[:, None]
    h = h @ W
    m = jnp.take(h, src, axis=0)
    agg = jax.ops.segment_sum(m, dst, num_segments=N)
    return agg * norm_dst[:, None] + b


def reference(inputs, edge_index, W_fc, b_fc, W1, b1, W2, b2, W3, b3, Wc, bc):
    src = edge_index[0]
    dst = edge_index[1]
    h1 = jax.nn.relu(inputs @ W_fc + b_fc)
    h2 = jax.nn.relu(_gcn_layer(h1, src, dst, W1, b1))
    h3 = jax.nn.relu(_gcn_layer(h2, src, dst, W2, b2))
    h4 = jax.nn.relu(_gcn_layer(h3, src, dst, W3, b3))
    graph_repr = jnp.mean(h4, axis=0, keepdims=True)  # dgl.mean_nodes over single graph
    h5 = graph_repr @ Wc + bc
    return h5

if __name__ == "__main__":
    import jax
    _d = setup_inputs()
    print(jax.jit(kernel)(*tuple(_d.values())))

</pallas_src>

<mosaic_0001>
#map = affine_map<(d0, d1) -> (0, 0)>
#map1 = affine_map<(d0, d1) -> (0)>
#map2 = affine_map<(d0, d1) -> (0, 0, 0)>
module attributes {stable_mosaic.version = 14 : i64} {
  func.func @_deg_kernel(%arg0: i32, %arg1: i32, %arg2: memref<32x10000xi32, #tpu.memory_space<hbm>>, %arg3: memref<32x10000xi32, #tpu.memory_space<hbm>>, %arg4: memref<640xf32, #tpu.memory_space<hbm>>, %arg5: memref<2x2x10240xf32, #tpu.memory_space<hbm>>, %arg6: memref<10000xi32, #tpu.memory_space<vmem>>, %arg7: memref<10000xi32, #tpu.memory_space<vmem>>, %arg8: memref<80xf32, #tpu.memory_space<vmem>>, %arg9: memref<10240xf32, #tpu.memory_space<vmem_shared>>, %arg10: memref<10240xf32, #tpu.memory_space<vmem_shared>>, %arg11: memref<80xi32, #tpu.memory_space<vmem>>, %arg12: memref<80xi32, #tpu.memory_space<vmem>>, %arg13: memref<80xi32, #tpu.memory_space<vmem>>, %arg14: memref<80xi32, #tpu.memory_space<vmem>>, %arg15: memref<80xi32, #tpu.memory_space<vmem>>, %arg16: memref<!tpu.dma_semaphore, #tpu.memory_space<semaphore_mem>>, %arg17: memref<!tpu.dma_semaphore, #tpu.memory_space<semaphore_mem>>, %arg18: memref<!tpu.dma_semaphore, #tpu.memory_space<semaphore_mem>>, %arg19: memref<!tpu.dma_semaphore, #tpu.memory_space<semaphore_mem>>, %arg20: memref<!tpu.dma_semaphore, #tpu.memory_space<semaphore_mem>>) attributes {dimension_semantics = [#tpu.dimension_semantics<core_parallel>, #tpu.dimension_semantics<subcore_parallel>], iteration_bounds = array<i64: 2, 16>, scalar_prefetch = 0 : i64, scratch_operands = 15 : i64, tpu.core_type = #tpu.core_type<sc_vector_subcore>, window_params = [{transform_indices = #map}, {transform_indices = #map}, {transform_indices = #map1}, {transform_indices = #map2}]} {
    %mul3A = arith.constant 2 : i32
    %mul3A_0 = arith.muli %arg1, %mul3A : i32
    %add3A = arith.addi %mul3A_0, %arg0 : i32
    %broadcast_in_dim3A = arith.constant 1.000000e+00 : f32
    %broadcast_in_dim3A_1 = vector.broadcast %broadcast_in_dim3A : f32 to vector<16xf32>
    %swap3A = arith.constant 0 : index
    %swap3A_2 = tpu.vector_load %arg8[%swap3A] {strides = array<i32>} : memref<80xf32, #tpu.memory_space<vmem>>, vector<16xf32>,
    %swap3A_3 = vector.shape_cast %swap3A_2 : vector<16xf32> to vector<16xf32>
    %swap3A_4 = vector.shape_cast %broadcast_in_dim3A_1 : vector<16xf32> to vector<16xf32>
    tpu.vector_store %arg8[%swap3A], %swap3A_4 {strides = array<i32>} : memref<80xf32, #tpu.memory_space<vmem>>, vector<16xf32>,
    %broadcast_in_dim3A_5 = arith.constant 1.000000e+00 : f32
    %broadcast_in_dim3A_6 = vector.broadcast %broadcast_in_dim3A_5 : f32 to vector<16xf32>
    %swap3A_7 = arith.constant 16 : index
    %swap3A_8 = tpu.vector_load %arg8[%swap3A_7] {strides = array<i32>} : memref<80xf32, #tpu.memory_space<vmem>>, vector<16xf32>,
    %swap3A_9 = vector.shape_cast %swap3A_8 : vector<16xf32> to vector<16xf32>
    %swap3A_10 = vector.shape_cast %broadcast_in_dim3A_6 : vector<16xf32> to vector<16xf32>
    tpu.vector_store %arg8[%swap3A_7], %swap3A_10 {strides = array<i32>} : memref<80xf32, #tpu.memory_space<vmem>>, vector<16xf32>,
    %broadcast_in_dim3A_11 = arith.constant 1.000000e+00 : f32
    %broadcast_in_dim3A_12 = vector.broadcast %broadcast_in_dim3A_11 : f32 to vector<16xf32>
    %swap3A_13 = arith.constant 32 : index
    %swap3A_14 = tpu.vector_load %arg8[%swap3A_13] {strides = array<i32>} : memref<80xf32, #tpu.memory_space<vmem>>, vector<16xf32>,
    %swap3A_15 = vector.shape_cast %swap3A_14 : vector<16xf32> to vector<16xf32>
    %swap3A_16 = vector.shape_cast %broadcast_in_dim3A_12 : vector<16xf32> to vector<16xf32>
    tpu.vector_store %arg8[%swap3A_13], %swap3A_16 {strides = array<i32>} : memref<80xf32, #tpu.memory_space<vmem>>, vector<16xf32>,
    %broadcast_in_dim3A_17 = arith.constant 1.000000e+00 : f32
    %broadcast_in_dim3A_18 = vector.broadcast %broadcast_in_dim3A_17 : f32 to vector<16xf32>
    %swap3A_19 = arith.constant 48 : index
    %swap3A_20 = tpu.vector_load %arg8[%swap3A_19] {strides = array<i32>} : memref<80xf32, #tpu.memory_space<vmem>>, vector<16xf32>,
    %swap3A_21 = vector.shape_cast %swap3A_20 : vector<16xf32> to vector<16xf32>
    %swap3A_22 = vector.shape_cast %broadcast_in_dim3A_18 : vector<16xf32> to vector<16xf32>
    tpu.vector_store %arg8[%swap3A_19], %swap3A_22 {strides = array<i32>} : memref<80xf32, #tpu.memory_space<vmem>>, vector<16xf32>,
    %broadcast_in_dim3A_23 = arith.constant 1.000000e+00 : f32
    %broadcast_in_dim3A_24 = vector.broadcast %broadcast_in_dim3A_23 : f32 to vector<16xf32>
    %swap3A_25 = arith.constant 64 : index
    %swap3A_26 = tpu.vector_load %arg8[%swap3A_25] {strides = array<i32>} : memref<80xf32, #tpu.memory_space<vmem>>, vector<16xf32>,
    %swap3A_27 = vector.shape_cast %swap3A_26 : vector<16xf32> to vector<16xf32>
    %swap3A_28 = vector.shape_cast %broadcast_in_dim3A_24 : vector<16xf32> to vector<16xf32>
    tpu.vector_store %arg8[%swap3A_25], %swap3A_28 {strides = array<i32>} : memref<80xf32, #tpu.memory_space<vmem>>, vector<16xf32>,
    "tpu.region"() ({
      %run_scoped3A_56 = tpu.sem_alloc : memref<!tpu.dma_semaphore, #tpu.memory_space<semaphore_mem>>
      %dma_start3A = arith.constant 0 : i32
      %dma_start3A_57 = tpu.memref_slice %arg2[%add3A, %dma_start3A] : memref<32x10000xi32, #tpu.memory_space<hbm>> -> memref<1x10000xi32, #tpu.memory_space<hbm>>
      %dma_start3A_58 = tpu.memref_squeeze %dma_start3A_57 : memref<1x10000xi32, #tpu.memory_space<hbm>> -> memref<10000xi32, #tpu.memory_space<hbm>>
      %dma_start3A_59 = arith.constant 0 : i32
      %dma_start3A_60 = tpu.memref_slice %arg2[%add3A, %dma_start3A_59] : memref<32x10000xi32, #tpu.memory_space<hbm>> -> memref<1x10000xi32, #tpu.memory_space<hbm>>
      %dma_start3A_61 = tpu.memref_squeeze %dma_start3A_60 : memref<1x10000xi32, #tpu.memory_space<hbm>> -> memref<10000xi32, #tpu.memory_space<hbm>>
      tpu.enqueue_dma source(%dma_start3A_61 : memref<10000xi32, #tpu.memory_space<hbm>>) target(%arg6 : memref<10000xi32, #tpu.memory_space<vmem>>) target_semaphore(%run_scoped3A_56 : memref<!tpu.dma_semaphore, #tpu.memory_space<semaphore_mem>>)
      %dma_wait3A = arith.constant 0 : i32
      %dma_wait3A_62 = tpu.memref_slice %arg2[%add3A, %dma_wait3A] : memref<32x10000xi32, #tpu.memory_space<hbm>> -> memref<1x10000xi32, #tpu.memory_space<hbm>>
      %dma_wait3A_63 = tpu.memref_squeeze %dma_wait3A_62 : memref<1x10000xi32, #tpu.memory_space<hbm>> -> memref<10000xi32, #tpu.memory_space<hbm>>
      %dma_wait3A_64 = arith.constant 0 : i32
      %dma_wait3A_65 = tpu.memref_slice %arg2[%add3A, %dma_wait3A_64] : memref<32x10000xi32, #tpu.memory_space<hbm>> -> memref<1x10000xi32, #tpu.memory_space<hbm>>
      %dma_wait3A_66 = tpu.memref_squeeze %dma_wait3A_65 : memref<1x10000xi32, #tpu.memory_space<hbm>> -> memref<10000xi32, #tpu.memory_space<hbm>>
      tpu.wait_dma2 semaphore(%run_scoped3A_56 : memref<!tpu.dma_semaphore, #tpu.memory_space<semaphore_mem>>) src(%dma_wait3A_66 : memref<10000xi32, #tpu.memory_space<hbm>>) dst(%arg6 : memref<10000xi32, #tpu.memory_space<vmem>>)
      tpu.yield
    }) : () -> ()
    "tpu.region"() ({
      %run_scoped3A_56 = tpu.sem_alloc : memref<!tpu.dma_semaphore, #tpu.memory_space<semaphore_mem>>
      %dma_start3A = arith.constant 0 : i32
      %dma_start3A_57 = tpu.memref_slice %arg3[%add3A, %dma_start3A] : memref<32x10000xi32, #tpu.memory_space<hbm>> -> memref<1x10000xi32, #tpu.memory_space<hbm>>
      %dma_start3A_58 = tpu.memref_squeeze %dma_start3A_57 : memref<1x10000xi32, #tpu.memory_space<hbm>> -> memref<10000xi32, #tpu.memory_space<hbm>>
      %dma_start3A_59 = arith.constant 0 : i32
      %dma_start3A_60 = tpu.memref_slice %arg3[%add3A, %dma_start3A_59] : memref<32x10000xi32, #tpu.memory_space<hbm>> -> memref<1x10000xi32, #tpu.memory_space<hbm>>
      %dma_start3A_61 = tpu.memref_squeeze %dma_start3A_60 : memref<1x10000xi32, #tpu.memory_space<hbm>> -> memref<10000xi32, #tpu.memory_space<hbm>>
      tpu.enqueue_dma source(%dma_start3A_61 : memref<10000xi32, #tpu.memory_space<hbm>>) target(%arg7 : memref<10000xi32, #tpu.memory_space<vmem>>) target_semaphore(%run_scoped3A_56 : memref<!tpu.dma_semaphore, #tpu.memory_space<semaphore_mem>>)
      %dma_wait3A = arith.constant 0 : i32
      %dma_wait3A_62 = tpu.memref_slice %arg3[%add3A, %dma_wait3A] : memref<32x10000xi32, #tpu.memory_space<hbm>> -> memref<1x10000xi32, #tpu.memory_space<hbm>>
      %dma_wait3A_63 = tpu.memref_squeeze %dma_wait3A_62 : memref<1x10000xi32, #tpu.memory_space<hbm>> -> memref<10000xi32, #tpu.memory_space<hbm>>
      %dma_wait3A_64 = arith.constant 0 : i32
      %dma_wait3A_65 = tpu.memref_slice %arg3[%add3A, %dma_wait3A_64] : memref<32x10000xi32, #tpu.memory_space<hbm>> -> memref<1x10000xi32, #tpu.memory_space<hbm>>
      %dma_wait3A_66 = tpu.memref_squeeze %dma_wait3A_65 : memref<1x10000xi32, #tpu.memory_space<hbm>> -> memref<10000xi32, #tpu.memory_space<hbm>>
      tpu.wait_dma2 semaphore(%run_scoped3A_56 : memref<!tpu.dma_semaphore, #tpu.memory_space<semaphore_mem>>) src(%dma_wait3A_66 : memref<10000xi32, #tpu.memory_space<hbm>>) dst(%arg7 : memref<10000xi32, #tpu.memory_space<vmem>>)
      tpu.yield
    }) : () -> ()
    %mul3A_29 = arith.constant 640 : i32
    %mul3A_30 = arith.muli %arg1, %mul3A_29 : i32
    "tpu.region"() ({
      %run_scoped3A_56 = tpu.sem_alloc : memref<!tpu.dma_semaphore, #tpu.memory_space<semaphore_mem>>
      %dma_start3A = tpu.memref_slice %arg9[%mul3A_30] : memref<10240xf32, #tpu.memory_space<vmem_shared>> -> memref<640xf32, #tpu.memory_space<vmem_shared>>
      tpu.enqueue_dma source(%arg4 : memref<640xf32, #tpu.memory_space<hbm>>) target(%dma_start3A : memref<640xf32, #tpu.memory_space<vmem_shared>>) target_semaphore(%run_scoped3A_56 : memref<!tpu.dma_semaphore, #tpu.memory_space<semaphore_mem>>)
      %dma_wait3A = tpu.memref_slice %arg9[%mul3A_30] : memref<10240xf32, #tpu.memory_space<vmem_shared>> -> memref<640xf32, #tpu.memory_space<vmem_shared>>
      tpu.wait_dma2 semaphore(%run_scoped3A_56 : memref<!tpu.dma_semaphore, #tpu.memory_space<semaphore_mem>>) src(%arg4 : memref<640xf32, #tpu.memory_space<hbm>>) dst(%dma_wait3A : memref<640xf32, #tpu.memory_space<vmem_shared>>)
      tpu.yield
    }) : () -> ()
    %mul3A_31 = arith.constant 640 : i32
    %mul3A_32 = arith.muli %arg1, %mul3A_31 : i32
    "tpu.region"() ({
      %run_scoped3A_56 = tpu.sem_alloc : memref<!tpu.dma_semaphore, #tpu.memory_space<semaphore_mem>>
      %dma_start3A = tpu.memref_slice %arg10[%mul3A_32] : memref<10240xf32, #tpu.memory_space<vmem_shared>> -> memref<640xf32, #tpu.memory_space<vmem_shared>>
      tpu.enqueue_dma source(%arg4 : memref<640xf32, #tpu.memory_space<hbm>>) target(%dma_start3A : memref<640xf32, #tpu.memory_space<vmem_shared>>) target_semaphore(%run_scoped3A_56 : memref<!tpu.dma_semaphore, #tpu.memory_space<semaphore_mem>>)
      %dma_wait3A = tpu.memref_slice %arg10[%mul3A_32] : memref<10240xf32, #tpu.memory_space<vmem_shared>> -> memref<640xf32, #tpu.memory_space<vmem_shared>>
      tpu.wait_dma2 semaphore(%run_scoped3A_56 : memref<!tpu.dma_semaphore, #tpu.memory_space<semaphore_mem>>) src(%arg4 : memref<640xf32, #tpu.memory_space<hbm>>) dst(%dma_wait3A : memref<640xf32, #tpu.memory_space<vmem_shared>>)
      tpu.yield
    }) : () -> ()
    %barrier3A = arith.constant 0 : index
    tpu.barrier barrier_id(%barrier3A)
    %scan3A = arith.constant 0 : i32
    %scan3A_33 = arith.constant 0 : i32
    %scan3A_34 = arith.constant 25 : i32
    %scan3A_35 = arith.addi %scan3A_33, %scan3A_34 : i32
    %scan3A_36 = arith.constant 1 : i32
    %scan3A_37 = scf.for %scan3A_56 = %scan3A_33 to %scan3A_35 step %scan3A_36 iter_args(%scan3A_57 = %scan3A) -> (i32)  : i32 {
      %mul3A_58 = arith.constant 5 : i32
      %mul3A_59 = arith.muli %scan3A_56, %mul3A_58 : i32
      %add3A_60 = arith.constant 0 : i32
      %add3A_61 = arith.addi %mul3A_59, %add3A_60 : i32
      %mul3A_62 = arith.constant 80 : i32
      %mul3A_63 = arith.muli %add3A_61, %mul3A_62 : i32
      %add3A_64 = arith.constant 0 : i32
      %add3A_65 = arith.addi %mul3A_63, %add3A_64 : i32
      %get3A = arith.index_cast %add3A_65 : i32 to index
      %get3A_66 = tpu.vector_load %arg6[%get3A] {strides = array<i32>} : memref<10000xi32, #tpu.memory_space<vmem>>, vector<16xi32>,
      %get3A_67 = vector.shape_cast %get3A_66 : vector<16xi32> to vector<16xi32>
      %swap3A_68 = arith.constant 0 : index
      %swap3A_69 = tpu.vector_load %arg11[%swap3A_68] {strides = array<i32>} : memref<80xi32, #tpu.memory_space<vmem>>, vector<16xi32>,
      %swap3A_70 = vector.shape_cast %swap3A_69 : vector<16xi32> to vector<16xi32>
      %swap3A_71 = vector.shape_cast %get3A_67 : vector<16xi32> to vector<16xi32>
      tpu.vector_store %arg11[%swap3A_68], %swap3A_71 {strides = array<i32>} : memref<80xi32, #tpu.memory_space<vmem>>, vector<16xi32>,
      %mul3A_72 = arith.constant 80 : i32
      %mul3A_73 = arith.muli %add3A_61, %mul3A_72 : i32
      %add3A_74 = arith.constant 16 : i32
      %add3A_75 = arith.addi %mul3A_73, %add3A_74 : i32
      %get3A_76 = arith.index_cast %add3A_75 : i32 to index
      %get3A_77 = tpu.vector_load %arg6[%get3A_76] {strides = array<i32>} : memref<10000xi32, #tpu.memory_space<vmem>>, vector<16xi32>,
      %get3A_78 = vector.shape_cast %get3A_77 : vector<16xi32> to vector<16xi32>
      %swap3A_79 = arith.constant 16 : index
      %swap3A_80 = tpu.vector_load %arg11[%swap3A_79] {strides = array<i32>} : memref<80xi32, #tpu.memory_space<vmem>>, vector<16xi32>,
      %swap3A_81 = vector.shape_cast %swap3A_80 : vector<16xi32> to vector<16xi32>
      %swap3A_82 = vector.shape_cast %get3A_78 : vector<16xi32> to vector<16xi32>
      tpu.vector_store %arg11[%swap3A_79], %swap3A_82 {strides = array<i32>} : memref<80xi32, #tpu.memory_space<vmem>>, vector<16xi32>,
      %mul3A_83 = arith.constant 80 : i32
      %mul3A_84 = arith.muli %add3A_61, %mul3A_83 : i32
      %add3A_85 = arith.constant 32 : i32
      %add3A_86 = arith.addi %mul3A_84, %add3A_85 : i32
      %get3A_87 = arith.index_cast %add3A_86 : i32 to index
      %get3A_88 = tpu.vector_load %arg6[%get3A_87] {strides = array<i32>} : memref<10000xi32, #tpu.memory_space<vmem>>, vector<16xi32>,
      %get3A_89 = vector.shape_cast %get3A_88 : vector<16xi32> to vector<16xi32>
      %swap3A_90 = arith.constant 32 : index
      %swap3A_91 = tpu.vector_load %arg11[%swap3A_90] {strides = array<i32>} : memref<80xi32, #tpu.memory_space<vmem>>, vector<16xi32>,
      %swap3A_92 = vector.shape_cast %swap3A_91 : vector<16xi32> to vector<16xi32>
      %swap3A_93 = vector.shape_cast %get3A_89 : vector<16xi32> to vector<16xi32>
      tpu.vector_store %arg11[%swap3A_90], %swap3A_93 {strides = array<i32>} : memref<80xi32, #tpu.memory_space<vmem>>, vector<16xi32>,
      %mul3A_94 = arith.constant 80 : i32
      %mul3A_95 = arith.muli %add3A_61, %mul3A_94 : i32
      %add3A_96 = arith.constant 48 : i32
      %add3A_97 = arith.addi %mul3A_95, %add3A_96 : i32
      %get3A_98 = arith.index_cast %add3A_97 : i32 to index
      %get3A_99 = tpu.vector_load %arg6[%get3A_98] {strides = array<i32>} : memref<10000xi32, #tpu.memory_space<vmem>>, vector<16xi32>,
      %get3A_100 = vector.shape_cast %get3A_99 : vector<16xi32> to vector<16xi32>
      %swap3A_101 = arith.constant 48 : index
      %swap3A_102 = tpu.vector_load %arg11[%swap3A_101] {strides = array<i32>} : memref<80xi32, #tpu.memory_space<vmem>>, vector<16xi32>,
      %swap3A_103 = vector.shape_cast %swap3A_102 : vector<16xi32> to vector<16xi32>
      %swap3A_104 = vector.shape_cast %get3A_100 : vector<16xi32> to vector<16xi32>
      tpu.vector_store %arg11[%swap3A_101], %swap3A_104 {strides = array<i32>} : memref<80xi32, #tpu.memory_space<vmem>>, vector<16xi32>,
      %mul3A_105 = arith.constant 80 : i32
      %mul3A_106 = arith.muli %add3A_61, %mul3A_105 : i32
      %add3A_107 = arith.constant 64 : i32
      %add3A_108 = arith.addi %mul3A_106, %add3A_107 : i32
      %get3A_109 = arith.index_cast %add3A_108 : i32 to index
      %get3A_110 = tpu.vector_load %arg6[%get3A_109] {strides = array<i32>} : memref<10000xi32, #tpu.memory_space<vmem>>, vector<16xi32>,
      %get3A_111 = vector.shape_cast %get3A_110 : vector<16xi32> to vector<16xi32>
      %swap3A_112 = arith.constant 64 : index
      %swap3A_113 = tpu.vector_load %arg11[%swap3A_112] {strides = array<i32>} : memref<80xi32, #tpu.memory_space<vmem>>, vector<16xi32>,
      %swap3A_114 = vector.shape_cast %swap3A_113 : vector<16xi32> to vector<16xi32>
      %swap3A_115 = vector.shape_cast %get3A_111 : vector<16xi32> to vector<16xi32>
      tpu.vector_store %arg11[%swap3A_112], %swap3A_115 {strides = array<i32>} : memref<80xi32, #tpu.memory_space<vmem>>, vector<16xi32>,
      %dma_start3A = arith.constant 0 : i32
      %dma_start3A_116 = tpu.memref_slice %arg9[%dma_start3A] : memref<10240xf32, #tpu.memory_space<vmem_shared>> -> memref<10240xf32, #tpu.memory_space<vmem_shared>>
      tpu.enqueue_indirect_dma source(%arg8 : memref<80xf32, #tpu.memory_space<vmem>>) target(%dma_start3A_116 : memref<10240xf32, #tpu.memory_space<vmem_shared>>) offsets(%arg11 : memref<80xi32, #tpu.memory_space<vmem>>) semaphore(%arg16 : memref<!tpu.dma_semaphore, #tpu.memory_space<semaphore_mem>>) {add = true}
      %add3A_117 = arith.constant 1 : i32
      %add3A_118 = arith.addi %mul3A_59, %add3A_117 : i32
      %mul3A_119 = arith.constant 80 : i32
      %mul3A_120 = arith.muli %add3A_118, %mul3A_119 : i32
      %add3A_121 = arith.constant 0 : i32
      %add3A_122 = arith.addi %mul3A_120, %add3A_121 : i32
      %get3A_123 = arith.index_cast %add3A_122 : i32 to index
      %get3A_124 = tpu.vector_load %arg6[%get3A_123] {strides = array<i32>} : memref<10000xi32, #tpu.memory_space<vmem>>, vector<16xi32>,
      %get3A_125 = vector.shape_cast %get3A_124 : vector<16xi32> to vector<16xi32>
      %swap3A_126 = arith.constant 0 : index
      %swap3A_127 = tpu.vector_load %arg12[%swap3A_126] {strides = array<i32>} : memref<80xi32, #tpu.memory_space<vmem>>, vector<16xi32>,
      %swap3A_128 = vector.shape_cast %swap3A_127 : vector<16xi32> to vector<16xi32>
      %swap3A_129 = vector.shape_cast %get3A_125 : vector<16xi32> to vector<16xi32>
      tpu.vector_store %arg12[%swap3A_126], %swap3A_129 {strides = array<i32>} : memref<80xi32, #tpu.memory_space<vmem>>, vector<16xi32>,
      %mul3A_130 = arith.constant 80 : i32
      %mul3A_131 = arith.muli %add3A_118, %mul3A_130 : i32
      %add3A_132 = arith.constant 16 : i32
      %add3A_133 = arith.addi %mul3A_131, %add3A_132 : i32
      %get3A_134 = arith.index_cast %add3A_133 : i32 to index
      %get3A_135 = tpu.vector_load %arg6[%get3A_134] {strides = array<i32>} : memref<10000xi32, #tpu.memory_space<vmem>>, vector<16xi32>,
      %get3A_136 = vector.shape_cast %get3A_135 : vector<16xi32> to vector<16xi32>
      %swap3A_137 = arith.constant 16 : index
      %swap3A_138 = tpu.vector_load %arg12[%swap3A_137] {strides = array<i32>} : memref<80xi32, #tpu.memory_space<vmem>>, vector<16xi32>,
      %swap3A_139 = vector.shape_cast %swap3A_138 : vector<16xi32> to vector<16xi32>
      %swap3A_140 = vector.shape_cast %get3A_136 : vector<16xi32> to vector<16xi32>
      tpu.vector_store %arg12[%swap3A_137], %swap3A_140 {strides = array<i32>} : memref<80xi32, #tpu.memory_space<vmem>>, vector<16xi32>,
      %mul3A_141 = arith.constant 80 : i32
      %mul3A_142 = arith.muli %add3A_118, %mul3A_141 : i32
      %add3A_143 = arith.constant 32 : i32
      %add3A_144 = arith.addi %mul3A_142, %add3A_143 : i32
      %get3A_145 = arith.index_cast %add3A_144 : i32 to index
      %get3A_146 = tpu.vector_load %arg6[%get3A_145] {strides = array<i32>} : memref<10000xi32, #tpu.memory_space<vmem>>, vector<16xi32>,
      %get3A_147 = vector.shape_cast %get3A_146 : vector<16xi32> to vector<16xi32>
      %swap3A_148 = arith.constant 32 : index
      %swap3A_149 = tpu.vector_load %arg12[%swap3A_148] {strides = array<i32>} : memref<80xi32, #tpu.memory_space<vmem>>, vector<16xi32>,
      %swap3A_150 = vector.shape_cast %swap3A_149 : vector<16xi32> to vector<16xi32>
      %swap3A_151 = vector.shape_cast %get3A_147 : vector<16xi32> to vector<16xi32>
      tpu.vector_store %arg12[%swap3A_148], %swap3A_151 {strides = array<i32>} : memref<80xi32, #tpu.memory_space<vmem>>, vector<16xi32>,
      %mul3A_152 = arith.constant 80 : i32
      %mul3A_153 = arith.muli %add3A_118, %mul3A_152 : i32
      %add3A_154 = arith.constant 48 : i32
      %add3A_155 = arith.addi %mul3A_153, %add3A_154 : i32
      %get3A_156 = arith.index_cast %add3A_155 : i32 to index
      %get3A_157 = tpu.vector_load %arg6[%get3A_156] {strides = array<i32>} : memref<10000xi32, #tpu.memory_space<vmem>>, vector<16xi32>,
      %get3A_158 = vector.shape_cast %get3A_157 : vector<16xi32> to vector<16xi32>
      %swap3A_159 = arith.constant 48 : index
      %swap3A_160 = tpu.vector_load %arg12[%swap3A_159] {strides = array<i32>} : memref<80xi32, #tpu.memory_space<vmem>>, vector<16xi32>,
      %swap3A_161 = vector.shape_cast %swap3A_160 : vector<16xi32> to vector<16xi32>
      %swap3A_162 = vector.shape_cast %get3A_158 : vector<16xi32> to vector<16xi32>
      tpu.vector_store %arg12[%swap3A_159], %swap3A_162 {strides = array<i32>} : memref<80xi32, #tpu.memory_space<vmem>>, vector<16xi32>,
      %mul3A_163 = arith.constant 80 : i32
      %mul3A_164 = arith.muli %add3A_118, %mul3A_163 : i32
      %add3A_165 = arith.constant 64 : i32
      %add3A_166 = arith.addi %mul3A_164, %add3A_165 : i32
      %get3A_167 = arith.index_cast %add3A_166 : i32 to index
      %get3A_168 = tpu.vector_load %arg6[%get3A_167] {strides = array<i32>} : memref<10000xi32, #tpu.memory_space<vmem>>, vector<16xi32>,
      %get3A_169 = vector.shape_cast %get3A_168 : vector<16xi32> to vector<16xi32>
      %swap3A_170 = arith.constant 64 : index
      %swap3A_171 = tpu.vector_load %arg12[%swap3A_170] {strides = array<i32>} : memref<80xi32, #tpu.memory_space<vmem>>, vector<16xi32>,
      %swap3A_172 = vector.shape_cast %swap3A_171 : vector<16xi32> to vector<16xi32>
      %swap3A_173 = vector.shape_cast %get3A_169 : vector<16xi32> to vector<16xi32>
      tpu.vector_store %arg12[%swap3A_170], %swap3A_173 {strides = array<i32>} : memref<80xi32, #tpu.memory_space<vmem>>, vector<16xi32>,
      %dma_start3A_174 = arith.constant 0 : i32
      %dma_start3A_175 = tpu.memref_slice %arg9[%dma_start3A_174] : memref<10240xf32, #tpu.memory_space<vmem_shared>> -> memref<10240xf32, #tpu.memory_space<vmem_shared>>
      tpu.enqueue_indirect_dma source(%arg8 : memref<80xf32, #tpu.memory_space<vmem>>) target(%dma_start3A_175 : memref<10240xf32, #tpu.memory_space<vmem_shared>>) offsets(%arg12 : memref<80xi32, #tpu.memory_space<vmem>>) semaphore(%arg17 : memref<!tpu.dma_semaphore, #tpu.memory_space<semaphore_mem>>) {add = true}
      %add3A_176 = arith.constant 2 : i32
      %add3A_177 = arith.addi %mul3A_59, %add3A_176 : i32
      %mul3A_178 = arith.constant 80 : i32
      %mul3A_179 = arith.muli %add3A_177, %mul3A_178 : i32
      %add3A_180 = arith.constant 0 : i32
      %add3A_181 = arith.addi %mul3A_179, %add3A_180 : i32
      %get3A_182 = arith.index_cast %add3A_181 : i32 to index
      %get3A_183 = tpu.vector_load %arg6[%get3A_182] {strides = array<i32>} : memref<10000xi32, #tpu.memory_space<vmem>>, vector<16xi32>,
      %get3A_184 = vector.shape_cast %get3A_183 : vector<16xi32> to vector<16xi32>
      %swap3A_185 = arith.constant 0 : index
      %swap3A_186 = tpu.vector_load %arg13[%swap3A_185] {strides = array<i32>} : memref<80xi32, #tpu.memory_space<vmem>>, vector<16xi32>,
      %swap3A_187 = vector.shape_cast %swap3A_186 : vector<16xi32> to vector<16xi32>
      %swap3A_188 = vector.shape_cast %get3A_184 : vector<16xi32> to vector<16xi32>
      tpu.vector_store %arg13[%swap3A_185], %swap3A_188 {strides = array<i32>} : memref<80xi32, #tpu.memory_space<vmem>>, vector<16xi32>,
      %mul3A_189 = arith.constant 80 : i32
      %mul3A_190 = arith.muli %add3A_177, %mul3A_189 : i32
      %add3A_191 = arith.constant 16 : i32
      %add3A_192 = arith.addi %mul3A_190, %add3A_191 : i32
      %get3A_193 = arith.index_cast %add3A_192 : i32 to index
      %get3A_194 = tpu.vector_load %arg6[%get3A_193] {strides = array<i32>} : memref<10000xi32, #tpu.memory_space<vmem>>, vector<16xi32>,
      %get3A_195 = vector.shape_cast %get3A_194 : vector<16xi32> to vector<16xi32>
      %swap3A_196 = arith.constant 16 : index
      %swap3A_197 = tpu.vector_load %arg13[%swap3A_196] {strides = array<i32>} : memref<80xi32, #tpu.memory_space<vmem>>, vector<16xi32>,
      %swap3A_198 = vector.shape_cast %swap3A_197 : vector<16xi32> to vector<16xi32>
      %swap3A_199 = vector.shape_cast %get3A_195 : vector<16xi32> to vector<16xi32>
      tpu.vector_store %arg13[%swap3A_196], %swap3A_199 {strides = array<i32>} : memref<80xi32, #tpu.memory_space<vmem>>, vector<16xi32>,
      %mul3A_200 = arith.constant 80 : i32
      %mul3A_201 = arith.muli %add3A_177, %mul3A_200 : i32
      %add3A_202 = arith.constant 32 : i32
      %add3A_203 = arith.addi %mul3A_201, %add3A_202 : i32
      %get3A_204 = arith.index_cast %add3A_203 : i32 to index
      %get3A_205 = tpu.vector_load %arg6[%get3A_204] {strides = array<i32>} : memref<10000xi32, #tpu.memory_space<vmem>>, vector<16xi32>,
      %get3A_206 = vector.shape_cast %get3A_205 : vector<16xi32> to vector<16xi32>
      %swap3A_207 = arith.constant 32 : index
      %swap3A_208 = tpu.vector_load %arg13[%swap3A_207] {strides = array<i32>} : memref<80xi32, #tpu.memory_space<vmem>>, vector<16xi32>,
      %swap3A_209 = vector.shape_cast %swap3A_208 : vector<16xi32> to vector<16xi32>
      %swap3A_210 = vector.shape_cast %get3A_206 : vector<16xi32> to vector<16xi32>
      tpu.vector_store %arg13[%swap3A_207], %swap3A_210 {strides = array<i32>} : memref<80xi32, #tpu.memory_space<vmem>>, vector<16xi32>,
      %mul3A_211 = arith.constant 80 : i32
      %mul3A_212 = arith.muli %add3A_177, %mul3A_211 : i32
      %add3A_213 = arith.constant 48 : i32
      %add3A_214 = arith.addi %mul3A_212, %add3A_213 : i32
      %get3A_215 = arith.index_cast %add3A_214 : i32 to index
      %get3A_216 = tpu.vector_load %arg6[%get3A_215] {strides = array<i32>} : memref<10000xi32, #tpu.memory_space<vmem>>, vector<16xi32>,
      %get3A_217 = vector.shape_cast %get3A_216 : vector<16xi32> to vector<16xi32>
      %swap3A_218 = arith.constant 48 : index
      %swap3A_219 = tpu.vector_load %arg13[%swap3A_218] {strides = array<i32>} : memref<80xi32, #tpu.memory_space<vmem>>, vector<16xi32>,
      %swap3A_220 = vector.shape_cast %swap3A_219 : vector<16xi32> to vector<16xi32>
      %swap3A_221 = vector.shape_cast %get3A_217 : vector<16xi32> to vector<16xi32>
      tpu.vector_store %arg13[%swap3A_218], %swap3A_221 {strides = array<i32>} : memref<80xi32, #tpu.memory_space<vmem>>, vector<16xi32>,
      %mul3A_222 = arith.constant 80 : i32
      %mul3A_223 = arith.muli %add3A_177, %mul3A_222 : i32
      %add3A_224 = arith.constant 64 : i32
      %add3A_225 = arith.addi %mul3A_223, %add3A_224 : i32
      %get3A_226 = arith.index_cast %add3A_225 : i32 to index
      %get3A_227 = tpu.vector_load %arg6[%get3A_226] {strides = array<i32>} : memref<10000xi32, #tpu.memory_space<vmem>>, vector<16xi32>,
      %get3A_228 = vector.shape_cast %get3A_227 : vector<16xi32> to vector<16xi32>
      %swap3A_229 = arith.constant 64 : index
      %swap3A_230 = tpu.vector_load %arg13[%swap3A_229] {strides = array<i32>} : memref<80xi32, #tpu.memory_space<vmem>>, vector<16xi32>,
      %swap3A_231 = vector.shape_cast %swap3A_230 : vector<16xi32> to vector<16xi32>
      %swap3A_232 = vector.shape_cast %get3A_228 : vector<16xi32> to vector<16xi32>
      tpu.vector_store %arg13[%swap3A_229], %swap3A_232 {strides = array<i32>} : memref<80xi32, #tpu.memory_space<vmem>>, vector<16xi32>,
      %dma_start3A_233 = arith.constant 0 : i32
      %dma_start3A_234 = tpu.memref_slice %arg9[%dma_start3A_233] : memref<10240xf32, #tpu.memory_space<vmem_shared>> -> memref<10240xf32, #tpu.memory_space<vmem_shared>>
      tpu.enqueue_indirect_dma source(%arg8 : memref<80xf32, #tpu.memory_space<vmem>>) target(%dma_start3A_234 : memref<10240xf32, #tpu.memory_space<vmem_shared>>) offsets(%arg13 : memref<80xi32, #tpu.memory_space<vmem>>) semaphore(%arg18 : memref<!tpu.dma_semaphore, #tpu.memory_space<semaphore_mem>>) {add = true}
      %add3A_235 = arith.constant 3 : i32
      %add3A_236 = arith.addi %mul3A_59, %add3A_235 : i32
      %mul3A_237 = arith.constant 80 : i32
      %mul3A_238 = arith.muli %add3A_236, %mul3A_237 : i32
      %add3A_239 = arith.constant 0 : i32
      %add3A_240 = arith.addi %mul3A_238, %add3A_239 : i32
      %get3A_241 = arith.index_cast %add3A_240 : i32 to index
      %get3A_242 = tpu.vector_load %arg6[%get3A_241] {strides = array<i32>} : memref<10000xi32, #tpu.memory_space<vmem>>, vector<16xi32>,
      %get3A_243 = vector.shape_cast %get3A_242 : vector<16xi32> to vector<16xi32>
      %swap3A_244 = arith.constant 0 : index
      %swap3A_245 = tpu.vector_load %arg14[%swap3A_244] {strides = array<i32>} : memref<80xi32, #tpu.memory_space<vmem>>, vector<16xi32>,
      %swap3A_246 = vector.shape_cast %swap3A_245 : vector<16xi32> to vector<16xi32>
      %swap3A_247 = vector.shape_cast %get3A_243 : vector<16xi32> to vector<16xi32>
      tpu.vector_store %arg14[%swap3A_244], %swap3A_247 {strides = array<i32>} : memref<80xi32, #tpu.memory_space<vmem>>, vector<16xi32>,
      %mul3A_248 = arith.constant 80 : i32
      %mul3A_249 = arith.muli %add3A_236, %mul3A_248 : i32
      %add3A_250 = arith.constant 16 : i32
      %add3A_251 = arith.addi %mul3A_249, %add3A_250 : i32
      %get3A_252 = arith.index_cast %add3A_251 : i32 to index
      %get3A_253 = tpu.vector_load %arg6[%get3A_252] {strides = array<i32>} : memref<10000xi32, #tpu.memory_space<vmem>>, vector<16xi32>,
      %get3A_254 = vector.shape_cast %get3A_253 : vector<16xi32> to vector<16xi32>
      %swap3A_255 = arith.constant 16 : index
      %swap3A_256 = tpu.vector_load %arg14[%swap3A_255] {strides = array<i32>} : memref<80xi32, #tpu.memory_space<vmem>>, vector<16xi32>,
      %swap3A_257 = vector.shape_cast %swap3A_256 : vector<16xi32> to vector<16xi32>
      %swap3A_258 = vector.shape_cast %get3A_254 : vector<16xi32> to vector<16xi32>
      tpu.vector_store %arg14[%swap3A_255], %swap3A_258 {strides = array<i32>} : memref<80xi32, #tpu.memory_space<vmem>>, vector<16xi32>,
      %mul3A_259 = arith.constant 80 : i32
      %mul3A_260 = arith.muli %add3A_236, %mul3A_259 : i32
      %add3A_261 = arith.constant 32 : i32
      %add3A_262 = arith.addi %mul3A_260, %add3A_261 : i32
      %get3A_263 = arith.index_cast %add3A_262 : i32 to index
      %get3A_264 = tpu.vector_load %arg6[%get3A_263] {strides = array<i32>} : memref<10000xi32, #tpu.memory_space<vmem>>, vector<16xi32>,
      %get3A_265 = vector.shape_cast %get3A_264 : vector<16xi32> to vector<16xi32>
      %swap3A_266 = arith.constant 32 : index
      %swap3A_267 = tpu.vector_load %arg14[%swap3A_266] {strides = array<i32>} : memref<80xi32, #tpu.memory_space<vmem>>, vector<16xi32>,
      %swap3A_268 = vector.shape_cast %swap3A_267 : vector<16xi32> to vector<16xi32>
      %swap3A_269 = vector.shape_cast %get3A_265 : vector<16xi32> to vector<16xi32>
      tpu.vector_store %arg14[%swap3A_266], %swap3A_269 {strides = array<i32>} : memref<80xi32, #tpu.memory_space<vmem>>, vector<16xi32>,
      %mul3A_270 = arith.constant 80 : i32
      %mul3A_271 = arith.muli %add3A_236, %mul3A_270 : i32
      %add3A_272 = arith.constant 48 : i32
      %add3A_273 = arith.addi %mul3A_271, %add3A_272 : i32
      %get3A_274 = arith.index_cast %add3A_273 : i32 to index
      %get3A_275 = tpu.vector_load %arg6[%get3A_274] {strides = array<i32>} : memref<10000xi32, #tpu.memory_space<vmem>>, vector<16xi32>,
      %get3A_276 = vector.shape_cast %get3A_275 : vector<16xi32> to vector<16xi32>
      %swap3A_277 = arith.constant 48 : index
      %swap3A_278 = tpu.vector_load %arg14[%swap3A_277] {strides = array<i32>} : memref<80xi32, #tpu.memory_space<vmem>>, vector<16xi32>,
      %swap3A_279 = vector.shape_cast %swap3A_278 : vector<16xi32> to vector<16xi32>
      %swap3A_280 = vector.shape_cast %get3A_276 : vector<16xi32> to vector<16xi32>
      tpu.vector_store %arg14[%swap3A_277], %swap3A_280 {strides = array<i32>} : memref<80xi32, #tpu.memory_space<vmem>>, vector<16xi32>,
      %mul3A_281 = arith.constant 80 : i32
      %mul3A_282 = arith.muli %add3A_236, %mul3A_281 : i32
      %add3A_283 = arith.constant 64 : i32
      %add3A_284 = arith.addi %mul3A_282, %add3A_283 : i32
      %get3A_285 = arith.index_cast %add3A_284 : i32 to index
      %get3A_286 = tpu.vector_load %arg6[%get3A_285] {strides = array<i32>} : memref<10000xi32, #tpu.memory_space<vmem>>, vector<16xi32>,
      %get3A_287 = vector.shape_cast %get3A_286 : vector<16xi32> to vector<16xi32>
      %swap3A_288 = arith.constant 64 : index
      %swap3A_289 = tpu.vector_load %arg14[%swap3A_288] {strides = array<i32>} : memref<80xi32, #tpu.memory_space<vmem>>, vector<16xi32>,
      %swap3A_290 = vector.shape_cast %swap3A_289 : vector<16xi32> to vector<16xi32>
      %swap3A_291 = vector.shape_cast %get3A_287 : vector<16xi32> to vector<16xi32>
      tpu.vector_store %arg14[%swap3A_288], %swap3A_291 {strides = array<i32>} : memref<80xi32, #tpu.memory_space<vmem>>, vector<16xi32>,
      %dma_start3A_292 = arith.constant 0 : i32
      %dma_start3A_293 = tpu.memref_slice %arg9[%dma_start3A_292] : memref<10240xf32, #tpu.memory_space<vmem_shared>> -> memref<10240xf32, #tpu.memory_space<vmem_shared>>
      tpu.enqueue_indirect_dma source(%arg8 : memref<80xf32, #tpu.memory_space<vmem>>) target(%dma_start3A_293 : memref<10240xf32, #tpu.memory_space<vmem_shared>>) offsets(%arg14 : memref<80xi32, #tpu.memory_space<vmem>>) semaphore(%arg19 : memref<!tpu.dma_semaphore, #tpu.memory_space<semaphore_mem>>) {add = true}
      %add3A_294 = arith.constant 4 : i32
      %add3A_295 = arith.addi %mul3A_59, %add3A_294 : i32
      %mul3A_296 = arith.constant 80 : i32
      %mul3A_297 = arith.muli %add3A_295, %mul3A_296 : i32
      %add3A_298 = arith.constant 0 : i32
      %add3A_299 = arith.addi %mul3A_297, %add3A_298 : i32
      %get3A_300 = arith.index_cast %add3A_299 : i32 to index
      %get3A_301 = tpu.vector_load %arg6[%get3A_300] {strides = array<i32>} : memref<10000xi32, #tpu.memory_space<vmem>>, vector<16xi32>,
      %get3A_302 = vector.shape_cast %get3A_301 : vector<16xi32> to vector<16xi32>
      %swap3A_303 = arith.constant 0 : index
      %swap3A_304 = tpu.vector_load %arg15[%swap3A_303] {strides = array<i32>} : memref<80xi32, #tpu.memory_space<vmem>>, vector<16xi32>,
      %swap3A_305 = vector.shape_cast %swap3A_304 : vector<16xi32> to vector<16xi32>
      %swap3A_306 = vector.shape_cast %get3A_302 : vector<16xi32> to vector<16xi32>
      tpu.vector_store %arg15[%swap3A_303], %swap3A_306 {strides = array<i32>} : memref<80xi32, #tpu.memory_space<vmem>>, vector<16xi32>,
      %mul3A_307 = arith.constant 80 : i32
      %mul3A_308 = arith.muli %add3A_295, %mul3A_307 : i32
      %add3A_309 = arith.constant 16 : i32
      %add3A_310 = arith.addi %mul3A_308, %add3A_309 : i32
      %get3A_311 = arith.index_cast %add3A_310 : i32 to index
      %get3A_312 = tpu.vector_load %arg6[%get3A_311] {strides = array<i32>} : memref<10000xi32, #tpu.memory_space<vmem>>, vector<16xi32>,
      %get3A_313 = vector.shape_cast %get3A_312 : vector<16xi32> to vector<16xi32>
      %swap3A_314 = arith.constant 16 : index
      %swap3A_315 = tpu.vector_load %arg15[%swap3A_314] {strides = array<i32>} : memref<80xi32, #tpu.memory_space<vmem>>, vector<16xi32>,
      %swap3A_316 = vector.shape_cast %swap3A_315 : vector<16xi32> to vector<16xi32>
      %swap3A_317 = vector.shape_cast %get3A_313 : vector<16xi32> to vector<16xi32>
      tpu.vector_store %arg15[%swap3A_314], %swap3A_317 {strides = array<i32>} : memref<80xi32, #tpu.memory_space<vmem>>, vector<16xi32>,
      %mul3A_318 = arith.constant 80 : i32
      %mul3A_319 = arith.muli %add3A_295, %mul3A_318 : i32
      %add3A_320 = arith.constant 32 : i32
      %add3A_321 = arith.addi %mul3A_319, %add3A_320 : i32
      %get3A_322 = arith.index_cast %add3A_321 : i32 to index
      %get3A_323 = tpu.vector_load %arg6[%get3A_322] {strides = array<i32>} : memref<10000xi32, #tpu.memory_space<vmem>>, vector<16xi32>,
      %get3A_324 = vector.shape_cast %get3A_323 : vector<16xi32> to vector<16xi32>
      %swap3A_325 = arith.constant 32 : index
      %swap3A_326 = tpu.vector_load %arg15[%swap3A_325] {strides = array<i32>} : memref<80xi32, #tpu.memory_space<vmem>>, vector<16xi32>,
      %swap3A_327 = vector.shape_cast %swap3A_326 : vector<16xi32> to vector<16xi32>
      %swap3A_328 = vector.shape_cast %get3A_324 : vector<16xi32> to vector<16xi32>
      tpu.vector_store %arg15[%swap3A_325], %swap3A_328 {strides = array<i32>} : memref<80xi32, #tpu.memory_space<vmem>>, vector<16xi32>,
      %mul3A_329 = arith.constant 80 : i32
      %mul3A_330 = arith.muli %add3A_295, %mul3A_329 : i32
      %add3A_331 = arith.constant 48 : i32
      %add3A_332 = arith.addi %mul3A_330, %add3A_331 : i32
      %get3A_333 = arith.index_cast %add3A_332 : i32 to index
      %get3A_334 = tpu.vector_load %arg6[%get3A_333] {strides = array<i32>} : memref<10000xi32, #tpu.memory_space<vmem>>, vector<16xi32>,
      %get3A_335 = vector.shape_cast %get3A_334 : vector<16xi32> to vector<16xi32>
      %swap3A_336 = arith.constant 48 : index
      %swap3A_337 = tpu.vector_load %arg15[%swap3A_336] {strides = array<i32>} : memref<80xi32, #tpu.memory_space<vmem>>, vector<16xi32>,
      %swap3A_338 = vector.shape_cast %swap3A_337 : vector<16xi32> to vector<16xi32>
      %swap3A_339 = vector.shape_cast %get3A_335 : vector<16xi32> to vector<16xi32>
      tpu.vector_store %arg15[%swap3A_336], %swap3A_339 {strides = array<i32>} : memref<80xi32, #tpu.memory_space<vmem>>, vector<16xi32>,
      %mul3A_340 = arith.constant 80 : i32
      %mul3A_341 = arith.muli %add3A_295, %mul3A_340 : i32
      %add3A_342 = arith.constant 64 : i32
      %add3A_343 = arith.addi %mul3A_341, %add3A_342 : i32
      %get3A_344 = arith.index_cast %add3A_343 : i32 to index
      %get3A_345 = tpu.vector_load %arg6[%get3A_344] {strides = array<i32>} : memref<10000xi32, #tpu.memory_space<vmem>>, vector<16xi32>,
      %get3A_346 = vector.shape_cast %get3A_345 : vector<16xi32> to vector<16xi32>
      %swap3A_347 = arith.constant 64 : index
      %swap3A_348 = tpu.vector_load %arg15[%swap3A_347] {strides = array<i32>} : memref<80xi32, #tpu.memory_space<vmem>>, vector<16xi32>,
      %swap3A_349 = vector.shape_cast %swap3A_348 : vector<16xi32> to vector<16xi32>
      %swap3A_350 = vector.shape_cast %get3A_346 : vector<16xi32> to vector<16xi32>
      tpu.vector_store %arg15[%swap3A_347], %swap3A_350 {strides = array<i32>} : memref<80xi32, #tpu.memory_space<vmem>>, vector<16xi32>,
      %dma_start3A_351 = arith.constant 0 : i32
      %dma_start3A_352 = tpu.memref_slice %arg9[%dma_start3A_351] : memref<10240xf32, #tpu.memory_space<vmem_shared>> -> memref<10240xf32, #tpu.memory_space<vmem_shared>>
      tpu.enqueue_indirect_dma source(%arg8 : memref<80xf32, #tpu.memory_space<vmem>>) target(%dma_start3A_352 : memref<10240xf32, #tpu.memory_space<vmem_shared>>) offsets(%arg15 : memref<80xi32, #tpu.memory_space<vmem>>) semaphore(%arg20 : memref<!tpu.dma_semaphore, #tpu.memory_space<semaphore_mem>>) {add = true}
      %dma_wait3A = arith.constant 0 : i32
      %dma_wait3A_353 = tpu.memref_slice %arg9[%dma_wait3A] : memref<10240xf32, #tpu.memory_space<vmem_shared>> -> memref<10240xf32, #tpu.memory_space<vmem_shared>>
      tpu.wait_indirect_dma semaphore(%arg16 : memref<!tpu.dma_semaphore, #tpu.memory_space<semaphore_mem>>) src(%arg8 : memref<80xf32, #tpu.memory_space<vmem>>) dst(%dma_wait3A_353 : memref<10240xf32, #tpu.memory_space<vmem_shared>>)
      %dma_wait3A_354 = arith.constant 0 : i32
      %dma_wait3A_355 = tpu.memref_slice %arg9[%dma_wait3A_354] : memref<10240xf32, #tpu.memory_space<vmem_shared>> -> memref<10240xf32, #tpu.memory_space<vmem_shared>>
      tpu.wait_indirect_dma semaphore(%arg17 : memref<!tpu.dma_semaphore, #tpu.memory_space<semaphore_mem>>) src(%arg8 : memref<80xf32, #tpu.memory_space<vmem>>) dst(%dma_wait3A_355 : memref<10240xf32, #tpu.memory_space<vmem_shared>>)
      %dma_wait3A_356 = arith.constant 0 : i32
      %dma_wait3A_357 = tpu.memref_slice %arg9[%dma_wait3A_356] : memref<10240xf32, #tpu.memory_space<vmem_shared>> -> memref<10240xf32, #tpu.memory_space<vmem_shared>>
      tpu.wait_indirect_dma semaphore(%arg18 : memref<!tpu.dma_semaphore, #tpu.memory_space<semaphore_mem>>) src(%arg8 : memref<80xf32, #tpu.memory_space<vmem>>) dst(%dma_wait3A_357 : memref<10240xf32, #tpu.memory_space<vmem_shared>>)
      %dma_wait3A_358 = arith.constant 0 : i32
      %dma_wait3A_359 = tpu.memref_slice %arg9[%dma_wait3A_358] : memref<10240xf32, #tpu.memory_space<vmem_shared>> -> memref<10240xf32, #tpu.memory_space<vmem_shared>>
      tpu.wait_indirect_dma semaphore(%arg19 : memref<!tpu.dma_semaphore, #tpu.memory_space<semaphore_mem>>) src(%arg8 : memref<80xf32, #tpu.memory_space<vmem>>) dst(%dma_wait3A_359 : memref<10240xf32, #tpu.memory_space<vmem_shared>>)
      %dma_wait3A_360 = arith.constant 0 : i32
      %dma_wait3A_361 = tpu.memref_slice %arg9[%dma_wait3A_360] : memref<10240xf32, #tpu.memory_space<vmem_shared>> -> memref<10240xf32, #tpu.memory_space<vmem_shared>>
      tpu.wait_indirect_dma semaphore(%arg20 : memref<!tpu.dma_semaphore, #tpu.memory_space<semaphore_mem>>) src(%arg8 : memref<80xf32, #tpu.memory_space<vmem>>) dst(%dma_wait3A_361 : memref<10240xf32, #tpu.memory_space<vmem_shared>>)
      %scan3A_362 = arith.constant 0 : i32
      scf.yield %scan3A_362 : i32
    }
    %scan3A_38 = arith.constant 25 : i32
    %scan3A_39 = arith.constant 0 : i32
    %scan3A_40 = arith.constant 0 : i32
    %scan3A_41 = arith.constant 25 : i32
    %scan3A_42 = arith.addi %scan3A_40, %scan3A_41 : i32
    %scan3A_43 = arith.constant 1 : i32
    %scan3A_44 = scf.for %scan3A_56 = %scan3A_40 to %scan3A_42 step %scan3A_43 iter_args(%scan3A_57 = %scan3A_39) -> (i32)  : i32 {
      %mul3A_58 = arith.constant 5 : i32
      %mul3A_59 = arith.muli %scan3A_56, %mul3A_58 : i32
      %add3A_60 = arith.constant 0 : i32
      %add3A_61 = arith.addi %mul3A_59, %add3A_60 : i32
      %mul3A_62 = arith.constant 80 : i32
      %mul3A_63 = arith.muli %add3A_61, %mul3A_62 : i32
      %add3A_64 = arith.constant 0 : i32
      %add3A_65 = arith.addi %mul3A_63, %add3A_64 : i32
      %get3A = arith.index_cast %add3A_65 : i32 to index
      %get3A_66 = tpu.vector_load %arg7[%get3A] {strides = array<i32>} : memref<10000xi32, #tpu.memory_space<vmem>>, vector<16xi32>,
      %get3A_67 = vector.shape_cast %get3A_66 : vector<16xi32> to vector<16xi32>
      %swap3A_68 = arith.constant 0 : index
      %swap3A_69 = tpu.vector_load %arg11[%swap3A_68] {strides = array<i32>} : memref<80xi32, #tpu.memory_space<vmem>>, vector<16xi32>,
      %swap3A_70 = vector.shape_cast %swap3A_69 : vector<16xi32> to vector<16xi32>
      %swap3A_71 = vector.shape_cast %get3A_67 : vector<16xi32> to vector<16xi32>
      tpu.vector_store %arg11[%swap3A_68], %swap3A_71 {strides = array<i32>} : memref<80xi32, #tpu.memory_space<vmem>>, vector<16xi32>,
      %mul3A_72 = arith.constant 80 : i32
      %mul3A_73 = arith.muli %add3A_61, %mul3A_72 : i32
      %add3A_74 = arith.constant 16 : i32
      %add3A_75 = arith.addi %mul3A_73, %add3A_74 : i32
      %get3A_76 = arith.index_cast %add3A_75 : i32 to index
      %get3A_77 = tpu.vector_load %arg7[%get3A_76] {strides = array<i32>} : memref<10000xi32, #tpu.memory_space<vmem>>, vector<16xi32>,
      %get3A_78 = vector.shape_cast %get3A_77 : vector<16xi32> to vector<16xi32>
      %swap3A_79 = arith.constant 16 : index
      %swap3A_80 = tpu.vector_load %arg11[%swap3A_79] {strides = array<i32>} : memref<80xi32, #tpu.memory_space<vmem>>, vector<16xi32>,
      %swap3A_81 = vector.shape_cast %swap3A_80 : vector<16xi32> to vector<16xi32>
      %swap3A_82 = vector.shape_cast %get3A_78 : vector<16xi32> to vector<16xi32>
      tpu.vector_store %arg11[%swap3A_79], %swap3A_82 {strides = array<i32>} : memref<80xi32, #tpu.memory_space<vmem>>, vector<16xi32>,
      %mul3A_83 = arith.constant 80 : i32
      %mul3A_84 = arith.muli %add3A_61, %mul3A_83 : i32
      %add3A_85 = arith.constant 32 : i32
      %add3A_86 = arith.addi %mul3A_84, %add3A_85 : i32
      %get3A_87 = arith.index_cast %add3A_86 : i32 to index
      %get3A_88 = tpu.vector_load %arg7[%get3A_87] {strides = array<i32>} : memref<10000xi32, #tpu.memory_space<vmem>>, vector<16xi32>,
      %get3A_89 = vector.shape_cast %get3A_88 : vector<16xi32> to vector<16xi32>
      %swap3A_90 = arith.constant 32 : index
      %swap3A_91 = tpu.vector_load %arg11[%swap3A_90] {strides = array<i32>} : memref<80xi32, #tpu.memory_space<vmem>>, vector<16xi32>,
      %swap3A_92 = vector.shape_cast %swap3A_91 : vector<16xi32> to vector<16xi32>
      %swap3A_93 = vector.shape_cast %get3A_89 : vector<16xi32> to vector<16xi32>
      tpu.vector_store %arg11[%swap3A_90], %swap3A_93 {strides = array<i32>} : memref<80xi32, #tpu.memory_space<vmem>>, vector<16xi32>,
      %mul3A_94 = arith.constant 80 : i32
      %mul3A_95 = arith.muli %add3A_61, %mul3A_94 : i32
      %add3A_96 = arith.constant 48 : i32
      %add3A_97 = arith.addi %mul3A_95, %add3A_96 : i32
      %get3A_98 = arith.index_cast %add3A_97 : i32 to index
      %get3A_99 = tpu.vector_load %arg7[%get3A_98] {strides = array<i32>} : memref<10000xi32, #tpu.memory_space<vmem>>, vector<16xi32>,
      %get3A_100 = vector.shape_cast %get3A_99 : vector<16xi32> to vector<16xi32>
      %swap3A_101 = arith.constant 48 : index
      %swap3A_102 = tpu.vector_load %arg11[%swap3A_101] {strides = array<i32>} : memref<80xi32, #tpu.memory_space<vmem>>, vector<16xi32>,
      %swap3A_103 = vector.shape_cast %swap3A_102 : vector<16xi32> to vector<16xi32>
      %swap3A_104 = vector.shape_cast %get3A_100 : vector<16xi32> to vector<16xi32>
      tpu.vector_store %arg11[%swap3A_101], %swap3A_104 {strides = array<i32>} : memref<80xi32, #tpu.memory_space<vmem>>, vector<16xi32>,
      %mul3A_105 = arith.constant 80 : i32
      %mul3A_106 = arith.muli %add3A_61, %mul3A_105 : i32
      %add3A_107 = arith.constant 64 : i32
      %add3A_108 = arith.addi %mul3A_106, %add3A_107 : i32
      %get3A_109 = arith.index_cast %add3A_108 : i32 to index
      %get3A_110 = tpu.vector_load %arg7[%get3A_109] {strides = array<i32>} : memref<10000xi32, #tpu.memory_space<vmem>>, vector<16xi32>,
      %get3A_111 = vector.shape_cast %get3A_110 : vector<16xi32> to vector<16xi32>
      %swap3A_112 = arith.constant 64 : index
      %swap3A_113 = tpu.vector_load %arg11[%swap3A_112] {strides = array<i32>} : memref<80xi32, #tpu.memory_space<vmem>>, vector<16xi32>,
      %swap3A_114 = vector.shape_cast %swap3A_113 : vector<16xi32> to vector<16xi32>
      %swap3A_115 = vector.shape_cast %get3A_111 : vector<16xi32> to vector<16xi32>
      tpu.vector_store %arg11[%swap3A_112], %swap3A_115 {strides = array<i32>} : memref<80xi32, #tpu.memory_space<vmem>>, vector<16xi32>,
      %dma_start3A = arith.constant 0 : i32
      %dma_start3A_116 = tpu.memref_slice %arg10[%dma_start3A] : memref<10240xf32, #tpu.memory_space<vmem_shared>> -> memref<10240xf32, #tpu.memory_space<vmem_shared>>
      tpu.enqueue_indirect_dma source(%arg8 : memref<80xf32, #tpu.memory_space<vmem>>) target(%dma_start3A_116 : memref<10240xf32, #tpu.memory_space<vmem_shared>>) offsets(%arg11 : memref<80xi32, #tpu.memory_space<vmem>>) semaphore(%arg16 : memref<!tpu.dma_semaphore, #tpu.memory_space<semaphore_mem>>) {add = true}
      %add3A_117 = arith.constant 1 : i32
      %add3A_118 = arith.addi %mul3A_59, %add3A_117 : i32
      %mul3A_119 = arith.constant 80 : i32
      %mul3A_120 = arith.muli %add3A_118, %mul3A_119 : i32
      %add3A_121 = arith.constant 0 : i32
      %add3A_122 = arith.addi %mul3A_120, %add3A_121 : i32
      %get3A_123 = arith.index_cast %add3A_122 : i32 to index
      %get3A_124 = tpu.vector_load %arg7[%get3A_123] {strides = array<i32>} : memref<10000xi32, #tpu.memory_space<vmem>>, vector<16xi32>,
      %get3A_125 = vector.shape_cast %get3A_124 : vector<16xi32> to vector<16xi32>
      %swap3A_126 = arith.constant 0 : index
      %swap3A_127 = tpu.vector_load %arg12[%swap3A_126] {strides = array<i32>} : memref<80xi32, #tpu.memory_space<vmem>>, vector<16xi32>,
      %swap3A_128 = vector.shape_cast %swap3A_127 : vector<16xi32> to vector<16xi32>
      %swap3A_129 = vector.shape_cast %get3A_125 : vector<16xi32> to vector<16xi32>
      tpu.vector_store %arg12[%swap3A_126], %swap3A_129 {strides = array<i32>} : memref<80xi32, #tpu.memory_space<vmem>>, vector<16xi32>,
      %mul3A_130 = arith.constant 80 : i32
      %mul3A_131 = arith.muli %add3A_118, %mul3A_130 : i32
      %add3A_132 = arith.constant 16 : i32
      %add3A_133 = arith.addi %mul3A_131, %add3A_132 : i32
      %get3A_134 = arith.index_cast %add3A_133 : i32 to index
      %get3A_135 = tpu.vector_load %arg7[%get3A_134] {strides = array<i32>} : memref<10000xi32, #tpu.memory_space<vmem>>, vector<16xi32>,
      %get3A_136 = vector.shape_cast %get3A_135 : vector<16xi32> to vector<16xi32>
      %swap3A_137 = arith.constant 16 : index
      %swap3A_138 = tpu.vector_load %arg12[%swap3A_137] {strides = array<i32>} : memref<80xi32, #tpu.memory_space<vmem>>, vector<16xi32>,
      %swap3A_139 = vector.shape_cast %swap3A_138 : vector<16xi32> to vector<16xi32>
      %swap3A_140 = vector.shape_cast %get3A_136 : vector<16xi32> to vector<16xi32>
      tpu.vector_store %arg12[%swap3A_137], %swap3A_140 {strides = array<i32>} : memref<80xi32, #tpu.memory_space<vmem>>, vector<16xi32>,
      %mul3A_141 = arith.constant 80 : i32
      %mul3A_142 = arith.muli %add3A_118, %mul3A_141 : i32
      %add3A_143 = arith.constant 32 : i32
      %add3A_144 = arith.addi %mul3A_142, %add3A_143 : i32
      %get3A_145 = arith.index_cast %add3A_144 : i32 to index
      %get3A_146 = tpu.vector_load %arg7[%get3A_145] {strides = array<i32>} : memref<10000xi32, #tpu.memory_space<vmem>>, vector<16xi32>,
      %get3A_147 = vector.shape_cast %get3A_146 : vector<16xi32> to vector<16xi32>
      %swap3A_148 = arith.constant 32 : index
      %swap3A_149 = tpu.vector_load %arg12[%swap3A_148] {strides = array<i32>} : memref<80xi32, #tpu.memory_space<vmem>>, vector<16xi32>,
      %swap3A_150 = vector.shape_cast %swap3A_149 : vector<16xi32> to vector<16xi32>
      %swap3A_151 = vector.shape_cast %get3A_147 : vector<16xi32> to vector<16xi32>
      tpu.vector_store %arg12[%swap3A_148], %swap3A_151 {strides = array<i32>} : memref<80xi32, #tpu.memory_space<vmem>>, vector<16xi32>,
      %mul3A_152 = arith.constant 80 : i32
      %mul3A_153 = arith.muli %add3A_118, %mul3A_152 : i32
      %add3A_154 = arith.constant 48 : i32
      %add3A_155 = arith.addi %mul3A_153, %add3A_154 : i32
      %get3A_156 = arith.index_cast %add3A_155 : i32 to index
      %get3A_157 = tpu.vector_load %arg7[%get3A_156] {strides = array<i32>} : memref<10000xi32, #tpu.memory_space<vmem>>, vector<16xi32>,
      %get3A_158 = vector.shape_cast %get3A_157 : vector<16xi32> to vector<16xi32>
      %swap3A_159 = arith.constant 48 : index
      %swap3A_160 = tpu.vector_load %arg12[%swap3A_159] {strides = array<i32>} : memref<80xi32, #tpu.memory_space<vmem>>, vector<16xi32>,
      %swap3A_161 = vector.shape_cast %swap3A_160 : vector<16xi32> to vector<16xi32>
      %swap3A_162 = vector.shape_cast %get3A_158 : vector<16xi32> to vector<16xi32>
      tpu.vector_store %arg12[%swap3A_159], %swap3A_162 {strides = array<i32>} : memref<80xi32, #tpu.memory_space<vmem>>, vector<16xi32>,
      %mul3A_163 = arith.constant 80 : i32
      %mul3A_164 = arith.muli %add3A_118, %mul3A_163 : i32
      %add3A_165 = arith.constant 64 : i32
      %add3A_166 = arith.addi %mul3A_164, %add3A_165 : i32
      %get3A_167 = arith.index_cast %add3A_166 : i32 to index
      %get3A_168 = tpu.vector_load %arg7[%get3A_167] {strides = array<i32>} : memref<10000xi32, #tpu.memory_space<vmem>>, vector<16xi32>,
      %get3A_169 = vector.shape_cast %get3A_168 : vector<16xi32> to vector<16xi32>
      %swap3A_170 = arith.constant 64 : index
      %swap3A_171 = tpu.vector_load %arg12[%swap3A_170] {strides = array<i32>} : memref<80xi32, #tpu.memory_space<vmem>>, vector<16xi32>,
      %swap3A_172 = vector.shape_cast %swap3A_171 : vector<16xi32> to vector<16xi32>
      %swap3A_173 = vector.shape_cast %get3A_169 : vector<16xi32> to vector<16xi32>
      tpu.vector_store %arg12[%swap3A_170], %swap3A_173 {strides = array<i32>} : memref<80xi32, #tpu.memory_space<vmem>>, vector<16xi32>,
      %dma_start3A_174 = arith.constant 0 : i32
      %dma_start3A_175 = tpu.memref_slice %arg10[%dma_start3A_174] : memref<10240xf32, #tpu.memory_space<vmem_shared>> -> memref<10240xf32, #tpu.memory_space<vmem_shared>>
      tpu.enqueue_indirect_dma source(%arg8 : memref<80xf32, #tpu.memory_space<vmem>>) target(%dma_start3A_175 : memref<10240xf32, #tpu.memory_space<vmem_shared>>) offsets(%arg12 : memref<80xi32, #tpu.memory_space<vmem>>) semaphore(%arg17 : memref<!tpu.dma_semaphore, #tpu.memory_space<semaphore_mem>>) {add = true}
      %add3A_176 = arith.constant 2 : i32
      %add3A_177 = arith.addi %mul3A_59, %add3A_176 : i32
      %mul3A_178 = arith.constant 80 : i32
      %mul3A_179 = arith.muli %add3A_177, %mul3A_178 : i32
      %add3A_180 = arith.constant 0 : i32
      %add3A_181 = arith.addi %mul3A_179, %add3A_180 : i32
      %get3A_182 = arith.index_cast %add3A_181 : i32 to index
      %get3A_183 = tpu.vector_load %arg7[%get3A_182] {strides = array<i32>} : memref<10000xi32, #tpu.memory_space<vmem>>, vector<16xi32>,
      %get3A_184 = vector.shape_cast %get3A_183 : vector<16xi32> to vector<16xi32>
      %swap3A_185 = arith.constant 0 : index
      %swap3A_186 = tpu.vector_load %arg13[%swap3A_185] {strides = array<i32>} : memref<80xi32, #tpu.memory_space<vmem>>, vector<16xi32>,
      %swap3A_187 = vector.shape_cast %swap3A_186 : vector<16xi32> to vector<16xi32>
      %swap3A_188 = vector.shape_cast %get3A_184 : vector<16xi32> to vector<16xi32>
      tpu.vector_store %arg13[%swap3A_185], %swap3A_188 {strides = array<i32>} : memref<80xi32, #tpu.memory_space<vmem>>, vector<16xi32>,
      %mul3A_189 = arith.constant 80 : i32
      %mul3A_190 = arith.muli %add3A_177, %mul3A_189 : i32
      %add3A_191 = arith.constant 16 : i32
      %add3A_192 = arith.addi %mul3A_190, %add3A_191 : i32
      %get3A_193 = arith.index_cast %add3A_192 : i32 to index
      %get3A_194 = tpu.vector_load %arg7[%get3A_193] {strides = array<i32>} : memref<10000xi32, #tpu.memory_space<vmem>>, vector<16xi32>,
      %get3A_195 = vector.shape_cast %get3A_194 : vector<16xi32> to vector<16xi32>
      %swap3A_196 = arith.constant 16 : index
      %swap3A_197 = tpu.vector_load %arg13[%swap3A_196] {strides = array<i32>} : memref<80xi32, #tpu.memory_space<vmem>>, vector<16xi32>,
      %swap3A_198 = vector.shape_cast %swap3A_197 : vector<16xi32> to vector<16xi32>
      %swap3A_199 = vector.shape_cast %get3A_195 : vector<16xi32> to vector<16xi32>
      tpu.vector_store %arg13[%swap3A_196], %swap3A_199 {strides = array<i32>} : memref<80xi32, #tpu.memory_space<vmem>>, vector<16xi32>,
      %mul3A_200 = arith.constant 80 : i32
      %mul3A_201 = arith.muli %add3A_177, %mul3A_200 : i32
      %add3A_202 = arith.constant 32 : i32
      %add3A_203 = arith.addi %mul3A_201, %add3A_202 : i32
      %get3A_204 = arith.index_cast %add3A_203 : i32 to index
      %get3A_205 = tpu.vector_load %arg7[%get3A_204] {strides = array<i32>} : memref<10000xi32, #tpu.memory_space<vmem>>, vector<16xi32>,
      %get3A_206 = vector.shape_cast %get3A_205 : vector<16xi32> to vector<16xi32>
      %swap3A_207 = arith.constant 32 : index
      %swap3A_208 = tpu.vector_load %arg13[%swap3A_207] {strides = array<i32>} : memref<80xi32, #tpu.memory_space<vmem>>, vector<16xi32>,
      %swap3A_209 = vector.shape_cast %swap3A_208 : vector<16xi32> to vector<16xi32>
      %swap3A_210 = vector.shape_cast %get3A_206 : vector<16xi32> to vector<16xi32>
      tpu.vector_store %arg13[%swap3A_207], %swap3A_210 {strides = array<i32>} : memref<80xi32, #tpu.memory_space<vmem>>, vector<16xi32>,
      %mul3A_211 = arith.constant 80 : i32
      %mul3A_212 = arith.muli %add3A_177, %mul3A_211 : i32
      %add3A_213 = arith.constant 48 : i32
      %add3A_214 = arith.addi %mul3A_212, %add3A_213 : i32
      %get3A_215 = arith.index_cast %add3A_214 : i32 to index
      %get3A_216 = tpu.vector_load %arg7[%get3A_215] {strides = array<i32>} : memref<10000xi32, #tpu.memory_space<vmem>>, vector<16xi32>,
      %get3A_217 = vector.shape_cast %get3A_216 : vector<16xi32> to vector<16xi32>
      %swap3A_218 = arith.constant 48 : index
      %swap3A_219 = tpu.vector_load %arg13[%swap3A_218] {strides = array<i32>} : memref<80xi32, #tpu.memory_space<vmem>>, vector<16xi32>,
      %swap3A_220 = vector.shape_cast %swap3A_219 : vector<16xi32> to vector<16xi32>
      %swap3A_221 = vector.shape_cast %get3A_217 : vector<16xi32> to vector<16xi32>
      tpu.vector_store %arg13[%swap3A_218], %swap3A_221 {strides = array<i32>} : memref<80xi32, #tpu.memory_space<vmem>>, vector<16xi32>,
      %mul3A_222 = arith.constant 80 : i32
      %mul3A_223 = arith.muli %add3A_177, %mul3A_222 : i32
      %add3A_224 = arith.constant 64 : i32
      %add3A_225 = arith.addi %mul3A_223, %add3A_224 : i32
      %get3A_226 = arith.index_cast %add3A_225 : i32 to index
      %get3A_227 = tpu.vector_load %arg7[%get3A_226] {strides = array<i32>} : memref<10000xi32, #tpu.memory_space<vmem>>, vector<16xi32>,
      %get3A_228 = vector.shape_cast %get3A_227 : vector<16xi32> to vector<16xi32>
      %swap3A_229 = arith.constant 64 : index
      %swap3A_230 = tpu.vector_load %arg13[%swap3A_229] {strides = array<i32>} : memref<80xi32, #tpu.memory_space<vmem>>, vector<16xi32>,
      %swap3A_231 = vector.shape_cast %swap3A_230 : vector<16xi32> to vector<16xi32>
      %swap3A_232 = vector.shape_cast %get3A_228 : vector<16xi32> to vector<16xi32>
      tpu.vector_store %arg13[%swap3A_229], %swap3A_232 {strides = array<i32>} : memref<80xi32, #tpu.memory_space<vmem>>, vector<16xi32>,
      %dma_start3A_233 = arith.constant 0 : i32
      %dma_start3A_234 = tpu.memref_slice %arg10[%dma_start3A_233] : memref<10240xf32, #tpu.memory_space<vmem_shared>> -> memref<10240xf32, #tpu.memory_space<vmem_shared>>
      tpu.enqueue_indirect_dma source(%arg8 : memref<80xf32, #tpu.memory_space<vmem>>) target(%dma_start3A_234 : memref<10240xf32, #tpu.memory_space<vmem_shared>>) offsets(%arg13 : memref<80xi32, #tpu.memory_space<vmem>>) semaphore(%arg18 : memref<!tpu.dma_semaphore, #tpu.memory_space<semaphore_mem>>) {add = true}
      %add3A_235 = arith.constant 3 : i32
      %add3A_236 = arith.addi %mul3A_59, %add3A_235 : i32
      %mul3A_237 = arith.constant 80 : i32
      %mul3A_238 = arith.muli %add3A_236, %mul3A_237 : i32
      %add3A_239 = arith.constant 0 : i32
      %add3A_240 = arith.addi %mul3A_238, %add3A_239 : i32
      %get3A_241 = arith.index_cast %add3A_240 : i32 to index
      %get3A_242 = tpu.vector_load %arg7[%get3A_241] {strides = array<i32>} : memref<10000xi32, #tpu.memory_space<vmem>>, vector<16xi32>,
      %get3A_243 = vector.shape_cast %get3A_242 : vector<16xi32> to vector<16xi32>
      %swap3A_244 = arith.constant 0 : index
      %swap3A_245 = tpu.vector_load %arg14[%swap3A_244] {strides = array<i32>} : memref<80xi32, #tpu.memory_space<vmem>>, vector<16xi32>,
      %swap3A_246 = vector.shape_cast %swap3A_245 : vector<16xi32> to vector<16xi32>
      %swap3A_247 = vector.shape_cast %get3A_243 : vector<16xi32> to vector<16xi32>
      tpu.vector_store %arg14[%swap3A_244], %swap3A_247 {strides = array<i32>} : memref<80xi32, #tpu.memory_space<vmem>>, vector<16xi32>,
      %mul3A_248 = arith.constant 80 : i32
      %mul3A_249 = arith.muli %add3A_236, %mul3A_248 : i32
      %add3A_250 = arith.constant 16 : i32
      %add3A_251 = arith.addi %mul3A_249, %add3A_250 : i32
      %get3A_252 = arith.index_cast %add3A_251 : i32 to index
      %get3A_253 = tpu.vector_load %arg7[%get3A_252] {strides = array<i32>} : memref<10000xi32, #tpu.memory_space<vmem>>, vector<16xi32>,
      %get3A_254 = vector.shape_cast %get3A_253 : vector<16xi32> to vector<16xi32>
      %swap3A_255 = arith.constant 16 : index
      %swap3A_256 = tpu.vector_load %arg14[%swap3A_255] {strides = array<i32>} : memref<80xi32, #tpu.memory_space<vmem>>, vector<16xi32>,
      %swap3A_257 = vector.shape_cast %swap3A_256 : vector<16xi32> to vector<16xi32>
      %swap3A_258 = vector.shape_cast %get3A_254 : vector<16xi32> to vector<16xi32>
      tpu.vector_store %arg14[%swap3A_255], %swap3A_258 {strides = array<i32>} : memref<80xi32, #tpu.memory_space<vmem>>, vector<16xi32>,
      %mul3A_259 = arith.constant 80 : i32
      %mul3A_260 = arith.muli %add3A_236, %mul3A_259 : i32
      %add3A_261 = arith.constant 32 : i32
      %add3A_262 = arith.addi %mul3A_260, %add3A_261 : i32
      %get3A_263 = arith.index_cast %add3A_262 : i32 to index
      %get3A_264 = tpu.vector_load %arg7[%get3A_263] {strides = array<i32>} : memref<10000xi32, #tpu.memory_space<vmem>>, vector<16xi32>,
      %get3A_265 = vector.shape_cast %get3A_264 : vector<16xi32> to vector<16xi32>
      %swap3A_266 = arith.constant 32 : index
      %swap3A_267 = tpu.vector_load %arg14[%swap3A_266] {strides = array<i32>} : memref<80xi32, #tpu.memory_space<vmem>>, vector<16xi32>,
      %swap3A_268 = vector.shape_cast %swap3A_267 : vector<16xi32> to vector<16xi32>
      %swap3A_269 = vector.shape_cast %get3A_265 : vector<16xi32> to vector<16xi32>
      tpu.vector_store %arg14[%swap3A_266], %swap3A_269 {strides = array<i32>} : memref<80xi32, #tpu.memory_space<vmem>>, vector<16xi32>,
      %mul3A_270 = arith.constant 80 : i32
      %mul3A_271 = arith.muli %add3A_236, %mul3A_270 : i32
      %add3A_272 = arith.constant 48 : i32
      %add3A_273 = arith.addi %mul3A_271, %add3A_272 : i32
      %get3A_274 = arith.index_cast %add3A_273 : i32 to index
      %get3A_275 = tpu.vector_load %arg7[%get3A_274] {strides = array<i32>} : memref<10000xi32, #tpu.memory_space<vmem>>, vector<16xi32>,
      %get3A_276 = vector.shape_cast %get3A_275 : vector<16xi32> to vector<16xi32>
      %swap3A_277 = arith.constant 48 : index
      %swap3A_278 = tpu.vector_load %arg14[%swap3A_277] {strides = array<i32>} : memref<80xi32, #tpu.memory_space<vmem>>, vector<16xi32>,
      %swap3A_279 = vector.shape_cast %swap3A_278 : vector<16xi32> to vector<16xi32>
      %swap3A_280 = vector.shape_cast %get3A_276 : vector<16xi32> to vector<16xi32>
      tpu.vector_store %arg14[%swap3A_277], %swap3A_280 {strides = array<i32>} : memref<80xi32, #tpu.memory_space<vmem>>, vector<16xi32>,
      %mul3A_281 = arith.constant 80 : i32
      %mul3A_282 = arith.muli %add3A_236, %mul3A_281 : i32
      %add3A_283 = arith.constant 64 : i32
      %add3A_284 = arith.addi %mul3A_282, %add3A_283 : i32
      %get3A_285 = arith.index_cast %add3A_284 : i32 to index
      %get3A_286 = tpu.vector_load %arg7[%get3A_285] {strides = array<i32>} : memref<10000xi32, #tpu.memory_space<vmem>>, vector<16xi32>,
      %get3A_287 = vector.shape_cast %get3A_286 : vector<16xi32> to vector<16xi32>
      %swap3A_288 = arith.constant 64 : index
      %swap3A_289 = tpu.vector_load %arg14[%swap3A_288] {strides = array<i32>} : memref<80xi32, #tpu.memory_space<vmem>>, vector<16xi32>,
      %swap3A_290 = vector.shape_cast %swap3A_289 : vector<16xi32> to vector<16xi32>
      %swap3A_291 = vector.shape_cast %get3A_287 : vector<16xi32> to vector<16xi32>
      tpu.vector_store %arg14[%swap3A_288], %swap3A_291 {strides = array<i32>} : memref<80xi32, #tpu.memory_space<vmem>>, vector<16xi32>,
      %dma_start3A_292 = arith.constant 0 : i32
      %dma_start3A_293 = tpu.memref_slice %arg10[%dma_start3A_292] : memref<10240xf32, #tpu.memory_space<vmem_shared>> -> memref<10240xf32, #tpu.memory_space<vmem_shared>>
      tpu.enqueue_indirect_dma source(%arg8 : memref<80xf32, #tpu.memory_space<vmem>>) target(%dma_start3A_293 : memref<10240xf32, #tpu.memory_space<vmem_shared>>) offsets(%arg14 : memref<80xi32, #tpu.memory_space<vmem>>) semaphore(%arg19 : memref<!tpu.dma_semaphore, #tpu.memory_space<semaphore_mem>>) {add = true}
      %add3A_294 = arith.constant 4 : i32
      %add3A_295 = arith.addi %mul3A_59, %add3A_294 : i32
      %mul3A_296 = arith.constant 80 : i32
      %mul3A_297 = arith.muli %add3A_295, %mul3A_296 : i32
      %add3A_298 = arith.constant 0 : i32
      %add3A_299 = arith.addi %mul3A_297, %add3A_298 : i32
      %get3A_300 = arith.index_cast %add3A_299 : i32 to index
      %get3A_301 = tpu.vector_load %arg7[%get3A_300] {strides = array<i32>} : memref<10000xi32, #tpu.memory_space<vmem>>, vector<16xi32>,
      %get3A_302 = vector.shape_cast %get3A_301 : vector<16xi32> to vector<16xi32>
      %swap3A_303 = arith.constant 0 : index
      %swap3A_304 = tpu.vector_load %arg15[%swap3A_303] {strides = array<i32>} : memref<80xi32, #tpu.memory_space<vmem>>, vector<16xi32>,
      %swap3A_305 = vector.shape_cast %swap3A_304 : vector<16xi32> to vector<16xi32>
      %swap3A_306 = vector.shape_cast %get3A_302 : vector<16xi32> to vector<16xi32>
      tpu.vector_store %arg15[%swap3A_303], %swap3A_306 {strides = array<i32>} : memref<80xi32, #tpu.memory_space<vmem>>, vector<16xi32>,
      %mul3A_307 = arith.constant 80 : i32
      %mul3A_308 = arith.muli %add3A_295, %mul3A_307 : i32
      %add3A_309 = arith.constant 16 : i32
      %add3A_310 = arith.addi %mul3A_308, %add3A_309 : i32
      %get3A_311 = arith.index_cast %add3A_310 : i32 to index
      %get3A_312 = tpu.vector_load %arg7[%get3A_311] {strides = array<i32>} : memref<10000xi32, #tpu.memory_space<vmem>>, vector<16xi32>,
      %get3A_313 = vector.shape_cast %get3A_312 : vector<16xi32> to vector<16xi32>
      %swap3A_314 = arith.constant 16 : index
      %swap3A_315 = tpu.vector_load %arg15[%swap3A_314] {strides = array<i32>} : memref<80xi32, #tpu.memory_space<vmem>>, vector<16xi32>,
      %swap3A_316 = vector.shape_cast %swap3A_315 : vector<16xi32> to vector<16xi32>
      %swap3A_317 = vector.shape_cast %get3A_313 : vector<16xi32> to vector<16xi32>
      tpu.vector_store %arg15[%swap3A_314], %swap3A_317 {strides = array<i32>} : memref<80xi32, #tpu.memory_space<vmem>>, vector<16xi32>,
      %mul3A_318 = arith.constant 80 : i32
      %mul3A_319 = arith.muli %add3A_295, %mul3A_318 : i32
      %add3A_320 = arith.constant 32 : i32
      %add3A_321 = arith.addi %mul3A_319, %add3A_320 : i32
      %get3A_322 = arith.index_cast %add3A_321 : i32 to index
      %get3A_323 = tpu.vector_load %arg7[%get3A_322] {strides = array<i32>} : memref<10000xi32, #tpu.memory_space<vmem>>, vector<16xi32>,
      %get3A_324 = vector.shape_cast %get3A_323 : vector<16xi32> to vector<16xi32>
      %swap3A_325 = arith.constant 32 : index
      %swap3A_326 = tpu.vector_load %arg15[%swap3A_325] {strides = array<i32>} : memref<80xi32, #tpu.memory_space<vmem>>, vector<16xi32>,
      %swap3A_327 = vector.shape_cast %swap3A_326 : vector<16xi32> to vector<16xi32>
      %swap3A_328 = vector.shape_cast %get3A_324 : vector<16xi32> to vector<16xi32>
      tpu.vector_store %arg15[%swap3A_325], %swap3A_328 {strides = array<i32>} : memref<80xi32, #tpu.memory_space<vmem>>, vector<16xi32>,
      %mul3A_329 = arith.constant 80 : i32
      %mul3A_330 = arith.muli %add3A_295, %mul3A_329 : i32
      %add3A_331 = arith.constant 48 : i32
      %add3A_332 = arith.addi %mul3A_330, %add3A_331 : i32
      %get3A_333 = arith.index_cast %add3A_332 : i32 to index
      %get3A_334 = tpu.vector_load %arg7[%get3A_333] {strides = array<i32>} : memref<10000xi32, #tpu.memory_space<vmem>>, vector<16xi32>,
      %get3A_335 = vector.shape_cast %get3A_334 : vector<16xi32> to vector<16xi32>
      %swap3A_336 = arith.constant 48 : index
      %swap3A_337 = tpu.vector_load %arg15[%swap3A_336] {strides = array<i32>} : memref<80xi32, #tpu.memory_space<vmem>>, vector<16xi32>,
      %swap3A_338 = vector.shape_cast %swap3A_337 : vector<16xi32> to vector<16xi32>
      %swap3A_339 = vector.shape_cast %get3A_335 : vector<16xi32> to vector<16xi32>
      tpu.vector_store %arg15[%swap3A_336], %swap3A_339 {strides = array<i32>} : memref<80xi32, #tpu.memory_space<vmem>>, vector<16xi32>,
      %mul3A_340 = arith.constant 80 : i32
      %mul3A_341 = arith.muli %add3A_295, %mul3A_340 : i32
      %add3A_342 = arith.constant 64 : i32
      %add3A_343 = arith.addi %mul3A_341, %add3A_342 : i32
      %get3A_344 = arith.index_cast %add3A_343 : i32 to index
      %get3A_345 = tpu.vector_load %arg7[%get3A_344] {strides = array<i32>} : memref<10000xi32, #tpu.memory_space<vmem>>, vector<16xi32>,
      %get3A_346 = vector.shape_cast %get3A_345 : vector<16xi32> to vector<16xi32>
      %swap3A_347 = arith.constant 64 : index
      %swap3A_348 = tpu.vector_load %arg15[%swap3A_347] {strides = array<i32>} : memref<80xi32, #tpu.memory_space<vmem>>, vector<16xi32>,
      %swap3A_349 = vector.shape_cast %swap3A_348 : vector<16xi32> to vector<16xi32>
      %swap3A_350 = vector.shape_cast %get3A_346 : vector<16xi32> to vector<16xi32>
      tpu.vector_store %arg15[%swap3A_347], %swap3A_350 {strides = array<i32>} : memref<80xi32, #tpu.memory_space<vmem>>, vector<16xi32>,
      %dma_start3A_351 = arith.constant 0 : i32
      %dma_start3A_352 = tpu.memref_slice %arg10[%dma_start3A_351] : memref<10240xf32, #tpu.memory_space<vmem_shared>> -> memref<10240xf32, #tpu.memory_space<vmem_shared>>
      tpu.enqueue_indirect_dma source(%arg8 : memref<80xf32, #tpu.memory_space<vmem>>) target(%dma_start3A_352 : memref<10240xf32, #tpu.memory_space<vmem_shared>>) offsets(%arg15 : memref<80xi32, #tpu.memory_space<vmem>>) semaphore(%arg20 : memref<!tpu.dma_semaphore, #tpu.memory_space<semaphore_mem>>) {add = true}
      %dma_wait3A = arith.constant 0 : i32
      %dma_wait3A_353 = tpu.memref_slice %arg10[%dma_wait3A] : memref<10240xf32, #tpu.memory_space<vmem_shared>> -> memref<10240xf32, #tpu.memory_space<vmem_shared>>
      tpu.wait_indirect_dma semaphore(%arg16 : memref<!tpu.dma_semaphore, #tpu.memory_space<semaphore_mem>>) src(%arg8 : memref<80xf32, #tpu.memory_space<vmem>>) dst(%dma_wait3A_353 : memref<10240xf32, #tpu.memory_space<vmem_shared>>)
      %dma_wait3A_354 = arith.constant 0 : i32
      %dma_wait3A_355 = tpu.memref_slice %arg10[%dma_wait3A_354] : memref<10240xf32, #tpu.memory_space<vmem_shared>> -> memref<10240xf32, #tpu.memory_space<vmem_shared>>
      tpu.wait_indirect_dma semaphore(%arg17 : memref<!tpu.dma_semaphore, #tpu.memory_space<semaphore_mem>>) src(%arg8 : memref<80xf32, #tpu.memory_space<vmem>>) dst(%dma_wait3A_355 : memref<10240xf32, #tpu.memory_space<vmem_shared>>)
      %dma_wait3A_356 = arith.constant 0 : i32
      %dma_wait3A_357 = tpu.memref_slice %arg10[%dma_wait3A_356] : memref<10240xf32, #tpu.memory_space<vmem_shared>> -> memref<10240xf32, #tpu.memory_space<vmem_shared>>
      tpu.wait_indirect_dma semaphore(%arg18 : memref<!tpu.dma_semaphore, #tpu.memory_space<semaphore_mem>>) src(%arg8 : memref<80xf32, #tpu.memory_space<vmem>>) dst(%dma_wait3A_357 : memref<10240xf32, #tpu.memory_space<vmem_shared>>)
      %dma_wait3A_358 = arith.constant 0 : i32
      %dma_wait3A_359 = tpu.memref_slice %arg10[%dma_wait3A_358] : memref<10240xf32, #tpu.memory_space<vmem_shared>> -> memref<10240xf32, #tpu.memory_space<vmem_shared>>
      tpu.wait_indirect_dma semaphore(%arg19 : memref<!tpu.dma_semaphore, #tpu.memory_space<semaphore_mem>>) src(%arg8 : memref<80xf32, #tpu.memory_space<vmem>>) dst(%dma_wait3A_359 : memref<10240xf32, #tpu.memory_space<vmem_shared>>)
      %dma_wait3A_360 = arith.constant 0 : i32
      %dma_wait3A_361 = tpu.memref_slice %arg10[%dma_wait3A_360] : memref<10240xf32, #tpu.memory_space<vmem_shared>> -> memref<10240xf32, #tpu.memory_space<vmem_shared>>
      tpu.wait_indirect_dma semaphore(%arg20 : memref<!tpu.dma_semaphore, #tpu.memory_space<semaphore_mem>>) src(%arg8 : memref<80xf32, #tpu.memory_space<vmem>>) dst(%dma_wait3A_361 : memref<10240xf32, #tpu.memory_space<vmem_shared>>)
      %scan3A_362 = arith.constant 0 : i32
      scf.yield %scan3A_362 : i32
    }
    %scan3A_45 = arith.constant 25 : i32
    %barrier3A_46 = arith.constant 0 : index
    tpu.barrier barrier_id(%barrier3A_46)
    %mul3A_47 = arith.constant 640 : i32
    %mul3A_48 = arith.muli %arg1, %mul3A_47 : i32
    %mul3A_49 = arith.constant 640 : i32
    %mul3A_50 = arith.muli %arg1, %mul3A_49 : i32
    %run_scoped3A = arith.constant 0 : i32
    "tpu.region"() ({
      %run_scoped3A_56 = tpu.sem_alloc : memref<!tpu.dma_semaphore, #tpu.memory_space<semaphore_mem>>
      %dma_start3A = tpu.memref_slice %arg5[%arg0, %run_scoped3A, %mul3A_50] : memref<2x2x10240xf32, #tpu.memory_space<hbm>> -> memref<1x1x640xf32, #tpu.memory_space<hbm>>
      %dma_start3A_57 = tpu.memref_squeeze %dma_start3A : memref<1x1x640xf32, #tpu.memory_space<hbm>> -> memref<640xf32, #tpu.memory_space<hbm>>
      %dma_start3A_58 = tpu.memref_slice %arg9[%mul3A_48] : memref<10240xf32, #tpu.memory_space<vmem_shared>> -> memref<640xf32, #tpu.memory_space<vmem_shared>>
      tpu.enqueue_dma source(%dma_start3A_58 : memref<640xf32, #tpu.memory_space<vmem_shared>>) target(%dma_start3A_57 : memref<640xf32, #tpu.memory_space<hbm>>) target_semaphore(%run_scoped3A_56 : memref<!tpu.dma_semaphore, #tpu.memory_space<semaphore_mem>>)
      %dma_wait3A = tpu.memref_slice %arg5[%arg0, %run_scoped3A, %mul3A_50] : memref<2x2x10240xf32, #tpu.memory_space<hbm>> -> memref<1x1x640xf32, #tpu.memory_space<hbm>>
      %dma_wait3A_59 = tpu.memref_squeeze %dma_wait3A : memref<1x1x640xf32, #tpu.memory_space<hbm>> -> memref<640xf32, #tpu.memory_space<hbm>>
      %dma_wait3A_60 = tpu.memref_slice %arg9[%mul3A_48] : memref<10240xf32, #tpu.memory_space<vmem_shared>> -> memref<640xf32, #tpu.memory_space<vmem_shared>>
      tpu.wait_dma2 semaphore(%run_scoped3A_56 : memref<!tpu.dma_semaphore, #tpu.memory_space<semaphore_mem>>) src(%dma_wait3A_60 : memref<640xf32, #tpu.memory_space<vmem_shared>>) dst(%dma_wait3A_59 : memref<640xf32, #tpu.memory_space<hbm>>)
      tpu.yield
    }) : () -> ()
    %mul3A_51 = arith.constant 640 : i32
    %mul3A_52 = arith.muli %arg1, %mul3A_51 : i32
    %mul3A_53 = arith.constant 640 : i32
    %mul3A_54 = arith.muli %arg1, %mul3A_53 : i32
    %run_scoped3A_55 = arith.constant 1 : i32
    "tpu.region"() ({
      %run_scoped3A_56 = tpu.sem_alloc : memref<!tpu.dma_semaphore, #tpu.memory_space<semaphore_mem>>
      %dma_start3A = tpu.memref_slice %arg5[%arg0, %run_scoped3A_55, %mul3A_54] : memref<2x2x10240xf32, #tpu.memory_space<hbm>> -> memref<1x1x640xf32, #tpu.memory_space<hbm>>
      %dma_start3A_57 = tpu.memref_squeeze %dma_start3A : memref<1x1x640xf32, #tpu.memory_space<hbm>> -> memref<640xf32, #tpu.memory_space<hbm>>
      %dma_start3A_58 = tpu.memref_slice %arg10[%mul3A_52] : memref<10240xf32, #tpu.memory_space<vmem_shared>> -> memref<640xf32, #tpu.memory_space<vmem_shared>>
      tpu.enqueue_dma source(%dma_start3A_58 : memref<640xf32, #tpu.memory_space<vmem_shared>>) target(%dma_start3A_57 : memref<640xf32, #tpu.memory_space<hbm>>) target_semaphore(%run_scoped3A_56 : memref<!tpu.dma_semaphore, #tpu.memory_space<semaphore_mem>>)
      %dma_wait3A = tpu.memref_slice %arg5[%arg0, %run_scoped3A_55, %mul3A_54] : memref<2x2x10240xf32, #tpu.memory_space<hbm>> -> memref<1x1x640xf32, #tpu.memory_space<hbm>>
      %dma_wait3A_59 = tpu.memref_squeeze %dma_wait3A : memref<1x1x640xf32, #tpu.memory_space<hbm>> -> memref<640xf32, #tpu.memory_space<hbm>>
      %dma_wait3A_60 = tpu.memref_slice %arg10[%mul3A_52] : memref<10240xf32, #tpu.memory_space<vmem_shared>> -> memref<640xf32, #tpu.memory_space<vmem_shared>>
      tpu.wait_dma2 semaphore(%run_scoped3A_56 : memref<!tpu.dma_semaphore, #tpu.memory_space<semaphore_mem>>) src(%dma_wait3A_60 : memref<640xf32, #tpu.memory_space<vmem_shared>>) dst(%dma_wait3A_59 : memref<640xf32, #tpu.memory_space<hbm>>)
      tpu.yield
    }) : () -> ()
    return
  }
}

#map = affine_map<(d0, d1) -> (0, 0)>
#map1 = affine_map<(d0, d1) -> (0, 0, 0)>
module attributes {stable_mosaic.version = 14 : i64} {
  func.func @_agg_kernel(%arg0: i32, %arg1: i32, %arg2: memref<10000x128xf32, #tpu.memory_space<hbm>>, %arg3: memref<32x10000xi32, #tpu.memory_space<hbm>>, %arg4: memref<32x10000xi32, #tpu.memory_space<hbm>>, %arg5: memref<640x128xf32, #tpu.memory_space<hbm>>, %arg6: memref<2x10240x128xf32, #tpu.memory_space<hbm>>, %arg7: memref<10000xi32, #tpu.memory_space<vmem>>, %arg8: memref<10000xi32, #tpu.memory_space<vmem>>, %arg9: memref<10240x128xf32, #tpu.memory_space<vmem_shared>>, %arg10: memref<80x128xf32, #tpu.memory_space<vmem>>, %arg11: memref<80x128xf32, #tpu.memory_space<vmem>>, %arg12: memref<80xi32, #tpu.memory_space<vmem>>, %arg13: memref<80xi32, #tpu.memory_space<vmem>>, %arg14: memref<80xi32, #tpu.memory_space<vmem>>, %arg15: memref<80xi32, #tpu.memory_space<vmem>>, %arg16: memref<!tpu.dma_semaphore, #tpu.memory_space<semaphore_mem>>, %arg17: memref<!tpu.dma_semaphore, #tpu.memory_space<semaphore_mem>>, %arg18: memref<!tpu.dma_semaphore, #tpu.memory_space<semaphore_mem>>, %arg19: memref<!tpu.dma_semaphore, #tpu.memory_space<semaphore_mem>>) attributes {dimension_semantics = [#tpu.dimension_semantics<core_parallel>, #tpu.dimension_semantics<subcore_parallel>], iteration_bounds = array<i64: 2, 16>, scalar_prefetch = 0 : i64, scratch_operands = 13 : i64, tpu.core_type = #tpu.core_type<sc_vector_subcore>, window_params = [{transform_indices = #map}, {transform_indices = #map}, {transform_indices = #map}, {transform_indices = #map}, {transform_indices = #map1}]} {
    %mul3A = arith.constant 2 : i32
    %mul3A_0 = arith.muli %arg1, %mul3A : i32
    %add3A = arith.addi %mul3A_0, %arg0 : i32
    %dma_start3A = arith.constant 0 : i32
    %dma_start3A_1 = tpu.memref_slice %arg3[%add3A, %dma_start3A] : memref<32x10000xi32, #tpu.memory_space<hbm>> -> memref<1x10000xi32, #tpu.memory_space<hbm>>
    %dma_start3A_2 = tpu.memref_squeeze %dma_start3A_1 : memref<1x10000xi32, #tpu.memory_space<hbm>> -> memref<10000xi32, #tpu.memory_space<hbm>>
    %dma_start3A_3 = arith.constant 0 : i32
    %dma_start3A_4 = tpu.memref_slice %arg3[%add3A, %dma_start3A_3] : memref<32x10000xi32, #tpu.memory_space<hbm>> -> memref<1x10000xi32, #tpu.memory_space<hbm>>
    %dma_start3A_5 = tpu.memref_squeeze %dma_start3A_4 : memref<1x10000xi32, #tpu.memory_space<hbm>> -> memref<10000xi32, #tpu.memory_space<hbm>>
    tpu.enqueue_dma source(%dma_start3A_5 : memref<10000xi32, #tpu.memory_space<hbm>>) target(%arg7 : memref<10000xi32, #tpu.memory_space<vmem>>) target_semaphore(%arg16 : memref<!tpu.dma_semaphore, #tpu.memory_space<semaphore_mem>>)
    %dma_start3A_6 = arith.constant 0 : i32
    %dma_start3A_7 = tpu.memref_slice %arg4[%add3A, %dma_start3A_6] : memref<32x10000xi32, #tpu.memory_space<hbm>> -> memref<1x10000xi32, #tpu.memory_space<hbm>>
    %dma_start3A_8 = tpu.memref_squeeze %dma_start3A_7 : memref<1x10000xi32, #tpu.memory_space<hbm>> -> memref<10000xi32, #tpu.memory_space<hbm>>
    %dma_start3A_9 = arith.constant 0 : i32
    %dma_start3A_10 = tpu.memref_slice %arg4[%add3A, %dma_start3A_9] : memref<32x10000xi32, #tpu.memory_space<hbm>> -> memref<1x10000xi32, #tpu.memory_space<hbm>>
    %dma_start3A_11 = tpu.memref_squeeze %dma_start3A_10 : memref<1x10000xi32, #tpu.memory_space<hbm>> -> memref<10000xi32, #tpu.memory_space<hbm>>
    tpu.enqueue_dma source(%dma_start3A_11 : memref<10000xi32, #tpu.memory_space<hbm>>) target(%arg8 : memref<10000xi32, #tpu.memory_space<vmem>>) target_semaphore(%arg17 : memref<!tpu.dma_semaphore, #tpu.memory_space<semaphore_mem>>)
    %mul3A_12 = arith.constant 640 : i32
    %mul3A_13 = arith.muli %arg1, %mul3A_12 : i32
    %dma_start3A_14 = arith.constant 0 : i32
    %dma_start3A_15 = tpu.memref_slice %arg9[%mul3A_13, %dma_start3A_14] : memref<10240x128xf32, #tpu.memory_space<vmem_shared>> -> memref<640x128xf32, #tpu.memory_space<vmem_shared>>
    tpu.enqueue_dma source(%arg5 : memref<640x128xf32, #tpu.memory_space<hbm>>) target(%dma_start3A_15 : memref<640x128xf32, #tpu.memory_space<vmem_shared>>) target_semaphore(%arg18 : memref<!tpu.dma_semaphore, #tpu.memory_space<semaphore_mem>>)
    %dma_wait3A = arith.constant 0 : i32
    %dma_wait3A_16 = tpu.memref_slice %arg3[%add3A, %dma_wait3A] : memref<32x10000xi32, #tpu.memory_space<hbm>> -> memref<1x10000xi32, #tpu.memory_space<hbm>>
    %dma_wait3A_17 = tpu.memref_squeeze %dma_wait3A_16 : memref<1x10000xi32, #tpu.memory_space<hbm>> -> memref<10000xi32, #tpu.memory_space<hbm>>
    %dma_wait3A_18 = arith.constant 0 : i32
    %dma_wait3A_19 = tpu.memref_slice %arg3[%add3A, %dma_wait3A_18] : memref<32x10000xi32, #tpu.memory_space<hbm>> -> memref<1x10000xi32, #tpu.memory_space<hbm>>
    %dma_wait3A_20 = tpu.memref_squeeze %dma_wait3A_19 : memref<1x10000xi32, #tpu.memory_space<hbm>> -> memref<10000xi32, #tpu.memory_space<hbm>>
    tpu.wait_dma2 semaphore(%arg16 : memref<!tpu.dma_semaphore, #tpu.memory_space<semaphore_mem>>) src(%dma_wait3A_20 : memref<10000xi32, #tpu.memory_space<hbm>>) dst(%arg7 : memref<10000xi32, #tpu.memory_space<vmem>>)
    %dma_wait3A_21 = arith.constant 0 : i32
    %dma_wait3A_22 = tpu.memref_slice %arg4[%add3A, %dma_wait3A_21] : memref<32x10000xi32, #tpu.memory_space<hbm>> -> memref<1x10000xi32, #tpu.memory_space<hbm>>
    %dma_wait3A_23 = tpu.memref_squeeze %dma_wait3A_22 : memref<1x10000xi32, #tpu.memory_space<hbm>> -> memref<10000xi32, #tpu.memory_space<hbm>>
    %dma_wait3A_24 = arith.constant 0 : i32
    %dma_wait3A_25 = tpu.memref_slice %arg4[%add3A, %dma_wait3A_24] : memref<32x10000xi32, #tpu.memory_space<hbm>> -> memref<1x10000xi32, #tpu.memory_space<hbm>>
    %dma_wait3A_26 = tpu.memref_squeeze %dma_wait3A_25 : memref<1x10000xi32, #tpu.memory_space<hbm>> -> memref<10000xi32, #tpu.memory_space<hbm>>
    tpu.wait_dma2 semaphore(%arg17 : memref<!tpu.dma_semaphore, #tpu.memory_space<semaphore_mem>>) src(%dma_wait3A_26 : memref<10000xi32, #tpu.memory_space<hbm>>) dst(%arg8 : memref<10000xi32, #tpu.memory_space<vmem>>)
    %dma_wait3A_27 = arith.constant 0 : i32
    %dma_wait3A_28 = tpu.memref_slice %arg9[%mul3A_13, %dma_wait3A_27] : memref<10240x128xf32, #tpu.memory_space<vmem_shared>> -> memref<640x128xf32, #tpu.memory_space<vmem_shared>>
    tpu.wait_dma2 semaphore(%arg18 : memref<!tpu.dma_semaphore, #tpu.memory_space<semaphore_mem>>) src(%arg5 : memref<640x128xf32, #tpu.memory_space<hbm>>) dst(%dma_wait3A_28 : memref<640x128xf32, #tpu.memory_space<vmem_shared>>)
    %barrier3A = arith.constant 0 : index
    tpu.barrier barrier_id(%barrier3A)
    %get3A = arith.constant 0 : index
    %get3A_29 = tpu.vector_load %arg7[%get3A] {strides = array<i32>} : memref<10000xi32, #tpu.memory_space<vmem>>, vector<16xi32>,
    %get3A_30 = vector.shape_cast %get3A_29 : vector<16xi32> to vector<16xi32>
    %swap3A = arith.constant 0 : index
    %swap3A_31 = tpu.vector_load %arg12[%swap3A] {strides = array<i32>} : memref<80xi32, #tpu.memory_space<vmem>>, vector<16xi32>,
    %swap3A_32 = vector.shape_cast %swap3A_31 : vector<16xi32> to vector<16xi32>
    %swap3A_33 = vector.shape_cast %get3A_30 : vector<16xi32> to vector<16xi32>
    tpu.vector_store %arg12[%swap3A], %swap3A_33 {strides = array<i32>} : memref<80xi32, #tpu.memory_space<vmem>>, vector<16xi32>,
    %get3A_34 = arith.constant 16 : index
    %get3A_35 = tpu.vector_load %arg7[%get3A_34] {strides = array<i32>} : memref<10000xi32, #tpu.memory_space<vmem>>, vector<16xi32>,
    %get3A_36 = vector.shape_cast %get3A_35 : vector<16xi32> to vector<16xi32>
    %swap3A_37 = arith.constant 16 : index
    %swap3A_38 = tpu.vector_load %arg12[%swap3A_37] {strides = array<i32>} : memref<80xi32, #tpu.memory_space<vmem>>, vector<16xi32>,
    %swap3A_39 = vector.shape_cast %swap3A_38 : vector<16xi32> to vector<16xi32>
    %swap3A_40 = vector.shape_cast %get3A_36 : vector<16xi32> to vector<16xi32>
    tpu.vector_store %arg12[%swap3A_37], %swap3A_40 {strides = array<i32>} : memref<80xi32, #tpu.memory_space<vmem>>, vector<16xi32>,
    %get3A_41 = arith.constant 32 : index
    %get3A_42 = tpu.vector_load %arg7[%get3A_41] {strides = array<i32>} : memref<10000xi32, #tpu.memory_space<vmem>>, vector<16xi32>,
    %get3A_43 = vector.shape_cast %get3A_42 : vector<16xi32> to vector<16xi32>
    %swap3A_44 = arith.constant 32 : index
    %swap3A_45 = tpu.vector_load %arg12[%swap3A_44] {strides = array<i32>} : memref<80xi32, #tpu.memory_space<vmem>>, vector<16xi32>,
    %swap3A_46 = vector.shape_cast %swap3A_45 : vector<16xi32> to vector<16xi32>
    %swap3A_47 = vector.shape_cast %get3A_43 : vector<16xi32> to vector<16xi32>
    tpu.vector_store %arg12[%swap3A_44], %swap3A_47 {strides = array<i32>} : memref<80xi32, #tpu.memory_space<vmem>>, vector<16xi32>,
    %get3A_48 = arith.constant 48 : index
    %get3A_49 = tpu.vector_load %arg7[%get3A_48] {strides = array<i32>} : memref<10000xi32, #tpu.memory_space<vmem>>, vector<16xi32>,
    %get3A_50 = vector.shape_cast %get3A_49 : vector<16xi32> to vector<16xi32>
    %swap3A_51 = arith.constant 48 : index
    %swap3A_52 = tpu.vector_load %arg12[%swap3A_51] {strides = array<i32>} : memref<80xi32, #tpu.memory_space<vmem>>, vector<16xi32>,
    %swap3A_53 = vector.shape_cast %swap3A_52 : vector<16xi32> to vector<16xi32>
    %swap3A_54 = vector.shape_cast %get3A_50 : vector<16xi32> to vector<16xi32>
    tpu.vector_store %arg12[%swap3A_51], %swap3A_54 {strides = array<i32>} : memref<80xi32, #tpu.memory_space<vmem>>, vector<16xi32>,
    %get3A_55 = arith.constant 64 : index
    %get3A_56 = tpu.vector_load %arg7[%get3A_55] {strides = array<i32>} : memref<10000xi32, #tpu.memory_space<vmem>>, vector<16xi32>,
    %get3A_57 = vector.shape_cast %get3A_56 : vector<16xi32> to vector<16xi32>
    %swap3A_58 = arith.constant 64 : index
    %swap3A_59 = tpu.vector_load %arg12[%swap3A_58] {strides = array<i32>} : memref<80xi32, #tpu.memory_space<vmem>>, vector<16xi32>,
    %swap3A_60 = vector.shape_cast %swap3A_59 : vector<16xi32> to vector<16xi32>
    %swap3A_61 = vector.shape_cast %get3A_57 : vector<16xi32> to vector<16xi32>
    tpu.vector_store %arg12[%swap3A_58], %swap3A_61 {strides = array<i32>} : memref<80xi32, #tpu.memory_space<vmem>>, vector<16xi32>,
    %dma_start3A_62 = arith.constant 0 : i32
    %dma_start3A_63 = arith.constant 0 : i32
    %dma_start3A_64 = tpu.memref_slice %arg10[%dma_start3A_62, %dma_start3A_63] : memref<80x128xf32, #tpu.memory_space<vmem>> -> memref<40x128xf32, #tpu.memory_space<vmem>>
    %dma_start3A_65 = arith.constant 0 : i32
    %dma_start3A_66 = tpu.memref_slice %arg12[%dma_start3A_65] : memref<80xi32, #tpu.memory_space<vmem>> -> memref<40xi32, #tpu.memory_space<vmem>>
    %dma_start3A_67 = arith.constant 0 : i32
    %dma_start3A_68 = arith.constant 0 : i32
    %dma_start3A_69 = tpu.memref_slice %arg2[%dma_start3A_67, %dma_start3A_68] : memref<10000x128xf32, #tpu.memory_space<hbm>> -> memref<10000x128xf32, #tpu.memory_space<hbm>>
    tpu.enqueue_indirect_dma source(%dma_start3A_69 : memref<10000x128xf32, #tpu.memory_space<hbm>>) target(%dma_start3A_64 : memref<40x128xf32, #tpu.memory_space<vmem>>) offsets(%dma_start3A_66 : memref<40xi32, #tpu.memory_space<vmem>>) semaphore(%arg16 : memref<!tpu.dma_semaphore, #tpu.memory_space<semaphore_mem>>)
    %dma_start3A_70 = arith.constant 40 : i32
    %dma_start3A_71 = arith.constant 0 : i32
    %dma_start3A_72 = tpu.memref_slice %arg10[%dma_start3A_70, %dma_start3A_71] : memref<80x128xf32, #tpu.memory_space<vmem>> -> memref<40x128xf32, #tpu.memory_space<vmem>>
    %dma_start3A_73 = arith.constant 40 : i32
    %dma_start3A_74 = tpu.memref_slice %arg12[%dma_start3A_73] : memref<80xi32, #tpu.memory_space<vmem>> -> memref<40xi32, #tpu.memory_space<vmem>>
    %dma_start3A_75 = arith.constant 0 : i32
    %dma_start3A_76 = arith.constant 0 : i32
    %dma_start3A_77 = tpu.memref_slice %arg2[%dma_start3A_75, %dma_start3A_76] : memref<10000x128xf32, #tpu.memory_space<hbm>> -> memref<10000x128xf32, #tpu.memory_space<hbm>>
    tpu.enqueue_indirect_dma source(%dma_start3A_77 : memref<10000x128xf32, #tpu.memory_space<hbm>>) target(%dma_start3A_72 : memref<40x128xf32, #tpu.memory_space<vmem>>) offsets(%dma_start3A_74 : memref<40xi32, #tpu.memory_space<vmem>>) semaphore(%arg16 : memref<!tpu.dma_semaphore, #tpu.memory_space<semaphore_mem>>)
    %get3A_78 = arith.constant 80 : index
    %get3A_79 = tpu.vector_load %arg7[%get3A_78] {strides = array<i32>} : memref<10000xi32, #tpu.memory_space<vmem>>, vector<16xi32>,
    %get3A_80 = vector.shape_cast %get3A_79 : vector<16xi32> to vector<16xi32>
    %swap3A_81 = arith.constant 0 : index
    %swap3A_82 = tpu.vector_load %arg13[%swap3A_81] {strides = array<i32>} : memref<80xi32, #tpu.memory_space<vmem>>, vector<16xi32>,
    %swap3A_83 = vector.shape_cast %swap3A_82 : vector<16xi32> to vector<16xi32>
    %swap3A_84 = vector.shape_cast %get3A_80 : vector<16xi32> to vector<16xi32>
    tpu.vector_store %arg13[%swap3A_81], %swap3A_84 {strides = array<i32>} : memref<80xi32, #tpu.memory_space<vmem>>, vector<16xi32>,
    %get3A_85 = arith.constant 96 : index
    %get3A_86 = tpu.vector_load %arg7[%get3A_85] {strides = array<i32>} : memref<10000xi32, #tpu.memory_space<vmem>>, vector<16xi32>,
    %get3A_87 = vector.shape_cast %get3A_86 : vector<16xi32> to vector<16xi32>
    %swap3A_88 = arith.constant 16 : index
    %swap3A_89 = tpu.vector_load %arg13[%swap3A_88] {strides = array<i32>} : memref<80xi32, #tpu.memory_space<vmem>>, vector<16xi32>,
    %swap3A_90 = vector.shape_cast %swap3A_89 : vector<16xi32> to vector<16xi32>
    %swap3A_91 = vector.shape_cast %get3A_87 : vector<16xi32> to vector<16xi32>
    tpu.vector_store %arg13[%swap3A_88], %swap3A_91 {strides = array<i32>} : memref<80xi32, #tpu.memory_space<vmem>>, vector<16xi32>,
    %get3A_92 = arith.constant 112 : index
    %get3A_93 = tpu.vector_load %arg7[%get3A_92] {strides = array<i32>} : memref<10000xi32, #tpu.memory_space<vmem>>, vector<16xi32>,
    %get3A_94 = vector.shape_cast %get3A_93 : vector<16xi32> to vector<16xi32>
    %swap3A_95 = arith.constant 32 : index
    %swap3A_96 = tpu.vector_load %arg13[%swap3A_95] {strides = array<i32>} : memref<80xi32, #tpu.memory_space<vmem>>, vector<16xi32>,
    %swap3A_97 = vector.shape_cast %swap3A_96 : vector<16xi32> to vector<16xi32>
    %swap3A_98 = vector.shape_cast %get3A_94 : vector<16xi32> to vector<16xi32>
    tpu.vector_store %arg13[%swap3A_95], %swap3A_98 {strides = array<i32>} : memref<80xi32, #tpu.memory_space<vmem>>, vector<16xi32>,
    %get3A_99 = arith.constant 128 : index
    %get3A_100 = tpu.vector_load %arg7[%get3A_99] {strides = array<i32>} : memref<10000xi32, #tpu.memory_space<vmem>>, vector<16xi32>,
    %get3A_101 = vector.shape_cast %get3A_100 : vector<16xi32> to vector<16xi32>
    %swap3A_102 = arith.constant 48 : index
    %swap3A_103 = tpu.vector_load %arg13[%swap3A_102] {strides = array<i32>} : memref<80xi32, #tpu.memory_space<vmem>>, vector<16xi32>,
    %swap3A_104 = vector.shape_cast %swap3A_103 : vector<16xi32> to vector<16xi32>
    %swap3A_105 = vector.shape_cast %get3A_101 : vector<16xi32> to vector<16xi32>
    tpu.vector_store %arg13[%swap3A_102], %swap3A_105 {strides = array<i32>} : memref<80xi32, #tpu.memory_space<vmem>>, vector<16xi32>,
    %get3A_106 = arith.constant 144 : index
    %get3A_107 = tpu.vector_load %arg7[%get3A_106] {strides = array<i32>} : memref<10000xi32, #tpu.memory_space<vmem>>, vector<16xi32>,
    %get3A_108 = vector.shape_cast %get3A_107 : vector<16xi32> to vector<16xi32>
    %swap3A_109 = arith.constant 64 : index
    %swap3A_110 = tpu.vector_load %arg13[%swap3A_109] {strides = array<i32>} : memref<80xi32, #tpu.memory_space<vmem>>, vector<16xi32>,
    %swap3A_111 = vector.shape_cast %swap3A_110 : vector<16xi32> to vector<16xi32>
    %swap3A_112 = vector.shape_cast %get3A_108 : vector<16xi32> to vector<16xi32>
    tpu.vector_store %arg13[%swap3A_109], %swap3A_112 {strides = array<i32>} : memref<80xi32, #tpu.memory_space<vmem>>, vector<16xi32>,
    %dma_start3A_113 = arith.constant 0 : i32
    %dma_start3A_114 = arith.constant 0 : i32
    %dma_start3A_115 = tpu.memref_slice %arg11[%dma_start3A_113, %dma_start3A_114] : memref<80x128xf32, #tpu.memory_space<vmem>> -> memref<40x128xf32, #tpu.memory_space<vmem>>
    %dma_start3A_116 = arith.constant 0 : i32
    %dma_start3A_117 = tpu.memref_slice %arg13[%dma_start3A_116] : memref<80xi32, #tpu.memory_space<vmem>> -> memref<40xi32, #tpu.memory_space<vmem>>
    %dma_start3A_118 = arith.constant 0 : i32
    %dma_start3A_119 = arith.constant 0 : i32
    %dma_start3A_120 = tpu.memref_slice %arg2[%dma_start3A_118, %dma_start3A_119] : memref<10000x128xf32, #tpu.memory_space<hbm>> -> memref<10000x128xf32, #tpu.memory_space<hbm>>
    tpu.enqueue_indirect_dma source(%dma_start3A_120 : memref<10000x128xf32, #tpu.memory_space<hbm>>) target(%dma_start3A_115 : memref<40x128xf32, #tpu.memory_space<vmem>>) offsets(%dma_start3A_117 : memref<40xi32, #tpu.memory_space<vmem>>) semaphore(%arg17 : memref<!tpu.dma_semaphore, #tpu.memory_space<semaphore_mem>>)
    %dma_start3A_121 = arith.constant 40 : i32
    %dma_start3A_122 = arith.constant 0 : i32
    %dma_start3A_123 = tpu.memref_slice %arg11[%dma_start3A_121, %dma_start3A_122] : memref<80x128xf32, #tpu.memory_space<vmem>> -> memref<40x128xf32, #tpu.memory_space<vmem>>
    %dma_start3A_124 = arith.constant 40 : i32
    %dma_start3A_125 = tpu.memref_slice %arg13[%dma_start3A_124] : memref<80xi32, #tpu.memory_space<vmem>> -> memref<40xi32, #tpu.memory_space<vmem>>
    %dma_start3A_126 = arith.constant 0 : i32
    %dma_start3A_127 = arith.constant 0 : i32
    %dma_start3A_128 = tpu.memref_slice %arg2[%dma_start3A_126, %dma_start3A_127] : memref<10000x128xf32, #tpu.memory_space<hbm>> -> memref<10000x128xf32, #tpu.memory_space<hbm>>
    tpu.enqueue_indirect_dma source(%dma_start3A_128 : memref<10000x128xf32, #tpu.memory_space<hbm>>) target(%dma_start3A_123 : memref<40x128xf32, #tpu.memory_space<vmem>>) offsets(%dma_start3A_125 : memref<40xi32, #tpu.memory_space<vmem>>) semaphore(%arg17 : memref<!tpu.dma_semaphore, #tpu.memory_space<semaphore_mem>>)
    %scan3A = arith.constant 0 : i32
    %scan3A_129 = arith.constant 0 : i32
    %scan3A_130 = arith.constant 62 : i32
    %scan3A_131 = arith.addi %scan3A_129, %scan3A_130 : i32
    %scan3A_132 = arith.constant 1 : i32
    %scan3A_133 = scf.for %scan3A_197 = %scan3A_129 to %scan3A_131 step %scan3A_132 iter_args(%scan3A_198 = %scan3A) -> (i32)  : i32 {
      %mul3A_199 = arith.constant 2 : i32
      %mul3A_200 = arith.muli %mul3A_199, %scan3A_197 : i32
      %add3A_201 = arith.constant 0 : i32
      %add3A_202 = arith.addi %mul3A_200, %add3A_201 : i32
      %dma_wait3A_203 = arith.constant 0 : i32
      %dma_wait3A_204 = arith.constant 0 : i32
      %dma_wait3A_205 = tpu.memref_slice %arg10[%dma_wait3A_203, %dma_wait3A_204] : memref<80x128xf32, #tpu.memory_space<vmem>> -> memref<40x128xf32, #tpu.memory_space<vmem>>
      %dma_wait3A_206 = arith.constant 0 : i32
      %dma_wait3A_207 = tpu.memref_slice %arg12[%dma_wait3A_206] : memref<80xi32, #tpu.memory_space<vmem>> -> memref<40xi32, #tpu.memory_space<vmem>>
      %dma_wait3A_208 = arith.constant 0 : i32
      %dma_wait3A_209 = arith.constant 0 : i32
      %dma_wait3A_210 = tpu.memref_slice %arg2[%dma_wait3A_208, %dma_wait3A_209] : memref<10000x128xf32, #tpu.memory_space<hbm>> -> memref<10000x128xf32, #tpu.memory_space<hbm>>
      tpu.wait_indirect_dma semaphore(%arg16 : memref<!tpu.dma_semaphore, #tpu.memory_space<semaphore_mem>>) src(%dma_wait3A_210 : memref<10000x128xf32, #tpu.memory_space<hbm>>) dst(%dma_wait3A_205 : memref<40x128xf32, #tpu.memory_space<vmem>>)
      %dma_wait3A_211 = arith.constant 40 : i32
      %dma_wait3A_212 = arith.constant 0 : i32
      %dma_wait3A_213 = tpu.memref_slice %arg10[%dma_wait3A_211, %dma_wait3A_212] : memref<80x128xf32, #tpu.memory_space<vmem>> -> memref<40x128xf32, #tpu.memory_space<vmem>>
      %dma_wait3A_214 = arith.constant 40 : i32
      %dma_wait3A_215 = tpu.memref_slice %arg12[%dma_wait3A_214] : memref<80xi32, #tpu.memory_space<vmem>> -> memref<40xi32, #tpu.memory_space<vmem>>
      %dma_wait3A_216 = arith.constant 0 : i32
      %dma_wait3A_217 = arith.constant 0 : i32
      %dma_wait3A_218 = tpu.memref_slice %arg2[%dma_wait3A_216, %dma_wait3A_217] : memref<10000x128xf32, #tpu.memory_space<hbm>> -> memref<10000x128xf32, #tpu.memory_space<hbm>>
      tpu.wait_indirect_dma semaphore(%arg16 : memref<!tpu.dma_semaphore, #tpu.memory_space<semaphore_mem>>) src(%dma_wait3A_218 : memref<10000x128xf32, #tpu.memory_space<hbm>>) dst(%dma_wait3A_213 : memref<40x128xf32, #tpu.memory_space<vmem>>)
      %mul3A_219 = arith.constant 80 : i32
      %mul3A_220 = arith.muli %add3A_202, %mul3A_219 : i32
      %add3A_221 = arith.constant 0 : i32
      %add3A_222 = arith.addi %mul3A_220, %add3A_221 : i32
      %get3A_223 = arith.index_cast %add3A_222 : i32 to index
      %get3A_224 = tpu.vector_load %arg8[%get3A_223] {strides = array<i32>} : memref<10000xi32, #tpu.memory_space<vmem>>, vector<16xi32>,
      %get3A_225 = vector.shape_cast %get3A_224 : vector<16xi32> to vector<16xi32>
      %swap3A_226 = arith.constant 0 : index
      %swap3A_227 = tpu.vector_load %arg14[%swap3A_226] {strides = array<i32>} : memref<80xi32, #tpu.memory_space<vmem>>, vector<16xi32>,
      %swap3A_228 = vector.shape_cast %swap3A_227 : vector<16xi32> to vector<16xi32>
      %swap3A_229 = vector.shape_cast %get3A_225 : vector<16xi32> to vector<16xi32>
      tpu.vector_store %arg14[%swap3A_226], %swap3A_229 {strides = array<i32>} : memref<80xi32, #tpu.memory_space<vmem>>, vector<16xi32>,
      %mul3A_230 = arith.constant 80 : i32
      %mul3A_231 = arith.muli %add3A_202, %mul3A_230 : i32
      %add3A_232 = arith.constant 16 : i32
      %add3A_233 = arith.addi %mul3A_231, %add3A_232 : i32
      %get3A_234 = arith.index_cast %add3A_233 : i32 to index
      %get3A_235 = tpu.vector_load %arg8[%get3A_234] {strides = array<i32>} : memref<10000xi32, #tpu.memory_space<vmem>>, vector<16xi32>,
      %get3A_236 = vector.shape_cast %get3A_235 : vector<16xi32> to vector<16xi32>
      %swap3A_237 = arith.constant 16 : index
      %swap3A_238 = tpu.vector_load %arg14[%swap3A_237] {strides = array<i32>} : memref<80xi32, #tpu.memory_space<vmem>>, vector<16xi32>,
      %swap3A_239 = vector.shape_cast %swap3A_238 : vector<16xi32> to vector<16xi32>
      %swap3A_240 = vector.shape_cast %get3A_236 : vector<16xi32> to vector<16xi32>
      tpu.vector_store %arg14[%swap3A_237], %swap3A_240 {strides = array<i32>} : memref<80xi32, #tpu.memory_space<vmem>>, vector<16xi32>,
      %mul3A_241 = arith.constant 80 : i32
      %mul3A_242 = arith.muli %add3A_202, %mul3A_241 : i32
      %add3A_243 = arith.constant 32 : i32
      %add3A_244 = arith.addi %mul3A_242, %add3A_243 : i32
      %get3A_245 = arith.index_cast %add3A_244 : i32 to index
      %get3A_246 = tpu.vector_load %arg8[%get3A_245] {strides = array<i32>} : memref<10000xi32, #tpu.memory_space<vmem>>, vector<16xi32>,
      %get3A_247 = vector.shape_cast %get3A_246 : vector<16xi32> to vector<16xi32>
      %swap3A_248 = arith.constant 32 : index
      %swap3A_249 = tpu.vector_load %arg14[%swap3A_248] {strides = array<i32>} : memref<80xi32, #tpu.memory_space<vmem>>, vector<16xi32>,
      %swap3A_250 = vector.shape_cast %swap3A_249 : vector<16xi32> to vector<16xi32>
      %swap3A_251 = vector.shape_cast %get3A_247 : vector<16xi32> to vector<16xi32>
      tpu.vector_store %arg14[%swap3A_248], %swap3A_251 {strides = array<i32>} : memref<80xi32, #tpu.memory_space<vmem>>, vector<16xi32>,
      %mul3A_252 = arith.constant 80 : i32
      %mul3A_253 = arith.muli %add3A_202, %mul3A_252 : i32
      %add3A_254 = arith.constant 48 : i32
      %add3A_255 = arith.addi %mul3A_253, %add3A_254 : i32
      %get3A_256 = arith.index_cast %add3A_255 : i32 to index
      %get3A_257 = tpu.vector_load %arg8[%get3A_256] {strides = array<i32>} : memref<10000xi32, #tpu.memory_space<vmem>>, vector<16xi32>,
      %get3A_258 = vector.shape_cast %get3A_257 : vector<16xi32> to vector<16xi32>
      %swap3A_259 = arith.constant 48 : index
      %swap3A_260 = tpu.vector_load %arg14[%swap3A_259] {strides = array<i32>} : memref<80xi32, #tpu.memory_space<vmem>>, vector<16xi32>,
      %swap3A_261 = vector.shape_cast %swap3A_260 : vector<16xi32> to vector<16xi32>
      %swap3A_262 = vector.shape_cast %get3A_258 : vector<16xi32> to vector<16xi32>
      tpu.vector_store %arg14[%swap3A_259], %swap3A_262 {strides = array<i32>} : memref<80xi32, #tpu.memory_space<vmem>>, vector<16xi32>,
      %mul3A_263 = arith.constant 80 : i32
      %mul3A_264 = arith.muli %add3A_202, %mul3A_263 : i32
      %add3A_265 = arith.constant 64 : i32
      %add3A_266 = arith.addi %mul3A_264, %add3A_265 : i32
      %get3A_267 = arith.index_cast %add3A_266 : i32 to index
      %get3A_268 = tpu.vector_load %arg8[%get3A_267] {strides = array<i32>} : memref<10000xi32, #tpu.memory_space<vmem>>, vector<16xi32>,
      %get3A_269 = vector.shape_cast %get3A_268 : vector<16xi32> to vector<16xi32>
      %swap3A_270 = arith.constant 64 : index
      %swap3A_271 = tpu.vector_load %arg14[%swap3A_270] {strides = array<i32>} : memref<80xi32, #tpu.memory_space<vmem>>, vector<16xi32>,
      %swap3A_272 = vector.shape_cast %swap3A_271 : vector<16xi32> to vector<16xi32>
      %swap3A_273 = vector.shape_cast %get3A_269 : vector<16xi32> to vector<16xi32>
      tpu.vector_store %arg14[%swap3A_270], %swap3A_273 {strides = array<i32>} : memref<80xi32, #tpu.memory_space<vmem>>, vector<16xi32>,
      %dma_start3A_274 = arith.constant 0 : i32
      %dma_start3A_275 = arith.constant 0 : i32
      %dma_start3A_276 = tpu.memref_slice %arg9[%dma_start3A_274, %dma_start3A_275] : memref<10240x128xf32, #tpu.memory_space<vmem_shared>> -> memref<10240x128xf32, #tpu.memory_space<vmem_shared>>
      tpu.enqueue_indirect_dma source(%arg10 : memref<80x128xf32, #tpu.memory_space<vmem>>) target(%dma_start3A_276 : memref<10240x128xf32, #tpu.memory_space<vmem_shared>>) offsets(%arg14 : memref<80xi32, #tpu.memory_space<vmem>>) semaphore(%arg18 : memref<!tpu.dma_semaphore, #tpu.memory_space<semaphore_mem>>) {add = true}
      %dma_wait3A_277 = arith.constant 0 : i32
      %dma_wait3A_278 = arith.constant 0 : i32
      %dma_wait3A_279 = tpu.memref_slice %arg9[%dma_wait3A_277, %dma_wait3A_278] : memref<10240x128xf32, #tpu.memory_space<vmem_shared>> -> memref<10240x128xf32, #tpu.memory_space<vmem_shared>>
      tpu.wait_indirect_dma semaphore(%arg18 : memref<!tpu.dma_semaphore, #tpu.memory_space<semaphore_mem>>) src(%arg10 : memref<80x128xf32, #tpu.memory_space<vmem>>) dst(%dma_wait3A_279 : memref<10240x128xf32, #tpu.memory_space<vmem_shared>>)
      %add3A_280 = arith.constant 2 : i32
      %add3A_281 = arith.addi %add3A_202, %add3A_280 : i32
      %lt3A = arith.constant 125 : i32
      %lt3A_282 = arith.cmpi slt, %add3A_281, %lt3A : i32
      %convert_element_type3A = arith.extui %lt3A_282 : i1 to i32
      %cond3A = arith.constant 0 : i32
      %cond3A_283 = arith.cmpi ne, %convert_element_type3A, %cond3A : i32
      scf.if %cond3A_283 {
        %add3A_373 = arith.constant 2 : i32
        %add3A_374 = arith.addi %add3A_202, %add3A_373 : i32
        %mul3A_375 = arith.constant 80 : i32
        %mul3A_376 = arith.muli %add3A_374, %mul3A_375 : i32
        %add3A_377 = arith.constant 0 : i32
        %add3A_378 = arith.addi %mul3A_376, %add3A_377 : i32
        %get3A_379 = arith.index_cast %add3A_378 : i32 to index
        %get3A_380 = tpu.vector_load %arg7[%get3A_379] {strides = array<i32>} : memref<10000xi32, #tpu.memory_space<vmem>>, vector<16xi32>,
        %get3A_381 = vector.shape_cast %get3A_380 : vector<16xi32> to vector<16xi32>
        %swap3A_382 = arith.constant 0 : index
        %swap3A_383 = tpu.vector_load %arg12[%swap3A_382] {strides = array<i32>} : memref<80xi32, #tpu.memory_space<vmem>>, vector<16xi32>,
        %swap3A_384 = vector.shape_cast %swap3A_383 : vector<16xi32> to vector<16xi32>
        %swap3A_385 = vector.shape_cast %get3A_381 : vector<16xi32> to vector<16xi32>
        tpu.vector_store %arg12[%swap3A_382], %swap3A_385 {strides = array<i32>} : memref<80xi32, #tpu.memory_space<vmem>>, vector<16xi32>,
        %mul3A_386 = arith.constant 80 : i32
        %mul3A_387 = arith.muli %add3A_374, %mul3A_386 : i32
        %add3A_388 = arith.constant 16 : i32
        %add3A_389 = arith.addi %mul3A_387, %add3A_388 : i32
        %get3A_390 = arith.index_cast %add3A_389 : i32 to index
        %get3A_391 = tpu.vector_load %arg7[%get3A_390] {strides = array<i32>} : memref<10000xi32, #tpu.memory_space<vmem>>, vector<16xi32>,
        %get3A_392 = vector.shape_cast %get3A_391 : vector<16xi32> to vector<16xi32>
        %swap3A_393 = arith.constant 16 : index
        %swap3A_394 = tpu.vector_load %arg12[%swap3A_393] {strides = array<i32>} : memref<80xi32, #tpu.memory_space<vmem>>, vector<16xi32>,
        %swap3A_395 = vector.shape_cast %swap3A_394 : vector<16xi32> to vector<16xi32>
        %swap3A_396 = vector.shape_cast %get3A_392 : vector<16xi32> to vector<16xi32>
        tpu.vector_store %arg12[%swap3A_393], %swap3A_396 {strides = array<i32>} : memref<80xi32, #tpu.memory_space<vmem>>, vector<16xi32>,
        %mul3A_397 = arith.constant 80 : i32
        %mul3A_398 = arith.muli %add3A_374, %mul3A_397 : i32
        %add3A_399 = arith.constant 32 : i32
        %add3A_400 = arith.addi %mul3A_398, %add3A_399 : i32
        %get3A_401 = arith.index_cast %add3A_400 : i32 to index
        %get3A_402 = tpu.vector_load %arg7[%get3A_401] {strides = array<i32>} : memref<10000xi32, #tpu.memory_space<vmem>>, vector<16xi32>,
        %get3A_403 = vector.shape_cast %get3A_402 : vector<16xi32> to vector<16xi32>
        %swap3A_404 = arith.constant 32 : index
        %swap3A_405 = tpu.vector_load %arg12[%swap3A_404] {strides = array<i32>} : memref<80xi32, #tpu.memory_space<vmem>>, vector<16xi32>,
        %swap3A_406 = vector.shape_cast %swap3A_405 : vector<16xi32> to vector<16xi32>
        %swap3A_407 = vector.shape_cast %get3A_403 : vector<16xi32> to vector<16xi32>
        tpu.vector_store %arg12[%swap3A_404], %swap3A_407 {strides = array<i32>} : memref<80xi32, #tpu.memory_space<vmem>>, vector<16xi32>,
        %mul3A_408 = arith.constant 80 : i32
        %mul3A_409 = arith.muli %add3A_374, %mul3A_408 : i32
        %add3A_410 = arith.constant 48 : i32
        %add3A_411 = arith.addi %mul3A_409, %add3A_410 : i32
        %get3A_412 = arith.index_cast %add3A_411 : i32 to index
        %get3A_413 = tpu.vector_load %arg7[%get3A_412] {strides = array<i32>} : memref<10000xi32, #tpu.memory_space<vmem>>, vector<16xi32>,
        %get3A_414 = vector.shape_cast %get3A_413 : vector<16xi32> to vector<16xi32>
        %swap3A_415 = arith.constant 48 : index
        %swap3A_416 = tpu.vector_load %arg12[%swap3A_415] {strides = array<i32>} : memref<80xi32, #tpu.memory_space<vmem>>, vector<16xi32>,
        %swap3A_417 = vector.shape_cast %swap3A_416 : vector<16xi32> to vector<16xi32>
        %swap3A_418 = vector.shape_cast %get3A_414 : vector<16xi32> to vector<16xi32>
        tpu.vector_store %arg12[%swap3A_415], %swap3A_418 {strides = array<i32>} : memref<80xi32, #tpu.memory_space<vmem>>, vector<16xi32>,
        %mul3A_419 = arith.constant 80 : i32
        %mul3A_420 = arith.muli %add3A_374, %mul3A_419 : i32
        %add3A_421 = arith.constant 64 : i32
        %add3A_422 = arith.addi %mul3A_420, %add3A_421 : i32
        %get3A_423 = arith.index_cast %add3A_422 : i32 to index
        %get3A_424 = tpu.vector_load %arg7[%get3A_423] {strides = array<i32>} : memref<10000xi32, #tpu.memory_space<vmem>>, vector<16xi32>,
        %get3A_425 = vector.shape_cast %get3A_424 : vector<16xi32> to vector<16xi32>
        %swap3A_426 = arith.constant 64 : index
        %swap3A_427 = tpu.vector_load %arg12[%swap3A_426] {strides = array<i32>} : memref<80xi32, #tpu.memory_space<vmem>>, vector<16xi32>,
        %swap3A_428 = vector.shape_cast %swap3A_427 : vector<16xi32> to vector<16xi32>
        %swap3A_429 = vector.shape_cast %get3A_425 : vector<16xi32> to vector<16xi32>
        tpu.vector_store %arg12[%swap3A_426], %swap3A_429 {strides = array<i32>} : memref<80xi32, #tpu.memory_space<vmem>>, vector<16xi32>,
        %dma_start3A_430 = arith.constant 0 : i32
        %dma_start3A_431 = arith.constant 0 : i32
        %dma_start3A_432 = tpu.memref_slice %arg10[%dma_start3A_430, %dma_start3A_431] : memref<80x128xf32, #tpu.memory_space<vmem>> -> memref<40x128xf32, #tpu.memory_space<vmem>>
        %dma_start3A_433 = arith.constant 0 : i32
        %dma_start3A_434 = tpu.memref_slice %arg12[%dma_start3A_433] : memref<80xi32, #tpu.memory_space<vmem>> -> memref<40xi32, #tpu.memory_space<vmem>>
        %dma_start3A_435 = arith.constant 0 : i32
        %dma_start3A_436 = arith.constant 0 : i32
        %dma_start3A_437 = tpu.memref_slice %arg2[%dma_start3A_435, %dma_start3A_436] : memref<10000x128xf32, #tpu.memory_space<hbm>> -> memref<10000x128xf32, #tpu.memory_space<hbm>>
        tpu.enqueue_indirect_dma source(%dma_start3A_437 : memref<10000x128xf32, #tpu.memory_space<hbm>>) target(%dma_start3A_432 : memref<40x128xf32, #tpu.memory_space<vmem>>) offsets(%dma_start3A_434 : memref<40xi32, #tpu.memory_space<vmem>>) semaphore(%arg16 : memref<!tpu.dma_semaphore, #tpu.memory_space<semaphore_mem>>)
        %dma_start3A_438 = arith.constant 40 : i32
        %dma_start3A_439 = arith.constant 0 : i32
        %dma_start3A_440 = tpu.memref_slice %arg10[%dma_start3A_438, %dma_start3A_439] : memref<80x128xf32, #tpu.memory_space<vmem>> -> memref<40x128xf32, #tpu.memory_space<vmem>>
        %dma_start3A_441 = arith.constant 40 : i32
        %dma_start3A_442 = tpu.memref_slice %arg12[%dma_start3A_441] : memref<80xi32, #tpu.memory_space<vmem>> -> memref<40xi32, #tpu.memory_space<vmem>>
        %dma_start3A_443 = arith.constant 0 : i32
        %dma_start3A_444 = arith.constant 0 : i32
        %dma_start3A_445 = tpu.memref_slice %arg2[%dma_start3A_443, %dma_start3A_444] : memref<10000x128xf32, #tpu.memory_space<hbm>> -> memref<10000x128xf32, #tpu.memory_space<hbm>>
        tpu.enqueue_indirect_dma source(%dma_start3A_445 : memref<10000x128xf32, #tpu.memory_space<hbm>>) target(%dma_start3A_440 : memref<40x128xf32, #tpu.memory_space<vmem>>) offsets(%dma_start3A_442 : memref<40xi32, #tpu.memory_space<vmem>>) semaphore(%arg16 : memref<!tpu.dma_semaphore, #tpu.memory_space<semaphore_mem>>)
      } else {
      }
      %mul3A_284 = arith.constant 2 : i32
      %mul3A_285 = arith.muli %mul3A_284, %scan3A_197 : i32
      %add3A_286 = arith.constant 1 : i32
      %add3A_287 = arith.addi %mul3A_285, %add3A_286 : i32
      %dma_wait3A_288 = arith.constant 0 : i32
      %dma_wait3A_289 = arith.constant 0 : i32
      %dma_wait3A_290 = tpu.memref_slice %arg11[%dma_wait3A_288, %dma_wait3A_289] : memref<80x128xf32, #tpu.memory_space<vmem>> -> memref<40x128xf32, #tpu.memory_space<vmem>>
      %dma_wait3A_291 = arith.constant 0 : i32
      %dma_wait3A_292 = tpu.memref_slice %arg13[%dma_wait3A_291] : memref<80xi32, #tpu.memory_space<vmem>> -> memref<40xi32, #tpu.memory_space<vmem>>
      %dma_wait3A_293 = arith.constant 0 : i32
      %dma_wait3A_294 = arith.constant 0 : i32
      %dma_wait3A_295 = tpu.memref_slice %arg2[%dma_wait3A_293, %dma_wait3A_294] : memref<10000x128xf32, #tpu.memory_space<hbm>> -> memref<10000x128xf32, #tpu.memory_space<hbm>>
      tpu.wait_indirect_dma semaphore(%arg17 : memref<!tpu.dma_semaphore, #tpu.memory_space<semaphore_mem>>) src(%dma_wait3A_295 : memref<10000x128xf32, #tpu.memory_space<hbm>>) dst(%dma_wait3A_290 : memref<40x128xf32, #tpu.memory_space<vmem>>)
      %dma_wait3A_296 = arith.constant 40 : i32
      %dma_wait3A_297 = arith.constant 0 : i32
      %dma_wait3A_298 = tpu.memref_slice %arg11[%dma_wait3A_296, %dma_wait3A_297] : memref<80x128xf32, #tpu.memory_space<vmem>> -> memref<40x128xf32, #tpu.memory_space<vmem>>
      %dma_wait3A_299 = arith.constant 40 : i32
      %dma_wait3A_300 = tpu.memref_slice %arg13[%dma_wait3A_299] : memref<80xi32, #tpu.memory_space<vmem>> -> memref<40xi32, #tpu.memory_space<vmem>>
      %dma_wait3A_301 = arith.constant 0 : i32
      %dma_wait3A_302 = arith.constant 0 : i32
      %dma_wait3A_303 = tpu.memref_slice %arg2[%dma_wait3A_301, %dma_wait3A_302] : memref<10000x128xf32, #tpu.memory_space<hbm>> -> memref<10000x128xf32, #tpu.memory_space<hbm>>
      tpu.wait_indirect_dma semaphore(%arg17 : memref<!tpu.dma_semaphore, #tpu.memory_space<semaphore_mem>>) src(%dma_wait3A_303 : memref<10000x128xf32, #tpu.memory_space<hbm>>) dst(%dma_wait3A_298 : memref<40x128xf32, #tpu.memory_space<vmem>>)
      %mul3A_304 = arith.constant 80 : i32
      %mul3A_305 = arith.muli %add3A_287, %mul3A_304 : i32
      %add3A_306 = arith.constant 0 : i32
      %add3A_307 = arith.addi %mul3A_305, %add3A_306 : i32
      %get3A_308 = arith.index_cast %add3A_307 : i32 to index
      %get3A_309 = tpu.vector_load %arg8[%get3A_308] {strides = array<i32>} : memref<10000xi32, #tpu.memory_space<vmem>>, vector<16xi32>,
      %get3A_310 = vector.shape_cast %get3A_309 : vector<16xi32> to vector<16xi32>
      %swap3A_311 = arith.constant 0 : index
      %swap3A_312 = tpu.vector_load %arg15[%swap3A_311] {strides = array<i32>} : memref<80xi32, #tpu.memory_space<vmem>>, vector<16xi32>,
      %swap3A_313 = vector.shape_cast %swap3A_312 : vector<16xi32> to vector<16xi32>
      %swap3A_314 = vector.shape_cast %get3A_310 : vector<16xi32> to vector<16xi32>
      tpu.vector_store %arg15[%swap3A_311], %swap3A_314 {strides = array<i32>} : memref<80xi32, #tpu.memory_space<vmem>>, vector<16xi32>,
      %mul3A_315 = arith.constant 80 : i32
      %mul3A_316 = arith.muli %add3A_287, %mul3A_315 : i32
      %add3A_317 = arith.constant 16 : i32
      %add3A_318 = arith.addi %mul3A_316, %add3A_317 : i32
      %get3A_319 = arith.index_cast %add3A_318 : i32 to index
      %get3A_320 = tpu.vector_load %arg8[%get3A_319] {strides = array<i32>} : memref<10000xi32, #tpu.memory_space<vmem>>, vector<16xi32>,
      %get3A_321 = vector.shape_cast %get3A_320 : vector<16xi32> to vector<16xi32>
      %swap3A_322 = arith.constant 16 : index
      %swap3A_323 = tpu.vector_load %arg15[%swap3A_322] {strides = array<i32>} : memref<80xi32, #tpu.memory_space<vmem>>, vector<16xi32>,
      %swap3A_324 = vector.shape_cast %swap3A_323 : vector<16xi32> to vector<16xi32>
      %swap3A_325 = vector.shape_cast %get3A_321 : vector<16xi32> to vector<16xi32>
      tpu.vector_store %arg15[%swap3A_322], %swap3A_325 {strides = array<i32>} : memref<80xi32, #tpu.memory_space<vmem>>, vector<16xi32>,
      %mul3A_326 = arith.constant 80 : i32
      %mul3A_327 = arith.muli %add3A_287, %mul3A_326 : i32
      %add3A_328 = arith.constant 32 : i32
      %add3A_329 = arith.addi %mul3A_327, %add3A_328 : i32
      %get3A_330 = arith.index_cast %add3A_329 : i32 to index
      %get3A_331 = tpu.vector_load %arg8[%get3A_330] {strides = array<i32>} : memref<10000xi32, #tpu.memory_space<vmem>>, vector<16xi32>,
      %get3A_332 = vector.shape_cast %get3A_331 : vector<16xi32> to vector<16xi32>
      %swap3A_333 = arith.constant 32 : index
      %swap3A_334 = tpu.vector_load %arg15[%swap3A_333] {strides = array<i32>} : memref<80xi32, #tpu.memory_space<vmem>>, vector<16xi32>,
      %swap3A_335 = vector.shape_cast %swap3A_334 : vector<16xi32> to vector<16xi32>
      %swap3A_336 = vector.shape_cast %get3A_332 : vector<16xi32> to vector<16xi32>
      tpu.vector_store %arg15[%swap3A_333], %swap3A_336 {strides = array<i32>} : memref<80xi32, #tpu.memory_space<vmem>>, vector<16xi32>,
      %mul3A_337 = arith.constant 80 : i32
      %mul3A_338 = arith.muli %add3A_287, %mul3A_337 : i32
      %add3A_339 = arith.constant 48 : i32
      %add3A_340 = arith.addi %mul3A_338, %add3A_339 : i32
      %get3A_341 = arith.index_cast %add3A_340 : i32 to index
      %get3A_342 = tpu.vector_load %arg8[%get3A_341] {strides = array<i32>} : memref<10000xi32, #tpu.memory_space<vmem>>, vector<16xi32>,
      %get3A_343 = vector.shape_cast %get3A_342 : vector<16xi32> to vector<16xi32>
      %swap3A_344 = arith.constant 48 : index
      %swap3A_345 = tpu.vector_load %arg15[%swap3A_344] {strides = array<i32>} : memref<80xi32, #tpu.memory_space<vmem>>, vector<16xi32>,
      %swap3A_346 = vector.shape_cast %swap3A_345 : vector<16xi32> to vector<16xi32>
      %swap3A_347 = vector.shape_cast %get3A_343 : vector<16xi32> to vector<16xi32>
      tpu.vector_store %arg15[%swap3A_344], %swap3A_347 {strides = array<i32>} : memref<80xi32, #tpu.memory_space<vmem>>, vector<16xi32>,
      %mul3A_348 = arith.constant 80 : i32
      %mul3A_349 = arith.muli %add3A_287, %mul3A_348 : i32
      %add3A_350 = arith.constant 64 : i32
      %add3A_351 = arith.addi %mul3A_349, %add3A_350 : i32
      %get3A_352 = arith.index_cast %add3A_351 : i32 to index
      %get3A_353 = tpu.vector_load %arg8[%get3A_352] {strides = array<i32>} : memref<10000xi32, #tpu.memory_space<vmem>>, vector<16xi32>,
      %get3A_354 = vector.shape_cast %get3A_353 : vector<16xi32> to vector<16xi32>
      %swap3A_355 = arith.constant 64 : index
      %swap3A_356 = tpu.vector_load %arg15[%swap3A_355] {strides = array<i32>} : memref<80xi32, #tpu.memory_space<vmem>>, vector<16xi32>,
      %swap3A_357 = vector.shape_cast %swap3A_356 : vector<16xi32> to vector<16xi32>
      %swap3A_358 = vector.shape_cast %get3A_354 : vector<16xi32> to vector<16xi32>
      tpu.vector_store %arg15[%swap3A_355], %swap3A_358 {strides = array<i32>} : memref<80xi32, #tpu.memory_space<vmem>>, vector<16xi32>,
      %dma_start3A_359 = arith.constant 0 : i32
      %dma_start3A_360 = arith.constant 0 : i32
      %dma_start3A_361 = tpu.memref_slice %arg9[%dma_start3A_359, %dma_start3A_360] : memref<10240x128xf32, #tpu.memory_space<vmem_shared>> -> memref<10240x128xf32, #tpu.memory_space<vmem_shared>>
      tpu.enqueue_indirect_dma source(%arg11 : memref<80x128xf32, #tpu.memory_space<vmem>>) target(%dma_start3A_361 : memref<10240x128xf32, #tpu.memory_space<vmem_shared>>) offsets(%arg15 : memref<80xi32, #tpu.memory_space<vmem>>) semaphore(%arg19 : memref<!tpu.dma_semaphore, #tpu.memory_space<semaphore_mem>>) {add = true}
      %dma_wait3A_362 = arith.constant 0 : i32
      %dma_wait3A_363 = arith.constant 0 : i32
      %dma_wait3A_364 = tpu.memref_slice %arg9[%dma_wait3A_362, %dma_wait3A_363] : memref<10240x128xf32, #tpu.memory_space<vmem_shared>> -> memref<10240x128xf32, #tpu.memory_space<vmem_shared>>
      tpu.wait_indirect_dma semaphore(%arg19 : memref<!tpu.dma_semaphore, #tpu.memory_space<semaphore_mem>>) src(%arg11 : memref<80x128xf32, #tpu.memory_space<vmem>>) dst(%dma_wait3A_364 : memref<10240x128xf32, #tpu.memory_space<vmem_shared>>)
      %add3A_365 = arith.constant 2 : i32
      %add3A_366 = arith.addi %add3A_287, %add3A_365 : i32
      %lt3A_367 = arith.constant 125 : i32
      %lt3A_368 = arith.cmpi slt, %add3A_366, %lt3A_367 : i32
      %convert_element_type3A_369 = arith.extui %lt3A_368 : i1 to i32
      %cond3A_370 = arith.constant 0 : i32
      %cond3A_371 = arith.cmpi ne, %convert_element_type3A_369, %cond3A_370 : i32
      scf.if %cond3A_371 {
        %add3A_373 = arith.constant 2 : i32
        %add3A_374 = arith.addi %add3A_287, %add3A_373 : i32
        %mul3A_375 = arith.constant 80 : i32
        %mul3A_376 = arith.muli %add3A_374, %mul3A_375 : i32
        %add3A_377 = arith.constant 0 : i32
        %add3A_378 = arith.addi %mul3A_376, %add3A_377 : i32
        %get3A_379 = arith.index_cast %add3A_378 : i32 to index
        %get3A_380 = tpu.vector_load %arg7[%get3A_379] {strides = array<i32>} : memref<10000xi32, #tpu.memory_space<vmem>>, vector<16xi32>,
        %get3A_381 = vector.shape_cast %get3A_380 : vector<16xi32> to vector<16xi32>
        %swap3A_382 = arith.constant 0 : index
        %swap3A_383 = tpu.vector_load %arg13[%swap3A_382] {strides = array<i32>} : memref<80xi32, #tpu.memory_space<vmem>>, vector<16xi32>,
        %swap3A_384 = vector.shape_cast %swap3A_383 : vector<16xi32> to vector<16xi32>
        %swap3A_385 = vector.shape_cast %get3A_381 : vector<16xi32> to vector<16xi32>
        tpu.vector_store %arg13[%swap3A_382], %swap3A_385 {strides = array<i32>} : memref<80xi32, #tpu.memory_space<vmem>>, vector<16xi32>,
        %mul3A_386 = arith.constant 80 : i32
        %mul3A_387 = arith.muli %add3A_374, %mul3A_386 : i32
        %add3A_388 = arith.constant 16 : i32
        %add3A_389 = arith.addi %mul3A_387, %add3A_388 : i32
        %get3A_390 = arith.index_cast %add3A_389 : i32 to index
        %get3A_391 = tpu.vector_load %arg7[%get3A_390] {strides = array<i32>} : memref<10000xi32, #tpu.memory_space<vmem>>, vector<16xi32>,
        %get3A_392 = vector.shape_cast %get3A_391 : vector<16xi32> to vector<16xi32>
        %swap3A_393 = arith.constant 16 : index
        %swap3A_394 = tpu.vector_load %arg13[%swap3A_393] {strides = array<i32>} : memref<80xi32, #tpu.memory_space<vmem>>, vector<16xi32>,
        %swap3A_395 = vector.shape_cast %swap3A_394 : vector<16xi32> to vector<16xi32>
        %swap3A_396 = vector.shape_cast %get3A_392 : vector<16xi32> to vector<16xi32>
        tpu.vector_store %arg13[%swap3A_393], %swap3A_396 {strides = array<i32>} : memref<80xi32, #tpu.memory_space<vmem>>, vector<16xi32>,
        %mul3A_397 = arith.constant 80 : i32
        %mul3A_398 = arith.muli %add3A_374, %mul3A_397 : i32
        %add3A_399 = arith.constant 32 : i32
        %add3A_400 = arith.addi %mul3A_398, %add3A_399 : i32
        %get3A_401 = arith.index_cast %add3A_400 : i32 to index
        %get3A_402 = tpu.vector_load %arg7[%get3A_401] {strides = array<i32>} : memref<10000xi32, #tpu.memory_space<vmem>>, vector<16xi32>,
        %get3A_403 = vector.shape_cast %get3A_402 : vector<16xi32> to vector<16xi32>
        %swap3A_404 = arith.constant 32 : index
        %swap3A_405 = tpu.vector_load %arg13[%swap3A_404] {strides = array<i32>} : memref<80xi32, #tpu.memory_space<vmem>>, vector<16xi32>,
        %swap3A_406 = vector.shape_cast %swap3A_405 : vector<16xi32> to vector<16xi32>
        %swap3A_407 = vector.shape_cast %get3A_403 : vector<16xi32> to vector<16xi32>
        tpu.vector_store %arg13[%swap3A_404], %swap3A_407 {strides = array<i32>} : memref<80xi32, #tpu.memory_space<vmem>>, vector<16xi32>,
        %mul3A_408 = arith.constant 80 : i32
        %mul3A_409 = arith.muli %add3A_374, %mul3A_408 : i32
        %add3A_410 = arith.constant 48 : i32
        %add3A_411 = arith.addi %mul3A_409, %add3A_410 : i32
        %get3A_412 = arith.index_cast %add3A_411 : i32 to index
        %get3A_413 = tpu.vector_load %arg7[%get3A_412] {strides = array<i32>} : memref<10000xi32, #tpu.memory_space<vmem>>, vector<16xi32>,
        %get3A_414 = vector.shape_cast %get3A_413 : vector<16xi32> to vector<16xi32>
        %swap3A_415 = arith.constant 48 : index
        %swap3A_416 = tpu.vector_load %arg13[%swap3A_415] {strides = array<i32>} : memref<80xi32, #tpu.memory_space<vmem>>, vector<16xi32>,
        %swap3A_417 = vector.shape_cast %swap3A_416 : vector<16xi32> to vector<16xi32>
        %swap3A_418 = vector.shape_cast %get3A_414 : vector<16xi32> to vector<16xi32>
        tpu.vector_store %arg13[%swap3A_415], %swap3A_418 {strides = array<i32>} : memref<80xi32, #tpu.memory_space<vmem>>, vector<16xi32>,
        %mul3A_419 = arith.constant 80 : i32
        %mul3A_420 = arith.muli %add3A_374, %mul3A_419 : i32
        %add3A_421 = arith.constant 64 : i32
        %add3A_422 = arith.addi %mul3A_420, %add3A_421 : i32
        %get3A_423 = arith.index_cast %add3A_422 : i32 to index
        %get3A_424 = tpu.vector_load %arg7[%get3A_423] {strides = array<i32>} : memref<10000xi32, #tpu.memory_space<vmem>>, vector<16xi32>,
        %get3A_425 = vector.shape_cast %get3A_424 : vector<16xi32> to vector<16xi32>
        %swap3A_426 = arith.constant 64 : index
        %swap3A_427 = tpu.vector_load %arg13[%swap3A_426] {strides = array<i32>} : memref<80xi32, #tpu.memory_space<vmem>>, vector<16xi32>,
        %swap3A_428 = vector.shape_cast %swap3A_427 : vector<16xi32> to vector<16xi32>
        %swap3A_429 = vector.shape_cast %get3A_425 : vector<16xi32> to vector<16xi32>
        tpu.vector_store %arg13[%swap3A_426], %swap3A_429 {strides = array<i32>} : memref<80xi32, #tpu.memory_space<vmem>>, vector<16xi32>,
        %dma_start3A_430 = arith.constant 0 : i32
        %dma_start3A_431 = arith.constant 0 : i32
        %dma_start3A_432 = tpu.memref_slice %arg11[%dma_start3A_430, %dma_start3A_431] : memref<80x128xf32, #tpu.memory_space<vmem>> -> memref<40x128xf32, #tpu.memory_space<vmem>>
        %dma_start3A_433 = arith.constant 0 : i32
        %dma_start3A_434 = tpu.memref_slice %arg13[%dma_start3A_433] : memref<80xi32, #tpu.memory_space<vmem>> -> memref<40xi32, #tpu.memory_space<vmem>>
        %dma_start3A_435 = arith.constant 0 : i32
        %dma_start3A_436 = arith.constant 0 : i32
        %dma_start3A_437 = tpu.memref_slice %arg2[%dma_start3A_435, %dma_start3A_436] : memref<10000x128xf32, #tpu.memory_space<hbm>> -> memref<10000x128xf32, #tpu.memory_space<hbm>>
        tpu.enqueue_indirect_dma source(%dma_start3A_437 : memref<10000x128xf32, #tpu.memory_space<hbm>>) target(%dma_start3A_432 : memref<40x128xf32, #tpu.memory_space<vmem>>) offsets(%dma_start3A_434 : memref<40xi32, #tpu.memory_space<vmem>>) semaphore(%arg17 : memref<!tpu.dma_semaphore, #tpu.memory_space<semaphore_mem>>)
        %dma_start3A_438 = arith.constant 40 : i32
        %dma_start3A_439 = arith.constant 0 : i32
        %dma_start3A_440 = tpu.memref_slice %arg11[%dma_start3A_438, %dma_start3A_439] : memref<80x128xf32, #tpu.memory_space<vmem>> -> memref<40x128xf32, #tpu.memory_space<vmem>>
        %dma_start3A_441 = arith.constant 40 : i32
        %dma_start3A_442 = tpu.memref_slice %arg13[%dma_start3A_441] : memref<80xi32, #tpu.memory_space<vmem>> -> memref<40xi32, #tpu.memory_space<vmem>>
        %dma_start3A_443 = arith.constant 0 : i32
        %dma_start3A_444 = arith.constant 0 : i32
        %dma_start3A_445 = tpu.memref_slice %arg2[%dma_start3A_443, %dma_start3A_444] : memref<10000x128xf32, #tpu.memory_space<hbm>> -> memref<10000x128xf32, #tpu.memory_space<hbm>>
        tpu.enqueue_indirect_dma source(%dma_start3A_445 : memref<10000x128xf32, #tpu.memory_space<hbm>>) target(%dma_start3A_440 : memref<40x128xf32, #tpu.memory_space<vmem>>) offsets(%dma_start3A_442 : memref<40xi32, #tpu.memory_space<vmem>>) semaphore(%arg17 : memref<!tpu.dma_semaphore, #tpu.memory_space<semaphore_mem>>)
      } else {
      }
      %scan3A_372 = arith.constant 0 : i32
      scf.yield %scan3A_372 : i32
    }
    %scan3A_134 = arith.constant 62 : i32
    %dma_wait3A_135 = arith.constant 0 : i32
    %dma_wait3A_136 = arith.constant 0 : i32
    %dma_wait3A_137 = tpu.memref_slice %arg10[%dma_wait3A_135, %dma_wait3A_136] : memref<80x128xf32, #tpu.memory_space<vmem>> -> memref<40x128xf32, #tpu.memory_space<vmem>>
    %dma_wait3A_138 = arith.constant 0 : i32
    %dma_wait3A_139 = tpu.memref_slice %arg12[%dma_wait3A_138] : memref<80xi32, #tpu.memory_space<vmem>> -> memref<40xi32, #tpu.memory_space<vmem>>
    %dma_wait3A_140 = arith.constant 0 : i32
    %dma_wait3A_141 = arith.constant 0 : i32
    %dma_wait3A_142 = tpu.memref_slice %arg2[%dma_wait3A_140, %dma_wait3A_141] : memref<10000x128xf32, #tpu.memory_space<hbm>> -> memref<10000x128xf32, #tpu.memory_space<hbm>>
    tpu.wait_indirect_dma semaphore(%arg16 : memref<!tpu.dma_semaphore, #tpu.memory_space<semaphore_mem>>) src(%dma_wait3A_142 : memref<10000x128xf32, #tpu.memory_space<hbm>>) dst(%dma_wait3A_137 : memref<40x128xf32, #tpu.memory_space<vmem>>)
    %dma_wait3A_143 = arith.constant 40 : i32
    %dma_wait3A_144 = arith.constant 0 : i32
    %dma_wait3A_145 = tpu.memref_slice %arg10[%dma_wait3A_143, %dma_wait3A_144] : memref<80x128xf32, #tpu.memory_space<vmem>> -> memref<40x128xf32, #tpu.memory_space<vmem>>
    %dma_wait3A_146 = arith.constant 40 : i32
    %dma_wait3A_147 = tpu.memref_slice %arg12[%dma_wait3A_146] : memref<80xi32, #tpu.memory_space<vmem>> -> memref<40xi32, #tpu.memory_space<vmem>>
    %dma_wait3A_148 = arith.constant 0 : i32
    %dma_wait3A_149 = arith.constant 0 : i32
    %dma_wait3A_150 = tpu.memref_slice %arg2[%dma_wait3A_148, %dma_wait3A_149] : memref<10000x128xf32, #tpu.memory_space<hbm>> -> memref<10000x128xf32, #tpu.memory_space<hbm>>
    tpu.wait_indirect_dma semaphore(%arg16 : memref<!tpu.dma_semaphore, #tpu.memory_space<semaphore_mem>>) src(%dma_wait3A_150 : memref<10000x128xf32, #tpu.memory_space<hbm>>) dst(%dma_wait3A_145 : memref<40x128xf32, #tpu.memory_space<vmem>>)
    %get3A_151 = arith.constant 9920 : index
    %get3A_152 = tpu.vector_load %arg8[%get3A_151] {strides = array<i32>} : memref<10000xi32, #tpu.memory_space<vmem>>, vector<16xi32>,
    %get3A_153 = vector.shape_cast %get3A_152 : vector<16xi32> to vector<16xi32>
    %swap3A_154 = arith.constant 0 : index
    %swap3A_155 = tpu.vector_load %arg14[%swap3A_154] {strides = array<i32>} : memref<80xi32, #tpu.memory_space<vmem>>, vector<16xi32>,
    %swap3A_156 = vector.shape_cast %swap3A_155 : vector<16xi32> to vector<16xi32>
    %swap3A_157 = vector.shape_cast %get3A_153 : vector<16xi32> to vector<16xi32>
    tpu.vector_store %arg14[%swap3A_154], %swap3A_157 {strides = array<i32>} : memref<80xi32, #tpu.memory_space<vmem>>, vector<16xi32>,
    %get3A_158 = arith.constant 9936 : index
    %get3A_159 = tpu.vector_load %arg8[%get3A_158] {strides = array<i32>} : memref<10000xi32, #tpu.memory_space<vmem>>, vector<16xi32>,
    %get3A_160 = vector.shape_cast %get3A_159 : vector<16xi32> to vector<16xi32>
    %swap3A_161 = arith.constant 16 : index
    %swap3A_162 = tpu.vector_load %arg14[%swap3A_161] {strides = array<i32>} : memref<80xi32, #tpu.memory_space<vmem>>, vector<16xi32>,
    %swap3A_163 = vector.shape_cast %swap3A_162 : vector<16xi32> to vector<16xi32>
    %swap3A_164 = vector.shape_cast %get3A_160 : vector<16xi32> to vector<16xi32>
    tpu.vector_store %arg14[%swap3A_161], %swap3A_164 {strides = array<i32>} : memref<80xi32, #tpu.memory_space<vmem>>, vector<16xi32>,
    %get3A_165 = arith.constant 9952 : index
    %get3A_166 = tpu.vector_load %arg8[%get3A_165] {strides = array<i32>} : memref<10000xi32, #tpu.memory_space<vmem>>, vector<16xi32>,
    %get3A_167 = vector.shape_cast %get3A_166 : vector<16xi32> to vector<16xi32>
    %swap3A_168 = arith.constant 32 : index
    %swap3A_169 = tpu.vector_load %arg14[%swap3A_168] {strides = array<i32>} : memref<80xi32, #tpu.memory_space<vmem>>, vector<16xi32>,
    %swap3A_170 = vector.shape_cast %swap3A_169 : vector<16xi32> to vector<16xi32>
    %swap3A_171 = vector.shape_cast %get3A_167 : vector<16xi32> to vector<16xi32>
    tpu.vector_store %arg14[%swap3A_168], %swap3A_171 {strides = array<i32>} : memref<80xi32, #tpu.memory_space<vmem>>, vector<16xi32>,
    %get3A_172 = arith.constant 9968 : index
    %get3A_173 = tpu.vector_load %arg8[%get3A_172] {strides = array<i32>} : memref<10000xi32, #tpu.memory_space<vmem>>, vector<16xi32>,
    %get3A_174 = vector.shape_cast %get3A_173 : vector<16xi32> to vector<16xi32>
    %swap3A_175 = arith.constant 48 : index
    %swap3A_176 = tpu.vector_load %arg14[%swap3A_175] {strides = array<i32>} : memref<80xi32, #tpu.memory_space<vmem>>, vector<16xi32>,
    %swap3A_177 = vector.shape_cast %swap3A_176 : vector<16xi32> to vector<16xi32>
    %swap3A_178 = vector.shape_cast %get3A_174 : vector<16xi32> to vector<16xi32>
    tpu.vector_store %arg14[%swap3A_175], %swap3A_178 {strides = array<i32>} : memref<80xi32, #tpu.memory_space<vmem>>, vector<16xi32>,
    %get3A_179 = arith.constant 9984 : index
    %get3A_180 = tpu.vector_load %arg8[%get3A_179] {strides = array<i32>} : memref<10000xi32, #tpu.memory_space<vmem>>, vector<16xi32>,
    %get3A_181 = vector.shape_cast %get3A_180 : vector<16xi32> to vector<16xi32>
    %swap3A_182 = arith.constant 64 : index
    %swap3A_183 = tpu.vector_load %arg14[%swap3A_182] {strides = array<i32>} : memref<80xi32, #tpu.memory_space<vmem>>, vector<16xi32>,
    %swap3A_184 = vector.shape_cast %swap3A_183 : vector<16xi32> to vector<16xi32>
    %swap3A_185 = vector.shape_cast %get3A_181 : vector<16xi32> to vector<16xi32>
    tpu.vector_store %arg14[%swap3A_182], %swap3A_185 {strides = array<i32>} : memref<80xi32, #tpu.memory_space<vmem>>, vector<16xi32>,
    %dma_start3A_186 = arith.constant 0 : i32
    %dma_start3A_187 = arith.constant 0 : i32
    %dma_start3A_188 = tpu.memref_slice %arg9[%dma_start3A_186, %dma_start3A_187] : memref<10240x128xf32, #tpu.memory_space<vmem_shared>> -> memref<10240x128xf32, #tpu.memory_space<vmem_shared>>
    tpu.enqueue_indirect_dma source(%arg10 : memref<80x128xf32, #tpu.memory_space<vmem>>) target(%dma_start3A_188 : memref<10240x128xf32, #tpu.memory_space<vmem_shared>>) offsets(%arg14 : memref<80xi32, #tpu.memory_space<vmem>>) semaphore(%arg18 : memref<!tpu.dma_semaphore, #tpu.memory_space<semaphore_mem>>) {add = true}
    %dma_wait3A_189 = arith.constant 0 : i32
    %dma_wait3A_190 = arith.constant 0 : i32
    %dma_wait3A_191 = tpu.memref_slice %arg9[%dma_wait3A_189, %dma_wait3A_190] : memref<10240x128xf32, #tpu.memory_space<vmem_shared>> -> memref<10240x128xf32, #tpu.memory_space<vmem_shared>>
    tpu.wait_indirect_dma semaphore(%arg18 : memref<!tpu.dma_semaphore, #tpu.memory_space<semaphore_mem>>) src(%arg10 : memref<80x128xf32, #tpu.memory_space<vmem>>) dst(%dma_wait3A_191 : memref<10240x128xf32, #tpu.memory_space<vmem_shared>>)
    %barrier3A_192 = arith.constant 0 : index
    tpu.barrier barrier_id(%barrier3A_192)
    %mul3A_193 = arith.constant 640 : i32
    %mul3A_194 = arith.muli %arg1, %mul3A_193 : i32
    %mul3A_195 = arith.constant 640 : i32
    %mul3A_196 = arith.muli %arg1, %mul3A_195 : i32
    "tpu.region"() ({
      %run_scoped3A = tpu.sem_alloc : memref<!tpu.dma_semaphore, #tpu.memory_space<semaphore_mem>>
      %dma_start3A_197 = arith.constant 0 : i32
      %dma_start3A_198 = tpu.memref_slice %arg6[%arg0, %mul3A_196, %dma_start3A_197] : memref<2x10240x128xf32, #tpu.memory_space<hbm>> -> memref<1x640x128xf32, #tpu.memory_space<hbm>>
      %dma_start3A_199 = tpu.memref_squeeze %dma_start3A_198 : memref<1x640x128xf32, #tpu.memory_space<hbm>> -> memref<640x128xf32, #tpu.memory_space<hbm>>
      %dma_start3A_200 = arith.constant 0 : i32
      %dma_start3A_201 = tpu.memref_slice %arg9[%mul3A_194, %dma_start3A_200] : memref<10240x128xf32, #tpu.memory_space<vmem_shared>> -> memref<640x128xf32, #tpu.memory_space<vmem_shared>>
      tpu.enqueue_dma source(%dma_start3A_201 : memref<640x128xf32, #tpu.memory_space<vmem_shared>>) target(%dma_start3A_199 : memref<640x128xf32, #tpu.memory_space<hbm>>) target_semaphore(%run_scoped3A : memref<!tpu.dma_semaphore, #tpu.memory_space<semaphore_mem>>)
      %dma_wait3A_202 = arith.constant 0 : i32
      %dma_wait3A_203 = tpu.memref_slice %arg6[%arg0, %mul3A_196, %dma_wait3A_202] : memref<2x10240x128xf32, #tpu.memory_space<hbm>> -> memref<1x640x128xf32, #tpu.memory_space<hbm>>
      %dma_wait3A_204 = tpu.memref_squeeze %dma_wait3A_203 : memref<1x640x128xf32, #tpu.memory_space<hbm>> -> memref<640x128xf32, #tpu.memory_space<hbm>>
      %dma_wait3A_205 = arith.constant 0 : i32
      %dma_wait3A_206 = tpu.memref_slice %arg9[%mul3A_194, %dma_wait3A_205] : memref<10240x128xf32, #tpu.memory_space<vmem_shared>> -> memref<640x128xf32, #tpu.memory_space<vmem_shared>>
      tpu.wait_dma2 semaphore(%run_scoped3A : memref<!tpu.dma_semaphore, #tpu.memory_space<semaphore_mem>>) src(%dma_wait3A_206 : memref<640x128xf32, #tpu.memory_space<vmem_shared>>) dst(%dma_wait3A_204 : memref<640x128xf32, #tpu.memory_space<hbm>>)
      tpu.yield
    }) : () -> ()
    return
  }
}

#map = affine_map<(d0, d1) -> (0, 0)>
#map1 = affine_map<(d0, d1) -> (0, 0, 0)>
module attributes {stable_mosaic.version = 14 : i64} {
  func.func @_agg_kernel(%arg0: i32, %arg1: i32, %arg2: memref<10000x128xf32, #tpu.memory_space<hbm>>, %arg3: memref<32x10000xi32, #tpu.memory_space<hbm>>, %arg4: memref<32x10000xi32, #tpu.memory_space<hbm>>, %arg5: memref<640x128xf32, #tpu.memory_space<hbm>>, %arg6: memref<2x10240x128xf32, #tpu.memory_space<hbm>>, %arg7: memref<10000xi32, #tpu.memory_space<vmem>>, %arg8: memref<10000xi32, #tpu.memory_space<vmem>>, %arg9: memref<10240x128xf32, #tpu.memory_space<vmem_shared>>, %arg10: memref<80x128xf32, #tpu.memory_space<vmem>>, %arg11: memref<80x128xf32, #tpu.memory_space<vmem>>, %arg12: memref<80xi32, #tpu.memory_space<vmem>>, %arg13: memref<80xi32, #tpu.memory_space<vmem>>, %arg14: memref<80xi32, #tpu.memory_space<vmem>>, %arg15: memref<80xi32, #tpu.memory_space<vmem>>, %arg16: memref<!tpu.dma_semaphore, #tpu.memory_space<semaphore_mem>>, %arg17: memref<!tpu.dma_semaphore, #tpu.memory_space<semaphore_mem>>, %arg18: memref<!tpu.dma_semaphore, #tpu.memory_space<semaphore_mem>>, %arg19: memref<!tpu.dma_semaphore, #tpu.memory_space<semaphore_mem>>) attributes {dimension_semantics = [#tpu.dimension_semantics<core_parallel>, #tpu.dimension_semantics<subcore_parallel>], iteration_bounds = array<i64: 2, 16>, scalar_prefetch = 0 : i64, scratch_operands = 13 : i64, tpu.core_type = #tpu.core_type<sc_vector_subcore>, window_params = [{transform_indices = #map}, {transform_indices = #map}, {transform_indices = #map}, {transform_indices = #map}, {transform_indices = #map1}]} {
    %mul3A = arith.constant 2 : i32
    %mul3A_0 = arith.muli %arg1, %mul3A : i32
    %add3A = arith.addi %mul3A_0, %arg0 : i32
    %dma_start3A = arith.constant 0 : i32
    %dma_start3A_1 = tpu.memref_slice %arg3[%add3A, %dma_start3A] : memref<32x10000xi32, #tpu.memory_space<hbm>> -> memref<1x10000xi32, #tpu.memory_space<hbm>>
    %dma_start3A_2 = tpu.memref_squeeze %dma_start3A_1 : memref<1x10000xi32, #tpu.memory_space<hbm>> -> memref<10000xi32, #tpu.memory_space<hbm>>
    %dma_start3A_3 = arith.constant 0 : i32
    %dma_start3A_4 = tpu.memref_slice %arg3[%add3A, %dma_start3A_3] : memref<32x10000xi32, #tpu.memory_space<hbm>> -> memref<1x10000xi32, #tpu.memory_space<hbm>>
    %dma_start3A_5 = tpu.memref_squeeze %dma_start3A_4 : memref<1x10000xi32, #tpu.memory_space<hbm>> -> memref<10000xi32, #tpu.memory_space<hbm>>
    tpu.enqueue_dma source(%dma_start3A_5 : memref<10000xi32, #tpu.memory_space<hbm>>) target(%arg7 : memref<10000xi32, #tpu.memory_space<vmem>>) target_semaphore(%arg16 : memref<!tpu.dma_semaphore, #tpu.memory_space<semaphore_mem>>)
    %dma_start3A_6 = arith.constant 0 : i32
    %dma_start3A_7 = tpu.memref_slice %arg4[%add3A, %dma_start3A_6] : memref<32x10000xi32, #tpu.memory_space<hbm>> -> memref<1x10000xi32, #tpu.memory_space<hbm>>
    %dma_start3A_8 = tpu.memref_squeeze %dma_start3A_7 : memref<1x10000xi32, #tpu.memory_space<hbm>> -> memref<10000xi32, #tpu.memory_space<hbm>>
    %dma_start3A_9 = arith.constant 0 : i32
    %dma_start3A_10 = tpu.memref_slice %arg4[%add3A, %dma_start3A_9] : memref<32x10000xi32, #tpu.memory_space<hbm>> -> memref<1x10000xi32, #tpu.memory_space<hbm>>
    %dma_start3A_11 = tpu.memref_squeeze %dma_start3A_10 : memref<1x10000xi32, #tpu.memory_space<hbm>> -> memref<10000xi32, #tpu.memory_space<hbm>>
    tpu.enqueue_dma source(%dma_start3A_11 : memref<10000xi32, #tpu.memory_space<hbm>>) target(%arg8 : memref<10000xi32, #tpu.memory_space<vmem>>) target_semaphore(%arg17 : memref<!tpu.dma_semaphore, #tpu.memory_space<semaphore_mem>>)
    %mul3A_12 = arith.constant 640 : i32
    %mul3A_13 = arith.muli %arg1, %mul3A_12 : i32
    %dma_start3A_14 = arith.constant 0 : i32
    %dma_start3A_15 = tpu.memref_slice %arg9[%mul3A_13, %dma_start3A_14] : memref<10240x128xf32, #tpu.memory_space<vmem_shared>> -> memref<640x128xf32, #tpu.memory_space<vmem_shared>>
    tpu.enqueue_dma source(%arg5 : memref<640x128xf32, #tpu.memory_space<hbm>>) target(%dma_start3A_15 : memref<640x128xf32, #tpu.memory_space<vmem_shared>>) target_semaphore(%arg18 : memref<!tpu.dma_semaphore, #tpu.memory_space<semaphore_mem>>)
    %dma_wait3A = arith.constant 0 : i32
    %dma_wait3A_16 = tpu.memref_slice %arg3[%add3A, %dma_wait3A] : memref<32x10000xi32, #tpu.memory_space<hbm>> -> memref<1x10000xi32, #tpu.memory_space<hbm>>
    %dma_wait3A_17 = tpu.memref_squeeze %dma_wait3A_16 : memref<1x10000xi32, #tpu.memory_space<hbm>> -> memref<10000xi32, #tpu.memory_space<hbm>>
    %dma_wait3A_18 = arith.constant 0 : i32
    %dma_wait3A_19 = tpu.memref_slice %arg3[%add3A, %dma_wait3A_18] : memref<32x10000xi32, #tpu.memory_space<hbm>> -> memref<1x10000xi32, #tpu.memory_space<hbm>>
    %dma_wait3A_20 = tpu.memref_squeeze %dma_wait3A_19 : memref<1x10000xi32, #tpu.memory_space<hbm>> -> memref<10000xi32, #tpu.memory_space<hbm>>
    tpu.wait_dma2 semaphore(%arg16 : memref<!tpu.dma_semaphore, #tpu.memory_space<semaphore_mem>>) src(%dma_wait3A_20 : memref<10000xi32, #tpu.memory_space<hbm>>) dst(%arg7 : memref<10000xi32, #tpu.memory_space<vmem>>)
    %dma_wait3A_21 = arith.constant 0 : i32
    %dma_wait3A_22 = tpu.memref_slice %arg4[%add3A, %dma_wait3A_21] : memref<32x10000xi32, #tpu.memory_space<hbm>> -> memref<1x10000xi32, #tpu.memory_space<hbm>>
    %dma_wait3A_23 = tpu.memref_squeeze %dma_wait3A_22 : memref<1x10000xi32, #tpu.memory_space<hbm>> -> memref<10000xi32, #tpu.memory_space<hbm>>
    %dma_wait3A_24 = arith.constant 0 : i32
    %dma_wait3A_25 = tpu.memref_slice %arg4[%add3A, %dma_wait3A_24] : memref<32x10000xi32, #tpu.memory_space<hbm>> -> memref<1x10000xi32, #tpu.memory_space<hbm>>
    %dma_wait3A_26 = tpu.memref_squeeze %dma_wait3A_25 : memref<1x10000xi32, #tpu.memory_space<hbm>> -> memref<10000xi32, #tpu.memory_space<hbm>>
    tpu.wait_dma2 semaphore(%arg17 : memref<!tpu.dma_semaphore, #tpu.memory_space<semaphore_mem>>) src(%dma_wait3A_26 : memref<10000xi32, #tpu.memory_space<hbm>>) dst(%arg8 : memref<10000xi32, #tpu.memory_space<vmem>>)
    %dma_wait3A_27 = arith.constant 0 : i32
    %dma_wait3A_28 = tpu.memref_slice %arg9[%mul3A_13, %dma_wait3A_27] : memref<10240x128xf32, #tpu.memory_space<vmem_shared>> -> memref<640x128xf32, #tpu.memory_space<vmem_shared>>
    tpu.wait_dma2 semaphore(%arg18 : memref<!tpu.dma_semaphore, #tpu.memory_space<semaphore_mem>>) src(%arg5 : memref<640x128xf32, #tpu.memory_space<hbm>>) dst(%dma_wait3A_28 : memref<640x128xf32, #tpu.memory_space<vmem_shared>>)
    %barrier3A = arith.constant 0 : index
    tpu.barrier barrier_id(%barrier3A)
    %get3A = arith.constant 0 : index
    %get3A_29 = tpu.vector_load %arg7[%get3A] {strides = array<i32>} : memref<10000xi32, #tpu.memory_space<vmem>>, vector<16xi32>,
    %get3A_30 = vector.shape_cast %get3A_29 : vector<16xi32> to vector<16xi32>
    %swap3A = arith.constant 0 : index
    %swap3A_31 = tpu.vector_load %arg12[%swap3A] {strides = array<i32>} : memref<80xi32, #tpu.memory_space<vmem>>, vector<16xi32>,
    %swap3A_32 = vector.shape_cast %swap3A_31 : vector<16xi32> to vector<16xi32>
    %swap3A_33 = vector.shape_cast %get3A_30 : vector<16xi32> to vector<16xi32>
    tpu.vector_store %arg12[%swap3A], %swap3A_33 {strides = array<i32>} : memref<80xi32, #tpu.memory_space<vmem>>, vector<16xi32>,
    %get3A_34 = arith.constant 16 : index
    %get3A_35 = tpu.vector_load %arg7[%get3A_34] {strides = array<i32>} : memref<10000xi32, #tpu.memory_space<vmem>>, vector<16xi32>,
    %get3A_36 = vector.shape_cast %get3A_35 : vector<16xi32> to vector<16xi32>
    %swap3A_37 = arith.constant 16 : index
    %swap3A_38 = tpu.vector_load %arg12[%swap3A_37] {strides = array<i32>} : memref<80xi32, #tpu.memory_space<vmem>>, vector<16xi32>,
    %swap3A_39 = vector.shape_cast %swap3A_38 : vector<16xi32> to vector<16xi32>
    %swap3A_40 = vector.shape_cast %get3A_36 : vector<16xi32> to vector<16xi32>
    tpu.vector_store %arg12[%swap3A_37], %swap3A_40 {strides = array<i32>} : memref<80xi32, #tpu.memory_space<vmem>>, vector<16xi32>,
    %get3A_41 = arith.constant 32 : index
    %get3A_42 = tpu.vector_load %arg7[%get3A_41] {strides = array<i32>} : memref<10000xi32, #tpu.memory_space<vmem>>, vector<16xi32>,
    %get3A_43 = vector.shape_cast %get3A_42 : vector<16xi32> to vector<16xi32>
    %swap3A_44 = arith.constant 32 : index
    %swap3A_45 = tpu.vector_load %arg12[%swap3A_44] {strides = array<i32>} : memref<80xi32, #tpu.memory_space<vmem>>, vector<16xi32>,
    %swap3A_46 = vector.shape_cast %swap3A_45 : vector<16xi32> to vector<16xi32>
    %swap3A_47 = vector.shape_cast %get3A_43 : vector<16xi32> to vector<16xi32>
    tpu.vector_store %arg12[%swap3A_44], %swap3A_47 {strides = array<i32>} : memref<80xi32, #tpu.memory_space<vmem>>, vector<16xi32>,
    %get3A_48 = arith.constant 48 : index
    %get3A_49 = tpu.vector_load %arg7[%get3A_48] {strides = array<i32>} : memref<10000xi32, #tpu.memory_space<vmem>>, vector<16xi32>,
    %get3A_50 = vector.shape_cast %get3A_49 : vector<16xi32> to vector<16xi32>
    %swap3A_51 = arith.constant 48 : index
    %swap3A_52 = tpu.vector_load %arg12[%swap3A_51] {strides = array<i32>} : memref<80xi32, #tpu.memory_space<vmem>>, vector<16xi32>,
    %swap3A_53 = vector.shape_cast %swap3A_52 : vector<16xi32> to vector<16xi32>
    %swap3A_54 = vector.shape_cast %get3A_50 : vector<16xi32> to vector<16xi32>
    tpu.vector_store %arg12[%swap3A_51], %swap3A_54 {strides = array<i32>} : memref<80xi32, #tpu.memory_space<vmem>>, vector<16xi32>,
    %get3A_55 = arith.constant 64 : index
    %get3A_56 = tpu.vector_load %arg7[%get3A_55] {strides = array<i32>} : memref<10000xi32, #tpu.memory_space<vmem>>, vector<16xi32>,
    %get3A_57 = vector.shape_cast %get3A_56 : vector<16xi32> to vector<16xi32>
    %swap3A_58 = arith.constant 64 : index
    %swap3A_59 = tpu.vector_load %arg12[%swap3A_58] {strides = array<i32>} : memref<80xi32, #tpu.memory_space<vmem>>, vector<16xi32>,
    %swap3A_60 = vector.shape_cast %swap3A_59 : vector<16xi32> to vector<16xi32>
    %swap3A_61 = vector.shape_cast %get3A_57 : vector<16xi32> to vector<16xi32>
    tpu.vector_store %arg12[%swap3A_58], %swap3A_61 {strides = array<i32>} : memref<80xi32, #tpu.memory_space<vmem>>, vector<16xi32>,
    %dma_start3A_62 = arith.constant 0 : i32
    %dma_start3A_63 = arith.constant 0 : i32
    %dma_start3A_64 = tpu.memref_slice %arg10[%dma_start3A_62, %dma_start3A_63] : memref<80x128xf32, #tpu.memory_space<vmem>> -> memref<40x128xf32, #tpu.memory_space<vmem>>
    %dma_start3A_65 = arith.constant 0 : i32
    %dma_start3A_66 = tpu.memref_slice %arg12[%dma_start3A_65] : memref<80xi32, #tpu.memory_space<vmem>> -> memref<40xi32, #tpu.memory_space<vmem>>
    %dma_start3A_67 = arith.constant 0 : i32
    %dma_start3A_68 = arith.constant 0 : i32
    %dma_start3A_69 = tpu.memref_slice %arg2[%dma_start3A_67, %dma_start3A_68] : memref<10000x128xf32, #tpu.memory_space<hbm>> -> memref<10000x128xf32, #tpu.memory_space<hbm>>
    tpu.enqueue_indirect_dma source(%dma_start3A_69 : memref<10000x128xf32, #tpu.memory_space<hbm>>) target(%dma_start3A_64 : memref<40x128xf32, #tpu.memory_space<vmem>>) offsets(%dma_start3A_66 : memref<40xi32, #tpu.memory_space<vmem>>) semaphore(%arg16 : memref<!tpu.dma_semaphore, #tpu.memory_space<semaphore_mem>>)
    %dma_start3A_70 = arith.constant 40 : i32
    %dma_start3A_71 = arith.constant 0 : i32
    %dma_start3A_72 = tpu.memref_slice %arg10[%dma_start3A_70, %dma_start3A_71] : memref<80x128xf32, #tpu.memory_space<vmem>> -> memref<40x128xf32, #tpu.memory_space<vmem>>
    %dma_start3A_73 = arith.constant 40 : i32
    %dma_start3A_74 = tpu.memref_slice %arg12[%dma_start3A_73] : memref<80xi32, #tpu.memory_space<vmem>> -> memref<40xi32, #tpu.memory_space<vmem>>
    %dma_start3A_75 = arith.constant 0 : i32
    %dma_start3A_76 = arith.constant 0 : i32
    %dma_start3A_77 = tpu.memref_slice %arg2[%dma_start3A_75, %dma_start3A_76] : memref<10000x128xf32, #tpu.memory_space<hbm>> -> memref<10000x128xf32, #tpu.memory_space<hbm>>
    tpu.enqueue_indirect_dma source(%dma_start3A_77 : memref<10000x128xf32, #tpu.memory_space<hbm>>) target(%dma_start3A_72 : memref<40x128xf32, #tpu.memory_space<vmem>>) offsets(%dma_start3A_74 : memref<40xi32, #tpu.memory_space<vmem>>) semaphore(%arg16 : memref<!tpu.dma_semaphore, #tpu.memory_space<semaphore_mem>>)
    %get3A_78 = arith.constant 80 : index
    %get3A_79 = tpu.vector_load %arg7[%get3A_78] {strides = array<i32>} : memref<10000xi32, #tpu.memory_space<vmem>>, vector<16xi32>,
    %get3A_80 = vector.shape_cast %get3A_79 : vector<16xi32> to vector<16xi32>
    %swap3A_81 = arith.constant 0 : index
    %swap3A_82 = tpu.vector_load %arg13[%swap3A_81] {strides = array<i32>} : memref<80xi32, #tpu.memory_space<vmem>>, vector<16xi32>,
    %swap3A_83 = vector.shape_cast %swap3A_82 : vector<16xi32> to vector<16xi32>
    %swap3A_84 = vector.shape_cast %get3A_80 : vector<16xi32> to vector<16xi32>
    tpu.vector_store %arg13[%swap3A_81], %swap3A_84 {strides = array<i32>} : memref<80xi32, #tpu.memory_space<vmem>>, vector<16xi32>,
    %get3A_85 = arith.constant 96 : index
    %get3A_86 = tpu.vector_load %arg7[%get3A_85] {strides = array<i32>} : memref<10000xi32, #tpu.memory_space<vmem>>, vector<16xi32>,
    %get3A_87 = vector.shape_cast %get3A_86 : vector<16xi32> to vector<16xi32>
    %swap3A_88 = arith.constant 16 : index
    %swap3A_89 = tpu.vector_load %arg13[%swap3A_88] {strides = array<i32>} : memref<80xi32, #tpu.memory_space<vmem>>, vector<16xi32>,
    %swap3A_90 = vector.shape_cast %swap3A_89 : vector<16xi32> to vector<16xi32>
    %swap3A_91 = vector.shape_cast %get3A_87 : vector<16xi32> to vector<16xi32>
    tpu.vector_store %arg13[%swap3A_88], %swap3A_91 {strides = array<i32>} : memref<80xi32, #tpu.memory_space<vmem>>, vector<16xi32>,
    %get3A_92 = arith.constant 112 : index
    %get3A_93 = tpu.vector_load %arg7[%get3A_92] {strides = array<i32>} : memref<10000xi32, #tpu.memory_space<vmem>>, vector<16xi32>,
    %get3A_94 = vector.shape_cast %get3A_93 : vector<16xi32> to vector<16xi32>
    %swap3A_95 = arith.constant 32 : index
    %swap3A_96 = tpu.vector_load %arg13[%swap3A_95] {strides = array<i32>} : memref<80xi32, #tpu.memory_space<vmem>>, vector<16xi32>,
    %swap3A_97 = vector.shape_cast %swap3A_96 : vector<16xi32> to vector<16xi32>
    %swap3A_98 = vector.shape_cast %get3A_94 : vector<16xi32> to vector<16xi32>
    tpu.vector_store %arg13[%swap3A_95], %swap3A_98 {strides = array<i32>} : memref<80xi32, #tpu.memory_space<vmem>>, vector<16xi32>,
    %get3A_99 = arith.constant 128 : index
    %get3A_100 = tpu.vector_load %arg7[%get3A_99] {strides = array<i32>} : memref<10000xi32, #tpu.memory_space<vmem>>, vector<16xi32>,
    %get3A_101 = vector.shape_cast %get3A_100 : vector<16xi32> to vector<16xi32>
    %swap3A_102 = arith.constant 48 : index
    %swap3A_103 = tpu.vector_load %arg13[%swap3A_102] {strides = array<i32>} : memref<80xi32, #tpu.memory_space<vmem>>, vector<16xi32>,
    %swap3A_104 = vector.shape_cast %swap3A_103 : vector<16xi32> to vector<16xi32>
    %swap3A_105 = vector.shape_cast %get3A_101 : vector<16xi32> to vector<16xi32>
    tpu.vector_store %arg13[%swap3A_102], %swap3A_105 {strides = array<i32>} : memref<80xi32, #tpu.memory_space<vmem>>, vector<16xi32>,
    %get3A_106 = arith.constant 144 : index
    %get3A_107 = tpu.vector_load %arg7[%get3A_106] {strides = array<i32>} : memref<10000xi32, #tpu.memory_space<vmem>>, vector<16xi32>,
    %get3A_108 = vector.shape_cast %get3A_107 : vector<16xi32> to vector<16xi32>
    %swap3A_109 = arith.constant 64 : index
    %swap3A_110 = tpu.vector_load %arg13[%swap3A_109] {strides = array<i32>} : memref<80xi32, #tpu.memory_space<vmem>>, vector<16xi32>,
    %swap3A_111 = vector.shape_cast %swap3A_110 : vector<16xi32> to vector<16xi32>
    %swap3A_112 = vector.shape_cast %get3A_108 : vector<16xi32> to vector<16xi32>
    tpu.vector_store %arg13[%swap3A_109], %swap3A_112 {strides = array<i32>} : memref<80xi32, #tpu.memory_space<vmem>>, vector<16xi32>,
    %dma_start3A_113 = arith.constant 0 : i32
    %dma_start3A_114 = arith.constant 0 : i32
    %dma_start3A_115 = tpu.memref_slice %arg11[%dma_start3A_113, %dma_start3A_114] : memref<80x128xf32, #tpu.memory_space<vmem>> -> memref<40x128xf32, #tpu.memory_space<vmem>>
    %dma_start3A_116 = arith.constant 0 : i32
    %dma_start3A_117 = tpu.memref_slice %arg13[%dma_start3A_116] : memref<80xi32, #tpu.memory_space<vmem>> -> memref<40xi32, #tpu.memory_space<vmem>>
    %dma_start3A_118 = arith.constant 0 : i32
    %dma_start3A_119 = arith.constant 0 : i32
    %dma_start3A_120 = tpu.memref_slice %arg2[%dma_start3A_118, %dma_start3A_119] : memref<10000x128xf32, #tpu.memory_space<hbm>> -> memref<10000x128xf32, #tpu.memory_space<hbm>>
    tpu.enqueue_indirect_dma source(%dma_start3A_120 : memref<10000x128xf32, #tpu.memory_space<hbm>>) target(%dma_start3A_115 : memref<40x128xf32, #tpu.memory_space<vmem>>) offsets(%dma_start3A_117 : memref<40xi32, #tpu.memory_space<vmem>>) semaphore(%arg17 : memref<!tpu.dma_semaphore, #tpu.memory_space<semaphore_mem>>)
    %dma_start3A_121 = arith.constant 40 : i32
    %dma_start3A_122 = arith.constant 0 : i32
    %dma_start3A_123 = tpu.memref_slice %arg11[%dma_start3A_121, %dma_start3A_122] : memref<80x128xf32, #tpu.memory_space<vmem>> -> memref<40x128xf32, #tpu.memory_space<vmem>>
    %dma_start3A_124 = arith.constant 40 : i32
    %dma_start3A_125 = tpu.memref_slice %arg13[%dma_start3A_124] : memref<80xi32, #tpu.memory_space<vmem>> -> memref<40xi32, #tpu.memory_space<vmem>>
    %dma_start3A_126 = arith.constant 0 : i32
    %dma_start3A_127 = arith.constant 0 : i32
    %dma_start3A_128 = tpu.memref_slice %arg2[%dma_start3A_126, %dma_start3A_127] : memref<10000x128xf32, #tpu.memory_space<hbm>> -> memref<10000x128xf32, #tpu.memory_space<hbm>>
    tpu.enqueue_indirect_dma source(%dma_start3A_128 : memref<10000x128xf32, #tpu.memory_space<hbm>>) target(%dma_start3A_123 : memref<40x128xf32, #tpu.memory_space<vmem>>) offsets(%dma_start3A_125 : memref<40xi32, #tpu.memory_space<vmem>>) semaphore(%arg17 : memref<!tpu.dma_semaphore, #tpu.memory_space<semaphore_mem>>)
    %scan3A = arith.constant 0 : i32
    %scan3A_129 = arith.constant 0 : i32
    %scan3A_130 = arith.constant 62 : i32
    %scan3A_131 = arith.addi %scan3A_129, %scan3A_130 : i32
    %scan3A_132 = arith.constant 1 : i32
    %scan3A_133 = scf.for %scan3A_197 = %scan3A_129 to %scan3A_131 step %scan3A_132 iter_args(%scan3A_198 = %scan3A) -> (i32)  : i32 {
      %mul3A_199 = arith.constant 2 : i32
      %mul3A_200 = arith.muli %mul3A_199, %scan3A_197 : i32
      %add3A_201 = arith.constant 0 : i32
      %add3A_202 = arith.addi %mul3A_200, %add3A_201 : i32
      %dma_wait3A_203 = arith.constant 0 : i32
      %dma_wait3A_204 = arith.constant 0 : i32
      %dma_wait3A_205 = tpu.memref_slice %arg10[%dma_wait3A_203, %dma_wait3A_204] : memref<80x128xf32, #tpu.memory_space<vmem>> -> memref<40x128xf32, #tpu.memory_space<vmem>>
      %dma_wait3A_206 = arith.constant 0 : i32
      %dma_wait3A_207 = tpu.memref_slice %arg12[%dma_wait3A_206] : memref<80xi32, #tpu.memory_space<vmem>> -> memref<40xi32, #tpu.memory_space<vmem>>
      %dma_wait3A_208 = arith.constant 0 : i32
      %dma_wait3A_209 = arith.constant 0 : i32
      %dma_wait3A_210 = tpu.memref_slice %arg2[%dma_wait3A_208, %dma_wait3A_209] : memref<10000x128xf32, #tpu.memory_space<hbm>> -> memref<10000x128xf32, #tpu.memory_space<hbm>>
      tpu.wait_indirect_dma semaphore(%arg16 : memref<!tpu.dma_semaphore, #tpu.memory_space<semaphore_mem>>) src(%dma_wait3A_210 : memref<10000x128xf32, #tpu.memory_space<hbm>>) dst(%dma_wait3A_205 : memref<40x128xf32, #tpu.memory_space<vmem>>)
      %dma_wait3A_211 = arith.constant 40 : i32
      %dma_wait3A_212 = arith.constant 0 : i32
      %dma_wait3A_213 = tpu.memref_slice %arg10[%dma_wait3A_211, %dma_wait3A_212] : memref<80x128xf32, #tpu.memory_space<vmem>> -> memref<40x128xf32, #tpu.memory_space<vmem>>
      %dma_wait3A_214 = arith.constant 40 : i32
      %dma_wait3A_215 = tpu.memref_slice %arg12[%dma_wait3A_214] : memref<80xi32, #tpu.memory_space<vmem>> -> memref<40xi32, #tpu.memory_space<vmem>>
      %dma_wait3A_216 = arith.constant 0 : i32
      %dma_wait3A_217 = arith.constant 0 : i32
      %dma_wait3A_218 = tpu.memref_slice %arg2[%dma_wait3A_216, %dma_wait3A_217] : memref<10000x128xf32, #tpu.memory_space<hbm>> -> memref<10000x128xf32, #tpu.memory_space<hbm>>
      tpu.wait_indirect_dma semaphore(%arg16 : memref<!tpu.dma_semaphore, #tpu.memory_space<semaphore_mem>>) src(%dma_wait3A_218 : memref<10000x128xf32, #tpu.memory_space<hbm>>) dst(%dma_wait3A_213 : memref<40x128xf32, #tpu.memory_space<vmem>>)
      %mul3A_219 = arith.constant 80 : i32
      %mul3A_220 = arith.muli %add3A_202, %mul3A_219 : i32
      %add3A_221 = arith.constant 0 : i32
      %add3A_222 = arith.addi %mul3A_220, %add3A_221 : i32
      %get3A_223 = arith.index_cast %add3A_222 : i32 to index
      %get3A_224 = tpu.vector_load %arg8[%get3A_223] {strides = array<i32>} : memref<10000xi32, #tpu.memory_space<vmem>>, vector<16xi32>,
      %get3A_225 = vector.shape_cast %get3A_224 : vector<16xi32> to vector<16xi32>
      %swap3A_226 = arith.constant 0 : index
      %swap3A_227 = tpu.vector_load %arg14[%swap3A_226] {strides = array<i32>} : memref<80xi32, #tpu.memory_space<vmem>>, vector<16xi32>,
      %swap3A_228 = vector.shape_cast %swap3A_227 : vector<16xi32> to vector<16xi32>
      %swap3A_229 = vector.shape_cast %get3A_225 : vector<16xi32> to vector<16xi32>
      tpu.vector_store %arg14[%swap3A_226], %swap3A_229 {strides = array<i32>} : memref<80xi32, #tpu.memory_space<vmem>>, vector<16xi32>,
      %mul3A_230 = arith.constant 80 : i32
      %mul3A_231 = arith.muli %add3A_202, %mul3A_230 : i32
      %add3A_232 = arith.constant 16 : i32
      %add3A_233 = arith.addi %mul3A_231, %add3A_232 : i32
      %get3A_234 = arith.index_cast %add3A_233 : i32 to index
      %get3A_235 = tpu.vector_load %arg8[%get3A_234] {strides = array<i32>} : memref<10000xi32, #tpu.memory_space<vmem>>, vector<16xi32>,
      %get3A_236 = vector.shape_cast %get3A_235 : vector<16xi32> to vector<16xi32>
      %swap3A_237 = arith.constant 16 : index
      %swap3A_238 = tpu.vector_load %arg14[%swap3A_237] {strides = array<i32>} : memref<80xi32, #tpu.memory_space<vmem>>, vector<16xi32>,
      %swap3A_239 = vector.shape_cast %swap3A_238 : vector<16xi32> to vector<16xi32>
      %swap3A_240 = vector.shape_cast %get3A_236 : vector<16xi32> to vector<16xi32>
      tpu.vector_store %arg14[%swap3A_237], %swap3A_240 {strides = array<i32>} : memref<80xi32, #tpu.memory_space<vmem>>, vector<16xi32>,
      %mul3A_241 = arith.constant 80 : i32
      %mul3A_242 = arith.muli %add3A_202, %mul3A_241 : i32
      %add3A_243 = arith.constant 32 : i32
      %add3A_244 = arith.addi %mul3A_242, %add3A_243 : i32
      %get3A_245 = arith.index_cast %add3A_244 : i32 to index
      %get3A_246 = tpu.vector_load %arg8[%get3A_245] {strides = array<i32>} : memref<10000xi32, #tpu.memory_space<vmem>>, vector<16xi32>,
      %get3A_247 = vector.shape_cast %get3A_246 : vector<16xi32> to vector<16xi32>
      %swap3A_248 = arith.constant 32 : index
      %swap3A_249 = tpu.vector_load %arg14[%swap3A_248] {strides = array<i32>} : memref<80xi32, #tpu.memory_space<vmem>>, vector<16xi32>,
      %swap3A_250 = vector.shape_cast %swap3A_249 : vector<16xi32> to vector<16xi32>
      %swap3A_251 = vector.shape_cast %get3A_247 : vector<16xi32> to vector<16xi32>
      tpu.vector_store %arg14[%swap3A_248], %swap3A_251 {strides = array<i32>} : memref<80xi32, #tpu.memory_space<vmem>>, vector<16xi32>,
      %mul3A_252 = arith.constant 80 : i32
      %mul3A_253 = arith.muli %add3A_202, %mul3A_252 : i32
      %add3A_254 = arith.constant 48 : i32
      %add3A_255 = arith.addi %mul3A_253, %add3A_254 : i32
      %get3A_256 = arith.index_cast %add3A_255 : i32 to index
      %get3A_257 = tpu.vector_load %arg8[%get3A_256] {strides = array<i32>} : memref<10000xi32, #tpu.memory_space<vmem>>, vector<16xi32>,
      %get3A_258 = vector.shape_cast %get3A_257 : vector<16xi32> to vector<16xi32>
      %swap3A_259 = arith.constant 48 : index
      %swap3A_260 = tpu.vector_load %arg14[%swap3A_259] {strides = array<i32>} : memref<80xi32, #tpu.memory_space<vmem>>, vector<16xi32>,
      %swap3A_261 = vector.shape_cast %swap3A_260 : vector<16xi32> to vector<16xi32>
      %swap3A_262 = vector.shape_cast %get3A_258 : vector<16xi32> to vector<16xi32>
      tpu.vector_store %arg14[%swap3A_259], %swap3A_262 {strides = array<i32>} : memref<80xi32, #tpu.memory_space<vmem>>, vector<16xi32>,
      %mul3A_263 = arith.constant 80 : i32
      %mul3A_264 = arith.muli %add3A_202, %mul3A_263 : i32
      %add3A_265 = arith.constant 64 : i32
      %add3A_266 = arith.addi %mul3A_264, %add3A_265 : i32
      %get3A_267 = arith.index_cast %add3A_266 : i32 to index
      %get3A_268 = tpu.vector_load %arg8[%get3A_267] {strides = array<i32>} : memref<10000xi32, #tpu.memory_space<vmem>>, vector<16xi32>,
      %get3A_269 = vector.shape_cast %get3A_268 : vector<16xi32> to vector<16xi32>
      %swap3A_270 = arith.constant 64 : index
      %swap3A_271 = tpu.vector_load %arg14[%swap3A_270] {strides = array<i32>} : memref<80xi32, #tpu.memory_space<vmem>>, vector<16xi32>,
      %swap3A_272 = vector.shape_cast %swap3A_271 : vector<16xi32> to vector<16xi32>
      %swap3A_273 = vector.shape_cast %get3A_269 : vector<16xi32> to vector<16xi32>
      tpu.vector_store %arg14[%swap3A_270], %swap3A_273 {strides = array<i32>} : memref<80xi32, #tpu.memory_space<vmem>>, vector<16xi32>,
      %dma_start3A_274 = arith.constant 0 : i32
      %dma_start3A_275 = arith.constant 0 : i32
      %dma_start3A_276 = tpu.memref_slice %arg9[%dma_start3A_274, %dma_start3A_275] : memref<10240x128xf32, #tpu.memory_space<vmem_shared>> -> memref<10240x128xf32, #tpu.memory_space<vmem_shared>>
      tpu.enqueue_indirect_dma source(%arg10 : memref<80x128xf32, #tpu.memory_space<vmem>>) target(%dma_start3A_276 : memref<10240x128xf32, #tpu.memory_space<vmem_shared>>) offsets(%arg14 : memref<80xi32, #tpu.memory_space<vmem>>) semaphore(%arg18 : memref<!tpu.dma_semaphore, #tpu.memory_space<semaphore_mem>>) {add = true}
      %dma_wait3A_277 = arith.constant 0 : i32
      %dma_wait3A_278 = arith.constant 0 : i32
      %dma_wait3A_279 = tpu.memref_slice %arg9[%dma_wait3A_277, %dma_wait3A_278] : memref<10240x128xf32, #tpu.memory_space<vmem_shared>> -> memref<10240x128xf32, #tpu.memory_space<vmem_shared>>
      tpu.wait_indirect_dma semaphore(%arg18 : memref<!tpu.dma_semaphore, #tpu.memory_space<semaphore_mem>>) src(%arg10 : memref<80x128xf32, #tpu.memory_space<vmem>>) dst(%dma_wait3A_279 : memref<10240x128xf32, #tpu.memory_space<vmem_shared>>)
      %add3A_280 = arith.constant 2 : i32
      %add3A_281 = arith.addi %add3A_202, %add3A_280 : i32
      %lt3A = arith.constant 125 : i32
      %lt3A_282 = arith.cmpi slt, %add3A_281, %lt3A : i32
      %convert_element_type3A = arith.extui %lt3A_282 : i1 to i32
      %cond3A = arith.constant 0 : i32
      %cond3A_283 = arith.cmpi ne, %convert_element_type3A, %cond3A : i32
      scf.if %cond3A_283 {
        %add3A_373 = arith.constant 2 : i32
        %add3A_374 = arith.addi %add3A_202, %add3A_373 : i32
        %mul3A_375 = arith.constant 80 : i32
        %mul3A_376 = arith.muli %add3A_374, %mul3A_375 : i32
        %add3A_377 = arith.constant 0 : i32
        %add3A_378 = arith.addi %mul3A_376, %add3A_377 : i32
        %get3A_379 = arith.index_cast %add3A_378 : i32 to index
        %get3A_380 = tpu.vector_load %arg7[%get3A_379] {strides = array<i32>} : memref<10000xi32, #tpu.memory_space<vmem>>, vector<16xi32>,
        %get3A_381 = vector.shape_cast %get3A_380 : vector<16xi32> to vector<16xi32>
        %swap3A_382 = arith.constant 0 : index
        %swap3A_383 = tpu.vector_load %arg12[%swap3A_382] {strides = array<i32>} : memref<80xi32, #tpu.memory_space<vmem>>, vector<16xi32>,
        %swap3A_384 = vector.shape_cast %swap3A_383 : vector<16xi32> to vector<16xi32>
        %swap3A_385 = vector.shape_cast %get3A_381 : vector<16xi32> to vector<16xi32>
        tpu.vector_store %arg12[%swap3A_382], %swap3A_385 {strides = array<i32>} : memref<80xi32, #tpu.memory_space<vmem>>, vector<16xi32>,
        %mul3A_386 = arith.constant 80 : i32
        %mul3A_387 = arith.muli %add3A_374, %mul3A_386 : i32
        %add3A_388 = arith.constant 16 : i32
        %add3A_389 = arith.addi %mul3A_387, %add3A_388 : i32
        %get3A_390 = arith.index_cast %add3A_389 : i32 to index
        %get3A_391 = tpu.vector_load %arg7[%get3A_390] {strides = array<i32>} : memref<10000xi32, #tpu.memory_space<vmem>>, vector<16xi32>,
        %get3A_392 = vector.shape_cast %get3A_391 : vector<16xi32> to vector<16xi32>
        %swap3A_393 = arith.constant 16 : index
        %swap3A_394 = tpu.vector_load %arg12[%swap3A_393] {strides = array<i32>} : memref<80xi32, #tpu.memory_space<vmem>>, vector<16xi32>,
        %swap3A_395 = vector.shape_cast %swap3A_394 : vector<16xi32> to vector<16xi32>
        %swap3A_396 = vector.shape_cast %get3A_392 : vector<16xi32> to vector<16xi32>
        tpu.vector_store %arg12[%swap3A_393], %swap3A_396 {strides = array<i32>} : memref<80xi32, #tpu.memory_space<vmem>>, vector<16xi32>,
        %mul3A_397 = arith.constant 80 : i32
        %mul3A_398 = arith.muli %add3A_374, %mul3A_397 : i32
        %add3A_399 = arith.constant 32 : i32
        %add3A_400 = arith.addi %mul3A_398, %add3A_399 : i32
        %get3A_401 = arith.index_cast %add3A_400 : i32 to index
        %get3A_402 = tpu.vector_load %arg7[%get3A_401] {strides = array<i32>} : memref<10000xi32, #tpu.memory_space<vmem>>, vector<16xi32>,
        %get3A_403 = vector.shape_cast %get3A_402 : vector<16xi32> to vector<16xi32>
        %swap3A_404 = arith.constant 32 : index
        %swap3A_405 = tpu.vector_load %arg12[%swap3A_404] {strides = array<i32>} : memref<80xi32, #tpu.memory_space<vmem>>, vector<16xi32>,
        %swap3A_406 = vector.shape_cast %swap3A_405 : vector<16xi32> to vector<16xi32>
        %swap3A_407 = vector.shape_cast %get3A_403 : vector<16xi32> to vector<16xi32>
        tpu.vector_store %arg12[%swap3A_404], %swap3A_407 {strides = array<i32>} : memref<80xi32, #tpu.memory_space<vmem>>, vector<16xi32>,
        %mul3A_408 = arith.constant 80 : i32
        %mul3A_409 = arith.muli %add3A_374, %mul3A_408 : i32
        %add3A_410 = arith.constant 48 : i32
        %add3A_411 = arith.addi %mul3A_409, %add3A_410 : i32
        %get3A_412 = arith.index_cast %add3A_411 : i32 to index
        %get3A_413 = tpu.vector_load %arg7[%get3A_412] {strides = array<i32>} : memref<10000xi32, #tpu.memory_space<vmem>>, vector<16xi32>,
        %get3A_414 = vector.shape_cast %get3A_413 : vector<16xi32> to vector<16xi32>
        %swap3A_415 = arith.constant 48 : index
        %swap3A_416 = tpu.vector_load %arg12[%swap3A_415] {strides = array<i32>} : memref<80xi32, #tpu.memory_space<vmem>>, vector<16xi32>,
        %swap3A_417 = vector.shape_cast %swap3A_416 : vector<16xi32> to vector<16xi32>
        %swap3A_418 = vector.shape_cast %get3A_414 : vector<16xi32> to vector<16xi32>
        tpu.vector_store %arg12[%swap3A_415], %swap3A_418 {strides = array<i32>} : memref<80xi32, #tpu.memory_space<vmem>>, vector<16xi32>,
        %mul3A_419 = arith.constant 80 : i32
        %mul3A_420 = arith.muli %add3A_374, %mul3A_419 : i32
        %add3A_421 = arith.constant 64 : i32
        %add3A_422 = arith.addi %mul3A_420, %add3A_421 : i32
        %get3A_423 = arith.index_cast %add3A_422 : i32 to index
        %get3A_424 = tpu.vector_load %arg7[%get3A_423] {strides = array<i32>} : memref<10000xi32, #tpu.memory_space<vmem>>, vector<16xi32>,
        %get3A_425 = vector.shape_cast %get3A_424 : vector<16xi32> to vector<16xi32>
        %swap3A_426 = arith.constant 64 : index
        %swap3A_427 = tpu.vector_load %arg12[%swap3A_426] {strides = array<i32>} : memref<80xi32, #tpu.memory_space<vmem>>, vector<16xi32>,
        %swap3A_428 = vector.shape_cast %swap3A_427 : vector<16xi32> to vector<16xi32>
        %swap3A_429 = vector.shape_cast %get3A_425 : vector<16xi32> to vector<16xi32>
        tpu.vector_store %arg12[%swap3A_426], %swap3A_429 {strides = array<i32>} : memref<80xi32, #tpu.memory_space<vmem>>, vector<16xi32>,
        %dma_start3A_430 = arith.constant 0 : i32
        %dma_start3A_431 = arith.constant 0 : i32
        %dma_start3A_432 = tpu.memref_slice %arg10[%dma_start3A_430, %dma_start3A_431] : memref<80x128xf32, #tpu.memory_space<vmem>> -> memref<40x128xf32, #tpu.memory_space<vmem>>
        %dma_start3A_433 = arith.constant 0 : i32
        %dma_start3A_434 = tpu.memref_slice %arg12[%dma_start3A_433] : memref<80xi32, #tpu.memory_space<vmem>> -> memref<40xi32, #tpu.memory_space<vmem>>
        %dma_start3A_435 = arith.constant 0 : i32
        %dma_start3A_436 = arith.constant 0 : i32
        %dma_start3A_437 = tpu.memref_slice %arg2[%dma_start3A_435, %dma_start3A_436] : memref<10000x128xf32, #tpu.memory_space<hbm>> -> memref<10000x128xf32, #tpu.memory_space<hbm>>
        tpu.enqueue_indirect_dma source(%dma_start3A_437 : memref<10000x128xf32, #tpu.memory_space<hbm>>) target(%dma_start3A_432 : memref<40x128xf32, #tpu.memory_space<vmem>>) offsets(%dma_start3A_434 : memref<40xi32, #tpu.memory_space<vmem>>) semaphore(%arg16 : memref<!tpu.dma_semaphore, #tpu.memory_space<semaphore_mem>>)
        %dma_start3A_438 = arith.constant 40 : i32
        %dma_start3A_439 = arith.constant 0 : i32
        %dma_start3A_440 = tpu.memref_slice %arg10[%dma_start3A_438, %dma_start3A_439] : memref<80x128xf32, #tpu.memory_space<vmem>> -> memref<40x128xf32, #tpu.memory_space<vmem>>
        %dma_start3A_441 = arith.constant 40 : i32
        %dma_start3A_442 = tpu.memref_slice %arg12[%dma_start3A_441] : memref<80xi32, #tpu.memory_space<vmem>> -> memref<40xi32, #tpu.memory_space<vmem>>
        %dma_start3A_443 = arith.constant 0 : i32
        %dma_start3A_444 = arith.constant 0 : i32
        %dma_start3A_445 = tpu.memref_slice %arg2[%dma_start3A_443, %dma_start3A_444] : memref<10000x128xf32, #tpu.memory_space<hbm>> -> memref<10000x128xf32, #tpu.memory_space<hbm>>
        tpu.enqueue_indirect_dma source(%dma_start3A_445 : memref<10000x128xf32, #tpu.memory_space<hbm>>) target(%dma_start3A_440 : memref<40x128xf32, #tpu.memory_space<vmem>>) offsets(%dma_start3A_442 : memref<40xi32, #tpu.memory_space<vmem>>) semaphore(%arg16 : memref<!tpu.dma_semaphore, #tpu.memory_space<semaphore_mem>>)
      } else {
      }
      %mul3A_284 = arith.constant 2 : i32
      %mul3A_285 = arith.muli %mul3A_284, %scan3A_197 : i32
      %add3A_286 = arith.constant 1 : i32
      %add3A_287 = arith.addi %mul3A_285, %add3A_286 : i32
      %dma_wait3A_288 = arith.constant 0 : i32
      %dma_wait3A_289 = arith.constant 0 : i32
      %dma_wait3A_290 = tpu.memref_slice %arg11[%dma_wait3A_288, %dma_wait3A_289] : memref<80x128xf32, #tpu.memory_space<vmem>> -> memref<40x128xf32, #tpu.memory_space<vmem>>
      %dma_wait3A_291 = arith.constant 0 : i32
      %dma_wait3A_292 = tpu.memref_slice %arg13[%dma_wait3A_291] : memref<80xi32, #tpu.memory_space<vmem>> -> memref<40xi32, #tpu.memory_space<vmem>>
      %dma_wait3A_293 = arith.constant 0 : i32
      %dma_wait3A_294 = arith.constant 0 : i32
      %dma_wait3A_295 = tpu.memref_slice %arg2[%dma_wait3A_293, %dma_wait3A_294] : memref<10000x128xf32, #tpu.memory_space<hbm>> -> memref<10000x128xf32, #tpu.memory_space<hbm>>
      tpu.wait_indirect_dma semaphore(%arg17 : memref<!tpu.dma_semaphore, #tpu.memory_space<semaphore_mem>>) src(%dma_wait3A_295 : memref<10000x128xf32, #tpu.memory_space<hbm>>) dst(%dma_wait3A_290 : memref<40x128xf32, #tpu.memory_space<vmem>>)
      %dma_wait3A_296 = arith.constant 40 : i32
      %dma_wait3A_297 = arith.constant 0 : i32
      %dma_wait3A_298 = tpu.memref_slice %arg11[%dma_wait3A_296, %dma_wait3A_297] : memref<80x128xf32, #tpu.memory_space<vmem>> -> memref<40x128xf32, #tpu.memory_space<vmem>>
      %dma_wait3A_299 = arith.constant 40 : i32
      %dma_wait3A_300 = tpu.memref_slice %arg13[%dma_wait3A_299] : memref<80xi32, #tpu.memory_space<vmem>> -> memref<40xi32, #tpu.memory_space<vmem>>
      %dma_wait3A_301 = arith.constant 0 : i32
      %dma_wait3A_302 = arith.constant 0 : i32
      %dma_wait3A_303 = tpu.memref_slice %arg2[%dma_wait3A_301, %dma_wait3A_302] : memref<10000x128xf32, #tpu.memory_space<hbm>> -> memref<10000x128xf32, #tpu.memory_space<hbm>>
      tpu.wait_indirect_dma semaphore(%arg17 : memref<!tpu.dma_semaphore, #tpu.memory_space<semaphore_mem>>) src(%dma_wait3A_303 : memref<10000x128xf32, #tpu.memory_space<hbm>>) dst(%dma_wait3A_298 : memref<40x128xf32, #tpu.memory_space<vmem>>)
      %mul3A_304 = arith.constant 80 : i32
      %mul3A_305 = arith.muli %add3A_287, %mul3A_304 : i32
      %add3A_306 = arith.constant 0 : i32
      %add3A_307 = arith.addi %mul3A_305, %add3A_306 : i32
      %get3A_308 = arith.index_cast %add3A_307 : i32 to index
      %get3A_309 = tpu.vector_load %arg8[%get3A_308] {strides = array<i32>} : memref<10000xi32, #tpu.memory_space<vmem>>, vector<16xi32>,
      %get3A_310 = vector.shape_cast %get3A_309 : vector<16xi32> to vector<16xi32>
      %swap3A_311 = arith.constant 0 : index
      %swap3A_312 = tpu.vector_load %arg15[%swap3A_311] {strides = array<i32>} : memref<80xi32, #tpu.memory_space<vmem>>, vector<16xi32>,
      %swap3A_313 = vector.shape_cast %swap3A_312 : vector<16xi32> to vector<16xi32>
      %swap3A_314 = vector.shape_cast %get3A_310 : vector<16xi32> to vector<16xi32>
      tpu.vector_store %arg15[%swap3A_311], %swap3A_314 {strides = array<i32>} : memref<80xi32, #tpu.memory_space<vmem>>, vector<16xi32>,
      %mul3A_315 = arith.constant 80 : i32
      %mul3A_316 = arith.muli %add3A_287, %mul3A_315 : i32
      %add3A_317 = arith.constant 16 : i32
      %add3A_318 = arith.addi %mul3A_316, %add3A_317 : i32
      %get3A_319 = arith.index_cast %add3A_318 : i32 to index
      %get3A_320 = tpu.vector_load %arg8[%get3A_319] {strides = array<i32>} : memref<10000xi32, #tpu.memory_space<vmem>>, vector<16xi32>,
      %get3A_321 = vector.shape_cast %get3A_320 : vector<16xi32> to vector<16xi32>
      %swap3A_322 = arith.constant 16 : index
      %swap3A_323 = tpu.vector_load %arg15[%swap3A_322] {strides = array<i32>} : memref<80xi32, #tpu.memory_space<vmem>>, vector<16xi32>,
      %swap3A_324 = vector.shape_cast %swap3A_323 : vector<16xi32> to vector<16xi32>
      %swap3A_325 = vector.shape_cast %get3A_321 : vector<16xi32> to vector<16xi32>
      tpu.vector_store %arg15[%swap3A_322], %swap3A_325 {strides = array<i32>} : memref<80xi32, #tpu.memory_space<vmem>>, vector<16xi32>,
      %mul3A_326 = arith.constant 80 : i32
      %mul3A_327 = arith.muli %add3A_287, %mul3A_326 : i32
      %add3A_328 = arith.constant 32 : i32
      %add3A_329 = arith.addi %mul3A_327, %add3A_328 : i32
      %get3A_330 = arith.index_cast %add3A_329 : i32 to index
      %get3A_331 = tpu.vector_load %arg8[%get3A_330] {strides = array<i32>} : memref<10000xi32, #tpu.memory_space<vmem>>, vector<16xi32>,
      %get3A_332 = vector.shape_cast %get3A_331 : vector<16xi32> to vector<16xi32>
      %swap3A_333 = arith.constant 32 : index
      %swap3A_334 = tpu.vector_load %arg15[%swap3A_333] {strides = array<i32>} : memref<80xi32, #tpu.memory_space<vmem>>, vector<16xi32>,
      %swap3A_335 = vector.shape_cast %swap3A_334 : vector<16xi32> to vector<16xi32>
      %swap3A_336 = vector.shape_cast %get3A_332 : vector<16xi32> to vector<16xi32>
      tpu.vector_store %arg15[%swap3A_333], %swap3A_336 {strides = array<i32>} : memref<80xi32, #tpu.memory_space<vmem>>, vector<16xi32>,
      %mul3A_337 = arith.constant 80 : i32
      %mul3A_338 = arith.muli %add3A_287, %mul3A_337 : i32
      %add3A_339 = arith.constant 48 : i32
      %add3A_340 = arith.addi %mul3A_338, %add3A_339 : i32
      %get3A_341 = arith.index_cast %add3A_340 : i32 to index
      %get3A_342 = tpu.vector_load %arg8[%get3A_341] {strides = array<i32>} : memref<10000xi32, #tpu.memory_space<vmem>>, vector<16xi32>,
      %get3A_343 = vector.shape_cast %get3A_342 : vector<16xi32> to vector<16xi32>
      %swap3A_344 = arith.constant 48 : index
      %swap3A_345 = tpu.vector_load %arg15[%swap3A_344] {strides = array<i32>} : memref<80xi32, #tpu.memory_space<vmem>>, vector<16xi32>,
      %swap3A_346 = vector.shape_cast %swap3A_345 : vector<16xi32> to vector<16xi32>
      %swap3A_347 = vector.shape_cast %get3A_343 : vector<16xi32> to vector<16xi32>
      tpu.vector_store %arg15[%swap3A_344], %swap3A_347 {strides = array<i32>} : memref<80xi32, #tpu.memory_space<vmem>>, vector<16xi32>,
      %mul3A_348 = arith.constant 80 : i32
      %mul3A_349 = arith.muli %add3A_287, %mul3A_348 : i32
      %add3A_350 = arith.constant 64 : i32
      %add3A_351 = arith.addi %mul3A_349, %add3A_350 : i32
      %get3A_352 = arith.index_cast %add3A_351 : i32 to index
      %get3A_353 = tpu.vector_load %arg8[%get3A_352] {strides = array<i32>} : memref<10000xi32, #tpu.memory_space<vmem>>, vector<16xi32>,
      %get3A_354 = vector.shape_cast %get3A_353 : vector<16xi32> to vector<16xi32>
      %swap3A_355 = arith.constant 64 : index
      %swap3A_356 = tpu.vector_load %arg15[%swap3A_355] {strides = array<i32>} : memref<80xi32, #tpu.memory_space<vmem>>, vector<16xi32>,
      %swap3A_357 = vector.shape_cast %swap3A_356 : vector<16xi32> to vector<16xi32>
      %swap3A_358 = vector.shape_cast %get3A_354 : vector<16xi32> to vector<16xi32>
      tpu.vector_store %arg15[%swap3A_355], %swap3A_358 {strides = array<i32>} : memref<80xi32, #tpu.memory_space<vmem>>, vector<16xi32>,
      %dma_start3A_359 = arith.constant 0 : i32
      %dma_start3A_360 = arith.constant 0 : i32
      %dma_start3A_361 = tpu.memref_slice %arg9[%dma_start3A_359, %dma_start3A_360] : memref<10240x128xf32, #tpu.memory_space<vmem_shared>> -> memref<10240x128xf32, #tpu.memory_space<vmem_shared>>
      tpu.enqueue_indirect_dma source(%arg11 : memref<80x128xf32, #tpu.memory_space<vmem>>) target(%dma_start3A_361 : memref<10240x128xf32, #tpu.memory_space<vmem_shared>>) offsets(%arg15 : memref<80xi32, #tpu.memory_space<vmem>>) semaphore(%arg19 : memref<!tpu.dma_semaphore, #tpu.memory_space<semaphore_mem>>) {add = true}
      %dma_wait3A_362 = arith.constant 0 : i32
      %dma_wait3A_363 = arith.constant 0 : i32
      %dma_wait3A_364 = tpu.memref_slice %arg9[%dma_wait3A_362, %dma_wait3A_363] : memref<10240x128xf32, #tpu.memory_space<vmem_shared>> -> memref<10240x128xf32, #tpu.memory_space<vmem_shared>>
      tpu.wait_indirect_dma semaphore(%arg19 : memref<!tpu.dma_semaphore, #tpu.memory_space<semaphore_mem>>) src(%arg11 : memref<80x128xf32, #tpu.memory_space<vmem>>) dst(%dma_wait3A_364 : memref<10240x128xf32, #tpu.memory_space<vmem_shared>>)
      %add3A_365 = arith.constant 2 : i32
      %add3A_366 = arith.addi %add3A_287, %add3A_365 : i32
      %lt3A_367 = arith.constant 125 : i32
      %lt3A_368 = arith.cmpi slt, %add3A_366, %lt3A_367 : i32
      %convert_element_type3A_369 = arith.extui %lt3A_368 : i1 to i32
      %cond3A_370 = arith.constant 0 : i32
      %cond3A_371 = arith.cmpi ne, %convert_element_type3A_369, %cond3A_370 : i32
      scf.if %cond3A_371 {
        %add3A_373 = arith.constant 2 : i32
        %add3A_374 = arith.addi %add3A_287, %add3A_373 : i32
        %mul3A_375 = arith.constant 80 : i32
        %mul3A_376 = arith.muli %add3A_374, %mul3A_375 : i32
        %add3A_377 = arith.constant 0 : i32
        %add3A_378 = arith.addi %mul3A_376, %add3A_377 : i32
        %get3A_379 = arith.index_cast %add3A_378 : i32 to index
        %get3A_380 = tpu.vector_load %arg7[%get3A_379] {strides = array<i32>} : memref<10000xi32, #tpu.memory_space<vmem>>, vector<16xi32>,
        %get3A_381 = vector.shape_cast %get3A_380 : vector<16xi32> to vector<16xi32>
        %swap3A_382 = arith.constant 0 : index
        %swap3A_383 = tpu.vector_load %arg13[%swap3A_382] {strides = array<i32>} : memref<80xi32, #tpu.memory_space<vmem>>, vector<16xi32>,
        %swap3A_384 = vector.shape_cast %swap3A_383 : vector<16xi32> to vector<16xi32>
        %swap3A_385 = vector.shape_cast %get3A_381 : vector<16xi32> to vector<16xi32>
        tpu.vector_store %arg13[%swap3A_382], %swap3A_385 {strides = array<i32>} : memref<80xi32, #tpu.memory_space<vmem>>, vector<16xi32>,
        %mul3A_386 = arith.constant 80 : i32
        %mul3A_387 = arith.muli %add3A_374, %mul3A_386 : i32
        %add3A_388 = arith.constant 16 : i32
        %add3A_389 = arith.addi %mul3A_387, %add3A_388 : i32
        %get3A_390 = arith.index_cast %add3A_389 : i32 to index
        %get3A_391 = tpu.vector_load %arg7[%get3A_390] {strides = array<i32>} : memref<10000xi32, #tpu.memory_space<vmem>>, vector<16xi32>,
        %get3A_392 = vector.shape_cast %get3A_391 : vector<16xi32> to vector<16xi32>
        %swap3A_393 = arith.constant 16 : index
        %swap3A_394 = tpu.vector_load %arg13[%swap3A_393] {strides = array<i32>} : memref<80xi32, #tpu.memory_space<vmem>>, vector<16xi32>,
        %swap3A_395 = vector.shape_cast %swap3A_394 : vector<16xi32> to vector<16xi32>
        %swap3A_396 = vector.shape_cast %get3A_392 : vector<16xi32> to vector<16xi32>
        tpu.vector_store %arg13[%swap3A_393], %swap3A_396 {strides = array<i32>} : memref<80xi32, #tpu.memory_space<vmem>>, vector<16xi32>,
        %mul3A_397 = arith.constant 80 : i32
        %mul3A_398 = arith.muli %add3A_374, %mul3A_397 : i32
        %add3A_399 = arith.constant 32 : i32
        %add3A_400 = arith.addi %mul3A_398, %add3A_399 : i32
        %get3A_401 = arith.index_cast %add3A_400 : i32 to index
        %get3A_402 = tpu.vector_load %arg7[%get3A_401] {strides = array<i32>} : memref<10000xi32, #tpu.memory_space<vmem>>, vector<16xi32>,
        %get3A_403 = vector.shape_cast %get3A_402 : vector<16xi32> to vector<16xi32>
        %swap3A_404 = arith.constant 32 : index
        %swap3A_405 = tpu.vector_load %arg13[%swap3A_404] {strides = array<i32>} : memref<80xi32, #tpu.memory_space<vmem>>, vector<16xi32>,
        %swap3A_406 = vector.shape_cast %swap3A_405 : vector<16xi32> to vector<16xi32>
        %swap3A_407 = vector.shape_cast %get3A_403 : vector<16xi32> to vector<16xi32>
        tpu.vector_store %arg13[%swap3A_404], %swap3A_407 {strides = array<i32>} : memref<80xi32, #tpu.memory_space<vmem>>, vector<16xi32>,
        %mul3A_408 = arith.constant 80 : i32
        %mul3A_409 = arith.muli %add3A_374, %mul3A_408 : i32
        %add3A_410 = arith.constant 48 : i32
        %add3A_411 = arith.addi %mul3A_409, %add3A_410 : i32
        %get3A_412 = arith.index_cast %add3A_411 : i32 to index
        %get3A_413 = tpu.vector_load %arg7[%get3A_412] {strides = array<i32>} : memref<10000xi32, #tpu.memory_space<vmem>>, vector<16xi32>,
        %get3A_414 = vector.shape_cast %get3A_413 : vector<16xi32> to vector<16xi32>
        %swap3A_415 = arith.constant 48 : index
        %swap3A_416 = tpu.vector_load %arg13[%swap3A_415] {strides = array<i32>} : memref<80xi32, #tpu.memory_space<vmem>>, vector<16xi32>,
        %swap3A_417 = vector.shape_cast %swap3A_416 : vector<16xi32> to vector<16xi32>
        %swap3A_418 = vector.shape_cast %get3A_414 : vector<16xi32> to vector<16xi32>
        tpu.vector_store %arg13[%swap3A_415], %swap3A_418 {strides = array<i32>} : memref<80xi32, #tpu.memory_space<vmem>>, vector<16xi32>,
        %mul3A_419 = arith.constant 80 : i32
        %mul3A_420 = arith.muli %add3A_374, %mul3A_419 : i32
        %add3A_421 = arith.constant 64 : i32
        %add3A_422 = arith.addi %mul3A_420, %add3A_421 : i32
        %get3A_423 = arith.index_cast %add3A_422 : i32 to index
        %get3A_424 = tpu.vector_load %arg7[%get3A_423] {strides = array<i32>} : memref<10000xi32, #tpu.memory_space<vmem>>, vector<16xi32>,
        %get3A_425 = vector.shape_cast %get3A_424 : vector<16xi32> to vector<16xi32>
        %swap3A_426 = arith.constant 64 : index
        %swap3A_427 = tpu.vector_load %arg13[%swap3A_426] {strides = array<i32>} : memref<80xi32, #tpu.memory_space<vmem>>, vector<16xi32>,
        %swap3A_428 = vector.shape_cast %swap3A_427 : vector<16xi32> to vector<16xi32>
        %swap3A_429 = vector.shape_cast %get3A_425 : vector<16xi32> to vector<16xi32>
        tpu.vector_store %arg13[%swap3A_426], %swap3A_429 {strides = array<i32>} : memref<80xi32, #tpu.memory_space<vmem>>, vector<16xi32>,
        %dma_start3A_430 = arith.constant 0 : i32
        %dma_start3A_431 = arith.constant 0 : i32
        %dma_start3A_432 = tpu.memref_slice %arg11[%dma_start3A_430, %dma_start3A_431] : memref<80x128xf32, #tpu.memory_space<vmem>> -> memref<40x128xf32, #tpu.memory_space<vmem>>
        %dma_start3A_433 = arith.constant 0 : i32
        %dma_start3A_434 = tpu.memref_slice %arg13[%dma_start3A_433] : memref<80xi32, #tpu.memory_space<vmem>> -> memref<40xi32, #tpu.memory_space<vmem>>
        %dma_start3A_435 = arith.constant 0 : i32
        %dma_start3A_436 = arith.constant 0 : i32
        %dma_start3A_437 = tpu.memref_slice %arg2[%dma_start3A_435, %dma_start3A_436] : memref<10000x128xf32, #tpu.memory_space<hbm>> -> memref<10000x128xf32, #tpu.memory_space<hbm>>
        tpu.enqueue_indirect_dma source(%dma_start3A_437 : memref<10000x128xf32, #tpu.memory_space<hbm>>) target(%dma_start3A_432 : memref<40x128xf32, #tpu.memory_space<vmem>>) offsets(%dma_start3A_434 : memref<40xi32, #tpu.memory_space<vmem>>) semaphore(%arg17 : memref<!tpu.dma_semaphore, #tpu.memory_space<semaphore_mem>>)
        %dma_start3A_438 = arith.constant 40 : i32
        %dma_start3A_439 = arith.constant 0 : i32
        %dma_start3A_440 = tpu.memref_slice %arg11[%dma_start3A_438, %dma_start3A_439] : memref<80x128xf32, #tpu.memory_space<vmem>> -> memref<40x128xf32, #tpu.memory_space<vmem>>
        %dma_start3A_441 = arith.constant 40 : i32
        %dma_start3A_442 = tpu.memref_slice %arg13[%dma_start3A_441] : memref<80xi32, #tpu.memory_space<vmem>> -> memref<40xi32, #tpu.memory_space<vmem>>
        %dma_start3A_443 = arith.constant 0 : i32
        %dma_start3A_444 = arith.constant 0 : i32
        %dma_start3A_445 = tpu.memref_slice %arg2[%dma_start3A_443, %dma_start3A_444] : memref<10000x128xf32, #tpu.memory_space<hbm>> -> memref<10000x128xf32, #tpu.memory_space<hbm>>
        tpu.enqueue_indirect_dma source(%dma_start3A_445 : memref<10000x128xf32, #tpu.memory_space<hbm>>) target(%dma_start3A_440 : memref<40x128xf32, #tpu.memory_space<vmem>>) offsets(%dma_start3A_442 : memref<40xi32, #tpu.memory_space<vmem>>) semaphore(%arg17 : memref<!tpu.dma_semaphore, #tpu.memory_space<semaphore_mem>>)
      } else {
      }
      %scan3A_372 = arith.constant 0 : i32
      scf.yield %scan3A_372 : i32
    }
    %scan3A_134 = arith.constant 62 : i32
    %dma_wait3A_135 = arith.constant 0 : i32
    %dma_wait3A_136 = arith.constant 0 : i32
    %dma_wait3A_137 = tpu.memref_slice %arg10[%dma_wait3A_135, %dma_wait3A_136] : memref<80x128xf32, #tpu.memory_space<vmem>> -> memref<40x128xf32, #tpu.memory_space<vmem>>
    %dma_wait3A_138 = arith.constant 0 : i32
    %dma_wait3A_139 = tpu.memref_slice %arg12[%dma_wait3A_138] : memref<80xi32, #tpu.memory_space<vmem>> -> memref<40xi32, #tpu.memory_space<vmem>>
    %dma_wait3A_140 = arith.constant 0 : i32
    %dma_wait3A_141 = arith.constant 0 : i32
    %dma_wait3A_142 = tpu.memref_slice %arg2[%dma_wait3A_140, %dma_wait3A_141] : memref<10000x128xf32, #tpu.memory_space<hbm>> -> memref<10000x128xf32, #tpu.memory_space<hbm>>
    tpu.wait_indirect_dma semaphore(%arg16 : memref<!tpu.dma_semaphore, #tpu.memory_space<semaphore_mem>>) src(%dma_wait3A_142 : memref<10000x128xf32, #tpu.memory_space<hbm>>) dst(%dma_wait3A_137 : memref<40x128xf32, #tpu.memory_space<vmem>>)
    %dma_wait3A_143 = arith.constant 40 : i32
    %dma_wait3A_144 = arith.constant 0 : i32
    %dma_wait3A_145 = tpu.memref_slice %arg10[%dma_wait3A_143, %dma_wait3A_144] : memref<80x128xf32, #tpu.memory_space<vmem>> -> memref<40x128xf32, #tpu.memory_space<vmem>>
    %dma_wait3A_146 = arith.constant 40 : i32
    %dma_wait3A_147 = tpu.memref_slice %arg12[%dma_wait3A_146] : memref<80xi32, #tpu.memory_space<vmem>> -> memref<40xi32, #tpu.memory_space<vmem>>
    %dma_wait3A_148 = arith.constant 0 : i32
    %dma_wait3A_149 = arith.constant 0 : i32
    %dma_wait3A_150 = tpu.memref_slice %arg2[%dma_wait3A_148, %dma_wait3A_149] : memref<10000x128xf32, #tpu.memory_space<hbm>> -> memref<10000x128xf32, #tpu.memory_space<hbm>>
    tpu.wait_indirect_dma semaphore(%arg16 : memref<!tpu.dma_semaphore, #tpu.memory_space<semaphore_mem>>) src(%dma_wait3A_150 : memref<10000x128xf32, #tpu.memory_space<hbm>>) dst(%dma_wait3A_145 : memref<40x128xf32, #tpu.memory_space<vmem>>)
    %get3A_151 = arith.constant 9920 : index
    %get3A_152 = tpu.vector_load %arg8[%get3A_151] {strides = array<i32>} : memref<10000xi32, #tpu.memory_space<vmem>>, vector<16xi32>,
    %get3A_153 = vector.shape_cast %get3A_152 : vector<16xi32> to vector<16xi32>
    %swap3A_154 = arith.constant 0 : index
    %swap3A_155 = tpu.vector_load %arg14[%swap3A_154] {strides = array<i32>} : memref<80xi32, #tpu.memory_space<vmem>>, vector<16xi32>,
    %swap3A_156 = vector.shape_cast %swap3A_155 : vector<16xi32> to vector<16xi32>
    %swap3A_157 = vector.shape_cast %get3A_153 : vector<16xi32> to vector<16xi32>
    tpu.vector_store %arg14[%swap3A_154], %swap3A_157 {strides = array<i32>} : memref<80xi32, #tpu.memory_space<vmem>>, vector<16xi32>,
    %get3A_158 = arith.constant 9936 : index
    %get3A_159 = tpu.vector_load %arg8[%get3A_158] {strides = array<i32>} : memref<10000xi32, #tpu.memory_space<vmem>>, vector<16xi32>,
    %get3A_160 = vector.shape_cast %get3A_159 : vector<16xi32> to vector<16xi32>
    %swap3A_161 = arith.constant 16 : index
    %swap3A_162 = tpu.vector_load %arg14[%swap3A_161] {strides = array<i32>} : memref<80xi32, #tpu.memory_space<vmem>>, vector<16xi32>,
    %swap3A_163 = vector.shape_cast %swap3A_162 : vector<16xi32> to vector<16xi32>
    %swap3A_164 = vector.shape_cast %get3A_160 : vector<16xi32> to vector<16xi32>
    tpu.vector_store %arg14[%swap3A_161], %swap3A_164 {strides = array<i32>} : memref<80xi32, #tpu.memory_space<vmem>>, vector<16xi32>,
    %get3A_165 = arith.constant 9952 : index
    %get3A_166 = tpu.vector_load %arg8[%get3A_165] {strides = array<i32>} : memref<10000xi32, #tpu.memory_space<vmem>>, vector<16xi32>,
    %get3A_167 = vector.shape_cast %get3A_166 : vector<16xi32> to vector<16xi32>
    %swap3A_168 = arith.constant 32 : index
    %swap3A_169 = tpu.vector_load %arg14[%swap3A_168] {strides = array<i32>} : memref<80xi32, #tpu.memory_space<vmem>>, vector<16xi32>,
    %swap3A_170 = vector.shape_cast %swap3A_169 : vector<16xi32> to vector<16xi32>
    %swap3A_171 = vector.shape_cast %get3A_167 : vector<16xi32> to vector<16xi32>
    tpu.vector_store %arg14[%swap3A_168], %swap3A_171 {strides = array<i32>} : memref<80xi32, #tpu.memory_space<vmem>>, vector<16xi32>,
    %get3A_172 = arith.constant 9968 : index
    %get3A_173 = tpu.vector_load %arg8[%get3A_172] {strides = array<i32>} : memref<10000xi32, #tpu.memory_space<vmem>>, vector<16xi32>,
    %get3A_174 = vector.shape_cast %get3A_173 : vector<16xi32> to vector<16xi32>
    %swap3A_175 = arith.constant 48 : index
    %swap3A_176 = tpu.vector_load %arg14[%swap3A_175] {strides = array<i32>} : memref<80xi32, #tpu.memory_space<vmem>>, vector<16xi32>,
    %swap3A_177 = vector.shape_cast %swap3A_176 : vector<16xi32> to vector<16xi32>
    %swap3A_178 = vector.shape_cast %get3A_174 : vector<16xi32> to vector<16xi32>
    tpu.vector_store %arg14[%swap3A_175], %swap3A_178 {strides = array<i32>} : memref<80xi32, #tpu.memory_space<vmem>>, vector<16xi32>,
    %get3A_179 = arith.constant 9984 : index
    %get3A_180 = tpu.vector_load %arg8[%get3A_179] {strides = array<i32>} : memref<10000xi32, #tpu.memory_space<vmem>>, vector<16xi32>,
    %get3A_181 = vector.shape_cast %get3A_180 : vector<16xi32> to vector<16xi32>
    %swap3A_182 = arith.constant 64 : index
    %swap3A_183 = tpu.vector_load %arg14[%swap3A_182] {strides = array<i32>} : memref<80xi32, #tpu.memory_space<vmem>>, vector<16xi32>,
    %swap3A_184 = vector.shape_cast %swap3A_183 : vector<16xi32> to vector<16xi32>
    %swap3A_185 = vector.shape_cast %get3A_181 : vector<16xi32> to vector<16xi32>
    tpu.vector_store %arg14[%swap3A_182], %swap3A_185 {strides = array<i32>} : memref<80xi32, #tpu.memory_space<vmem>>, vector<16xi32>,
    %dma_start3A_186 = arith.constant 0 : i32
    %dma_start3A_187 = arith.constant 0 : i32
    %dma_start3A_188 = tpu.memref_slice %arg9[%dma_start3A_186, %dma_start3A_187] : memref<10240x128xf32, #tpu.memory_space<vmem_shared>> -> memref<10240x128xf32, #tpu.memory_space<vmem_shared>>
    tpu.enqueue_indirect_dma source(%arg10 : memref<80x128xf32, #tpu.memory_space<vmem>>) target(%dma_start3A_188 : memref<10240x128xf32, #tpu.memory_space<vmem_shared>>) offsets(%arg14 : memref<80xi32, #tpu.memory_space<vmem>>) semaphore(%arg18 : memref<!tpu.dma_semaphore, #tpu.memory_space<semaphore_mem>>) {add = true}
    %dma_wait3A_189 = arith.constant 0 : i32
    %dma_wait3A_190 = arith.constant 0 : i32
    %dma_wait3A_191 = tpu.memref_slice %arg9[%dma_wait3A_189, %dma_wait3A_190] : memref<10240x128xf32, #tpu.memory_space<vmem_shared>> -> memref<10240x128xf32, #tpu.memory_space<vmem_shared>>
    tpu.wait_indirect_dma semaphore(%arg18 : memref<!tpu.dma_semaphore, #tpu.memory_space<semaphore_mem>>) src(%arg10 : memref<80x128xf32, #tpu.memory_space<vmem>>) dst(%dma_wait3A_191 : memref<10240x128xf32, #tpu.memory_space<vmem_shared>>)
    %barrier3A_192 = arith.constant 0 : index
    tpu.barrier barrier_id(%barrier3A_192)
    %mul3A_193 = arith.constant 640 : i32
    %mul3A_194 = arith.muli %arg1, %mul3A_193 : i32
    %mul3A_195 = arith.constant 640 : i32
    %mul3A_196 = arith.muli %arg1, %mul3A_195 : i32
    "tpu.region"() ({
      %run_scoped3A = tpu.sem_alloc : memref<!tpu.dma_semaphore, #tpu.memory_space<semaphore_mem>>
      %dma_start3A_197 = arith.constant 0 : i32
      %dma_start3A_198 = tpu.memref_slice %arg6[%arg0, %mul3A_196, %dma_start3A_197] : memref<2x10240x128xf32, #tpu.memory_space<hbm>> -> memref<1x640x128xf32, #tpu.memory_space<hbm>>
      %dma_start3A_199 = tpu.memref_squeeze %dma_start3A_198 : memref<1x640x128xf32, #tpu.memory_space<hbm>> -> memref<640x128xf32, #tpu.memory_space<hbm>>
      %dma_start3A_200 = arith.constant 0 : i32
      %dma_start3A_201 = tpu.memref_slice %arg9[%mul3A_194, %dma_start3A_200] : memref<10240x128xf32, #tpu.memory_space<vmem_shared>> -> memref<640x128xf32, #tpu.memory_space<vmem_shared>>
      tpu.enqueue_dma source(%dma_start3A_201 : memref<640x128xf32, #tpu.memory_space<vmem_shared>>) target(%dma_start3A_199 : memref<640x128xf32, #tpu.memory_space<hbm>>) target_semaphore(%run_scoped3A : memref<!tpu.dma_semaphore, #tpu.memory_space<semaphore_mem>>)
      %dma_wait3A_202 = arith.constant 0 : i32
      %dma_wait3A_203 = tpu.memref_slice %arg6[%arg0, %mul3A_196, %dma_wait3A_202] : memref<2x10240x128xf32, #tpu.memory_space<hbm>> -> memref<1x640x128xf32, #tpu.memory_space<hbm>>
      %dma_wait3A_204 = tpu.memref_squeeze %dma_wait3A_203 : memref<1x640x128xf32, #tpu.memory_space<hbm>> -> memref<640x128xf32, #tpu.memory_space<hbm>>
      %dma_wait3A_205 = arith.constant 0 : i32
      %dma_wait3A_206 = tpu.memref_slice %arg9[%mul3A_194, %dma_wait3A_205] : memref<10240x128xf32, #tpu.memory_space<vmem_shared>> -> memref<640x128xf32, #tpu.memory_space<vmem_shared>>
      tpu.wait_dma2 semaphore(%run_scoped3A : memref<!tpu.dma_semaphore, #tpu.memory_space<semaphore_mem>>) src(%dma_wait3A_206 : memref<640x128xf32, #tpu.memory_space<vmem_shared>>) dst(%dma_wait3A_204 : memref<640x128xf32, #tpu.memory_space<hbm>>)
      tpu.yield
    }) : () -> ()
    return
  }
}

#map = affine_map<(d0, d1) -> (0, 0)>
#map1 = affine_map<(d0, d1) -> (0, 0, 0)>
module attributes {stable_mosaic.version = 14 : i64} {
  func.func @_agg_kernel(%arg0: i32, %arg1: i32, %arg2: memref<10000x128xf32, #tpu.memory_space<hbm>>, %arg3: memref<32x10000xi32, #tpu.memory_space<hbm>>, %arg4: memref<32x10000xi32, #tpu.memory_space<hbm>>, %arg5: memref<640x128xf32, #tpu.memory_space<hbm>>, %arg6: memref<2x10240x128xf32, #tpu.memory_space<hbm>>, %arg7: memref<10000xi32, #tpu.memory_space<vmem>>, %arg8: memref<10000xi32, #tpu.memory_space<vmem>>, %arg9: memref<10240x128xf32, #tpu.memory_space<vmem_shared>>, %arg10: memref<80x128xf32, #tpu.memory_space<vmem>>, %arg11: memref<80x128xf32, #tpu.memory_space<vmem>>, %arg12: memref<80xi32, #tpu.memory_space<vmem>>, %arg13: memref<80xi32, #tpu.memory_space<vmem>>, %arg14: memref<80xi32, #tpu.memory_space<vmem>>, %arg15: memref<80xi32, #tpu.memory_space<vmem>>, %arg16: memref<!tpu.dma_semaphore, #tpu.memory_space<semaphore_mem>>, %arg17: memref<!tpu.dma_semaphore, #tpu.memory_space<semaphore_mem>>, %arg18: memref<!tpu.dma_semaphore, #tpu.memory_space<semaphore_mem>>, %arg19: memref<!tpu.dma_semaphore, #tpu.memory_space<semaphore_mem>>) attributes {dimension_semantics = [#tpu.dimension_semantics<core_parallel>, #tpu.dimension_semantics<subcore_parallel>], iteration_bounds = array<i64: 2, 16>, scalar_prefetch = 0 : i64, scratch_operands = 13 : i64, tpu.core_type = #tpu.core_type<sc_vector_subcore>, window_params = [{transform_indices = #map}, {transform_indices = #map}, {transform_indices = #map}, {transform_indices = #map}, {transform_indices = #map1}]} {
    %mul3A = arith.constant 2 : i32
    %mul3A_0 = arith.muli %arg1, %mul3A : i32
    %add3A = arith.addi %mul3A_0, %arg0 : i32
    %dma_start3A = arith.constant 0 : i32
    %dma_start3A_1 = tpu.memref_slice %arg3[%add3A, %dma_start3A] : memref<32x10000xi32, #tpu.memory_space<hbm>> -> memref<1x10000xi32, #tpu.memory_space<hbm>>
    %dma_start3A_2 = tpu.memref_squeeze %dma_start3A_1 : memref<1x10000xi32, #tpu.memory_space<hbm>> -> memref<10000xi32, #tpu.memory_space<hbm>>
    %dma_start3A_3 = arith.constant 0 : i32
    %dma_start3A_4 = tpu.memref_slice %arg3[%add3A, %dma_start3A_3] : memref<32x10000xi32, #tpu.memory_space<hbm>> -> memref<1x10000xi32, #tpu.memory_space<hbm>>
    %dma_start3A_5 = tpu.memref_squeeze %dma_start3A_4 : memref<1x10000xi32, #tpu.memory_space<hbm>> -> memref<10000xi32, #tpu.memory_space<hbm>>
    tpu.enqueue_dma source(%dma_start3A_5 : memref<10000xi32, #tpu.memory_space<hbm>>) target(%arg7 : memref<10000xi32, #tpu.memory_space<vmem>>) target_semaphore(%arg16 : memref<!tpu.dma_semaphore, #tpu.memory_space<semaphore_mem>>)
    %dma_start3A_6 = arith.constant 0 : i32
    %dma_start3A_7 = tpu.memref_slice %arg4[%add3A, %dma_start3A_6] : memref<32x10000xi32, #tpu.memory_space<hbm>> -> memref<1x10000xi32, #tpu.memory_space<hbm>>
    %dma_start3A_8 = tpu.memref_squeeze %dma_start3A_7 : memref<1x10000xi32, #tpu.memory_space<hbm>> -> memref<10000xi32, #tpu.memory_space<hbm>>
    %dma_start3A_9 = arith.constant 0 : i32
    %dma_start3A_10 = tpu.memref_slice %arg4[%add3A, %dma_start3A_9] : memref<32x10000xi32, #tpu.memory_space<hbm>> -> memref<1x10000xi32, #tpu.memory_space<hbm>>
    %dma_start3A_11 = tpu.memref_squeeze %dma_start3A_10 : memref<1x10000xi32, #tpu.memory_space<hbm>> -> memref<10000xi32, #tpu.memory_space<hbm>>
    tpu.enqueue_dma source(%dma_start3A_11 : memref<10000xi32, #tpu.memory_space<hbm>>) target(%arg8 : memref<10000xi32, #tpu.memory_space<vmem>>) target_semaphore(%arg17 : memref<!tpu.dma_semaphore, #tpu.memory_space<semaphore_mem>>)
    %mul3A_12 = arith.constant 640 : i32
    %mul3A_13 = arith.muli %arg1, %mul3A_12 : i32
    %dma_start3A_14 = arith.constant 0 : i32
    %dma_start3A_15 = tpu.memref_slice %arg9[%mul3A_13, %dma_start3A_14] : memref<10240x128xf32, #tpu.memory_space<vmem_shared>> -> memref<640x128xf32, #tpu.memory_space<vmem_shared>>
    tpu.enqueue_dma source(%arg5 : memref<640x128xf32, #tpu.memory_space<hbm>>) target(%dma_start3A_15 : memref<640x128xf32, #tpu.memory_space<vmem_shared>>) target_semaphore(%arg18 : memref<!tpu.dma_semaphore, #tpu.memory_space<semaphore_mem>>)
    %dma_wait3A = arith.constant 0 : i32
    %dma_wait3A_16 = tpu.memref_slice %arg3[%add3A, %dma_wait3A] : memref<32x10000xi32, #tpu.memory_space<hbm>> -> memref<1x10000xi32, #tpu.memory_space<hbm>>
    %dma_wait3A_17 = tpu.memref_squeeze %dma_wait3A_16 : memref<1x10000xi32, #tpu.memory_space<hbm>> -> memref<10000xi32, #tpu.memory_space<hbm>>
    %dma_wait3A_18 = arith.constant 0 : i32
    %dma_wait3A_19 = tpu.memref_slice %arg3[%add3A, %dma_wait3A_18] : memref<32x10000xi32, #tpu.memory_space<hbm>> -> memref<1x10000xi32, #tpu.memory_space<hbm>>
    %dma_wait3A_20 = tpu.memref_squeeze %dma_wait3A_19 : memref<1x10000xi32, #tpu.memory_space<hbm>> -> memref<10000xi32, #tpu.memory_space<hbm>>
    tpu.wait_dma2 semaphore(%arg16 : memref<!tpu.dma_semaphore, #tpu.memory_space<semaphore_mem>>) src(%dma_wait3A_20 : memref<10000xi32, #tpu.memory_space<hbm>>) dst(%arg7 : memref<10000xi32, #tpu.memory_space<vmem>>)
    %dma_wait3A_21 = arith.constant 0 : i32
    %dma_wait3A_22 = tpu.memref_slice %arg4[%add3A, %dma_wait3A_21] : memref<32x10000xi32, #tpu.memory_space<hbm>> -> memref<1x10000xi32, #tpu.memory_space<hbm>>
    %dma_wait3A_23 = tpu.memref_squeeze %dma_wait3A_22 : memref<1x10000xi32, #tpu.memory_space<hbm>> -> memref<10000xi32, #tpu.memory_space<hbm>>
    %dma_wait3A_24 = arith.constant 0 : i32
    %dma_wait3A_25 = tpu.memref_slice %arg4[%add3A, %dma_wait3A_24] : memref<32x10000xi32, #tpu.memory_space<hbm>> -> memref<1x10000xi32, #tpu.memory_space<hbm>>
    %dma_wait3A_26 = tpu.memref_squeeze %dma_wait3A_25 : memref<1x10000xi32, #tpu.memory_space<hbm>> -> memref<10000xi32, #tpu.memory_space<hbm>>
    tpu.wait_dma2 semaphore(%arg17 : memref<!tpu.dma_semaphore, #tpu.memory_space<semaphore_mem>>) src(%dma_wait3A_26 : memref<10000xi32, #tpu.memory_space<hbm>>) dst(%arg8 : memref<10000xi32, #tpu.memory_space<vmem>>)
    %dma_wait3A_27 = arith.constant 0 : i32
    %dma_wait3A_28 = tpu.memref_slice %arg9[%mul3A_13, %dma_wait3A_27] : memref<10240x128xf32, #tpu.memory_space<vmem_shared>> -> memref<640x128xf32, #tpu.memory_space<vmem_shared>>
    tpu.wait_dma2 semaphore(%arg18 : memref<!tpu.dma_semaphore, #tpu.memory_space<semaphore_mem>>) src(%arg5 : memref<640x128xf32, #tpu.memory_space<hbm>>) dst(%dma_wait3A_28 : memref<640x128xf32, #tpu.memory_space<vmem_shared>>)
    %barrier3A = arith.constant 0 : index
    tpu.barrier barrier_id(%barrier3A)
    %get3A = arith.constant 0 : index
    %get3A_29 = tpu.vector_load %arg7[%get3A] {strides = array<i32>} : memref<10000xi32, #tpu.memory_space<vmem>>, vector<16xi32>,
    %get3A_30 = vector.shape_cast %get3A_29 : vector<16xi32> to vector<16xi32>
    %swap3A = arith.constant 0 : index
    %swap3A_31 = tpu.vector_load %arg12[%swap3A] {strides = array<i32>} : memref<80xi32, #tpu.memory_space<vmem>>, vector<16xi32>,
    %swap3A_32 = vector.shape_cast %swap3A_31 : vector<16xi32> to vector<16xi32>
    %swap3A_33 = vector.shape_cast %get3A_30 : vector<16xi32> to vector<16xi32>
    tpu.vector_store %arg12[%swap3A], %swap3A_33 {strides = array<i32>} : memref<80xi32, #tpu.memory_space<vmem>>, vector<16xi32>,
    %get3A_34 = arith.constant 16 : index
    %get3A_35 = tpu.vector_load %arg7[%get3A_34] {strides = array<i32>} : memref<10000xi32, #tpu.memory_space<vmem>>, vector<16xi32>,
    %get3A_36 = vector.shape_cast %get3A_35 : vector<16xi32> to vector<16xi32>
    %swap3A_37 = arith.constant 16 : index
    %swap3A_38 = tpu.vector_load %arg12[%swap3A_37] {strides = array<i32>} : memref<80xi32, #tpu.memory_space<vmem>>, vector<16xi32>,
    %swap3A_39 = vector.shape_cast %swap3A_38 : vector<16xi32> to vector<16xi32>
    %swap3A_40 = vector.shape_cast %get3A_36 : vector<16xi32> to vector<16xi32>
    tpu.vector_store %arg12[%swap3A_37], %swap3A_40 {strides = array<i32>} : memref<80xi32, #tpu.memory_space<vmem>>, vector<16xi32>,
    %get3A_41 = arith.constant 32 : index
    %get3A_42 = tpu.vector_load %arg7[%get3A_41] {strides = array<i32>} : memref<10000xi32, #tpu.memory_space<vmem>>, vector<16xi32>,
    %get3A_43 = vector.shape_cast %get3A_42 : vector<16xi32> to vector<16xi32>
    %swap3A_44 = arith.constant 32 : index
    %swap3A_45 = tpu.vector_load %arg12[%swap3A_44] {strides = array<i32>} : memref<80xi32, #tpu.memory_space<vmem>>, vector<16xi32>,
    %swap3A_46 = vector.shape_cast %swap3A_45 : vector<16xi32> to vector<16xi32>
    %swap3A_47 = vector.shape_cast %get3A_43 : vector<16xi32> to vector<16xi32>
    tpu.vector_store %arg12[%swap3A_44], %swap3A_47 {strides = array<i32>} : memref<80xi32, #tpu.memory_space<vmem>>, vector<16xi32>,
    %get3A_48 = arith.constant 48 : index
    %get3A_49 = tpu.vector_load %arg7[%get3A_48] {strides = array<i32>} : memref<10000xi32, #tpu.memory_space<vmem>>, vector<16xi32>,
    %get3A_50 = vector.shape_cast %get3A_49 : vector<16xi32> to vector<16xi32>
    %swap3A_51 = arith.constant 48 : index
    %swap3A_52 = tpu.vector_load %arg12[%swap3A_51] {strides = array<i32>} : memref<80xi32, #tpu.memory_space<vmem>>, vector<16xi32>,
    %swap3A_53 = vector.shape_cast %swap3A_52 : vector<16xi32> to vector<16xi32>
    %swap3A_54 = vector.shape_cast %get3A_50 : vector<16xi32> to vector<16xi32>
    tpu.vector_store %arg12[%swap3A_51], %swap3A_54 {strides = array<i32>} : memref<80xi32, #tpu.memory_space<vmem>>, vector<16xi32>,
    %get3A_55 = arith.constant 64 : index
    %get3A_56 = tpu.vector_load %arg7[%get3A_55] {strides = array<i32>} : memref<10000xi32, #tpu.memory_space<vmem>>, vector<16xi32>,
    %get3A_57 = vector.shape_cast %get3A_56 : vector<16xi32> to vector<16xi32>
    %swap3A_58 = arith.constant 64 : index
    %swap3A_59 = tpu.vector_load %arg12[%swap3A_58] {strides = array<i32>} : memref<80xi32, #tpu.memory_space<vmem>>, vector<16xi32>,
    %swap3A_60 = vector.shape_cast %swap3A_59 : vector<16xi32> to vector<16xi32>
    %swap3A_61 = vector.shape_cast %get3A_57 : vector<16xi32> to vector<16xi32>
    tpu.vector_store %arg12[%swap3A_58], %swap3A_61 {strides = array<i32>} : memref<80xi32, #tpu.memory_space<vmem>>, vector<16xi32>,
    %dma_start3A_62 = arith.constant 0 : i32
    %dma_start3A_63 = arith.constant 0 : i32
    %dma_start3A_64 = tpu.memref_slice %arg10[%dma_start3A_62, %dma_start3A_63] : memref<80x128xf32, #tpu.memory_space<vmem>> -> memref<40x128xf32, #tpu.memory_space<vmem>>
    %dma_start3A_65 = arith.constant 0 : i32
    %dma_start3A_66 = tpu.memref_slice %arg12[%dma_start3A_65] : memref<80xi32, #tpu.memory_space<vmem>> -> memref<40xi32, #tpu.memory_space<vmem>>
    %dma_start3A_67 = arith.constant 0 : i32
    %dma_start3A_68 = arith.constant 0 : i32
    %dma_start3A_69 = tpu.memref_slice %arg2[%dma_start3A_67, %dma_start3A_68] : memref<10000x128xf32, #tpu.memory_space<hbm>> -> memref<10000x128xf32, #tpu.memory_space<hbm>>
    tpu.enqueue_indirect_dma source(%dma_start3A_69 : memref<10000x128xf32, #tpu.memory_space<hbm>>) target(%dma_start3A_64 : memref<40x128xf32, #tpu.memory_space<vmem>>) offsets(%dma_start3A_66 : memref<40xi32, #tpu.memory_space<vmem>>) semaphore(%arg16 : memref<!tpu.dma_semaphore, #tpu.memory_space<semaphore_mem>>)
    %dma_start3A_70 = arith.constant 40 : i32
    %dma_start3A_71 = arith.constant 0 : i32
    %dma_start3A_72 = tpu.memref_slice %arg10[%dma_start3A_70, %dma_start3A_71] : memref<80x128xf32, #tpu.memory_space<vmem>> -> memref<40x128xf32, #tpu.memory_space<vmem>>
    %dma_start3A_73 = arith.constant 40 : i32
    %dma_start3A_74 = tpu.memref_slice %arg12[%dma_start3A_73] : memref<80xi32, #tpu.memory_space<vmem>> -> memref<40xi32, #tpu.memory_space<vmem>>
    %dma_start3A_75 = arith.constant 0 : i32
    %dma_start3A_76 = arith.constant 0 : i32
    %dma_start3A_77 = tpu.memref_slice %arg2[%dma_start3A_75, %dma_start3A_76] : memref<10000x128xf32, #tpu.memory_space<hbm>> -> memref<10000x128xf32, #tpu.memory_space<hbm>>
    tpu.enqueue_indirect_dma source(%dma_start3A_77 : memref<10000x128xf32, #tpu.memory_space<hbm>>) target(%dma_start3A_72 : memref<40x128xf32, #tpu.memory_space<vmem>>) offsets(%dma_start3A_74 : memref<40xi32, #tpu.memory_space<vmem>>) semaphore(%arg16 : memref<!tpu.dma_semaphore, #tpu.memory_space<semaphore_mem>>)
    %get3A_78 = arith.constant 80 : index
    %get3A_79 = tpu.vector_load %arg7[%get3A_78] {strides = array<i32>} : memref<10000xi32, #tpu.memory_space<vmem>>, vector<16xi32>,
    %get3A_80 = vector.shape_cast %get3A_79 : vector<16xi32> to vector<16xi32>
    %swap3A_81 = arith.constant 0 : index
    %swap3A_82 = tpu.vector_load %arg13[%swap3A_81] {strides = array<i32>} : memref<80xi32, #tpu.memory_space<vmem>>, vector<16xi32>,
    %swap3A_83 = vector.shape_cast %swap3A_82 : vector<16xi32> to vector<16xi32>
    %swap3A_84 = vector.shape_cast %get3A_80 : vector<16xi32> to vector<16xi32>
    tpu.vector_store %arg13[%swap3A_81], %swap3A_84 {strides = array<i32>} : memref<80xi32, #tpu.memory_space<vmem>>, vector<16xi32>,
    %get3A_85 = arith.constant 96 : index
    %get3A_86 = tpu.vector_load %arg7[%get3A_85] {strides = array<i32>} : memref<10000xi32, #tpu.memory_space<vmem>>, vector<16xi32>,
    %get3A_87 = vector.shape_cast %get3A_86 : vector<16xi32> to vector<16xi32>
    %swap3A_88 = arith.constant 16 : index
    %swap3A_89 = tpu.vector_load %arg13[%swap3A_88] {strides = array<i32>} : memref<80xi32, #tpu.memory_space<vmem>>, vector<16xi32>,
    %swap3A_90 = vector.shape_cast %swap3A_89 : vector<16xi32> to vector<16xi32>
    %swap3A_91 = vector.shape_cast %get3A_87 : vector<16xi32> to vector<16xi32>
    tpu.vector_store %arg13[%swap3A_88], %swap3A_91 {strides = array<i32>} : memref<80xi32, #tpu.memory_space<vmem>>, vector<16xi32>,
    %get3A_92 = arith.constant 112 : index
    %get3A_93 = tpu.vector_load %arg7[%get3A_92] {strides = array<i32>} : memref<10000xi32, #tpu.memory_space<vmem>>, vector<16xi32>,
    %get3A_94 = vector.shape_cast %get3A_93 : vector<16xi32> to vector<16xi32>
    %swap3A_95 = arith.constant 32 : index
    %swap3A_96 = tpu.vector_load %arg13[%swap3A_95] {strides = array<i32>} : memref<80xi32, #tpu.memory_space<vmem>>, vector<16xi32>,
    %swap3A_97 = vector.shape_cast %swap3A_96 : vector<16xi32> to vector<16xi32>
    %swap3A_98 = vector.shape_cast %get3A_94 : vector<16xi32> to vector<16xi32>
    tpu.vector_store %arg13[%swap3A_95], %swap3A_98 {strides = array<i32>} : memref<80xi32, #tpu.memory_space<vmem>>, vector<16xi32>,
    %get3A_99 = arith.constant 128 : index
    %get3A_100 = tpu.vector_load %arg7[%get3A_99] {strides = array<i32>} : memref<10000xi32, #tpu.memory_space<vmem>>, vector<16xi32>,
    %get3A_101 = vector.shape_cast %get3A_100 : vector<16xi32> to vector<16xi32>
    %swap3A_102 = arith.constant 48 : index
    %swap3A_103 = tpu.vector_load %arg13[%swap3A_102] {strides = array<i32>} : memref<80xi32, #tpu.memory_space<vmem>>, vector<16xi32>,
    %swap3A_104 = vector.shape_cast %swap3A_103 : vector<16xi32> to vector<16xi32>
    %swap3A_105 = vector.shape_cast %get3A_101 : vector<16xi32> to vector<16xi32>
    tpu.vector_store %arg13[%swap3A_102], %swap3A_105 {strides = array<i32>} : memref<80xi32, #tpu.memory_space<vmem>>, vector<16xi32>,
    %get3A_106 = arith.constant 144 : index
    %get3A_107 = tpu.vector_load %arg7[%get3A_106] {strides = array<i32>} : memref<10000xi32, #tpu.memory_space<vmem>>, vector<16xi32>,
    %get3A_108 = vector.shape_cast %get3A_107 : vector<16xi32> to vector<16xi32>
    %swap3A_109 = arith.constant 64 : index
    %swap3A_110 = tpu.vector_load %arg13[%swap3A_109] {strides = array<i32>} : memref<80xi32, #tpu.memory_space<vmem>>, vector<16xi32>,
    %swap3A_111 = vector.shape_cast %swap3A_110 : vector<16xi32> to vector<16xi32>
    %swap3A_112 = vector.shape_cast %get3A_108 : vector<16xi32> to vector<16xi32>
    tpu.vector_store %arg13[%swap3A_109], %swap3A_112 {strides = array<i32>} : memref<80xi32, #tpu.memory_space<vmem>>, vector<16xi32>,
    %dma_start3A_113 = arith.constant 0 : i32
    %dma_start3A_114 = arith.constant 0 : i32
    %dma_start3A_115 = tpu.memref_slice %arg11[%dma_start3A_113, %dma_start3A_114] : memref<80x128xf32, #tpu.memory_space<vmem>> -> memref<40x128xf32, #tpu.memory_space<vmem>>
    %dma_start3A_116 = arith.constant 0 : i32
    %dma_start3A_117 = tpu.memref_slice %arg13[%dma_start3A_116] : memref<80xi32, #tpu.memory_space<vmem>> -> memref<40xi32, #tpu.memory_space<vmem>>
    %dma_start3A_118 = arith.constant 0 : i32
    %dma_start3A_119 = arith.constant 0 : i32
    %dma_start3A_120 = tpu.memref_slice %arg2[%dma_start3A_118, %dma_start3A_119] : memref<10000x128xf32, #tpu.memory_space<hbm>> -> memref<10000x128xf32, #tpu.memory_space<hbm>>
    tpu.enqueue_indirect_dma source(%dma_start3A_120 : memref<10000x128xf32, #tpu.memory_space<hbm>>) target(%dma_start3A_115 : memref<40x128xf32, #tpu.memory_space<vmem>>) offsets(%dma_start3A_117 : memref<40xi32, #tpu.memory_space<vmem>>) semaphore(%arg17 : memref<!tpu.dma_semaphore, #tpu.memory_space<semaphore_mem>>)
    %dma_start3A_121 = arith.constant 40 : i32
    %dma_start3A_122 = arith.constant 0 : i32
    %dma_start3A_123 = tpu.memref_slice %arg11[%dma_start3A_121, %dma_start3A_122] : memref<80x128xf32, #tpu.memory_space<vmem>> -> memref<40x128xf32, #tpu.memory_space<vmem>>
    %dma_start3A_124 = arith.constant 40 : i32
    %dma_start3A_125 = tpu.memref_slice %arg13[%dma_start3A_124] : memref<80xi32, #tpu.memory_space<vmem>> -> memref<40xi32, #tpu.memory_space<vmem>>
    %dma_start3A_126 = arith.constant 0 : i32
    %dma_start3A_127 = arith.constant 0 : i32
    %dma_start3A_128 = tpu.memref_slice %arg2[%dma_start3A_126, %dma_start3A_127] : memref<10000x128xf32, #tpu.memory_space<hbm>> -> memref<10000x128xf32, #tpu.memory_space<hbm>>
    tpu.enqueue_indirect_dma source(%dma_start3A_128 : memref<10000x128xf32, #tpu.memory_space<hbm>>) target(%dma_start3A_123 : memref<40x128xf32, #tpu.memory_space<vmem>>) offsets(%dma_start3A_125 : memref<40xi32, #tpu.memory_space<vmem>>) semaphore(%arg17 : memref<!tpu.dma_semaphore, #tpu.memory_space<semaphore_mem>>)
    %scan3A = arith.constant 0 : i32
    %scan3A_129 = arith.constant 0 : i32
    %scan3A_130 = arith.constant 62 : i32
    %scan3A_131 = arith.addi %scan3A_129, %scan3A_130 : i32
    %scan3A_132 = arith.constant 1 : i32
    %scan3A_133 = scf.for %scan3A_197 = %scan3A_129 to %scan3A_131 step %scan3A_132 iter_args(%scan3A_198 = %scan3A) -> (i32)  : i32 {
      %mul3A_199 = arith.constant 2 : i32
      %mul3A_200 = arith.muli %mul3A_199, %scan3A_197 : i32
      %add3A_201 = arith.constant 0 : i32
      %add3A_202 = arith.addi %mul3A_200, %add3A_201 : i32
      %dma_wait3A_203 = arith.constant 0 : i32
      %dma_wait3A_204 = arith.constant 0 : i32
      %dma_wait3A_205 = tpu.memref_slice %arg10[%dma_wait3A_203, %dma_wait3A_204] : memref<80x128xf32, #tpu.memory_space<vmem>> -> memref<40x128xf32, #tpu.memory_space<vmem>>
      %dma_wait3A_206 = arith.constant 0 : i32
      %dma_wait3A_207 = tpu.memref_slice %arg12[%dma_wait3A_206] : memref<80xi32, #tpu.memory_space<vmem>> -> memref<40xi32, #tpu.memory_space<vmem>>
      %dma_wait3A_208 = arith.constant 0 : i32
      %dma_wait3A_209 = arith.constant 0 : i32
      %dma_wait3A_210 = tpu.memref_slice %arg2[%dma_wait3A_208, %dma_wait3A_209] : memref<10000x128xf32, #tpu.memory_space<hbm>> -> memref<10000x128xf32, #tpu.memory_space<hbm>>
      tpu.wait_indirect_dma semaphore(%arg16 : memref<!tpu.dma_semaphore, #tpu.memory_space<semaphore_mem>>) src(%dma_wait3A_210 : memref<10000x128xf32, #tpu.memory_space<hbm>>) dst(%dma_wait3A_205 : memref<40x128xf32, #tpu.memory_space<vmem>>)
      %dma_wait3A_211 = arith.constant 40 : i32
      %dma_wait3A_212 = arith.constant 0 : i32
      %dma_wait3A_213 = tpu.memref_slice %arg10[%dma_wait3A_211, %dma_wait3A_212] : memref<80x128xf32, #tpu.memory_space<vmem>> -> memref<40x128xf32, #tpu.memory_space<vmem>>
      %dma_wait3A_214 = arith.constant 40 : i32
      %dma_wait3A_215 = tpu.memref_slice %arg12[%dma_wait3A_214] : memref<80xi32, #tpu.memory_space<vmem>> -> memref<40xi32, #tpu.memory_space<vmem>>
      %dma_wait3A_216 = arith.constant 0 : i32
      %dma_wait3A_217 = arith.constant 0 : i32
      %dma_wait3A_218 = tpu.memref_slice %arg2[%dma_wait3A_216, %dma_wait3A_217] : memref<10000x128xf32, #tpu.memory_space<hbm>> -> memref<10000x128xf32, #tpu.memory_space<hbm>>
      tpu.wait_indirect_dma semaphore(%arg16 : memref<!tpu.dma_semaphore, #tpu.memory_space<semaphore_mem>>) src(%dma_wait3A_218 : memref<10000x128xf32, #tpu.memory_space<hbm>>) dst(%dma_wait3A_213 : memref<40x128xf32, #tpu.memory_space<vmem>>)
      %mul3A_219 = arith.constant 80 : i32
      %mul3A_220 = arith.muli %add3A_202, %mul3A_219 : i32
      %add3A_221 = arith.constant 0 : i32
      %add3A_222 = arith.addi %mul3A_220, %add3A_221 : i32
      %get3A_223 = arith.index_cast %add3A_222 : i32 to index
      %get3A_224 = tpu.vector_load %arg8[%get3A_223] {strides = array<i32>} : memref<10000xi32, #tpu.memory_space<vmem>>, vector<16xi32>,
      %get3A_225 = vector.shape_cast %get3A_224 : vector<16xi32> to vector<16xi32>
      %swap3A_226 = arith.constant 0 : index
      %swap3A_227 = tpu.vector_load %arg14[%swap3A_226] {strides = array<i32>} : memref<80xi32, #tpu.memory_space<vmem>>, vector<16xi32>,
      %swap3A_228 = vector.shape_cast %swap3A_227 : vector<16xi32> to vector<16xi32>
      %swap3A_229 = vector.shape_cast %get3A_225 : vector<16xi32> to vector<16xi32>
      tpu.vector_store %arg14[%swap3A_226], %swap3A_229 {strides = array<i32>} : memref<80xi32, #tpu.memory_space<vmem>>, vector<16xi32>,
      %mul3A_230 = arith.constant 80 : i32
      %mul3A_231 = arith.muli %add3A_202, %mul3A_230 : i32
      %add3A_232 = arith.constant 16 : i32
      %add3A_233 = arith.addi %mul3A_231, %add3A_232 : i32
      %get3A_234 = arith.index_cast %add3A_233 : i32 to index
      %get3A_235 = tpu.vector_load %arg8[%get3A_234] {strides = array<i32>} : memref<10000xi32, #tpu.memory_space<vmem>>, vector<16xi32>,
      %get3A_236 = vector.shape_cast %get3A_235 : vector<16xi32> to vector<16xi32>
      %swap3A_237 = arith.constant 16 : index
      %swap3A_238 = tpu.vector_load %arg14[%swap3A_237] {strides = array<i32>} : memref<80xi32, #tpu.memory_space<vmem>>, vector<16xi32>,
      %swap3A_239 = vector.shape_cast %swap3A_238 : vector<16xi32> to vector<16xi32>
      %swap3A_240 = vector.shape_cast %get3A_236 : vector<16xi32> to vector<16xi32>
      tpu.vector_store %arg14[%swap3A_237], %swap3A_240 {strides = array<i32>} : memref<80xi32, #tpu.memory_space<vmem>>, vector<16xi32>,
      %mul3A_241 = arith.constant 80 : i32
      %mul3A_242 = arith.muli %add3A_202, %mul3A_241 : i32
      %add3A_243 = arith.constant 32 : i32
      %add3A_244 = arith.addi %mul3A_242, %add3A_243 : i32
      %get3A_245 = arith.index_cast %add3A_244 : i32 to index
      %get3A_246 = tpu.vector_load %arg8[%get3A_245] {strides = array<i32>} : memref<10000xi32, #tpu.memory_space<vmem>>, vector<16xi32>,
      %get3A_247 = vector.shape_cast %get3A_246 : vector<16xi32> to vector<16xi32>
      %swap3A_248 = arith.constant 32 : index
      %swap3A_249 = tpu.vector_load %arg14[%swap3A_248] {strides = array<i32>} : memref<80xi32, #tpu.memory_space<vmem>>, vector<16xi32>,
      %swap3A_250 = vector.shape_cast %swap3A_249 : vector<16xi32> to vector<16xi32>
      %swap3A_251 = vector.shape_cast %get3A_247 : vector<16xi32> to vector<16xi32>
      tpu.vector_store %arg14[%swap3A_248], %swap3A_251 {strides = array<i32>} : memref<80xi32, #tpu.memory_space<vmem>>, vector<16xi32>,
      %mul3A_252 = arith.constant 80 : i32
      %mul3A_253 = arith.muli %add3A_202, %mul3A_252 : i32
      %add3A_254 = arith.constant 48 : i32
      %add3A_255 = arith.addi %mul3A_253, %add3A_254 : i32
      %get3A_256 = arith.index_cast %add3A_255 : i32 to index
      %get3A_257 = tpu.vector_load %arg8[%get3A_256] {strides = array<i32>} : memref<10000xi32, #tpu.memory_space<vmem>>, vector<16xi32>,
      %get3A_258 = vector.shape_cast %get3A_257 : vector<16xi32> to vector<16xi32>
      %swap3A_259 = arith.constant 48 : index
      %swap3A_260 = tpu.vector_load %arg14[%swap3A_259] {strides = array<i32>} : memref<80xi32, #tpu.memory_space<vmem>>, vector<16xi32>,
      %swap3A_261 = vector.shape_cast %swap3A_260 : vector<16xi32> to vector<16xi32>
      %swap3A_262 = vector.shape_cast %get3A_258 : vector<16xi32> to vector<16xi32>
      tpu.vector_store %arg14[%swap3A_259], %swap3A_262 {strides = array<i32>} : memref<80xi32, #tpu.memory_space<vmem>>, vector<16xi32>,
      %mul3A_263 = arith.constant 80 : i32
      %mul3A_264 = arith.muli %add3A_202, %mul3A_263 : i32
      %add3A_265 = arith.constant 64 : i32
      %add3A_266 = arith.addi %mul3A_264, %add3A_265 : i32
      %get3A_267 = arith.index_cast %add3A_266 : i32 to index
      %get3A_268 = tpu.vector_load %arg8[%get3A_267] {strides = array<i32>} : memref<10000xi32, #tpu.memory_space<vmem>>, vector<16xi32>,
      %get3A_269 = vector.shape_cast %get3A_268 : vector<16xi32> to vector<16xi32>
      %swap3A_270 = arith.constant 64 : index
      %swap3A_271 = tpu.vector_load %arg14[%swap3A_270] {strides = array<i32>} : memref<80xi32, #tpu.memory_space<vmem>>, vector<16xi32>,
      %swap3A_272 = vector.shape_cast %swap3A_271 : vector<16xi32> to vector<16xi32>
      %swap3A_273 = vector.shape_cast %get3A_269 : vector<16xi32> to vector<16xi32>
      tpu.vector_store %arg14[%swap3A_270], %swap3A_273 {strides = array<i32>} : memref<80xi32, #tpu.memory_space<vmem>>, vector<16xi32>,
      %dma_start3A_274 = arith.constant 0 : i32
      %dma_start3A_275 = arith.constant 0 : i32
      %dma_start3A_276 = tpu.memref_slice %arg9[%dma_start3A_274, %dma_start3A_275] : memref<10240x128xf32, #tpu.memory_space<vmem_shared>> -> memref<10240x128xf32, #tpu.memory_space<vmem_shared>>
      tpu.enqueue_indirect_dma source(%arg10 : memref<80x128xf32, #tpu.memory_space<vmem>>) target(%dma_start3A_276 : memref<10240x128xf32, #tpu.memory_space<vmem_shared>>) offsets(%arg14 : memref<80xi32, #tpu.memory_space<vmem>>) semaphore(%arg18 : memref<!tpu.dma_semaphore, #tpu.memory_space<semaphore_mem>>) {add = true}
      %dma_wait3A_277 = arith.constant 0 : i32
      %dma_wait3A_278 = arith.constant 0 : i32
      %dma_wait3A_279 = tpu.memref_slice %arg9[%dma_wait3A_277, %dma_wait3A_278] : memref<10240x128xf32, #tpu.memory_space<vmem_shared>> -> memref<10240x128xf32, #tpu.memory_space<vmem_shared>>
      tpu.wait_indirect_dma semaphore(%arg18 : memref<!tpu.dma_semaphore, #tpu.memory_space<semaphore_mem>>) src(%arg10 : memref<80x128xf32, #tpu.memory_space<vmem>>) dst(%dma_wait3A_279 : memref<10240x128xf32, #tpu.memory_space<vmem_shared>>)
      %add3A_280 = arith.constant 2 : i32
      %add3A_281 = arith.addi %add3A_202, %add3A_280 : i32
      %lt3A = arith.constant 125 : i32
      %lt3A_282 = arith.cmpi slt, %add3A_281, %lt3A : i32
      %convert_element_type3A = arith.extui %lt3A_282 : i1 to i32
      %cond3A = arith.constant 0 : i32
      %cond3A_283 = arith.cmpi ne, %convert_element_type3A, %cond3A : i32
      scf.if %cond3A_283 {
        %add3A_373 = arith.constant 2 : i32
        %add3A_374 = arith.addi %add3A_202, %add3A_373 : i32
        %mul3A_375 = arith.constant 80 : i32
        %mul3A_376 = arith.muli %add3A_374, %mul3A_375 : i32
        %add3A_377 = arith.constant 0 : i32
        %add3A_378 = arith.addi %mul3A_376, %add3A_377 : i32
        %get3A_379 = arith.index_cast %add3A_378 : i32 to index
        %get3A_380 = tpu.vector_load %arg7[%get3A_379] {strides = array<i32>} : memref<10000xi32, #tpu.memory_space<vmem>>, vector<16xi32>,
        %get3A_381 = vector.shape_cast %get3A_380 : vector<16xi32> to vector<16xi32>
        %swap3A_382 = arith.constant 0 : index
        %swap3A_383 = tpu.vector_load %arg12[%swap3A_382] {strides = array<i32>} : memref<80xi32, #tpu.memory_space<vmem>>, vector<16xi32>,
        %swap3A_384 = vector.shape_cast %swap3A_383 : vector<16xi32> to vector<16xi32>
        %swap3A_385 = vector.shape_cast %get3A_381 : vector<16xi32> to vector<16xi32>
        tpu.vector_store %arg12[%swap3A_382], %swap3A_385 {strides = array<i32>} : memref<80xi32, #tpu.memory_space<vmem>>, vector<16xi32>,
        %mul3A_386 = arith.constant 80 : i32
        %mul3A_387 = arith.muli %add3A_374, %mul3A_386 : i32
        %add3A_388 = arith.constant 16 : i32
        %add3A_389 = arith.addi %mul3A_387, %add3A_388 : i32
        %get3A_390 = arith.index_cast %add3A_389 : i32 to index
        %get3A_391 = tpu.vector_load %arg7[%get3A_390] {strides = array<i32>} : memref<10000xi32, #tpu.memory_space<vmem>>, vector<16xi32>,
        %get3A_392 = vector.shape_cast %get3A_391 : vector<16xi32> to vector<16xi32>
        %swap3A_393 = arith.constant 16 : index
        %swap3A_394 = tpu.vector_load %arg12[%swap3A_393] {strides = array<i32>} : memref<80xi32, #tpu.memory_space<vmem>>, vector<16xi32>,
        %swap3A_395 = vector.shape_cast %swap3A_394 : vector<16xi32> to vector<16xi32>
        %swap3A_396 = vector.shape_cast %get3A_392 : vector<16xi32> to vector<16xi32>
        tpu.vector_store %arg12[%swap3A_393], %swap3A_396 {strides = array<i32>} : memref<80xi32, #tpu.memory_space<vmem>>, vector<16xi32>,
        %mul3A_397 = arith.constant 80 : i32
        %mul3A_398 = arith.muli %add3A_374, %mul3A_397 : i32
        %add3A_399 = arith.constant 32 : i32
        %add3A_400 = arith.addi %mul3A_398, %add3A_399 : i32
        %get3A_401 = arith.index_cast %add3A_400 : i32 to index
        %get3A_402 = tpu.vector_load %arg7[%get3A_401] {strides = array<i32>} : memref<10000xi32, #tpu.memory_space<vmem>>, vector<16xi32>,
        %get3A_403 = vector.shape_cast %get3A_402 : vector<16xi32> to vector<16xi32>
        %swap3A_404 = arith.constant 32 : index
        %swap3A_405 = tpu.vector_load %arg12[%swap3A_404] {strides = array<i32>} : memref<80xi32, #tpu.memory_space<vmem>>, vector<16xi32>,
        %swap3A_406 = vector.shape_cast %swap3A_405 : vector<16xi32> to vector<16xi32>
        %swap3A_407 = vector.shape_cast %get3A_403 : vector<16xi32> to vector<16xi32>
        tpu.vector_store %arg12[%swap3A_404], %swap3A_407 {strides = array<i32>} : memref<80xi32, #tpu.memory_space<vmem>>, vector<16xi32>,
        %mul3A_408 = arith.constant 80 : i32
        %mul3A_409 = arith.muli %add3A_374, %mul3A_408 : i32
        %add3A_410 = arith.constant 48 : i32
        %add3A_411 = arith.addi %mul3A_409, %add3A_410 : i32
        %get3A_412 = arith.index_cast %add3A_411 : i32 to index
        %get3A_413 = tpu.vector_load %arg7[%get3A_412] {strides = array<i32>} : memref<10000xi32, #tpu.memory_space<vmem>>, vector<16xi32>,
        %get3A_414 = vector.shape_cast %get3A_413 : vector<16xi32> to vector<16xi32>
        %swap3A_415 = arith.constant 48 : index
        %swap3A_416 = tpu.vector_load %arg12[%swap3A_415] {strides = array<i32>} : memref<80xi32, #tpu.memory_space<vmem>>, vector<16xi32>,
        %swap3A_417 = vector.shape_cast %swap3A_416 : vector<16xi32> to vector<16xi32>
        %swap3A_418 = vector.shape_cast %get3A_414 : vector<16xi32> to vector<16xi32>
        tpu.vector_store %arg12[%swap3A_415], %swap3A_418 {strides = array<i32>} : memref<80xi32, #tpu.memory_space<vmem>>, vector<16xi32>,
        %mul3A_419 = arith.constant 80 : i32
        %mul3A_420 = arith.muli %add3A_374, %mul3A_419 : i32
        %add3A_421 = arith.constant 64 : i32
        %add3A_422 = arith.addi %mul3A_420, %add3A_421 : i32
        %get3A_423 = arith.index_cast %add3A_422 : i32 to index
        %get3A_424 = tpu.vector_load %arg7[%get3A_423] {strides = array<i32>} : memref<10000xi32, #tpu.memory_space<vmem>>, vector<16xi32>,
        %get3A_425 = vector.shape_cast %get3A_424 : vector<16xi32> to vector<16xi32>
        %swap3A_426 = arith.constant 64 : index
        %swap3A_427 = tpu.vector_load %arg12[%swap3A_426] {strides = array<i32>} : memref<80xi32, #tpu.memory_space<vmem>>, vector<16xi32>,
        %swap3A_428 = vector.shape_cast %swap3A_427 : vector<16xi32> to vector<16xi32>
        %swap3A_429 = vector.shape_cast %get3A_425 : vector<16xi32> to vector<16xi32>
        tpu.vector_store %arg12[%swap3A_426], %swap3A_429 {strides = array<i32>} : memref<80xi32, #tpu.memory_space<vmem>>, vector<16xi32>,
        %dma_start3A_430 = arith.constant 0 : i32
        %dma_start3A_431 = arith.constant 0 : i32
        %dma_start3A_432 = tpu.memref_slice %arg10[%dma_start3A_430, %dma_start3A_431] : memref<80x128xf32, #tpu.memory_space<vmem>> -> memref<40x128xf32, #tpu.memory_space<vmem>>
        %dma_start3A_433 = arith.constant 0 : i32
        %dma_start3A_434 = tpu.memref_slice %arg12[%dma_start3A_433] : memref<80xi32, #tpu.memory_space<vmem>> -> memref<40xi32, #tpu.memory_space<vmem>>
        %dma_start3A_435 = arith.constant 0 : i32
        %dma_start3A_436 = arith.constant 0 : i32
        %dma_start3A_437 = tpu.memref_slice %arg2[%dma_start3A_435, %dma_start3A_436] : memref<10000x128xf32, #tpu.memory_space<hbm>> -> memref<10000x128xf32, #tpu.memory_space<hbm>>
        tpu.enqueue_indirect_dma source(%dma_start3A_437 : memref<10000x128xf32, #tpu.memory_space<hbm>>) target(%dma_start3A_432 : memref<40x128xf32, #tpu.memory_space<vmem>>) offsets(%dma_start3A_434 : memref<40xi32, #tpu.memory_space<vmem>>) semaphore(%arg16 : memref<!tpu.dma_semaphore, #tpu.memory_space<semaphore_mem>>)
        %dma_start3A_438 = arith.constant 40 : i32
        %dma_start3A_439 = arith.constant 0 : i32
        %dma_start3A_440 = tpu.memref_slice %arg10[%dma_start3A_438, %dma_start3A_439] : memref<80x128xf32, #tpu.memory_space<vmem>> -> memref<40x128xf32, #tpu.memory_space<vmem>>
        %dma_start3A_441 = arith.constant 40 : i32
        %dma_start3A_442 = tpu.memref_slice %arg12[%dma_start3A_441] : memref<80xi32, #tpu.memory_space<vmem>> -> memref<40xi32, #tpu.memory_space<vmem>>
        %dma_start3A_443 = arith.constant 0 : i32
        %dma_start3A_444 = arith.constant 0 : i32
        %dma_start3A_445 = tpu.memref_slice %arg2[%dma_start3A_443, %dma_start3A_444] : memref<10000x128xf32, #tpu.memory_space<hbm>> -> memref<10000x128xf32, #tpu.memory_space<hbm>>
        tpu.enqueue_indirect_dma source(%dma_start3A_445 : memref<10000x128xf32, #tpu.memory_space<hbm>>) target(%dma_start3A_440 : memref<40x128xf32, #tpu.memory_space<vmem>>) offsets(%dma_start3A_442 : memref<40xi32, #tpu.memory_space<vmem>>) semaphore(%arg16 : memref<!tpu.dma_semaphore, #tpu.memory_space<semaphore_mem>>)
      } else {
      }
      %mul3A_284 = arith.constant 2 : i32
      %mul3A_285 = arith.muli %mul3A_284, %scan3A_197 : i32
      %add3A_286 = arith.constant 1 : i32
      %add3A_287 = arith.addi %mul3A_285, %add3A_286 : i32
      %dma_wait3A_288 = arith.constant 0 : i32
      %dma_wait3A_289 = arith.constant 0 : i32
      %dma_wait3A_290 = tpu.memref_slice %arg11[%dma_wait3A_288, %dma_wait3A_289] : memref<80x128xf32, #tpu.memory_space<vmem>> -> memref<40x128xf32, #tpu.memory_space<vmem>>
      %dma_wait3A_291 = arith.constant 0 : i32
      %dma_wait3A_292 = tpu.memref_slice %arg13[%dma_wait3A_291] : memref<80xi32, #tpu.memory_space<vmem>> -> memref<40xi32, #tpu.memory_space<vmem>>
      %dma_wait3A_293 = arith.constant 0 : i32
      %dma_wait3A_294 = arith.constant 0 : i32
      %dma_wait3A_295 = tpu.memref_slice %arg2[%dma_wait3A_293, %dma_wait3A_294] : memref<10000x128xf32, #tpu.memory_space<hbm>> -> memref<10000x128xf32, #tpu.memory_space<hbm>>
      tpu.wait_indirect_dma semaphore(%arg17 : memref<!tpu.dma_semaphore, #tpu.memory_space<semaphore_mem>>) src(%dma_wait3A_295 : memref<10000x128xf32, #tpu.memory_space<hbm>>) dst(%dma_wait3A_290 : memref<40x128xf32, #tpu.memory_space<vmem>>)
      %dma_wait3A_296 = arith.constant 40 : i32
      %dma_wait3A_297 = arith.constant 0 : i32
      %dma_wait3A_298 = tpu.memref_slice %arg11[%dma_wait3A_296, %dma_wait3A_297] : memref<80x128xf32, #tpu.memory_space<vmem>> -> memref<40x128xf32, #tpu.memory_space<vmem>>
      %dma_wait3A_299 = arith.constant 40 : i32
      %dma_wait3A_300 = tpu.memref_slice %arg13[%dma_wait3A_299] : memref<80xi32, #tpu.memory_space<vmem>> -> memref<40xi32, #tpu.memory_space<vmem>>
      %dma_wait3A_301 = arith.constant 0 : i32
      %dma_wait3A_302 = arith.constant 0 : i32
      %dma_wait3A_303 = tpu.memref_slice %arg2[%dma_wait3A_301, %dma_wait3A_302] : memref<10000x128xf32, #tpu.memory_space<hbm>> -> memref<10000x128xf32, #tpu.memory_space<hbm>>
      tpu.wait_indirect_dma semaphore(%arg17 : memref<!tpu.dma_semaphore, #tpu.memory_space<semaphore_mem>>) src(%dma_wait3A_303 : memref<10000x128xf32, #tpu.memory_space<hbm>>) dst(%dma_wait3A_298 : memref<40x128xf32, #tpu.memory_space<vmem>>)
      %mul3A_304 = arith.constant 80 : i32
      %mul3A_305 = arith.muli %add3A_287, %mul3A_304 : i32
      %add3A_306 = arith.constant 0 : i32
      %add3A_307 = arith.addi %mul3A_305, %add3A_306 : i32
      %get3A_308 = arith.index_cast %add3A_307 : i32 to index
      %get3A_309 = tpu.vector_load %arg8[%get3A_308] {strides = array<i32>} : memref<10000xi32, #tpu.memory_space<vmem>>, vector<16xi32>,
      %get3A_310 = vector.shape_cast %get3A_309 : vector<16xi32> to vector<16xi32>
      %swap3A_311 = arith.constant 0 : index
      %swap3A_312 = tpu.vector_load %arg15[%swap3A_311] {strides = array<i32>} : memref<80xi32, #tpu.memory_space<vmem>>, vector<16xi32>,
      %swap3A_313 = vector.shape_cast %swap3A_312 : vector<16xi32> to vector<16xi32>
      %swap3A_314 = vector.shape_cast %get3A_310 : vector<16xi32> to vector<16xi32>
      tpu.vector_store %arg15[%swap3A_311], %swap3A_314 {strides = array<i32>} : memref<80xi32, #tpu.memory_space<vmem>>, vector<16xi32>,
      %mul3A_315 = arith.constant 80 : i32
      %mul3A_316 = arith.muli %add3A_287, %mul3A_315 : i32
      %add3A_317 = arith.constant 16 : i32
      %add3A_318 = arith.addi %mul3A_316, %add3A_317 : i32
      %get3A_319 = arith.index_cast %add3A_318 : i32 to index
      %get3A_320 = tpu.vector_load %arg8[%get3A_319] {strides = array<i32>} : memref<10000xi32, #tpu.memory_space<vmem>>, vector<16xi32>,
      %get3A_321 = vector.shape_cast %get3A_320 : vector<16xi32> to vector<16xi32>
      %swap3A_322 = arith.constant 16 : index
      %swap3A_323 = tpu.vector_load %arg15[%swap3A_322] {strides = array<i32>} : memref<80xi32, #tpu.memory_space<vmem>>, vector<16xi32>,
      %swap3A_324 = vector.shape_cast %swap3A_323 : vector<16xi32> to vector<16xi32>
      %swap3A_325 = vector.shape_cast %get3A_321 : vector<16xi32> to vector<16xi32>
      tpu.vector_store %arg15[%swap3A_322], %swap3A_325 {strides = array<i32>} : memref<80xi32, #tpu.memory_space<vmem>>, vector<16xi32>,
      %mul3A_326 = arith.constant 80 : i32
      %mul3A_327 = arith.muli %add3A_287, %mul3A_326 : i32
      %add3A_328 = arith.constant 32 : i32
      %add3A_329 = arith.addi %mul3A_327, %add3A_328 : i32
      %get3A_330 = arith.index_cast %add3A_329 : i32 to index
      %get3A_331 = tpu.vector_load %arg8[%get3A_330] {strides = array<i32>} : memref<10000xi32, #tpu.memory_space<vmem>>, vector<16xi32>,
      %get3A_332 = vector.shape_cast %get3A_331 : vector<16xi32> to vector<16xi32>
      %swap3A_333 = arith.constant 32 : index
      %swap3A_334 = tpu.vector_load %arg15[%swap3A_333] {strides = array<i32>} : memref<80xi32, #tpu.memory_space<vmem>>, vector<16xi32>,
      %swap3A_335 = vector.shape_cast %swap3A_334 : vector<16xi32> to vector<16xi32>
      %swap3A_336 = vector.shape_cast %get3A_332 : vector<16xi32> to vector<16xi32>
      tpu.vector_store %arg15[%swap3A_333], %swap3A_336 {strides = array<i32>} : memref<80xi32, #tpu.memory_space<vmem>>, vector<16xi32>,
      %mul3A_337 = arith.constant 80 : i32
      %mul3A_338 = arith.muli %add3A_287, %mul3A_337 : i32
      %add3A_339 = arith.constant 48 : i32
      %add3A_340 = arith.addi %mul3A_338, %add3A_339 : i32
      %get3A_341 = arith.index_cast %add3A_340 : i32 to index
      %get3A_342 = tpu.vector_load %arg8[%get3A_341] {strides = array<i32>} : memref<10000xi32, #tpu.memory_space<vmem>>, vector<16xi32>,
      %get3A_343 = vector.shape_cast %get3A_342 : vector<16xi32> to vector<16xi32>
      %swap3A_344 = arith.constant 48 : index
      %swap3A_345 = tpu.vector_load %arg15[%swap3A_344] {strides = array<i32>} : memref<80xi32, #tpu.memory_space<vmem>>, vector<16xi32>,
      %swap3A_346 = vector.shape_cast %swap3A_345 : vector<16xi32> to vector<16xi32>
      %swap3A_347 = vector.shape_cast %get3A_343 : vector<16xi32> to vector<16xi32>
      tpu.vector_store %arg15[%swap3A_344], %swap3A_347 {strides = array<i32>} : memref<80xi32, #tpu.memory_space<vmem>>, vector<16xi32>,
      %mul3A_348 = arith.constant 80 : i32
      %mul3A_349 = arith.muli %add3A_287, %mul3A_348 : i32
      %add3A_350 = arith.constant 64 : i32
      %add3A_351 = arith.addi %mul3A_349, %add3A_350 : i32
      %get3A_352 = arith.index_cast %add3A_351 : i32 to index
      %get3A_353 = tpu.vector_load %arg8[%get3A_352] {strides = array<i32>} : memref<10000xi32, #tpu.memory_space<vmem>>, vector<16xi32>,
      %get3A_354 = vector.shape_cast %get3A_353 : vector<16xi32> to vector<16xi32>
      %swap3A_355 = arith.constant 64 : index
      %swap3A_356 = tpu.vector_load %arg15[%swap3A_355] {strides = array<i32>} : memref<80xi32, #tpu.memory_space<vmem>>, vector<16xi32>,
      %swap3A_357 = vector.shape_cast %swap3A_356 : vector<16xi32> to vector<16xi32>
      %swap3A_358 = vector.shape_cast %get3A_354 : vector<16xi32> to vector<16xi32>
      tpu.vector_store %arg15[%swap3A_355], %swap3A_358 {strides = array<i32>} : memref<80xi32, #tpu.memory_space<vmem>>, vector<16xi32>,
      %dma_start3A_359 = arith.constant 0 : i32
      %dma_start3A_360 = arith.constant 0 : i32
      %dma_start3A_361 = tpu.memref_slice %arg9[%dma_start3A_359, %dma_start3A_360] : memref<10240x128xf32, #tpu.memory_space<vmem_shared>> -> memref<10240x128xf32, #tpu.memory_space<vmem_shared>>
      tpu.enqueue_indirect_dma source(%arg11 : memref<80x128xf32, #tpu.memory_space<vmem>>) target(%dma_start3A_361 : memref<10240x128xf32, #tpu.memory_space<vmem_shared>>) offsets(%arg15 : memref<80xi32, #tpu.memory_space<vmem>>) semaphore(%arg19 : memref<!tpu.dma_semaphore, #tpu.memory_space<semaphore_mem>>) {add = true}
      %dma_wait3A_362 = arith.constant 0 : i32
      %dma_wait3A_363 = arith.constant 0 : i32
      %dma_wait3A_364 = tpu.memref_slice %arg9[%dma_wait3A_362, %dma_wait3A_363] : memref<10240x128xf32, #tpu.memory_space<vmem_shared>> -> memref<10240x128xf32, #tpu.memory_space<vmem_shared>>
      tpu.wait_indirect_dma semaphore(%arg19 : memref<!tpu.dma_semaphore, #tpu.memory_space<semaphore_mem>>) src(%arg11 : memref<80x128xf32, #tpu.memory_space<vmem>>) dst(%dma_wait3A_364 : memref<10240x128xf32, #tpu.memory_space<vmem_shared>>)
      %add3A_365 = arith.constant 2 : i32
      %add3A_366 = arith.addi %add3A_287, %add3A_365 : i32
      %lt3A_367 = arith.constant 125 : i32
      %lt3A_368 = arith.cmpi slt, %add3A_366, %lt3A_367 : i32
      %convert_element_type3A_369 = arith.extui %lt3A_368 : i1 to i32
      %cond3A_370 = arith.constant 0 : i32
      %cond3A_371 = arith.cmpi ne, %convert_element_type3A_369, %cond3A_370 : i32
      scf.if %cond3A_371 {
        %add3A_373 = arith.constant 2 : i32
        %add3A_374 = arith.addi %add3A_287, %add3A_373 : i32
        %mul3A_375 = arith.constant 80 : i32
        %mul3A_376 = arith.muli %add3A_374, %mul3A_375 : i32
        %add3A_377 = arith.constant 0 : i32
        %add3A_378 = arith.addi %mul3A_376, %add3A_377 : i32
        %get3A_379 = arith.index_cast %add3A_378 : i32 to index
        %get3A_380 = tpu.vector_load %arg7[%get3A_379] {strides = array<i32>} : memref<10000xi32, #tpu.memory_space<vmem>>, vector<16xi32>,
        %get3A_381 = vector.shape_cast %get3A_380 : vector<16xi32> to vector<16xi32>
        %swap3A_382 = arith.constant 0 : index
        %swap3A_383 = tpu.vector_load %arg13[%swap3A_382] {strides = array<i32>} : memref<80xi32, #tpu.memory_space<vmem>>, vector<16xi32>,
        %swap3A_384 = vector.shape_cast %swap3A_383 : vector<16xi32> to vector<16xi32>
        %swap3A_385 = vector.shape_cast %get3A_381 : vector<16xi32> to vector<16xi32>
        tpu.vector_store %arg13[%swap3A_382], %swap3A_385 {strides = array<i32>} : memref<80xi32, #tpu.memory_space<vmem>>, vector<16xi32>,
        %mul3A_386 = arith.constant 80 : i32
        %mul3A_387 = arith.muli %add3A_374, %mul3A_386 : i32
        %add3A_388 = arith.constant 16 : i32
        %add3A_389 = arith.addi %mul3A_387, %add3A_388 : i32
        %get3A_390 = arith.index_cast %add3A_389 : i32 to index
        %get3A_391 = tpu.vector_load %arg7[%get3A_390] {strides = array<i32>} : memref<10000xi32, #tpu.memory_space<vmem>>, vector<16xi32>,
        %get3A_392 = vector.shape_cast %get3A_391 : vector<16xi32> to vector<16xi32>
        %swap3A_393 = arith.constant 16 : index
        %swap3A_394 = tpu.vector_load %arg13[%swap3A_393] {strides = array<i32>} : memref<80xi32, #tpu.memory_space<vmem>>, vector<16xi32>,
        %swap3A_395 = vector.shape_cast %swap3A_394 : vector<16xi32> to vector<16xi32>
        %swap3A_396 = vector.shape_cast %get3A_392 : vector<16xi32> to vector<16xi32>
        tpu.vector_store %arg13[%swap3A_393], %swap3A_396 {strides = array<i32>} : memref<80xi32, #tpu.memory_space<vmem>>, vector<16xi32>,
        %mul3A_397 = arith.constant 80 : i32
        %mul3A_398 = arith.muli %add3A_374, %mul3A_397 : i32
        %add3A_399 = arith.constant 32 : i32
        %add3A_400 = arith.addi %mul3A_398, %add3A_399 : i32
        %get3A_401 = arith.index_cast %add3A_400 : i32 to index
        %get3A_402 = tpu.vector_load %arg7[%get3A_401] {strides = array<i32>} : memref<10000xi32, #tpu.memory_space<vmem>>, vector<16xi32>,
        %get3A_403 = vector.shape_cast %get3A_402 : vector<16xi32> to vector<16xi32>
        %swap3A_404 = arith.constant 32 : index
        %swap3A_405 = tpu.vector_load %arg13[%swap3A_404] {strides = array<i32>} : memref<80xi32, #tpu.memory_space<vmem>>, vector<16xi32>,
        %swap3A_406 = vector.shape_cast %swap3A_405 : vector<16xi32> to vector<16xi32>
        %swap3A_407 = vector.shape_cast %get3A_403 : vector<16xi32> to vector<16xi32>
        tpu.vector_store %arg13[%swap3A_404], %swap3A_407 {strides = array<i32>} : memref<80xi32, #tpu.memory_space<vmem>>, vector<16xi32>,
        %mul3A_408 = arith.constant 80 : i32
        %mul3A_409 = arith.muli %add3A_374, %mul3A_408 : i32
        %add3A_410 = arith.constant 48 : i32
        %add3A_411 = arith.addi %mul3A_409, %add3A_410 : i32
        %get3A_412 = arith.index_cast %add3A_411 : i32 to index
        %get3A_413 = tpu.vector_load %arg7[%get3A_412] {strides = array<i32>} : memref<10000xi32, #tpu.memory_space<vmem>>, vector<16xi32>,
        %get3A_414 = vector.shape_cast %get3A_413 : vector<16xi32> to vector<16xi32>
        %swap3A_415 = arith.constant 48 : index
        %swap3A_416 = tpu.vector_load %arg13[%swap3A_415] {strides = array<i32>} : memref<80xi32, #tpu.memory_space<vmem>>, vector<16xi32>,
        %swap3A_417 = vector.shape_cast %swap3A_416 : vector<16xi32> to vector<16xi32>
        %swap3A_418 = vector.shape_cast %get3A_414 : vector<16xi32> to vector<16xi32>
        tpu.vector_store %arg13[%swap3A_415], %swap3A_418 {strides = array<i32>} : memref<80xi32, #tpu.memory_space<vmem>>, vector<16xi32>,
        %mul3A_419 = arith.constant 80 : i32
        %mul3A_420 = arith.muli %add3A_374, %mul3A_419 : i32
        %add3A_421 = arith.constant 64 : i32
        %add3A_422 = arith.addi %mul3A_420, %add3A_421 : i32
        %get3A_423 = arith.index_cast %add3A_422 : i32 to index
        %get3A_424 = tpu.vector_load %arg7[%get3A_423] {strides = array<i32>} : memref<10000xi32, #tpu.memory_space<vmem>>, vector<16xi32>,
        %get3A_425 = vector.shape_cast %get3A_424 : vector<16xi32> to vector<16xi32>
        %swap3A_426 = arith.constant 64 : index
        %swap3A_427 = tpu.vector_load %arg13[%swap3A_426] {strides = array<i32>} : memref<80xi32, #tpu.memory_space<vmem>>, vector<16xi32>,
        %swap3A_428 = vector.shape_cast %swap3A_427 : vector<16xi32> to vector<16xi32>
        %swap3A_429 = vector.shape_cast %get3A_425 : vector<16xi32> to vector<16xi32>
        tpu.vector_store %arg13[%swap3A_426], %swap3A_429 {strides = array<i32>} : memref<80xi32, #tpu.memory_space<vmem>>, vector<16xi32>,
        %dma_start3A_430 = arith.constant 0 : i32
        %dma_start3A_431 = arith.constant 0 : i32
        %dma_start3A_432 = tpu.memref_slice %arg11[%dma_start3A_430, %dma_start3A_431] : memref<80x128xf32, #tpu.memory_space<vmem>> -> memref<40x128xf32, #tpu.memory_space<vmem>>
        %dma_start3A_433 = arith.constant 0 : i32
        %dma_start3A_434 = tpu.memref_slice %arg13[%dma_start3A_433] : memref<80xi32, #tpu.memory_space<vmem>> -> memref<40xi32, #tpu.memory_space<vmem>>
        %dma_start3A_435 = arith.constant 0 : i32
        %dma_start3A_436 = arith.constant 0 : i32
        %dma_start3A_437 = tpu.memref_slice %arg2[%dma_start3A_435, %dma_start3A_436] : memref<10000x128xf32, #tpu.memory_space<hbm>> -> memref<10000x128xf32, #tpu.memory_space<hbm>>
        tpu.enqueue_indirect_dma source(%dma_start3A_437 : memref<10000x128xf32, #tpu.memory_space<hbm>>) target(%dma_start3A_432 : memref<40x128xf32, #tpu.memory_space<vmem>>) offsets(%dma_start3A_434 : memref<40xi32, #tpu.memory_space<vmem>>) semaphore(%arg17 : memref<!tpu.dma_semaphore, #tpu.memory_space<semaphore_mem>>)
        %dma_start3A_438 = arith.constant 40 : i32
        %dma_start3A_439 = arith.constant 0 : i32
        %dma_start3A_440 = tpu.memref_slice %arg11[%dma_start3A_438, %dma_start3A_439] : memref<80x128xf32, #tpu.memory_space<vmem>> -> memref<40x128xf32, #tpu.memory_space<vmem>>
        %dma_start3A_441 = arith.constant 40 : i32
        %dma_start3A_442 = tpu.memref_slice %arg13[%dma_start3A_441] : memref<80xi32, #tpu.memory_space<vmem>> -> memref<40xi32, #tpu.memory_space<vmem>>
        %dma_start3A_443 = arith.constant 0 : i32
        %dma_start3A_444 = arith.constant 0 : i32
        %dma_start3A_445 = tpu.memref_slice %arg2[%dma_start3A_443, %dma_start3A_444] : memref<10000x128xf32, #tpu.memory_space<hbm>> -> memref<10000x128xf32, #tpu.memory_space<hbm>>
        tpu.enqueue_indirect_dma source(%dma_start3A_445 : memref<10000x128xf32, #tpu.memory_space<hbm>>) target(%dma_start3A_440 : memref<40x128xf32, #tpu.memory_space<vmem>>) offsets(%dma_start3A_442 : memref<40xi32, #tpu.memory_space<vmem>>) semaphore(%arg17 : memref<!tpu.dma_semaphore, #tpu.memory_space<semaphore_mem>>)
      } else {
      }
      %scan3A_372 = arith.constant 0 : i32
      scf.yield %scan3A_372 : i32
    }
    %scan3A_134 = arith.constant 62 : i32
    %dma_wait3A_135 = arith.constant 0 : i32
    %dma_wait3A_136 = arith.constant 0 : i32
    %dma_wait3A_137 = tpu.memref_slice %arg10[%dma_wait3A_135, %dma_wait3A_136] : memref<80x128xf32, #tpu.memory_space<vmem>> -> memref<40x128xf32, #tpu.memory_space<vmem>>
    %dma_wait3A_138 = arith.constant 0 : i32
    %dma_wait3A_139 = tpu.memref_slice %arg12[%dma_wait3A_138] : memref<80xi32, #tpu.memory_space<vmem>> -> memref<40xi32, #tpu.memory_space<vmem>>
    %dma_wait3A_140 = arith.constant 0 : i32
    %dma_wait3A_141 = arith.constant 0 : i32
    %dma_wait3A_142 = tpu.memref_slice %arg2[%dma_wait3A_140, %dma_wait3A_141] : memref<10000x128xf32, #tpu.memory_space<hbm>> -> memref<10000x128xf32, #tpu.memory_space<hbm>>
    tpu.wait_indirect_dma semaphore(%arg16 : memref<!tpu.dma_semaphore, #tpu.memory_space<semaphore_mem>>) src(%dma_wait3A_142 : memref<10000x128xf32, #tpu.memory_space<hbm>>) dst(%dma_wait3A_137 : memref<40x128xf32, #tpu.memory_space<vmem>>)
    %dma_wait3A_143 = arith.constant 40 : i32
    %dma_wait3A_144 = arith.constant 0 : i32
    %dma_wait3A_145 = tpu.memref_slice %arg10[%dma_wait3A_143, %dma_wait3A_144] : memref<80x128xf32, #tpu.memory_space<vmem>> -> memref<40x128xf32, #tpu.memory_space<vmem>>
    %dma_wait3A_146 = arith.constant 40 : i32
    %dma_wait3A_147 = tpu.memref_slice %arg12[%dma_wait3A_146] : memref<80xi32, #tpu.memory_space<vmem>> -> memref<40xi32, #tpu.memory_space<vmem>>
    %dma_wait3A_148 = arith.constant 0 : i32
    %dma_wait3A_149 = arith.constant 0 : i32
    %dma_wait3A_150 = tpu.memref_slice %arg2[%dma_wait3A_148, %dma_wait3A_149] : memref<10000x128xf32, #tpu.memory_space<hbm>> -> memref<10000x128xf32, #tpu.memory_space<hbm>>
    tpu.wait_indirect_dma semaphore(%arg16 : memref<!tpu.dma_semaphore, #tpu.memory_space<semaphore_mem>>) src(%dma_wait3A_150 : memref<10000x128xf32, #tpu.memory_space<hbm>>) dst(%dma_wait3A_145 : memref<40x128xf32, #tpu.memory_space<vmem>>)
    %get3A_151 = arith.constant 9920 : index
    %get3A_152 = tpu.vector_load %arg8[%get3A_151] {strides = array<i32>} : memref<10000xi32, #tpu.memory_space<vmem>>, vector<16xi32>,
    %get3A_153 = vector.shape_cast %get3A_152 : vector<16xi32> to vector<16xi32>
    %swap3A_154 = arith.constant 0 : index
    %swap3A_155 = tpu.vector_load %arg14[%swap3A_154] {strides = array<i32>} : memref<80xi32, #tpu.memory_space<vmem>>, vector<16xi32>,
    %swap3A_156 = vector.shape_cast %swap3A_155 : vector<16xi32> to vector<16xi32>
    %swap3A_157 = vector.shape_cast %get3A_153 : vector<16xi32> to vector<16xi32>
    tpu.vector_store %arg14[%swap3A_154], %swap3A_157 {strides = array<i32>} : memref<80xi32, #tpu.memory_space<vmem>>, vector<16xi32>,
    %get3A_158 = arith.constant 9936 : index
    %get3A_159 = tpu.vector_load %arg8[%get3A_158] {strides = array<i32>} : memref<10000xi32, #tpu.memory_space<vmem>>, vector<16xi32>,
    %get3A_160 = vector.shape_cast %get3A_159 : vector<16xi32> to vector<16xi32>
    %swap3A_161 = arith.constant 16 : index
    %swap3A_162 = tpu.vector_load %arg14[%swap3A_161] {strides = array<i32>} : memref<80xi32, #tpu.memory_space<vmem>>, vector<16xi32>,
    %swap3A_163 = vector.shape_cast %swap3A_162 : vector<16xi32> to vector<16xi32>
    %swap3A_164 = vector.shape_cast %get3A_160 : vector<16xi32> to vector<16xi32>
    tpu.vector_store %arg14[%swap3A_161], %swap3A_164 {strides = array<i32>} : memref<80xi32, #tpu.memory_space<vmem>>, vector<16xi32>,
    %get3A_165 = arith.constant 9952 : index
    %get3A_166 = tpu.vector_load %arg8[%get3A_165] {strides = array<i32>} : memref<10000xi32, #tpu.memory_space<vmem>>, vector<16xi32>,
    %get3A_167 = vector.shape_cast %get3A_166 : vector<16xi32> to vector<16xi32>
    %swap3A_168 = arith.constant 32 : index
    %swap3A_169 = tpu.vector_load %arg14[%swap3A_168] {strides = array<i32>} : memref<80xi32, #tpu.memory_space<vmem>>, vector<16xi32>,
    %swap3A_170 = vector.shape_cast %swap3A_169 : vector<16xi32> to vector<16xi32>
    %swap3A_171 = vector.shape_cast %get3A_167 : vector<16xi32> to vector<16xi32>
    tpu.vector_store %arg14[%swap3A_168], %swap3A_171 {strides = array<i32>} : memref<80xi32, #tpu.memory_space<vmem>>, vector<16xi32>,
    %get3A_172 = arith.constant 9968 : index
    %get3A_173 = tpu.vector_load %arg8[%get3A_172] {strides = array<i32>} : memref<10000xi32, #tpu.memory_space<vmem>>, vector<16xi32>,
    %get3A_174 = vector.shape_cast %get3A_173 : vector<16xi32> to vector<16xi32>
    %swap3A_175 = arith.constant 48 : index
    %swap3A_176 = tpu.vector_load %arg14[%swap3A_175] {strides = array<i32>} : memref<80xi32, #tpu.memory_space<vmem>>, vector<16xi32>,
    %swap3A_177 = vector.shape_cast %swap3A_176 : vector<16xi32> to vector<16xi32>
    %swap3A_178 = vector.shape_cast %get3A_174 : vector<16xi32> to vector<16xi32>
    tpu.vector_store %arg14[%swap3A_175], %swap3A_178 {strides = array<i32>} : memref<80xi32, #tpu.memory_space<vmem>>, vector<16xi32>,
    %get3A_179 = arith.constant 9984 : index
    %get3A_180 = tpu.vector_load %arg8[%get3A_179] {strides = array<i32>} : memref<10000xi32, #tpu.memory_space<vmem>>, vector<16xi32>,
    %get3A_181 = vector.shape_cast %get3A_180 : vector<16xi32> to vector<16xi32>
    %swap3A_182 = arith.constant 64 : index
    %swap3A_183 = tpu.vector_load %arg14[%swap3A_182] {strides = array<i32>} : memref<80xi32, #tpu.memory_space<vmem>>, vector<16xi32>,
    %swap3A_184 = vector.shape_cast %swap3A_183 : vector<16xi32> to vector<16xi32>
    %swap3A_185 = vector.shape_cast %get3A_181 : vector<16xi32> to vector<16xi32>
    tpu.vector_store %arg14[%swap3A_182], %swap3A_185 {strides = array<i32>} : memref<80xi32, #tpu.memory_space<vmem>>, vector<16xi32>,
    %dma_start3A_186 = arith.constant 0 : i32
    %dma_start3A_187 = arith.constant 0 : i32
    %dma_start3A_188 = tpu.memref_slice %arg9[%dma_start3A_186, %dma_start3A_187] : memref<10240x128xf32, #tpu.memory_space<vmem_shared>> -> memref<10240x128xf32, #tpu.memory_space<vmem_shared>>
    tpu.enqueue_indirect_dma source(%arg10 : memref<80x128xf32, #tpu.memory_space<vmem>>) target(%dma_start3A_188 : memref<10240x128xf32, #tpu.memory_space<vmem_shared>>) offsets(%arg14 : memref<80xi32, #tpu.memory_space<vmem>>) semaphore(%arg18 : memref<!tpu.dma_semaphore, #tpu.memory_space<semaphore_mem>>) {add = true}
    %dma_wait3A_189 = arith.constant 0 : i32
    %dma_wait3A_190 = arith.constant 0 : i32
    %dma_wait3A_191 = tpu.memref_slice %arg9[%dma_wait3A_189, %dma_wait3A_190] : memref<10240x128xf32, #tpu.memory_space<vmem_shared>> -> memref<10240x128xf32, #tpu.memory_space<vmem_shared>>
    tpu.wait_indirect_dma semaphore(%arg18 : memref<!tpu.dma_semaphore, #tpu.memory_space<semaphore_mem>>) src(%arg10 : memref<80x128xf32, #tpu.memory_space<vmem>>) dst(%dma_wait3A_191 : memref<10240x128xf32, #tpu.memory_space<vmem_shared>>)
    %barrier3A_192 = arith.constant 0 : index
    tpu.barrier barrier_id(%barrier3A_192)
    %mul3A_193 = arith.constant 640 : i32
    %mul3A_194 = arith.muli %arg1, %mul3A_193 : i32
    %mul3A_195 = arith.constant 640 : i32
    %mul3A_196 = arith.muli %arg1, %mul3A_195 : i32
    "tpu.region"() ({
      %run_scoped3A = tpu.sem_alloc : memref<!tpu.dma_semaphore, #tpu.memory_space<semaphore_mem>>
      %dma_start3A_197 = arith.constant 0 : i32
      %dma_start3A_198 = tpu.memref_slice %arg6[%arg0, %mul3A_196, %dma_start3A_197] : memref<2x10240x128xf32, #tpu.memory_space<hbm>> -> memref<1x640x128xf32, #tpu.memory_space<hbm>>
      %dma_start3A_199 = tpu.memref_squeeze %dma_start3A_198 : memref<1x640x128xf32, #tpu.memory_space<hbm>> -> memref<640x128xf32, #tpu.memory_space<hbm>>
      %dma_start3A_200 = arith.constant 0 : i32
      %dma_start3A_201 = tpu.memref_slice %arg9[%mul3A_194, %dma_start3A_200] : memref<10240x128xf32, #tpu.memory_space<vmem_shared>> -> memref<640x128xf32, #tpu.memory_space<vmem_shared>>
      tpu.enqueue_dma source(%dma_start3A_201 : memref<640x128xf32, #tpu.memory_space<vmem_shared>>) target(%dma_start3A_199 : memref<640x128xf32, #tpu.memory_space<hbm>>) target_semaphore(%run_scoped3A : memref<!tpu.dma_semaphore, #tpu.memory_space<semaphore_mem>>)
      %dma_wait3A_202 = arith.constant 0 : i32
      %dma_wait3A_203 = tpu.memref_slice %arg6[%arg0, %mul3A_196, %dma_wait3A_202] : memref<2x10240x128xf32, #tpu.memory_space<hbm>> -> memref<1x640x128xf32, #tpu.memory_space<hbm>>
      %dma_wait3A_204 = tpu.memref_squeeze %dma_wait3A_203 : memref<1x640x128xf32, #tpu.memory_space<hbm>> -> memref<640x128xf32, #tpu.memory_space<hbm>>
      %dma_wait3A_205 = arith.constant 0 : i32
      %dma_wait3A_206 = tpu.memref_slice %arg9[%mul3A_194, %dma_wait3A_205] : memref<10240x128xf32, #tpu.memory_space<vmem_shared>> -> memref<640x128xf32, #tpu.memory_space<vmem_shared>>
      tpu.wait_dma2 semaphore(%run_scoped3A : memref<!tpu.dma_semaphore, #tpu.memory_space<semaphore_mem>>) src(%dma_wait3A_206 : memref<640x128xf32, #tpu.memory_space<vmem_shared>>) dst(%dma_wait3A_204 : memref<640x128xf32, #tpu.memory_space<hbm>>)
      tpu.yield
    }) : () -> ()
    return
  }
}

module attributes {stable_mosaic.version = 14 : i64} {
  func.func @_tc_h1_body(%arg0: i32, %arg1: memref<2000x128xf32, #tpu.memory_space<vmem>>, %arg2: memref<128x128xf32, #tpu.memory_space<vmem>>, %arg3: memref<1x128xf32, #tpu.memory_space<vmem>>, %arg4: memref<2000x128xf32, #tpu.memory_space<vmem>>) attributes {dimension_semantics = [#tpu.dimension_semantics<arbitrary>], iteration_bounds = array<i64: 5>, scalar_prefetch = 0 : i64, scratch_operands = 0 : i64, tpu.core_type = #tpu.core_type<tc>, window_params = [{transform_indices = @transform_0, window_bounds = array<i64: 2000, 128>}, {pipeline_mode = #tpu.pipeline_mode<synchronous>, transform_indices = @transform_1, window_bounds = array<i64: 128, 128>}, {pipeline_mode = #tpu.pipeline_mode<synchronous>, transform_indices = @transform_2, window_bounds = array<i64: 1, 128>}, {transform_indices = @transform_3, window_bounds = array<i64: 2000, 128>}]} {
    %get3A = arith.constant 0 : index
    %get3A_0 = arith.constant 0 : index
    %get3A_1 = vector.load %arg1[%get3A, %get3A_0] : memref<2000x128xf32, #tpu.memory_space<vmem>>, vector<2000x128xf32>
    %get3A_2 = arith.constant 0 : index
    %get3A_3 = arith.constant 0 : index
    %get3A_4 = vector.load %arg2[%get3A_2, %get3A_3] : memref<128x128xf32, #tpu.memory_space<vmem>>, vector<128x128xf32>
    %dot_general3A = arith.constant dense<0.000000e+00> : vector<2000x128xf32>
    %dot_general3A_5 = tpu.matmul %get3A_1, %get3A_4, %dot_general3A {dimension_numbers = #tpu.dot_dimension_numbers<[1], [0], [0], [1], [0, 0, 1, 1], [], []>, transpose_lhs_hint = false} : vector<2000x128xf32>, vector<128x128xf32>, vector<2000x128xf32> -> vector<2000x128xf32>
    %get3A_6 = arith.constant 0 : index
    %get3A_7 = arith.constant 0 : index
    %get3A_8 = vector.load %arg3[%get3A_6, %get3A_7] : memref<1x128xf32, #tpu.memory_space<vmem>>, vector<1x128xf32>
    %add3A = vector.broadcast %get3A_8 : vector<1x128xf32> to vector<2000x128xf32>
    %add3A_9 = arith.addf %dot_general3A_5, %add3A : vector<2000x128xf32>
    %max3A = arith.constant 0.000000e+00 : f32
    %max3A_10 = vector.broadcast %max3A : f32 to vector<2000x128xf32>
    %max3A_11 = arith.maximumf %add3A_9, %max3A_10 : vector<2000x128xf32>
    %swap3A = arith.constant 0 : index
    %swap3A_12 = arith.constant 0 : index
    %swap3A_13 = vector.load %arg4[%swap3A, %swap3A_12] : memref<2000x128xf32, #tpu.memory_space<vmem>>, vector<2000x128xf32>
    tpu.vector_store %arg4[%swap3A, %swap3A_12], %max3A_11 {strides = array<i32>} : memref<2000x128xf32, #tpu.memory_space<vmem>>, vector<2000x128xf32>,
    return
  }
  func.func @transform_0(%arg0: i32) -> (i32, i32) {
    %c0_i32 = arith.constant 0 : i32
    %c0_i32_0 = arith.constant 0 : i32
    return %arg0, %c0_i32 : i32, i32
  }
  func.func @transform_1(%arg0: i32) -> (i32, i32) {
    %c0_i32 = arith.constant 0 : i32
    %c0_i32_0 = arith.constant 0 : i32
    %c0_i32_1 = arith.constant 0 : i32
    return %c0_i32, %c0_i32_0 : i32, i32
  }
  func.func @transform_2(%arg0: i32) -> (i32, i32) {
    %c0_i32 = arith.constant 0 : i32
    %c0_i32_0 = arith.constant 0 : i32
    %c0_i32_1 = arith.constant 0 : i32
    return %c0_i32, %c0_i32_0 : i32, i32
  }
  func.func @transform_3(%arg0: i32) -> (i32, i32) {
    %c0_i32 = arith.constant 0 : i32
    %c0_i32_0 = arith.constant 0 : i32
    return %arg0, %c0_i32 : i32, i32
  }
}

module attributes {stable_mosaic.version = 14 : i64} {
  func.func @_tc_s1_body(%arg0: i32, %arg1: memref<2000x128xf32, #tpu.memory_space<vmem>>, %arg2: memref<2x2x2000x1xf32, #tpu.memory_space<vmem>>, %arg3: memref<128x128xf32, #tpu.memory_space<vmem>>, %arg4: memref<2000x128xf32, #tpu.memory_space<vmem>>) attributes {dimension_semantics = [#tpu.dimension_semantics<arbitrary>], iteration_bounds = array<i64: 5>, scalar_prefetch = 0 : i64, scratch_operands = 0 : i64, tpu.core_type = #tpu.core_type<tc>, window_params = [{transform_indices = @transform_0, window_bounds = array<i64: 2000, 128>}, {transform_indices = @transform_1, window_bounds = array<i64: 2, 2, 2000, 1>}, {pipeline_mode = #tpu.pipeline_mode<synchronous>, transform_indices = @transform_2, window_bounds = array<i64: 128, 128>}, {transform_indices = @transform_3, window_bounds = array<i64: 2000, 128>}]} {
    %get3A = arith.constant 0 : index
    %get3A_0 = arith.constant 0 : index
    %get3A_1 = arith.constant 0 : index
    %get3A_2 = arith.constant 0 : index
    %get3A_3 = vector.load %arg2[%get3A, %get3A_0, %get3A_1, %get3A_2] : memref<2x2x2000x1xf32, #tpu.memory_space<vmem>>, vector<2x2x2000x1xf32>
    %slice3A = vector.extract_strided_slice %get3A_3 {offsets = [0, 0, 0, 0], sizes = [1, 1, 2000, 1], strides = [1, 1, 1, 1]} : vector<2x2x2000x1xf32> to vector<1x1x2000x1xf32>
    %squeeze3A = vector.shape_cast %slice3A : vector<1x1x2000x1xf32> to vector<2000x1xf32>
    %slice3A_4 = vector.extract_strided_slice %get3A_3 {offsets = [1, 0, 0, 0], sizes = [1, 1, 2000, 1], strides = [1, 1, 1, 1]} : vector<2x2x2000x1xf32> to vector<1x1x2000x1xf32>
    %squeeze3A_5 = vector.shape_cast %slice3A_4 : vector<1x1x2000x1xf32> to vector<2000x1xf32>
    %add3A = arith.addf %squeeze3A, %squeeze3A_5 : vector<2000x1xf32>
    %jit3A = arith.constant 1.000000e+00 : f32
    %max3A = vector.broadcast %jit3A : f32 to vector<2000x1xf32>
    %max3A_6 = arith.maximumf %max3A, %add3A : vector<2000x1xf32>
    %rsqrt3A = math.rsqrt %max3A_6 : vector<2000x1xf32>
    %get3A_7 = arith.constant 0 : index
    %get3A_8 = arith.constant 0 : index
    %get3A_9 = vector.load %arg1[%get3A_7, %get3A_8] : memref<2000x128xf32, #tpu.memory_space<vmem>>, vector<2000x128xf32>
    %mul3A = vector.broadcast %rsqrt3A : vector<2000x1xf32> to vector<2000x128xf32>
    %mul3A_10 = arith.mulf %get3A_9, %mul3A : vector<2000x128xf32>
    %get3A_11 = arith.constant 0 : index
    %get3A_12 = arith.constant 0 : index
    %get3A_13 = vector.load %arg3[%get3A_11, %get3A_12] : memref<128x128xf32, #tpu.memory_space<vmem>>, vector<128x128xf32>
    %dot_general3A = arith.constant dense<0.000000e+00> : vector<2000x128xf32>
    %dot_general3A_14 = tpu.matmul %mul3A_10, %get3A_13, %dot_general3A {dimension_numbers = #tpu.dot_dimension_numbers<[1], [0], [0], [1], [0, 0, 1, 1], [], []>, transpose_lhs_hint = false} : vector<2000x128xf32>, vector<128x128xf32>, vector<2000x128xf32> -> vector<2000x128xf32>
    %swap3A = arith.constant 0 : index
    %swap3A_15 = arith.constant 0 : index
    %swap3A_16 = vector.load %arg4[%swap3A, %swap3A_15] : memref<2000x128xf32, #tpu.memory_space<vmem>>, vector<2000x128xf32>
    tpu.vector_store %arg4[%swap3A, %swap3A_15], %dot_general3A_14 {strides = array<i32>} : memref<2000x128xf32, #tpu.memory_space<vmem>>, vector<2000x128xf32>,
    return
  }
  func.func @transform_0(%arg0: i32) -> (i32, i32) {
    %c0_i32 = arith.constant 0 : i32
    %c0_i32_0 = arith.constant 0 : i32
    return %arg0, %c0_i32 : i32, i32
  }
  func.func @transform_1(%arg0: i32) -> (i32, i32, i32, i32) {
    %c0_i32 = arith.constant 0 : i32
    %c0_i32_0 = arith.constant 0 : i32
    %c0_i32_1 = arith.constant 0 : i32
    %c0_i32_2 = arith.constant 0 : i32
    return %c0_i32, %c0_i32_0, %arg0, %c0_i32_1 : i32, i32, i32, i32
  }
  func.func @transform_2(%arg0: i32) -> (i32, i32) {
    %c0_i32 = arith.constant 0 : i32
    %c0_i32_0 = arith.constant 0 : i32
    %c0_i32_1 = arith.constant 0 : i32
    return %c0_i32, %c0_i32_0 : i32, i32
  }
  func.func @transform_3(%arg0: i32) -> (i32, i32) {
    %c0_i32 = arith.constant 0 : i32
    %c0_i32_0 = arith.constant 0 : i32
    return %arg0, %c0_i32 : i32, i32
  }
}

module attributes {stable_mosaic.version = 14 : i64} {
  func.func @_tc_mid_body(%arg0: i32, %arg1: memref<2x2000x128xf32, #tpu.memory_space<vmem>>, %arg2: memref<2x2x2000x1xf32, #tpu.memory_space<vmem>>, %arg3: memref<1x128xf32, #tpu.memory_space<vmem>>, %arg4: memref<128x128xf32, #tpu.memory_space<vmem>>, %arg5: memref<2000x128xf32, #tpu.memory_space<vmem>>) attributes {dimension_semantics = [#tpu.dimension_semantics<arbitrary>], iteration_bounds = array<i64: 5>, scalar_prefetch = 0 : i64, scratch_operands = 0 : i64, tpu.core_type = #tpu.core_type<tc>, window_params = [{transform_indices = @transform_0, window_bounds = array<i64: 2, 2000, 128>}, {transform_indices = @transform_1, window_bounds = array<i64: 2, 2, 2000, 1>}, {pipeline_mode = #tpu.pipeline_mode<synchronous>, transform_indices = @transform_2, window_bounds = array<i64: 1, 128>}, {pipeline_mode = #tpu.pipeline_mode<synchronous>, transform_indices = @transform_3, window_bounds = array<i64: 128, 128>}, {transform_indices = @transform_4, window_bounds = array<i64: 2000, 128>}]} {
    %get3A = arith.constant 0 : index
    %get3A_0 = arith.constant 0 : index
    %get3A_1 = arith.constant 0 : index
    %get3A_2 = vector.load %arg1[%get3A, %get3A_0, %get3A_1] : memref<2x2000x128xf32, #tpu.memory_space<vmem>>, vector<1x2000x128xf32>
    %get3A_3 = vector.shape_cast %get3A_2 : vector<1x2000x128xf32> to vector<2000x128xf32>
    %get3A_4 = arith.constant 1 : index
    %get3A_5 = arith.constant 0 : index
    %get3A_6 = arith.constant 0 : index
    %get3A_7 = vector.load %arg1[%get3A_4, %get3A_5, %get3A_6] : memref<2x2000x128xf32, #tpu.memory_space<vmem>>, vector<1x2000x128xf32>
    %get3A_8 = vector.shape_cast %get3A_7 : vector<1x2000x128xf32> to vector<2000x128xf32>
    %add3A = arith.addf %get3A_3, %get3A_8 : vector<2000x128xf32>
    %get3A_9 = arith.constant 0 : index
    %get3A_10 = arith.constant 0 : index
    %get3A_11 = arith.constant 0 : index
    %get3A_12 = arith.constant 0 : index
    %get3A_13 = vector.load %arg2[%get3A_9, %get3A_10, %get3A_11, %get3A_12] : memref<2x2x2000x1xf32, #tpu.memory_space<vmem>>, vector<2x2x2000x1xf32>
    %slice3A = vector.extract_strided_slice %get3A_13 {offsets = [0, 0, 0, 0], sizes = [1, 1, 2000, 1], strides = [1, 1, 1, 1]} : vector<2x2x2000x1xf32> to vector<1x1x2000x1xf32>
    %squeeze3A = vector.shape_cast %slice3A : vector<1x1x2000x1xf32> to vector<2000x1xf32>
    %slice3A_14 = vector.extract_strided_slice %get3A_13 {offsets = [1, 0, 0, 0], sizes = [1, 1, 2000, 1], strides = [1, 1, 1, 1]} : vector<2x2x2000x1xf32> to vector<1x1x2000x1xf32>
    %squeeze3A_15 = vector.shape_cast %slice3A_14 : vector<1x1x2000x1xf32> to vector<2000x1xf32>
    %add3A_16 = arith.addf %squeeze3A, %squeeze3A_15 : vector<2000x1xf32>
    %jit3A = arith.constant 1.000000e+00 : f32
    %max3A = vector.broadcast %jit3A : f32 to vector<2000x1xf32>
    %max3A_17 = arith.maximumf %max3A, %add3A_16 : vector<2000x1xf32>
    %rsqrt3A = math.rsqrt %max3A_17 : vector<2000x1xf32>
    %slice3A_18 = vector.extract_strided_slice %get3A_13 {offsets = [0, 1, 0, 0], sizes = [1, 1, 2000, 1], strides = [1, 1, 1, 1]} : vector<2x2x2000x1xf32> to vector<1x1x2000x1xf32>
    %squeeze3A_19 = vector.shape_cast %slice3A_18 : vector<1x1x2000x1xf32> to vector<2000x1xf32>
    %slice3A_20 = vector.extract_strided_slice %get3A_13 {offsets = [1, 1, 0, 0], sizes = [1, 1, 2000, 1], strides = [1, 1, 1, 1]} : vector<2x2x2000x1xf32> to vector<1x1x2000x1xf32>
    %squeeze3A_21 = vector.shape_cast %slice3A_20 : vector<1x1x2000x1xf32> to vector<2000x1xf32>
    %add3A_22 = arith.addf %squeeze3A_19, %squeeze3A_21 : vector<2000x1xf32>
    %jit3A_23 = arith.constant 1.000000e+00 : f32
    %max3A_24 = vector.broadcast %jit3A_23 : f32 to vector<2000x1xf32>
    %max3A_25 = arith.maximumf %max3A_24, %add3A_22 : vector<2000x1xf32>
    %rsqrt3A_26 = math.rsqrt %max3A_25 : vector<2000x1xf32>
    %mul3A = vector.broadcast %rsqrt3A_26 : vector<2000x1xf32> to vector<2000x128xf32>
    %mul3A_27 = arith.mulf %add3A, %mul3A : vector<2000x128xf32>
    %get3A_28 = arith.constant 0 : index
    %get3A_29 = arith.constant 0 : index
    %get3A_30 = vector.load %arg3[%get3A_28, %get3A_29] : memref<1x128xf32, #tpu.memory_space<vmem>>, vector<1x128xf32>
    %add3A_31 = vector.broadcast %get3A_30 : vector<1x128xf32> to vector<2000x128xf32>
    %add3A_32 = arith.addf %mul3A_27, %add3A_31 : vector<2000x128xf32>
    %max3A_33 = arith.constant 0.000000e+00 : f32
    %max3A_34 = vector.broadcast %max3A_33 : f32 to vector<2000x128xf32>
    %max3A_35 = arith.maximumf %add3A_32, %max3A_34 : vector<2000x128xf32>
    %mul3A_36 = vector.broadcast %rsqrt3A : vector<2000x1xf32> to vector<2000x128xf32>
    %mul3A_37 = arith.mulf %max3A_35, %mul3A_36 : vector<2000x128xf32>
    %get3A_38 = arith.constant 0 : index
    %get3A_39 = arith.constant 0 : index
    %get3A_40 = vector.load %arg4[%get3A_38, %get3A_39] : memref<128x128xf32, #tpu.memory_space<vmem>>, vector<128x128xf32>
    %dot_general3A = arith.constant dense<0.000000e+00> : vector<2000x128xf32>
    %dot_general3A_41 = tpu.matmul %mul3A_37, %get3A_40, %dot_general3A {dimension_numbers = #tpu.dot_dimension_numbers<[1], [0], [0], [1], [0, 0, 1, 1], [], []>, transpose_lhs_hint = false} : vector<2000x128xf32>, vector<128x128xf32>, vector<2000x128xf32> -> vector<2000x128xf32>
    %swap3A = arith.constant 0 : index
    %swap3A_42 = arith.constant 0 : index
    %swap3A_43 = vector.load %arg5[%swap3A, %swap3A_42] : memref<2000x128xf32, #tpu.memory_space<vmem>>, vector<2000x128xf32>
    tpu.vector_store %arg5[%swap3A, %swap3A_42], %dot_general3A_41 {strides = array<i32>} : memref<2000x128xf32, #tpu.memory_space<vmem>>, vector<2000x128xf32>,
    return
  }
  func.func @transform_0(%arg0: i32) -> (i32, i32, i32) {
    %c0_i32 = arith.constant 0 : i32
    %c0_i32_0 = arith.constant 0 : i32
    %c0_i32_1 = arith.constant 0 : i32
    return %c0_i32, %arg0, %c0_i32_0 : i32, i32, i32
  }
  func.func @transform_1(%arg0: i32) -> (i32, i32, i32, i32) {
    %c0_i32 = arith.constant 0 : i32
    %c0_i32_0 = arith.constant 0 : i32
    %c0_i32_1 = arith.constant 0 : i32
    %c0_i32_2 = arith.constant 0 : i32
    return %c0_i32, %c0_i32_0, %arg0, %c0_i32_1 : i32, i32, i32, i32
  }
  func.func @transform_2(%arg0: i32) -> (i32, i32) {
    %c0_i32 = arith.constant 0 : i32
    %c0_i32_0 = arith.constant 0 : i32
    %c0_i32_1 = arith.constant 0 : i32
    return %c0_i32, %c0_i32_0 : i32, i32
  }
  func.func @transform_3(%arg0: i32) -> (i32, i32) {
    %c0_i32 = arith.constant 0 : i32
    %c0_i32_0 = arith.constant 0 : i32
    %c0_i32_1 = arith.constant 0 : i32
    return %c0_i32, %c0_i32_0 : i32, i32
  }
  func.func @transform_4(%arg0: i32) -> (i32, i32) {
    %c0_i32 = arith.constant 0 : i32
    %c0_i32_0 = arith.constant 0 : i32
    return %arg0, %c0_i32 : i32, i32
  }
}

module attributes {stable_mosaic.version = 14 : i64} {
  func.func @_tc_out_body(%arg0: i32, %arg1: memref<2x10000x128xf32, #tpu.memory_space<vmem>>, %arg2: memref<2x2x10000x1xf32, #tpu.memory_space<vmem>>, %arg3: memref<1x128xf32, #tpu.memory_space<vmem>>, %arg4: memref<128x10xf32, #tpu.memory_space<vmem>>, %arg5: memref<1x10xf32, #tpu.memory_space<vmem>>, %arg6: memref<1x10xf32, #tpu.memory_space<vmem>>) attributes {dimension_semantics = [#tpu.dimension_semantics<arbitrary>], iteration_bounds = array<i64: 1>, scalar_prefetch = 0 : i64, scratch_operands = 0 : i64, tpu.core_type = #tpu.core_type<tc>, window_params = [{transform_indices = @transform_0, window_bounds = array<i64: 2, 10000, 128>}, {transform_indices = @transform_1, window_bounds = array<i64: 2, 2, 10000, 1>}, {pipeline_mode = #tpu.pipeline_mode<synchronous>, transform_indices = @transform_2, window_bounds = array<i64: 1, 128>}, {pipeline_mode = #tpu.pipeline_mode<synchronous>, transform_indices = @transform_3, window_bounds = array<i64: 128, 10>}, {pipeline_mode = #tpu.pipeline_mode<synchronous>, transform_indices = @transform_4, window_bounds = array<i64: 1, 10>}, {pipeline_mode = #tpu.pipeline_mode<synchronous>, transform_indices = @transform_5, window_bounds = array<i64: 1, 10>}]} {
    %get3A = arith.constant 0 : index
    %get3A_0 = arith.constant 0 : index
    %get3A_1 = arith.constant 0 : index
    %get3A_2 = vector.load %arg1[%get3A, %get3A_0, %get3A_1] : memref<2x10000x128xf32, #tpu.memory_space<vmem>>, vector<1x10000x128xf32>
    %get3A_3 = vector.shape_cast %get3A_2 : vector<1x10000x128xf32> to vector<10000x128xf32>
    %get3A_4 = arith.constant 1 : index
    %get3A_5 = arith.constant 0 : index
    %get3A_6 = arith.constant 0 : index
    %get3A_7 = vector.load %arg1[%get3A_4, %get3A_5, %get3A_6] : memref<2x10000x128xf32, #tpu.memory_space<vmem>>, vector<1x10000x128xf32>
    %get3A_8 = vector.shape_cast %get3A_7 : vector<1x10000x128xf32> to vector<10000x128xf32>
    %add3A = arith.addf %get3A_3, %get3A_8 : vector<10000x128xf32>
    %get3A_9 = arith.constant 0 : index
    %get3A_10 = arith.constant 1 : index
    %get3A_11 = arith.constant 0 : index
    %get3A_12 = arith.constant 0 : index
    %get3A_13 = vector.load %arg2[%get3A_9, %get3A_10, %get3A_11, %get3A_12] : memref<2x2x10000x1xf32, #tpu.memory_space<vmem>>, vector<1x1x10000x1xf32>
    %get3A_14 = vector.shape_cast %get3A_13 : vector<1x1x10000x1xf32> to vector<10000x1xf32>
    %get3A_15 = arith.constant 1 : index
    %get3A_16 = arith.constant 1 : index
    %get3A_17 = arith.constant 0 : index
    %get3A_18 = arith.constant 0 : index
    %get3A_19 = vector.load %arg2[%get3A_15, %get3A_16, %get3A_17, %get3A_18] : memref<2x2x10000x1xf32, #tpu.memory_space<vmem>>, vector<1x1x10000x1xf32>
    %get3A_20 = vector.shape_cast %get3A_19 : vector<1x1x10000x1xf32> to vector<10000x1xf32>
    %add3A_21 = arith.addf %get3A_14, %get3A_20 : vector<10000x1xf32>
    %jit3A = arith.constant 1.000000e+00 : f32
    %max3A = vector.broadcast %jit3A : f32 to vector<10000x1xf32>
    %max3A_22 = arith.maximumf %max3A, %add3A_21 : vector<10000x1xf32>
    %rsqrt3A = math.rsqrt %max3A_22 : vector<10000x1xf32>
    %mul3A = vector.broadcast %rsqrt3A : vector<10000x1xf32> to vector<10000x128xf32>
    %mul3A_23 = arith.mulf %add3A, %mul3A : vector<10000x128xf32>
    %get3A_24 = arith.constant 0 : index
    %get3A_25 = arith.constant 0 : index
    %get3A_26 = vector.load %arg3[%get3A_24, %get3A_25] : memref<1x128xf32, #tpu.memory_space<vmem>>, vector<1x128xf32>
    %add3A_27 = vector.broadcast %get3A_26 : vector<1x128xf32> to vector<10000x128xf32>
    %add3A_28 = arith.addf %mul3A_23, %add3A_27 : vector<10000x128xf32>
    %max3A_29 = arith.constant 0.000000e+00 : f32
    %max3A_30 = vector.broadcast %max3A_29 : f32 to vector<10000x128xf32>
    %max3A_31 = arith.maximumf %add3A_28, %max3A_30 : vector<10000x128xf32>
    %reduce_sum3A = arith.constant dense<0.000000e+00> : vector<128xf32>
    %reduce_sum3A_32 = vector.multi_reduction <add>, %max3A_31, %reduce_sum3A [0] : vector<10000x128xf32> to vector<128xf32>
    %broadcast_in_dim3A = vector.shape_cast %reduce_sum3A_32 : vector<128xf32> to vector<1x128xf32>
    %mul3A_33 = arith.constant 9.99999974E-5 : f32
    %mul3A_34 = vector.broadcast %mul3A_33 : f32 to vector<1x128xf32>
    %mul3A_35 = arith.mulf %broadcast_in_dim3A, %mul3A_34 : vector<1x128xf32>
    %get3A_36 = arith.constant 0 : index
    %get3A_37 = arith.constant 0 : index
    %get3A_38 = vector.load %arg4[%get3A_36, %get3A_37] : memref<128x10xf32, #tpu.memory_space<vmem>>, vector<128x10xf32>
    %dot_general3A = arith.constant dense<0.000000e+00> : vector<1x10xf32>
    %dot_general3A_39 = tpu.matmul %mul3A_35, %get3A_38, %dot_general3A {dimension_numbers = #tpu.dot_dimension_numbers<[1], [0], [0], [1], [0, 0, 1, 1], [], []>, transpose_lhs_hint = false} : vector<1x128xf32>, vector<128x10xf32>, vector<1x10xf32> -> vector<1x10xf32>
    %get3A_40 = arith.constant 0 : index
    %get3A_41 = arith.constant 0 : index
    %get3A_42 = vector.load %arg5[%get3A_40, %get3A_41] : memref<1x10xf32, #tpu.memory_space<vmem>>, vector<1x10xf32>
    %add3A_43 = arith.addf %dot_general3A_39, %get3A_42 : vector<1x10xf32>
    %swap3A = arith.constant 0 : index
    %swap3A_44 = arith.constant 0 : index
    %swap3A_45 = vector.load %arg6[%swap3A, %swap3A_44] : memref<1x10xf32, #tpu.memory_space<vmem>>, vector<1x10xf32>
    tpu.vector_store %arg6[%swap3A, %swap3A_44], %add3A_43 {strides = array<i32>} : memref<1x10xf32, #tpu.memory_space<vmem>>, vector<1x10xf32>,
    return
  }
  func.func @transform_0(%arg0: i32) -> (i32, i32, i32) {
    %c0_i32 = arith.constant 0 : i32
    %c0_i32_0 = arith.constant 0 : i32
    %c0_i32_1 = arith.constant 0 : i32
    %c0_i32_2 = arith.constant 0 : i32
    return %c0_i32, %c0_i32_0, %c0_i32_1 : i32, i32, i32
  }
  func.func @transform_1(%arg0: i32) -> (i32, i32, i32, i32) {
    %c0_i32 = arith.constant 0 : i32
    %c0_i32_0 = arith.constant 0 : i32
    %c0_i32_1 = arith.constant 0 : i32
    %c0_i32_2 = arith.constant 0 : i32
    %c0_i32_3 = arith.constant 0 : i32
    return %c0_i32, %c0_i32_0, %c0_i32_1, %c0_i32_2 : i32, i32, i32, i32
  }
  func.func @transform_2(%arg0: i32) -> (i32, i32) {
    %c0_i32 = arith.constant 0 : i32
    %c0_i32_0 = arith.constant 0 : i32
    %c0_i32_1 = arith.constant 0 : i32
    return %c0_i32, %c0_i32_0 : i32, i32
  }
  func.func @transform_3(%arg0: i32) -> (i32, i32) {
    %c0_i32 = arith.constant 0 : i32
    %c0_i32_0 = arith.constant 0 : i32
    %c0_i32_1 = arith.constant 0 : i32
    return %c0_i32, %c0_i32_0 : i32, i32
  }
  func.func @transform_4(%arg0: i32) -> (i32, i32) {
    %c0_i32 = arith.constant 0 : i32
    %c0_i32_0 = arith.constant 0 : i32
    %c0_i32_1 = arith.constant 0 : i32
    return %c0_i32, %c0_i32_0 : i32, i32
  }
  func.func @transform_5(%arg0: i32) -> (i32, i32) {
    %c0_i32 = arith.constant 0 : i32
    %c0_i32_0 = arith.constant 0 : i32
    %c0_i32_1 = arith.constant 0 : i32
    return %c0_i32, %c0_i32_0 : i32, i32
  }
}

</mosaic_0001>

<sc_bundles>
// kernel: kernel.11.cloned.1.call-start
scs
__scs_entry_jumppad:
0x0: {  	(pc) =	sbr.rel $0x88, $3  }
0x1: {  	(tag) =	ssettag $0x0;
	lr =	simm.s32 $0x1  }
0x2: {  	[smem:$0x3F95] =	sst lr;
	_ =	strace $0xD0000000  }
0x3: {  	_ = 	snop  }
0x4: {  	_ = 	snop  }
0x5: {  	_ = 	snop  }
0x6: {  	_ = 	snop  }
0x7: {  	_ = 	snop  }
__scs_overlays_trampoline_lowered:
0x8: {  	[smem:$0x3FA4] =	sst s0  }
0x9: {  	[smem:$0x3FA5] =	sst s1  }
0xa: {  	[smem:$0x3FA6] =	sst s2  }
0xb: {  	[smem:$0x3FA7] =	sst s3  }
0xc: {  	[smem:$0x3FA8] =	sst s4  }
0xd: {  	[smem:$0x3FA9] =	sst s5  }
0xe: {  	[smem:$0x3FAA] =	sst s6  }
0xf: {  	[smem:$0x3FAB] =	sst s7  }
0x10: {  	[smem:$0x3FAC] =	sst s8  }
0x11: {  	[smem:$0x3FAD] =	sst s9;
	s0 =	simm.s32 @!p0 $0x0  }
0x12: {  	s1 =	sld [smem:$0x3F93];
	s0 =	simm.s32 @p0 $0x1  }
0x13: {  	[smem:$0x3FAE] =	sst s0;
	s0 =	simm.s32 @!p1 $0x0  }
0x14: {  	s2 =	sld [smem:$0x3F92];
	s0 =	simm.s32 @p1 $0x1  }
0x15: {  	[smem:$0x3FAF] =	sst s0;
	s0 =	simm.s32 @!p2 $0x0  }
0x16: {  	s3 =	sld [smem:$0x3FDB];
	s0 =	simm.s32 @p2 $0x1  }
0x17: {  	s4 =	simm.s32 $0x1BF5;
	[smem:$0x3FB1] =	sst s0  }
0x18: {  	s0 =	sld [smem:$0x3F94];
	_ =	swait.ge [sflag:s4], $0x0  }
0x19: {  	s7 =	sld [smem:$0x3F95]  }
0x1a: {  	s8 =	sadd.s32 $0xFFFFE003, lr  }
0x1b: {  	s9 =	sadd.s32 $0xFFFFFEF7, lr;
	s5 =	simm.s32 $0xFFFFFFFF;
	p2 =	slt.u32 s8, $0xFFFFF086  }
0x1c: {  	p1 =	slt.u32 s9, $0xF7A;
	s5 =	simm.s32 @!p2 $0x0  }
0x1d: {  	s5 =	simm.s32 @p1 $0x1;
	p0 =	seq.s32 s7, s2  }
0x1e: {  	s7 =	smul.u32 @!p0 $0xF7A, s2;
	p2 =	seq.s32 @!p0 s5, $0x0  }
0x1f: {  	s9 =	smul.u32 $0xF7A, s1;
	s8 =	simm.s32 @!p0 $0x1BF5;
	p2 =	por !p2, p0  }
0x20: {  	[sflag:s8] =	ssyncset.s32 @!p0 $0xFFFFF086;
	s6 =	sadd.s32 @!p0 s3, s7;
	s7 =	simm.s32 @!p0 $0x108  }
0x21: {  	s3 =	sadd.s32 s3, s9;
	s6 =	sadd.s32 @!p0 $0x88, s6;
	s7 =	simm.s32 @p2 $0x1082  }
0x22: {  	[simem:s7], [sflag:s8] =	dma.local @!p0 [hbm:s6], $0xF7A  }
0x23: {  	s9 =	sor.u32 $0xD0000000, s2;
	s6 =	simm.s32 $0x108;
	_ =	swait.ge @!p0 [sflag:s8], $0x0  }
0x24: {  	s3 =	sadd.s32 $0x88, s3;
	s6 =	simm.s32 @!p1 $0x1082;
	[sflag:s4] =	ssyncset.s32 $0xFFFFF086  }
0x25: {  	[simem:s6], [sflag:s4] =	dma.local [hbm:s3], $0xF7A  }
0x26: {  	[smem:$0x3F95] =	sst s1;
	(tag) =	ssettag s2;
	_ =	strace s9  }
0x27: {  	s1 =	sld [smem:$0x3FA5]  }
0x28: {  	s2 =	sld [smem:$0x3FA6]  }
0x29: {  	s4 =	sld [smem:$0x3FA8]  }
0x2a: {  	p0 =	seq.s32 s5, $0x0;
	s5 =	sld [smem:$0x3FA9]  }
0x2b: {  	s6 =	sld [smem:$0x3FAA]  }
0x2c: {  	s7 =	sld [smem:$0x3FAB]  }
0x2d: {  	s3 =	simm.s32 $0x108;
	s8 =	sld [smem:$0x3FAC]  }
0x2e: {  	s3 =	simm.s32 @!p0 $0x1082;
	s9 =	sld [smem:$0x3FAD]  }
0x2f: {  	lr =	sadd.s32 s0, s3;
	s0 =	sld [smem:$0x3FA4]  }
0x30: {  	s3 =	sld [smem:$0x3FA7]  }
0x31: {  	[smem:$0x3FB0] =	sst s10  }
0x32: {  	s10 =	sld [smem:$0x3FAE];
	_ =	sdelay $0x3  }
0x33: {  	p0 =	seq.s32 s10, $0x1;
	s10 =	sld [smem:$0x3FB0];
	_ =	sdelay $0x3  }
0x34: {  	[smem:$0x3FB0] =	sst s10  }
0x35: {  	s10 =	sld [smem:$0x3FAF];
	_ =	sdelay $0x3  }
0x36: {  	p1 =	seq.s32 s10, $0x1;
	s10 =	sld [smem:$0x3FB0];
	_ =	sdelay $0x3  }
0x37: {  	[smem:$0x3FB0] =	sst s10  }
0x38: {  	s10 =	sld [smem:$0x3FB1]  }
0x39: {  	_ = 	snop;
	(pc) =	sbr.ind lr, $3  }
0x3a: {  	_ = 	snop  }
0x3b: {  	_ = 	snop  }
0x3c: {  	p2 =	seq.s32 s10, $0x1;
	s10 =	sld [smem:$0x3FB0]  }
0x3d: {  	_ =	shalt  }
0x3e: {  	_ =	shalt  }
0x3f: {  	_ =	shalt  }
0x40: {  	_ =	shalt  }
0x41: {  	_ =	shalt  }
0x42: {  	_ =	shalt  }
0x43: {  	_ =	shalt  }
0x44: {  	_ =	shalt  }
0x45: {  	_ =	shalt  }
0x46: {  	_ =	shalt  }
0x47: {  	_ =	shalt  }
0x48: {  	_ =	shalt  }
0x49: {  	_ =	shalt  }
0x4a: {  	_ =	shalt  }
0x4b: {  	_ =	shalt  }
0x4c: {  	_ =	shalt  }
0x4d: {  	_ =	shalt  }
0x4e: {  	_ =	shalt  }
0x4f: {  	_ =	shalt  }
0x50: {  	_ =	shalt  }
0x51: {  	_ =	shalt  }
0x52: {  	_ =	shalt  }
0x53: {  	_ =	shalt  }
0x54: {  	_ =	shalt  }
0x55: {  	_ =	shalt  }
0x56: {  	_ =	shalt  }
0x57: {  	_ =	shalt  }
0x58: {  	_ =	shalt  }
0x59: {  	_ =	shalt  }
0x5a: {  	_ =	shalt  }
0x5b: {  	_ =	shalt  }
0x5c: {  	_ =	shalt  }
0x5d: {  	_ =	shalt  }
0x5e: {  	_ =	shalt  }
0x5f: {  	_ =	shalt  }
0x60: {  	_ =	shalt  }
0x61: {  	_ =	shalt  }
0x62: {  	_ =	shalt  }
0x63: {  	_ =	shalt  }
0x64: {  	_ =	shalt  }
0x65: {  	_ =	shalt  }
0x66: {  	_ =	shalt  }
0x67: {  	_ =	shalt  }
0x68: {  	_ =	shalt  }
0x69: {  	_ =	shalt  }
0x6a: {  	_ =	shalt  }
0x6b: {  	_ =	shalt  }
0x6c: {  	_ =	shalt  }
0x6d: {  	_ =	shalt  }
0x6e: {  	_ =	shalt  }
0x6f: {  	_ =	shalt  }
0x70: {  	_ =	shalt  }
0x71: {  	_ =	shalt  }
0x72: {  	_ =	shalt  }
0x73: {  	_ =	shalt  }
0x74: {  	_ =	shalt  }
0x75: {  	_ =	shalt  }
0x76: {  	_ =	shalt  }
0x77: {  	_ =	shalt  }
0x78: {  	_ =	shalt  }
0x79: {  	_ =	shalt  }
0x7a: {  	_ =	shalt  }
0x7b: {  	_ =	shalt  }
0x7c: {  	_ =	shalt  }
0x7d: {  	_ =	shalt  }
0x7e: {  	_ =	shalt  }
0x7f: {  	_ =	shalt  }
0x80: {  	_ =	shalt  }
0x81: {  	_ =	shalt  }
0x82: {  	_ =	shalt  }
0x83: {  	_ =	shalt  }
0x84: {  	_ =	shalt  }
0x85: {  	_ =	shalt  }
0x86: {  	_ =	shalt  }
0x87: {  	_ =	shalt  }
.Lfunc_end0:
.L_simem_size_0:
called_computation_lowered:
.L_overlay_start_0:
0x88: {  	s2 =	sld [smem:$0x3FD9]  }
0x89: {  	s3 =	sld [smem:$0x3FFE];
	_ =	sdelay $0x1  }
0x8a: {  	s1 =	srdreg.scid  }
0x8b: {  	s0 =	sand.u32 $0x1, s1  }
0x8c: {  	s16 =	sshll.u32 s0, $0xA;
	s2 =	sadd.s32 s3, s2  }
0x8d: {  	s2 =	sadd.s32 s2, s16  }
0x8e: {  	[smem:$0x3FBC] =	sst s2  }
0x8f: {  	_ = 	snop  }
0x90: {  	(tm) =	ssettm $0x1  }
0x91: {  	s17 =	sld [smem:$0x3FFB];
	_ =	sdelay $0x3  }
0x92: {  	_ =	strace s17  }
0x93: {  	s2 =	sld [smem:$0x3FFC];
	_ =	sdelay $0x3  }
0x94: {  	_ =	strace s2  }
0x95: {  	s2 =	sld [smem:$0x3FFD];
	_ =	sdelay $0x3  }
0x96: {  	_ =	strace s2  }
0x97: {  	_ =	strace $0x8FFFFFFF  }
0x98: {  	s18 =	sld [smem:$0x3FDB];
	_ =	sdelay $0x1  }
0x99: {  	s19 =	simm.s32 $_scs_section_size  }
0x9a: {  	s4 =	simm.s32 $_size__tile_overlayer_lowered;
	s5 =	simm.s32 $_tile_overlayer_lowered  }
0x9b: {  	s22 =	simm.s32 $0x1BFF;
	s21 =	sshll.u32 s5, $0x1;
	s2 =	sadd.s32 s19, s18  }
0x9c: {  	s6 =	simm.s32 $0x0;
	s20 =	sshll.u32 s4, $0x1;
	s4 =	sadd.s32 s21, s2  }
0x9d: {  	[timem:s6], [sflag:s22] =	dma.local [hbm:s4], s20  }
0x9e: {  	_ =	swait.ge [sflag:s22], s20  }
0x9f: {  	s3 =	ssub.s32 $0x0, s20;
	[sflag:s22] =	ssyncset.done $0x0  }
0xa0: {  	[sflag:s22] =	ssyncadd.s32 s3;
	_ =	sdelay $0x1  }
0xa1: {  	s23 =	simm.s32 $0x1B8B  }
0xa2: {  	_ =	swait.ge [sflag:s23], $0x1  }
0xa3: {  	[sflag:s23] =	ssyncset.done $0x0  }
0xa4: {  	s25 =	simm.s32 $0x1B8E;
	s24 =	sld [smem:$0x3FFE];
	[sflag:s23] =	ssyncadd.s32 $0xFFFFFFFF  }
0xa5: {  	s26 =	simm.s32 $execute0_lowered;
	[smem:$0x3FD2] =	sst s25  }
0xa6: {  	s4 =	sshll.u32 s26, $0x1;
	_ =	strace $0x80000046;
	[dreg:$0x1] =	wrdreg $0xFFFFFFFF  }
0xa7: {  	s28 =	simm.s32 $_size_execute0_lowered;
	s2 =	sadd.s32 s2, s4;
	[dreg:$0x0] =	wrdreg $0x0  }
0xa8: {  	s4 =	sshll.u32 s28, $0x1;
	[dreg:$0x2] =	wrdreg s2  }
0xa9: {  	[dreg:$0x3] =	wrdreg s4  }
0xaa: {  	[dreg:$0x4] =	wrdreg $0xC0  }
0xab: {  	_ =	task [dreg:s6], $0x5FFFF  }
0xac: {  	[dreg:$0x1] =	wrdreg $0xFFFFFFFF  }
0xad: {  	[dreg:$0x0] =	wrdreg $0x60  }
0xae: {  	[dreg:$0x2] =	wrdreg s24  }
0xaf: {  	[dreg:$0x3] =	wrdreg $0x4F800  }
0xb0: {  	[dreg:$0x4] =	wrdreg $0x52000  }
0xb1: {  	[dreg:$0x5] =	wrdreg $0x9  }
0xb2: {  	_ =	task.clear_ibuf [dreg:s6], $0x6FFFF;
	_ =	strace $0x90000046  }
0xb3: {  	s29 =	simm.s32 $0x9;
	_ =	strace $0x80000048  }
0xb4: {  	_ =	swait.ge [sflag:s29], $0x1  }
0xb5: {  	[sflag:s29] =	ssyncadd.s32 $0xFFFFFFFF  }
0xb6: {  	_ =	strace $0x90000048  }
0xb7: {  	_ =	sfence  }
0xb8: {  	s30 =	sld [smem:$0x0];
	_ =	sdelay $0x2  }
0xb9: {  	s31 =	sshll.u32 s1, $0xD;
	s1 =	sshrl.u32 s1, $0x2  }
0xba: {  	s3 =	sand.u32 $0x4000, s31;
	s1 =	sadd.s32 s1, s30  }
0xbb: {  	s0 =	sor.u32 s3, s0;
	s1 =	sshll.u32 s1, $0x11  }
0xbc: {  	s0 =	sor.u32 s1, s0  }
0xbd: {  	s0 =	sadd.s32 $0x8F2B, s0  }
0xbe: {  	[sflag:s0] =	ssyncadd.remote.s32 $0x1  }
0xbf: {  	_ =	sfence.sel $0xFFFF  }
0xc0: {  	[dreg:$0x0] =	wrdreg $0xFFFFFFFF;
	(pc) =	sbr.abs _section_cstart, $3  }
0xc1: {  	[dreg:$0x1] =	wrdreg $0xFFFFFFFF  }
0xc2: {  	_ =	task.clear_ibuf [dreg:s6], $0x2FFFF;
	_ =	strace $0x9FFFFFFF  }
0xc3: {  	(tm) =	ssettm $0x7FFFFFFF  }
tec
execute0_lowered:
.L_overlay_start_1:
0x0: {  	(tag) =	ssettag $0x1  }
0x1: {  	s0 =	rddreg [dreg:$0x0]  }
0x2: {  	s2 =	rddreg [dreg:$0x1]  }
0x3: {  	s3 =	rddreg [dreg:$0x2]  }
0x4: {  	s1 =	srdreg.scid;
	s14 =	stileid.u32  }
0x5: {  	s7 =	simm.s32 $0x0;
	s12 =	simm.s32 $0x400;
	s13 =	simm.s32 $0x6  }
0x6: {  	s18 =	simm.s32 $0x50;
	s19 =	simm.s32 $0x5480;
	s20 =	simm.s32 $0x4F00  }
0x7: {  	s21 =	simm.s32 $0x5500;
	s28 =	simm.s32 $0x3;
	s29 =	simm.s32 $0x4  }
0x8: {  	s30 =	simm.s32 $0x5;
	s31 =	simm.s32 $0x20;
	s1 =	sand.u32 $0x1, s1  }
0x9: {  	s4 =	sshrl.u32 s14, $0x2;
	s5 =	sshll.u32 s14, $0x8;
	s23 =	smul.u32 $0x500, s14  }
0xa: {  	[smem:$0x7FF] =	sst s7;
	s8 =	smul.u32 $0x280, s14;
	s26 =	sshll.u32 s14, $0x6  }
0xb: {  	s4 =	smul.u32 $0x13C00, s4;
	s6 =	sshll.u32 s1, $0x7;
	s5 =	sand.u32 $0x300, s5  }
0xc: {  	s22 =	smul.u32 $0x5000, s1;
	_ =	strace $0x80000047;
	s1 =	ssub.s32 $0x2, s1  }
0xd: {  	s15 =	sor.u32 $0x1C06, s26;
	s26 =	simm.s32 $0x2;
	s5 =	sor.u32 s6, s5  }
0xe: {  	s24 =	sshrl.u32 s1, $0x1;
	s25 =	sadd.s32 s8, s2;
	s11 =	sadd.s32 s8, s3  }
0xf: {  	s4 =	sor.u32 s4, s5;
	s5 =	sadd.s32 s23, s22;
	s1 =	ssub.s32 s1, s24  }
0x10: {  	s16 =	sshrl.u32 s25, $0x3;
	s17 =	sshrl.u32 s11, $0x3;
	s22 =	simm.s32 $0x5580  }
0x11: {  	s23 =	simm.s32 $0x5600;
	s24 =	simm.s32 $0x5680;
	s25 =	simm.s32 $0x1  }
0x12: {  	s4 =	sshrl.u32 s4, $0x3;
	s6 =	sshrl.u32 s5, $0x3;
	s5 =	sadd.s32 $0x16C00, s0  }
0x13: {  	s10 =	smax.u32 s1, $0x1;
	s1 =	simm.s32 $0x0;
	s4 =	sadd.s32 s4, s0  }
0x14: {  	s0 =	sadd.s32 s6, s0;
	s6 =	sadd.s32 $0x3000, s4;
	s7 =	sadd.s32 $0xCE00, s4  }
0x15: {  	v0 =	vimm.f32 $1.000000000e+00;
	s8 =	sadd.s32 $0x16E00, s0;
	s9 =	sadd.s32 $0x16E10, s0;
	s0 =	simm.s32 $0x10  }
.LBB2_1:
0x16: {  	[tilespmem:$0x4F00] =	vst v0  }
0x17: {  	[tilespmem:$0x4F10] =	vst v0  }
0x18: {  	[tilespmem:$0x4F20] =	vst v0  }
0x19: {  	[tilespmem:$0x4F30] =	vst v0  }
0x1a: {  	[tilespmem:$0x4F40] =	vst v0;
	s4 =	simm.s32 $0x0;
	s11 =	simm.s32 $0x80  }
0x1b: {  	[tilespmem:s4], [sflag:$0x6] =	stream.strided.gather [hbm4b:s6+s11], $0x2780, s12, s11, $0x38;
	[tilespmem:$0x5700] =	vst v63  }
0x1c: {  	_ =	swait.ge [sflag:s13], $0x2780  }
0x1d: {  	[sflag:s13] =	ssyncset.done $0x0  }
0x1e: {  	s14 =	simm.s32 $0x2780;
	[sflag:s13] =	ssyncadd.s32 $0xFFFFD880  }
0x1f: {  	[tilespmem:s14], [sflag:$0x6] =	stream.strided.gather [hbm4b:s7+s11], $0x2780, s12, s11, $0x38;
	[tilespmem:$0x5700] =	vst v63  }
0x20: {  	_ =	swait.ge [sflag:s13], $0x2780  }
0x21: {  	[sflag:s13] =	ssyncset.done $0x0  }
0x22: {  	[sflag:s13] =	ssyncadd.s32 $0xFFFFD880  }
0x23: {  	[spmem:s16], [sflag:s15] =	dma.local [hbm:s5], $0x50  }
0x24: {  	_ =	swait.ge [sflag:s13], $0x50  }
0x25: {  	[sflag:s13] =	ssyncset.done $0x0  }
0x26: {  	[sflag:s13] =	ssyncadd.s32 $0xFFFFFFB0  }
0x27: {  	[spmem:s17], [sflag:s15] =	dma.local [hbm:s5], $0x50  }
0x28: {  	_ =	swait.ge [sflag:s13], $0x50  }
0x29: {  	[sflag:s13] =	ssyncset.done $0x0  }
0x2a: {  	[sflag:s13] =	ssyncadd.s32 $0xFFFFFFB0  }
0x2b: {  	s14 =	simm.s32 $0xC0;
	[bflag:$0x0] =	sbarrier.arrive $0xFFFF  }
0x2c: {  	v1 =	vld [tilespmem:s14+$0xFFFFFF40];
	_ =	sdelay $0x4  }
0x2d: {  	[tilespmem:$0x5480] =	vst v1  }
0x2e: {  	v1 =	vld [tilespmem:s14+$0xFFFFFF50];
	_ =	sdelay $0x4  }
0x2f: {  	[tilespmem:$0x5490] =	vst v1  }
0x30: {  	v1 =	vld [tilespmem:s14+$0xFFFFFF60];
	_ =	sdelay $0x4  }
0x31: {  	[tilespmem:$0x54A0] =	vst v1  }
0x32: {  	v1 =	vld [tilespmem:s14+$0xFFFFFF70];
	_ =	sdelay $0x4  }
0x33: {  	[tilespmem:$0x54B0] =	vst v1  }
0x34: {  	v1 =	vld [tilespmem:s14+$0xFFFFFF80];
	_ =	sdelay $0x4  }
0x35: {  	[tilespmem:$0x54C0] =	vst v1  }
0x36: {  	[spmem:s2] =	stream.indirect.scatter.add.f32 [tilespmem:s20], [sflag:$0x1], $0x1, s19, s18, $0xb8;
	[tilespmem:$0x5700] =	vst v63  }
0x37: {  	v1 =	vld [tilespmem:s14+$0xFFFFFF90];
	_ =	sdelay $0x4  }
0x38: {  	[tilespmem:$0x5500] =	vst v1  }
0x39: {  	v1 =	vld [tilespmem:s14+$0xFFFFFFA0];
	_ =	sdelay $0x4  }
0x3a: {  	[tilespmem:$0x5510] =	vst v1  }
0x3b: {  	v1 =	vld [tilespmem:s14+$0xFFFFFFB0];
	_ =	sdelay $0x4  }
0x3c: {  	s4 =	sand.u32 $0x3FF0, s4;
	[tilespmem:$0x5520] =	vst v1  }
0x3d: {  	v1 =	vld [tilespmem:s4+$0x80];
	_ =	sdelay $0x4  }
0x3e: {  	[tilespmem:$0x5530] =	vst v1  }
0x3f: {  	v1 =	vld [tilespmem:s14+$0xFFFFFFD0];
	_ =	sdelay $0x4  }
0x40: {  	[tilespmem:$0x5540] =	vst v1  }
0x41: {  	[spmem:s2] =	stream.indirect.scatter.add.f32 [tilespmem:s20], [sflag:$0x2], $0x1, s21, s18, $0xb8;
	[tilespmem:$0x5700] =	vst v63  }
0x42: {  	v1 =	vld [tilespmem:s14+$0xFFFFFFE0];
	_ =	sdelay $0x4  }
0x43: {  	[tilespmem:$0x5580] =	vst v1  }
0x44: {  	v1 =	vld [tilespmem:s14+$0xFFFFFFF0];
	_ =	sdelay $0x4  }
0x45: {  	[tilespmem:$0x5590] =	vst v1  }
0x46: {  	v1 =	vld [tilespmem:s14+$0x0];
	_ =	sdelay $0x4  }
0x47: {  	[tilespmem:$0x55A0] =	vst v1  }
0x48: {  	v1 =	vld [tilespmem:s14+$0x10];
	_ =	sdelay $0x4  }
0x49: {  	[tilespmem:$0x55B0] =	vst v1  }
0x4a: {  	v1 =	vld [tilespmem:s14+$0x20];
	_ =	sdelay $0x4  }
0x4b: {  	[tilespmem:$0x55C0] =	vst v1  }
0x4c: {  	[spmem:s2] =	stream.indirect.scatter.add.f32 [tilespmem:s20], [sflag:$0x3], $0x1, s22, s18, $0xb8;
	[tilespmem:$0x5700] =	vst v63  }
0x4d: {  	v1 =	vld [tilespmem:s14+$0x30];
	_ =	sdelay $0x4  }
0x4e: {  	[tilespmem:$0x5600] =	vst v1  }
0x4f: {  	v1 =	vld [tilespmem:s4+$0x100];
	_ =	sdelay $0x4  }
0x50: {  	[tilespmem:$0x5610] =	vst v1  }
0x51: {  	v1 =	vld [tilespmem:s14+$0x50];
	_ =	sdelay $0x4  }
0x52: {  	[tilespmem:$0x5620] =	vst v1  }
0x53: {  	v1 =	vld [tilespmem:s14+$0x60];
	_ =	sdelay $0x4  }
0x54: {  	[tilespmem:$0x5630] =	vst v1  }
0x55: {  	v1 =	vld [tilespmem:s14+$0x70];
	_ =	sdelay $0x4  }
0x56: {  	[tilespmem:$0x5640] =	vst v1  }
0x57: {  	[spmem:s2] =	stream.indirect.scatter.add.f32 [tilespmem:s20], [sflag:$0x4], $0x1, s23, s18, $0xb8;
	[tilespmem:$0x5700] =	vst v63  }
0x58: {  	v1 =	vld [tilespmem:s14+$0x80];
	_ =	sdelay $0x4  }
0x59: {  	[tilespmem:$0x5680] =	vst v1  }
0x5a: {  	v1 =	vld [tilespmem:s14+$0x90];
	_ =	sdelay $0x4  }
0x5b: {  	[tilespmem:$0x5690] =	vst v1  }
0x5c: {  	v1 =	vld [tilespmem:s14+$0xA0];
	_ =	sdelay $0x4  }
0x5d: {  	[tilespmem:$0x56A0] =	vst v1  }
0x5e: {  	v1 =	vld [tilespmem:s14+$0xB0];
	_ =	sdelay $0x4  }
0x5f: {  	[tilespmem:$0x56B0] =	vst v1  }
0x60: {  	v1 =	vld [tilespmem:s4+$0x180];
	_ =	sdelay $0x4  }
0x61: {  	[tilespmem:$0x56C0] =	vst v1  }
0x62: {  	[spmem:s2] =	stream.indirect.scatter.add.f32 [tilespmem:s20], [sflag:$0x5], $0x1, s24, s18, $0xb8;
	[tilespmem:$0x5700] =	vst v63  }
0x63: {  	_ =	swait.ge [sflag:s25], $0x50  }
0x64: {  	[sflag:s25] =	ssyncset.done $0x0  }
0x65: {  	[sflag:s25] =	ssyncadd.s32 $0xFFFFFFB0  }
0x66: {  	_ =	swait.ge [sflag:s26], $0x50  }
0x67: {  	[sflag:s26] =	ssyncset.done $0x0  }
0x68: {  	[sflag:s26] =	ssyncadd.s32 $0xFFFFFFB0  }
0x69: {  	_ =	swait.ge [sflag:s28], $0x50  }
0x6a: {  	[sflag:s28] =	ssyncset.done $0x0  }
0x6b: {  	[sflag:s28] =	ssyncadd.s32 $0xFFFFFFB0  }
0x6c: {  	_ =	swait.ge [sflag:s29], $0x50  }
0x6d: {  	[sflag:s29] =	ssyncset.done $0x0  }
0x6e: {  	[sflag:s29] =	ssyncadd.s32 $0xFFFFFFB0  }
0x6f: {  	_ =	swait.ge [sflag:s30], $0x50  }
0x70: {  	s4 =	simm.s32 $0x190;
	[sflag:s30] =	ssyncset.done $0x0  }
.LBB2_2:
0x71: {  	p0 =	sne.s32 s4, $0x2580;
	[sflag:s30] =	ssyncadd.s32 $0xFFFFFFB0;
	s14 =	sadd.s32 $0x190, s14  }
0x72: {  	s11 =	smov.u32 s4;
	s4 =	sadd.s32 $0x190, s4;
	v1 =	vld [tilespmem:s14+$0xFFFFFF40];
	_ =	sdelay $0x4  }
0x73: {  	[tilespmem:$0x5480] =	vst v1  }
0x74: {  	v1 =	vld [tilespmem:s14+$0xFFFFFF50];
	_ =	sdelay $0x4  }
0x75: {  	[tilespmem:$0x5490] =	vst v1  }
0x76: {  	v1 =	vld [tilespmem:s14+$0xFFFFFF60];
	_ =	sdelay $0x4  }
0x77: {  	[tilespmem:$0x54A0] =	vst v1  }
0x78: {  	v1 =	vld [tilespmem:s14+$0xFFFFFF70];
	_ =	sdelay $0x4  }
0x79: {  	[tilespmem:$0x54B0] =	vst v1  }
0x7a: {  	v1 =	vld [tilespmem:s14+$0xFFFFFF80];
	_ =	sdelay $0x4  }
0x7b: {  	[tilespmem:$0x54C0] =	vst v1  }
0x7c: {  	[spmem:s2] =	stream.indirect.scatter.add.f32 [tilespmem:s20], [sflag:$0x1], $0x1, s19, s18, $0xb8;
	[tilespmem:$0x5700] =	vst v63  }
0x7d: {  	v1 =	vld [tilespmem:s14+$0xFFFFFF90];
	_ =	sdelay $0x4  }
0x7e: {  	[tilespmem:$0x5500] =	vst v1  }
0x7f: {  	v1 =	vld [tilespmem:s14+$0xFFFFFFA0];
	_ =	sdelay $0x4  }
0x80: {  	[tilespmem:$0x5510] =	vst v1  }
0x81: {  	v1 =	vld [tilespmem:s14+$0xFFFFFFB0];
	_ =	sdelay $0x4  }
0x82: {  	s11 =	sand.u32 $0x3FF0, s11;
	[tilespmem:$0x5520] =	vst v1  }
0x83: {  	v1 =	vld [tilespmem:s11+$0x80];
	_ =	sdelay $0x4  }
0x84: {  	[tilespmem:$0x5530] =	vst v1  }
0x85: {  	v1 =	vld [tilespmem:s14+$0xFFFFFFD0];
	_ =	sdelay $0x4  }
0x86: {  	[tilespmem:$0x5540] =	vst v1  }
0x87: {  	[spmem:s2] =	stream.indirect.scatter.add.f32 [tilespmem:s20], [sflag:$0x2], $0x1, s21, s18, $0xb8;
	[tilespmem:$0x5700] =	vst v63  }
0x88: {  	v1 =	vld [tilespmem:s14+$0xFFFFFFE0];
	_ =	sdelay $0x4  }
0x89: {  	[tilespmem:$0x5580] =	vst v1  }
0x8a: {  	v1 =	vld [tilespmem:s14+$0xFFFFFFF0];
	_ =	sdelay $0x4  }
0x8b: {  	[tilespmem:$0x5590] =	vst v1  }
0x8c: {  	v1 =	vld [tilespmem:s14+$0x0];
	_ =	sdelay $0x4  }
0x8d: {  	[tilespmem:$0x55A0] =	vst v1  }
0x8e: {  	v1 =	vld [tilespmem:s14+$0x10];
	_ =	sdelay $0x4  }
0x8f: {  	[tilespmem:$0x55B0] =	vst v1  }
0x90: {  	v1 =	vld [tilespmem:s14+$0x20];
	_ =	sdelay $0x4  }
0x91: {  	[tilespmem:$0x55C0] =	vst v1  }
0x92: {  	[spmem:s2] =	stream.indirect.scatter.add.f32 [tilespmem:s20], [sflag:$0x3], $0x1, s22, s18, $0xb8;
	[tilespmem:$0x5700] =	vst v63  }
0x93: {  	v1 =	vld [tilespmem:s14+$0x30];
	_ =	sdelay $0x4  }
0x94: {  	[tilespmem:$0x5600] =	vst v1  }
0x95: {  	v1 =	vld [tilespmem:s11+$0x100];
	_ =	sdelay $0x4  }
0x96: {  	[tilespmem:$0x5610] =	vst v1  }
0x97: {  	v1 =	vld [tilespmem:s14+$0x50];
	_ =	sdelay $0x4  }
0x98: {  	[tilespmem:$0x5620] =	vst v1  }
0x99: {  	v1 =	vld [tilespmem:s14+$0x60];
	_ =	sdelay $0x4  }
0x9a: {  	[tilespmem:$0x5630] =	vst v1  }
0x9b: {  	v1 =	vld [tilespmem:s14+$0x70];
	_ =	sdelay $0x4  }
0x9c: {  	[tilespmem:$0x5640] =	vst v1  }
0x9d: {  	[spmem:s2] =	stream.indirect.scatter.add.f32 [tilespmem:s20], [sflag:$0x4], $0x1, s23, s18, $0xb8;
	[tilespmem:$0x5700] =	vst v63  }
0x9e: {  	v1 =	vld [tilespmem:s14+$0x80];
	_ =	sdelay $0x4  }
0x9f: {  	[tilespmem:$0x5680] =	vst v1  }
0xa0: {  	v1 =	vld [tilespmem:s14+$0x90];
	_ =	sdelay $0x4  }
0xa1: {  	[tilespmem:$0x5690] =	vst v1  }
0xa2: {  	v1 =	vld [tilespmem:s14+$0xA0];
	_ =	sdelay $0x4  }
0xa3: {  	[tilespmem:$0x56A0] =	vst v1  }
0xa4: {  	v1 =	vld [tilespmem:s14+$0xB0];
	_ =	sdelay $0x4  }
0xa5: {  	[tilespmem:$0x56B0] =	vst v1  }
0xa6: {  	v1 =	vld [tilespmem:s11+$0x180];
	_ =	sdelay $0x4  }
0xa7: {  	[tilespmem:$0x56C0] =	vst v1  }
0xa8: {  	[spmem:s2] =	stream.indirect.scatter.add.f32 [tilespmem:s20], [sflag:$0x5], $0x1, s24, s18, $0xb8;
	[tilespmem:$0x5700] =	vst v63  }
0xa9: {  	_ =	swait.ge [sflag:s25], $0x50  }
0xaa: {  	[sflag:s25] =	ssyncset.done $0x0  }
0xab: {  	[sflag:s25] =	ssyncadd.s32 $0xFFFFFFB0  }
0xac: {  	_ =	swait.ge [sflag:s26], $0x50  }
0xad: {  	[sflag:s26] =	ssyncset.done $0x0  }
0xae: {  	[sflag:s26] =	ssyncadd.s32 $0xFFFFFFB0  }
0xaf: {  	_ =	swait.ge [sflag:s28], $0x50  }
0xb0: {  	[sflag:s28] =	ssyncset.done $0x0  }
0xb1: {  	[sflag:s28] =	ssyncadd.s32 $0xFFFFFFB0  }
.Ltmp0:
0xb2: {  	_ =	swait.ge [sflag:s29], $0x50;
	(pc) =	sbr.rel @p0 .LBB2_2-.Ltmp0, $4  }
0xb3: {  	[sflag:s29] =	ssyncset.done $0x0  }
0xb4: {  	[sflag:s29] =	ssyncadd.s32 $0xFFFFFFB0  }
0xb5: {  	_ =	swait.ge [sflag:s30], $0x50  }
0xb6: {  	[sflag:s30] =	ssyncset.done $0x0  }
0xb7: {  	[sflag:s30] =	ssyncadd.s32 $0xFFFFFFB0;
	s14 =	simm.s32 $0x2840  }
0xb8: {  	v1 =	vld [tilespmem:s14+$0xFFFFFF40];
	_ =	sdelay $0x4  }
0xb9: {  	[tilespmem:$0x5480] =	vst v1  }
0xba: {  	v1 =	vld [tilespmem:s14+$0xFFFFFF50];
	_ =	sdelay $0x4  }
0xbb: {  	[tilespmem:$0x5490] =	vst v1  }
0xbc: {  	v1 =	vld [tilespmem:s14+$0xFFFFFF60];
	_ =	sdelay $0x4  }
0xbd: {  	[tilespmem:$0x54A0] =	vst v1  }
0xbe: {  	v1 =	vld [tilespmem:s14+$0xFFFFFF70];
	_ =	sdelay $0x4  }
0xbf: {  	[tilespmem:$0x54B0] =	vst v1  }
0xc0: {  	v1 =	vld [tilespmem:s14+$0xFFFFFF80];
	_ =	sdelay $0x4  }
0xc1: {  	[tilespmem:$0x54C0] =	vst v1  }
0xc2: {  	[spmem:s3] =	stream.indirect.scatter.add.f32 [tilespmem:s20], [sflag:$0x1], $0x1, s19, s18, $0xb8;
	[tilespmem:$0x5700] =	vst v63  }
0xc3: {  	v1 =	vld [tilespmem:s14+$0xFFFFFF90];
	_ =	sdelay $0x4  }
0xc4: {  	[tilespmem:$0x5500] =	vst v1  }
0xc5: {  	v1 =	vld [tilespmem:s14+$0xFFFFFFA0];
	_ =	sdelay $0x4  }
0xc6: {  	[tilespmem:$0x5510] =	vst v1  }
0xc7: {  	v1 =	vld [tilespmem:s14+$0xFFFFFFB0];
	_ =	sdelay $0x3  }
0xc8: {  	s4 =	simm.s32 $0x0  }
0xc9: {  	s4 =	sand.u32 $0x3FF0, s4;
	[tilespmem:$0x5520] =	vst v1  }
0xca: {  	v1 =	vld [tilespmem:s4+$0x2800];
	_ =	sdelay $0x4  }
0xcb: {  	[tilespmem:$0x5530] =	vst v1  }
0xcc: {  	v1 =	vld [tilespmem:s14+$0xFFFFFFD0];
	_ =	sdelay $0x4  }
0xcd: {  	[tilespmem:$0x5540] =	vst v1  }
0xce: {  	[spmem:s3] =	stream.indirect.scatter.add.f32 [tilespmem:s20], [sflag:$0x2], $0x1, s21, s18, $0xb8;
	[tilespmem:$0x5700] =	vst v63  }
0xcf: {  	v1 =	vld [tilespmem:s14+$0xFFFFFFE0];
	_ =	sdelay $0x4  }
0xd0: {  	[tilespmem:$0x5580] =	vst v1  }
0xd1: {  	v1 =	vld [tilespmem:s14+$0xFFFFFFF0];
	_ =	sdelay $0x4  }
0xd2: {  	[tilespmem:$0x5590] =	vst v1  }
0xd3: {  	v1 =	vld [tilespmem:s14+$0x0];
	_ =	sdelay $0x4  }
0xd4: {  	[tilespmem:$0x55A0] =	vst v1  }
0xd5: {  	v1 =	vld [tilespmem:s14+$0x10];
	_ =	sdelay $0x4  }
0xd6: {  	[tilespmem:$0x55B0] =	vst v1  }
0xd7: {  	v1 =	vld [tilespmem:s14+$0x20];
	_ =	sdelay $0x4  }
0xd8: {  	[tilespmem:$0x55C0] =	vst v1  }
0xd9: {  	[spmem:s3] =	stream.indirect.scatter.add.f32 [tilespmem:s20], [sflag:$0x3], $0x1, s22, s18, $0xb8;
	[tilespmem:$0x5700] =	vst v63  }
0xda: {  	v1 =	vld [tilespmem:s14+$0x30];
	_ =	sdelay $0x4  }
0xdb: {  	[tilespmem:$0x5600] =	vst v1  }
0xdc: {  	v1 =	vld [tilespmem:s4+$0x2880];
	_ =	sdelay $0x4  }
0xdd: {  	[tilespmem:$0x5610] =	vst v1  }
0xde: {  	v1 =	vld [tilespmem:s14+$0x50];
	_ =	sdelay $0x4  }
0xdf: {  	[tilespmem:$0x5620] =	vst v1  }
0xe0: {  	v1 =	vld [tilespmem:s14+$0x60];
	_ =	sdelay $0x4  }
0xe1: {  	[tilespmem:$0x5630] =	vst v1  }
0xe2: {  	v1 =	vld [tilespmem:s14+$0x70];
	_ =	sdelay $0x4  }
0xe3: {  	[tilespmem:$0x5640] =	vst v1  }
0xe4: {  	[spmem:s3] =	stream.indirect.scatter.add.f32 [tilespmem:s20], [sflag:$0x4], $0x1, s23, s18, $0xb8;
	[tilespmem:$0x5700] =	vst v63  }
0xe5: {  	v1 =	vld [tilespmem:s14+$0x80];
	_ =	sdelay $0x4  }
0xe6: {  	[tilespmem:$0x5680] =	vst v1  }
0xe7: {  	v1 =	vld [tilespmem:s14+$0x90];
	_ =	sdelay $0x4  }
0xe8: {  	[tilespmem:$0x5690] =	vst v1  }
0xe9: {  	v1 =	vld [tilespmem:s14+$0xA0];
	_ =	sdelay $0x4  }
0xea: {  	[tilespmem:$0x56A0] =	vst v1  }
0xeb: {  	v1 =	vld [tilespmem:s14+$0xB0];
	_ =	sdelay $0x4  }
0xec: {  	[tilespmem:$0x56B0] =	vst v1  }
0xed: {  	v1 =	vld [tilespmem:s4+$0x2900];
	_ =	sdelay $0x4  }
0xee: {  	[tilespmem:$0x56C0] =	vst v1  }
0xef: {  	[spmem:s3] =	stream.indirect.scatter.add.f32 [tilespmem:s20], [sflag:$0x5], $0x1, s24, s18, $0xb8;
	[tilespmem:$0x5700] =	vst v63  }
0xf0: {  	_ =	swait.ge [sflag:s25], $0x50  }
0xf1: {  	[sflag:s25] =	ssyncset.done $0x0  }
0xf2: {  	[sflag:s25] =	ssyncadd.s32 $0xFFFFFFB0  }
0xf3: {  	_ =	swait.ge [sflag:s26], $0x50  }
0xf4: {  	[sflag:s26] =	ssyncset.done $0x0  }
0xf5: {  	[sflag:s26] =	ssyncadd.s32 $0xFFFFFFB0  }
0xf6: {  	_ =	swait.ge [sflag:s28], $0x50  }
0xf7: {  	[sflag:s28] =	ssyncset.done $0x0  }
0xf8: {  	[sflag:s28] =	ssyncadd.s32 $0xFFFFFFB0  }
0xf9: {  	_ =	swait.ge [sflag:s29], $0x50  }
0xfa: {  	[sflag:s29] =	ssyncset.done $0x0  }
0xfb: {  	[sflag:s29] =	ssyncadd.s32 $0xFFFFFFB0  }
0xfc: {  	_ =	swait.ge [sflag:s30], $0x50  }
0xfd: {  	s4 =	simm.s32 $0x190;
	[sflag:s30] =	ssyncset.done $0x0  }
.LBB2_4:
0xfe: {  	p0 =	sne.s32 s4, $0x2580;
	[sflag:s30] =	ssyncadd.s32 $0xFFFFFFB0;
	s14 =	sadd.s32 $0x190, s14  }
0xff: {  	s11 =	smov.u32 s4;
	s4 =	sadd.s32 $0x190, s4;
	v1 =	vld [tilespmem:s14+$0xFFFFFF40];
	_ =	sdelay $0x4  }
0x100: {  	[tilespmem:$0x5480] =	vst v1  }
0x101: {  	v1 =	vld [tilespmem:s14+$0xFFFFFF50];
	_ =	sdelay $0x4  }
0x102: {  	[tilespmem:$0x5490] =	vst v1  }
0x103: {  	v1 =	vld [tilespmem:s14+$0xFFFFFF60];
	_ =	sdelay $0x4  }
0x104: {  	[tilespmem:$0x54A0] =	vst v1  }
0x105: {  	v1 =	vld [tilespmem:s14+$0xFFFFFF70];
	_ =	sdelay $0x4  }
0x106: {  	[tilespmem:$0x54B0] =	vst v1  }
0x107: {  	v1 =	vld [tilespmem:s14+$0xFFFFFF80];
	_ =	sdelay $0x4  }
0x108: {  	[tilespmem:$0x54C0] =	vst v1  }
0x109: {  	[spmem:s3] =	stream.indirect.scatter.add.f32 [tilespmem:s20], [sflag:$0x1], $0x1, s19, s18, $0xb8;
	[tilespmem:$0x5700] =	vst v63  }
0x10a: {  	v1 =	vld [tilespmem:s14+$0xFFFFFF90];
	_ =	sdelay $0x4  }
0x10b: {  	[tilespmem:$0x5500] =	vst v1  }
0x10c: {  	v1 =	vld [tilespmem:s14+$0xFFFFFFA0];
	_ =	sdelay $0x4  }
0x10d: {  	[tilespmem:$0x5510] =	vst v1  }
0x10e: {  	v1 =	vld [tilespmem:s14+$0xFFFFFFB0];
	_ =	sdelay $0x4  }
0x10f: {  	s11 =	sand.u32 $0x3FF0, s11;
	[tilespmem:$0x5520] =	vst v1  }
0x110: {  	v1 =	vld [tilespmem:s11+$0x2800];
	_ =	sdelay $0x4  }
0x111: {  	[tilespmem:$0x5530] =	vst v1  }
0x112: {  	v1 =	vld [tilespmem:s14+$0xFFFFFFD0];
	_ =	sdelay $0x4  }
0x113: {  	[tilespmem:$0x5540] =	vst v1  }
0x114: {  	[spmem:s3] =	stream.indirect.scatter.add.f32 [tilespmem:s20], [sflag:$0x2], $0x1, s21, s18, $0xb8;
	[tilespmem:$0x5700] =	vst v63  }
0x115: {  	v1 =	vld [tilespmem:s14+$0xFFFFFFE0];
	_ =	sdelay $0x4  }
0x116: {  	[tilespmem:$0x5580] =	vst v1  }
0x117: {  	v1 =	vld [tilespmem:s14+$0xFFFFFFF0];
	_ =	sdelay $0x4  }
0x118: {  	[tilespmem:$0x5590] =	vst v1  }
0x119: {  	v1 =	vld [tilespmem:s14+$0x0];
	_ =	sdelay $0x4  }
0x11a: {  	[tilespmem:$0x55A0] =	vst v1  }
0x11b: {  	v1 =	vld [tilespmem:s14+$0x10];
	_ =	sdelay $0x4  }
0x11c: {  	[tilespmem:$0x55B0] =	vst v1  }
0x11d: {  	v1 =	vld [tilespmem:s14+$0x20];
	_ =	sdelay $0x4  }
0x11e: {  	[tilespmem:$0x55C0] =	vst v1  }
0x11f: {  	[spmem:s3] =	stream.indirect.scatter.add.f32 [tilespmem:s20], [sflag:$0x3], $0x1, s22, s18, $0xb8;
	[tilespmem:$0x5700] =	vst v63  }
0x120: {  	v1 =	vld [tilespmem:s14+$0x30];
	_ =	sdelay $0x4  }
0x121: {  	[tilespmem:$0x5600] =	vst v1  }
0x122: {  	v1 =	vld [tilespmem:s11+$0x2880];
	_ =	sdelay $0x4  }
0x123: {  	[tilespmem:$0x5610] =	vst v1  }
0x124: {  	v1 =	vld [tilespmem:s14+$0x50];
	_ =	sdelay $0x4  }
0x125: {  	[tilespmem:$0x5620] =	vst v1  }
0x126: {  	v1 =	vld [tilespmem:s14+$0x60];
	_ =	sdelay $0x4  }
0x127: {  	[tilespmem:$0x5630] =	vst v1  }
0x128: {  	v1 =	vld [tilespmem:s14+$0x70];
	_ =	sdelay $0x4  }
0x129: {  	[tilespmem:$0x5640] =	vst v1  }
0x12a: {  	[spmem:s3] =	stream.indirect.scatter.add.f32 [tilespmem:s20], [sflag:$0x4], $0x1, s23, s18, $0xb8;
	[tilespmem:$0x5700] =	vst v63  }
0x12b: {  	v1 =	vld [tilespmem:s14+$0x80];
	_ =	sdelay $0x4  }
0x12c: {  	[tilespmem:$0x5680] =	vst v1  }
0x12d: {  	v1 =	vld [tilespmem:s14+$0x90];
	_ =	sdelay $0x4  }
0x12e: {  	[tilespmem:$0x5690] =	vst v1  }
0x12f: {  	v1 =	vld [tilespmem:s14+$0xA0];
	_ =	sdelay $0x4  }
0x130: {  	[tilespmem:$0x56A0] =	vst v1  }
0x131: {  	v1 =	vld [tilespmem:s14+$0xB0];
	_ =	sdelay $0x4  }
0x132: {  	[tilespmem:$0x56B0] =	vst v1  }
0x133: {  	v1 =	vld [tilespmem:s11+$0x2900];
	_ =	sdelay $0x4  }
0x134: {  	[tilespmem:$0x56C0] =	vst v1  }
0x135: {  	[spmem:s3] =	stream.indirect.scatter.add.f32 [tilespmem:s20], [sflag:$0x5], $0x1, s24, s18, $0xb8;
	[tilespmem:$0x5700] =	vst v63  }
0x136: {  	_ =	swait.ge [sflag:s25], $0x50  }
0x137: {  	[sflag:s25] =	ssyncset.done $0x0  }
0x138: {  	[sflag:s25] =	ssyncadd.s32 $0xFFFFFFB0  }
0x139: {  	_ =	swait.ge [sflag:s26], $0x50  }
0x13a: {  	[sflag:s26] =	ssyncset.done $0x0  }
0x13b: {  	[sflag:s26] =	ssyncadd.s32 $0xFFFFFFB0  }
0x13c: {  	_ =	swait.ge [sflag:s28], $0x50  }
0x13d: {  	[sflag:s28] =	ssyncset.done $0x0  }
0x13e: {  	[sflag:s28] =	ssyncadd.s32 $0xFFFFFFB0  }
.Ltmp1:
0x13f: {  	_ =	swait.ge [sflag:s29], $0x50;
	(pc) =	sbr.rel @p0 .LBB2_4-.Ltmp1, $4  }
0x140: {  	[sflag:s29] =	ssyncset.done $0x0  }
0x141: {  	[sflag:s29] =	ssyncadd.s32 $0xFFFFFFB0  }
0x142: {  	_ =	swait.ge [sflag:s30], $0x50  }
0x143: {  	[sflag:s30] =	ssyncset.done $0x0  }
0x144: {  	[sflag:s30] =	ssyncadd.s32 $0xFFFFFFB0  }
0x145: {  	[bflag:$0x0] =	sbarrier.arrive $0xFFFF  }
0x146: {  	[hbm:s8@s31], [sflag:s15] =	dma.strided [spmem:s16@s0], $0x50, s25, $0x10   }
0x147: {  	s1 =	sadd.s32 $0x1, s1;
	_ =	swait.ge [sflag:s13], $0x50  }
0x148: {  	p0 =	sne.s32 s1, s10;
	[sflag:s13] =	ssyncset.done $0x0  }
.Ltmp2:
0x149: {  	[sflag:s13] =	ssyncadd.s32 $0xFFFFFFB0;
	(pc) =	sbr.rel @p0 .LBB2_1-.Ltmp2, $4  }
0x14a: {  	[hbm:s9@s31], [sflag:s15] =	dma.strided [spmem:s17@s0], $0x50, s25, $0x10   }
0x14b: {  	_ =	swait.ge [sflag:s13], $0x50  }
0x14c: {  	[sflag:s13] =	ssyncset.done $0x0  }
0x14d: {  	[sflag:s13] =	ssyncadd.s32 $0xFFFFFFB0  }
0x14e: {  	_ =	sfence.sel $0x180000  }
0x14f: {  	[bflag:$0x0] =	sbarrier.arrive $0xFFFF  }
0x150: {  	_ =	strace $0x90000047  }
0x151: {  	s0 =	stileid.u32;
	[bflag:$0x2] =	sbarrier.arrive $0xFFFF  }
0x152: {  	p0 =	sne.s32 s0, $0x0;
	s0 =	rddreg [dreg:$0x3]  }
0x153: {  	s0 =	sadd.s32 @!p0 $0x100000, s0  }
0x154: {  	[sflag:s0] =	ssyncadd.tile.s32 @!p0 $0x1;
	_ =	shalt  }
.Lfunc_end2:
_tile_overlayer_lowered:
.L_overlay_start_2:
0x155: {  	(tag) =	ssettag $0x2  }
0x156: {  	s0 =	rddreg [dreg:$0x0];
	s2 =	stileid.u32  }
0x157: {  	s1 =	rddreg [dreg:$0x1];
	p0 =	sne.s32 s2, $0x0  }
0x158: {  	s3 =	rddreg [dreg:$0x2];
	[bflag:$0x3] =	sbarrier.arrive $0xFFFF;
	s2 =	simm.s32 @!p0 $0x1C06  }
0x159: {  	[timem:s3], [sflag:s2] =	dma.local @!p0 [hbm:s0], s1  }
0x15a: {  	s0 =	simm.s32 @!p0 $0x6  }
0x15b: {  	_ =	swait.ge @!p0 [sflag:s0], s1  }
0x15c: {  	s1 =	ssub.s32 @!p0 $0x0, s1;
	[sflag:s0] =	ssyncset.done @!p0 $0x0  }
0x15d: {  	[sflag:s0] =	ssyncadd.s32 @!p0 s1  }
0x15e: {  	[bflag:$0x3] =	sbarrier.arrive $0xFFFF  }
0x15f: {  	_ =	shalt  }

// kernel: kernel.14.cloned.1.call-start
scs
__scs_entry_jumppad:
0x0: {  	(pc) =	sbr.rel $0x88, $3  }
0x1: {  	(tag) =	ssettag $0x0;
	lr =	simm.s32 $0x1  }
0x2: {  	[smem:$0x3F95] =	sst lr;
	_ =	strace $0xD0000000  }
0x3: {  	_ = 	snop  }
0x4: {  	_ = 	snop  }
0x5: {  	_ = 	snop  }
0x6: {  	_ = 	snop  }
0x7: {  	_ = 	snop  }
__scs_overlays_trampoline_lowered:
0x8: {  	[smem:$0x3FA4] =	sst s0  }
0x9: {  	[smem:$0x3FA5] =	sst s1  }
0xa: {  	[smem:$0x3FA6] =	sst s2  }
0xb: {  	[smem:$0x3FA7] =	sst s3  }
0xc: {  	[smem:$0x3FA8] =	sst s4  }
0xd: {  	[smem:$0x3FA9] =	sst s5  }
0xe: {  	[smem:$0x3FAA] =	sst s6  }
0xf: {  	[smem:$0x3FAB] =	sst s7  }
0x10: {  	[smem:$0x3FAC] =	sst s8  }
0x11: {  	[smem:$0x3FAD] =	sst s9;
	s0 =	simm.s32 @!p0 $0x0  }
0x12: {  	s1 =	sld [smem:$0x3F93];
	s0 =	simm.s32 @p0 $0x1  }
0x13: {  	[smem:$0x3FAE] =	sst s0;
	s0 =	simm.s32 @!p1 $0x0  }
0x14: {  	s2 =	sld [smem:$0x3F92];
	s0 =	simm.s32 @p1 $0x1  }
0x15: {  	[smem:$0x3FAF] =	sst s0;
	s0 =	simm.s32 @!p2 $0x0  }
0x16: {  	s3 =	sld [smem:$0x3FDB];
	s0 =	simm.s32 @p2 $0x1  }
0x17: {  	s4 =	simm.s32 $0x1BF5;
	[smem:$0x3FB1] =	sst s0  }
0x18: {  	s0 =	sld [smem:$0x3F94];
	_ =	swait.ge [sflag:s4], $0x0  }
0x19: {  	s7 =	sld [smem:$0x3F95]  }
0x1a: {  	s8 =	sadd.s32 $0xFFFFE003, lr  }
0x1b: {  	s9 =	sadd.s32 $0xFFFFFEF7, lr;
	s5 =	simm.s32 $0xFFFFFFFF;
	p2 =	slt.u32 s8, $0xFFFFF086  }
0x1c: {  	p1 =	slt.u32 s9, $0xF7A;
	s5 =	simm.s32 @!p2 $0x0  }
0x1d: {  	s5 =	simm.s32 @p1 $0x1;
	p0 =	seq.s32 s7, s2  }
0x1e: {  	s7 =	smul.u32 @!p0 $0xF7A, s2;
	p2 =	seq.s32 @!p0 s5, $0x0  }
0x1f: {  	s9 =	smul.u32 $0xF7A, s1;
	s8 =	simm.s32 @!p0 $0x1BF5;
	p2 =	por !p2, p0  }
0x20: {  	[sflag:s8] =	ssyncset.s32 @!p0 $0xFFFFF086;
	s6 =	sadd.s32 @!p0 s3, s7;
	s7 =	simm.s32 @!p0 $0x108  }
0x21: {  	s3 =	sadd.s32 s3, s9;
	s6 =	sadd.s32 @!p0 $0x88, s6;
	s7 =	simm.s32 @p2 $0x1082  }
0x22: {  	[simem:s7], [sflag:s8] =	dma.local @!p0 [hbm:s6], $0xF7A  }
0x23: {  	s9 =	sor.u32 $0xD0000000, s2;
	s6 =	simm.s32 $0x108;
	_ =	swait.ge @!p0 [sflag:s8], $0x0  }
0x24: {  	s3 =	sadd.s32 $0x88, s3;
	s6 =	simm.s32 @!p1 $0x1082;
	[sflag:s4] =	ssyncset.s32 $0xFFFFF086  }
0x25: {  	[simem:s6], [sflag:s4] =	dma.local [hbm:s3], $0xF7A  }
0x26: {  	[smem:$0x3F95] =	sst s1;
	(tag) =	ssettag s2;
	_ =	strace s9  }
0x27: {  	s1 =	sld [smem:$0x3FA5]  }
0x28: {  	s2 =	sld [smem:$0x3FA6]  }
0x29: {  	s4 =	sld [smem:$0x3FA8]  }
0x2a: {  	p0 =	seq.s32 s5, $0x0;
	s5 =	sld [smem:$0x3FA9]  }
0x2b: {  	s6 =	sld [smem:$0x3FAA]  }
0x2c: {  	s7 =	sld [smem:$0x3FAB]  }
0x2d: {  	s3 =	simm.s32 $0x108;
	s8 =	sld [smem:$0x3FAC]  }
0x2e: {  	s3 =	simm.s32 @!p0 $0x1082;
	s9 =	sld [smem:$0x3FAD]  }
0x2f: {  	lr =	sadd.s32 s0, s3;
	s0 =	sld [smem:$0x3FA4]  }
0x30: {  	s3 =	sld [smem:$0x3FA7]  }
0x31: {  	[smem:$0x3FB0] =	sst s10  }
0x32: {  	s10 =	sld [smem:$0x3FAE];
	_ =	sdelay $0x3  }
0x33: {  	p0 =	seq.s32 s10, $0x1;
	s10 =	sld [smem:$0x3FB0];
	_ =	sdelay $0x3  }
0x34: {  	[smem:$0x3FB0] =	sst s10  }
0x35: {  	s10 =	sld [smem:$0x3FAF];
	_ =	sdelay $0x3  }
0x36: {  	p1 =	seq.s32 s10, $0x1;
	s10 =	sld [smem:$0x3FB0];
	_ =	sdelay $0x3  }
0x37: {  	[smem:$0x3FB0] =	sst s10  }
0x38: {  	s10 =	sld [smem:$0x3FB1]  }
0x39: {  	_ = 	snop;
	(pc) =	sbr.ind lr, $3  }
0x3a: {  	_ = 	snop  }
0x3b: {  	_ = 	snop  }
0x3c: {  	p2 =	seq.s32 s10, $0x1;
	s10 =	sld [smem:$0x3FB0]  }
0x3d: {  	_ =	shalt  }
0x3e: {  	_ =	shalt  }
0x3f: {  	_ =	shalt  }
0x40: {  	_ =	shalt  }
0x41: {  	_ =	shalt  }
0x42: {  	_ =	shalt  }
0x43: {  	_ =	shalt  }
0x44: {  	_ =	shalt  }
0x45: {  	_ =	shalt  }
0x46: {  	_ =	shalt  }
0x47: {  	_ =	shalt  }
0x48: {  	_ =	shalt  }
0x49: {  	_ =	shalt  }
0x4a: {  	_ =	shalt  }
0x4b: {  	_ =	shalt  }
0x4c: {  	_ =	shalt  }
0x4d: {  	_ =	shalt  }
0x4e: {  	_ =	shalt  }
0x4f: {  	_ =	shalt  }
0x50: {  	_ =	shalt  }
0x51: {  	_ =	shalt  }
0x52: {  	_ =	shalt  }
0x53: {  	_ =	shalt  }
0x54: {  	_ =	shalt  }
0x55: {  	_ =	shalt  }
0x56: {  	_ =	shalt  }
0x57: {  	_ =	shalt  }
0x58: {  	_ =	shalt  }
0x59: {  	_ =	shalt  }
0x5a: {  	_ =	shalt  }
0x5b: {  	_ =	shalt  }
0x5c: {  	_ =	shalt  }
0x5d: {  	_ =	shalt  }
0x5e: {  	_ =	shalt  }
0x5f: {  	_ =	shalt  }
0x60: {  	_ =	shalt  }
0x61: {  	_ =	shalt  }
0x62: {  	_ =	shalt  }
0x63: {  	_ =	shalt  }
0x64: {  	_ =	shalt  }
0x65: {  	_ =	shalt  }
0x66: {  	_ =	shalt  }
0x67: {  	_ =	shalt  }
0x68: {  	_ =	shalt  }
0x69: {  	_ =	shalt  }
0x6a: {  	_ =	shalt  }
0x6b: {  	_ =	shalt  }
0x6c: {  	_ =	shalt  }
0x6d: {  	_ =	shalt  }
0x6e: {  	_ =	shalt  }
0x6f: {  	_ =	shalt  }
0x70: {  	_ =	shalt  }
0x71: {  	_ =	shalt  }
0x72: {  	_ =	shalt  }
0x73: {  	_ =	shalt  }
0x74: {  	_ =	shalt  }
0x75: {  	_ =	shalt  }
0x76: {  	_ =	shalt  }
0x77: {  	_ =	shalt  }
0x78: {  	_ =	shalt  }
0x79: {  	_ =	shalt  }
0x7a: {  	_ =	shalt  }
0x7b: {  	_ =	shalt  }
0x7c: {  	_ =	shalt  }
0x7d: {  	_ =	shalt  }
0x7e: {  	_ =	shalt  }
0x7f: {  	_ =	shalt  }
0x80: {  	_ =	shalt  }
0x81: {  	_ =	shalt  }
0x82: {  	_ =	shalt  }
0x83: {  	_ =	shalt  }
0x84: {  	_ =	shalt  }
0x85: {  	_ =	shalt  }
0x86: {  	_ =	shalt  }
0x87: {  	_ =	shalt  }
.Lfunc_end0:
.L_simem_size_0:
called_computation.1_lowered:
.L_overlay_start_0:
0x88: {  	s2 =	sld [smem:$0x3FD9]  }
0x89: {  	s3 =	sld [smem:$0x3FFE];
	_ =	sdelay $0x1  }
0x8a: {  	s1 =	srdreg.scid  }
0x8b: {  	s0 =	sand.u32 $0x1, s1  }
0x8c: {  	s16 =	sshll.u32 s0, $0xA;
	s2 =	sadd.s32 s3, s2  }
0x8d: {  	s2 =	sadd.s32 s2, s16  }
0x8e: {  	[smem:$0x3FBC] =	sst s2  }
0x8f: {  	_ = 	snop  }
0x90: {  	(tm) =	ssettm $0x1  }
0x91: {  	s17 =	sld [smem:$0x3FFB];
	_ =	sdelay $0x3  }
0x92: {  	_ =	strace s17  }
0x93: {  	s2 =	sld [smem:$0x3FFC];
	_ =	sdelay $0x3  }
0x94: {  	_ =	strace s2  }
0x95: {  	s2 =	sld [smem:$0x3FFD];
	_ =	sdelay $0x3  }
0x96: {  	_ =	strace s2  }
0x97: {  	_ =	strace $0x8FFFFFFF  }
0x98: {  	s18 =	sld [smem:$0x3FDB];
	_ =	sdelay $0x1  }
0x99: {  	s19 =	simm.s32 $_scs_section_size  }
0x9a: {  	s4 =	simm.s32 $_size__tile_overlayer_lowered;
	s5 =	simm.s32 $_tile_overlayer_lowered  }
0x9b: {  	s22 =	simm.s32 $0x1BFF;
	s21 =	sshll.u32 s5, $0x1;
	s2 =	sadd.s32 s19, s18  }
0x9c: {  	s6 =	simm.s32 $0x0;
	s20 =	sshll.u32 s4, $0x1;
	s4 =	sadd.s32 s21, s2  }
0x9d: {  	[timem:s6], [sflag:s22] =	dma.local [hbm:s4], s20  }
0x9e: {  	_ =	swait.ge [sflag:s22], s20  }
0x9f: {  	s3 =	ssub.s32 $0x0, s20;
	[sflag:s22] =	ssyncset.done $0x0  }
0xa0: {  	[sflag:s22] =	ssyncadd.s32 s3;
	_ =	sdelay $0x1  }
0xa1: {  	s23 =	simm.s32 $0x1B8B  }
0xa2: {  	_ =	swait.ge [sflag:s23], $0x1  }
0xa3: {  	[sflag:s23] =	ssyncset.done $0x0  }
0xa4: {  	s25 =	simm.s32 $0x1B8E;
	s24 =	sld [smem:$0x3FFE];
	[sflag:s23] =	ssyncadd.s32 $0xFFFFFFFF  }
0xa5: {  	s26 =	simm.s32 $execute0_lowered;
	[smem:$0x3FD2] =	sst s25  }
0xa6: {  	s4 =	sshll.u32 s26, $0x1;
	_ =	strace $0x80000049;
	[dreg:$0x1] =	wrdreg $0xFFFFFFFF  }
0xa7: {  	s28 =	simm.s32 $_size_execute0_lowered;
	s2 =	sadd.s32 s2, s4;
	[dreg:$0x0] =	wrdreg $0x0  }
0xa8: {  	s4 =	sshll.u32 s28, $0x1;
	[dreg:$0x2] =	wrdreg s2  }
0xa9: {  	[dreg:$0x3] =	wrdreg s4  }
0xaa: {  	[dreg:$0x4] =	wrdreg $0xC0  }
0xab: {  	_ =	task [dreg:s6], $0x5FFFF  }
0xac: {  	[dreg:$0x1] =	wrdreg $0xFFFFFFFF  }
0xad: {  	[dreg:$0x0] =	wrdreg $0x60  }
0xae: {  	[dreg:$0x2] =	wrdreg s24  }
0xaf: {  	[dreg:$0x3] =	wrdreg $0x4F000  }
0xb0: {  	[dreg:$0x4] =	wrdreg $0x9  }
0xb1: {  	_ =	task.clear_ibuf [dreg:s6], $0x5FFFF;
	_ =	strace $0x90000049  }
0xb2: {  	s29 =	simm.s32 $0x9;
	_ =	strace $0x8000004B  }
0xb3: {  	_ =	swait.ge [sflag:s29], $0x1  }
0xb4: {  	[sflag:s29] =	ssyncadd.s32 $0xFFFFFFFF  }
0xb5: {  	_ =	strace $0x9000004B  }
0xb6: {  	_ =	sfence  }
0xb7: {  	s30 =	sld [smem:$0x0];
	_ =	sdelay $0x2  }
0xb8: {  	s31 =	sshll.u32 s1, $0xD;
	s1 =	sshrl.u32 s1, $0x2  }
0xb9: {  	s3 =	sand.u32 $0x4000, s31;
	s1 =	sadd.s32 s1, s30  }
0xba: {  	s0 =	sor.u32 s3, s0;
	s1 =	sshll.u32 s1, $0x11  }
0xbb: {  	s0 =	sor.u32 s1, s0  }
0xbc: {  	s0 =	sadd.s32 $0x8F2B, s0  }
0xbd: {  	[sflag:s0] =	ssyncadd.remote.s32 $0x1  }
0xbe: {  	_ =	sfence.sel $0xFFFF  }
0xbf: {  	[dreg:$0x0] =	wrdreg $0xFFFFFFFF;
	(pc) =	sbr.abs _section_cstart, $3  }
0xc0: {  	[dreg:$0x1] =	wrdreg $0xFFFFFFFF  }
0xc1: {  	_ =	task.clear_ibuf [dreg:s6], $0x2FFFF;
	_ =	strace $0x9FFFFFFF  }
0xc2: {  	(tm) =	ssettm $0x7FFFFFFF  }
0xc3: {  	_ =	shalt  }
tec
execute0_lowered:
.L_overlay_start_1:
0x0: {  	(tag) =	ssettag $0x1  }
0x1: {  	s0 =	rddreg [dreg:$0x0]  }
0x2: {  	s2 =	rddreg [dreg:$0x1]  }
0x3: {  	s1 =	srdreg.scid;
	s8 =	stileid.u32  }
0x4: {  	s6 =	simm.s32 $0x0;
	s12 =	simm.s32 $0x80;
	s13 =	simm.s32 $0x400  }
0x5: {  	s16 =	simm.s32 $0x1;
	s17 =	simm.s32 $0x2;
	s18 =	simm.s32 $0x3  }
0x6: {  	s19 =	simm.s32 $0x28;
	s20 =	simm.s32 $0x1DF00;
	s28 =	simm.s32 $0x1CB00  }
0x7: {  	s29 =	simm.s32 $0x50;
	s30 =	simm.s32 $0x1E000;
	s31 =	simm.s32 $0x1E080  }
0x8: {  	s1 =	sand.u32 $0x1, s1;
	s3 =	sshrl.u32 s8, $0x2;
	s22 =	smul.u32 $0x14000, s8  }
0x9: {  	s4 =	sshll.u32 s8, $0x8;
	[smem:$0x7FF] =	sst s6;
	s7 =	smul.u32 $0x50000, s8  }
0xa: {  	s9 =	sadd.s32 $0xDF400, s0;
	s3 =	smul.u32 $0x13C00, s3;
	s5 =	sshll.u32 s1, $0x7  }
0xb: {  	s4 =	sand.u32 $0x300, s4;
	s21 =	smul.u32 $0x140000, s1;
	_ =	strace $0x8000004A  }
0xc: {  	s1 =	ssub.s32 $0x2, s1;
	[dreg:$0x3] =	wrdreg s9;
	s4 =	sor.u32 s5, s4  }
0xd: {  	s23 =	sshrl.u32 s1, $0x1;
	s25 =	sshrl.u32 s7, $0x2;
	s7 =	sshll.u32 s8, $0x6  }
0xe: {  	s3 =	sor.u32 s3, s4;
	s4 =	sadd.s32 $0xB8200, s0;
	s5 =	sadd.s32 s22, s21  }
0xf: {  	s1 =	ssub.s32 s1, s23;
	s26 =	sadd.s32 s25, s2;
	s9 =	sor.u32 $0x1C03, s7  }
0x10: {  	s21 =	simm.s32 $0x18F00;
	s22 =	simm.s32 $0x1DF28;
	s23 =	simm.s32 $0x1A300  }
0x11: {  	s25 =	simm.s32 $0x1B700;
	s3 =	sshrl.u32 s3, $0x3;
	s5 =	sshrl.u32 s5, $0x3  }
.Ltmp0:
0x12: {  	s11 =	smax.u32 s1, $0x1;
	s15 =	sshrl.u32 s26, $0x3;
	(pc) =	sbr.rel .LBB2_1-.Ltmp0, $4  }
0x13: {  	s26 =	simm.s32 $0x1DFA8;
	s1 =	simm.s32 $0x5;
	s3 =	sadd.s32 s3, s0  }
0x14: {  	s0 =	sadd.s32 s5, s0;
	s24 =	sadd.s32 $0x3000, s3;
	s3 =	sadd.s32 $0xCE00, s3  }
0x15: {  	s10 =	sadd.s32 $0xE1C00, s0;
	s0 =	simm.s32 $0x4;
	[dreg:$0x4] =	wrdreg s24  }
0x16: {  	[dreg:$0x5] =	wrdreg s3;
	s24 =	simm.s32 $0x1DF80;
	s3 =	simm.s32 $0x0  }
.LBB2_4:
0x17: {  	_ =	swait.ge [sflag:s16], $0x1400  }
0x18: {  	[sflag:s16] =	ssyncset.done $0x0  }
0x19: {  	[sflag:s16] =	ssyncadd.s32 $0xFFFFEC00  }
0x1a: {  	_ =	swait.ge [sflag:s16], $0x1400  }
0x1b: {  	[sflag:s16] =	ssyncset.done $0x0  }
0x1c: {  	[sflag:s16] =	ssyncadd.s32 $0xFFFFEC00  }
0x1d: {  	v0 =	vld [tilespmem:$0x4E40]  }
0x1e: {  	v1 =	vld [tilespmem:$0x4E50]  }
0x1f: {  	v2 =	vld [tilespmem:$0x4E60]  }
0x20: {  	v3 =	vld [tilespmem:$0x4E70]  }
0x21: {  	v4 =	vld [tilespmem:$0x4E80]  }
0x22: {  	[tilespmem:$0x1E000] =	vst v0  }
0x23: {  	[tilespmem:$0x1E010] =	vst v1  }
0x24: {  	[tilespmem:$0x1E020] =	vst v2  }
0x25: {  	[tilespmem:$0x1E030] =	vst v3  }
0x26: {  	[tilespmem:$0x1E040] =	vst v4  }
0x27: {  	[spmem:s2] =	stream.indirect.scatter.add.f32 [tilespmem:s21], [sflag:$0x3], $0x80, s30, s29, $0xb8;
	[tilespmem:$0x1E100] =	vst v63  }
0x28: {  	_ =	swait.ge [sflag:s18], $0x2800  }
0x29: {  	s3 =	sadd.s32 $0x1, s3;
	[sflag:s18] =	ssyncset.done $0x0  }
0x2a: {  	p0 =	sne.s32 s3, s11;
	[sflag:s18] =	ssyncadd.s32 $0xFFFFD800  }
.Ltmp1:
0x2b: {  	s5 =	sor.u32 $0x1C05, s7;
	[bflag:$0x0] =	sbarrier.arrive $0xFFFF;
	(pc) =	sbr.rel @!p0 .LBB2_5-.Ltmp1, $4  }
0x2c: {  	[hbm:s10], [sflag:s5] =	dma.local [spmem:s15], $0x2800  }
0x2d: {  	_ =	swait.ge [sflag:s1], $0x2800  }
0x2e: {  	[sflag:s1] =	ssyncset.done $0x0  }
0x2f: {  	[sflag:s1] =	ssyncadd.s32 $0xFFFFD800  }
.LBB2_1:
0x30: {  	s6 =	rddreg [dreg:$0x4]  }
0x31: {  	s5 =	simm.s32 $0x0;
	s14 =	rddreg [dreg:$0x3]  }
0x32: {  	[tilespmem:s5], [sflag:$0x1] =	stream.strided.gather [hbm4b:s6+s12], $0x2780, s13, s12, $0x38;
	[tilespmem:$0x1E100] =	vst v63  }
0x33: {  	s8 =	simm.s32 $0x2780;
	s6 =	rddreg [dreg:$0x5]  }
0x34: {  	[tilespmem:s8], [sflag:$0x2] =	stream.strided.gather [hbm4b:s6+s12], $0x2780, s13, s12, $0x38;
	[tilespmem:$0x1E100] =	vst v63  }
0x35: {  	[spmem:s15], [sflag:s9] =	dma.local [hbm:s14], $0x2800  }
0x36: {  	_ =	swait.ge [sflag:s16], $0x2780  }
0x37: {  	[sflag:s16] =	ssyncset.done $0x0  }
0x38: {  	[sflag:s16] =	ssyncadd.s32 $0xFFFFD880  }
0x39: {  	_ =	swait.ge [sflag:s17], $0x2780  }
0x3a: {  	[sflag:s17] =	ssyncset.done $0x0  }
0x3b: {  	[sflag:s17] =	ssyncadd.s32 $0xFFFFD880  }
0x3c: {  	_ =	swait.ge [sflag:s18], $0x2800  }
0x3d: {  	[sflag:s18] =	ssyncset.done $0x0  }
0x3e: {  	[sflag:s18] =	ssyncadd.s32 $0xFFFFD800  }
0x3f: {  	[bflag:$0x0] =	sbarrier.arrive $0xFFFF  }
0x40: {  	v0 =	vld [tilespmem:$0x0]  }
0x41: {  	v1 =	vld [tilespmem:$0x10]  }
0x42: {  	v2 =	vld [tilespmem:$0x20]  }
0x43: {  	v3 =	vld [tilespmem:$0x30]  }
0x44: {  	v4 =	vld [tilespmem:$0x40]  }
0x45: {  	[tilespmem:$0x1DF00] =	vst v0  }
0x46: {  	[tilespmem:$0x1DF10] =	vst v1  }
0x47: {  	[tilespmem:$0x1DF20] =	vst v2  }
0x48: {  	[tilespmem:$0x1DF30] =	vst v3  }
0x49: {  	[tilespmem:$0x1DF40] =	vst v4  }
0x4a: {  	[tilespmem:s21], [sflag:$0x1] =	stream.indirect.gather [hbm4b:s4+s19], $0x80, s20, s19, $0xb8;
	[tilespmem:$0x1E100] =	vst v63  }
0x4b: {  	_ = 	snop  }
0x4c: {  	[tilespmem:s23], [sflag:$0x1] =	stream.indirect.gather [hbm4b:s4+s19], $0x80, s22, s19, $0xb8;
	[tilespmem:$0x1E100] =	vst v63  }
0x4d: {  	v59 =	vld [tilespmem:$0x50]  }
0x4e: {  	v60 =	vld [tilespmem:$0x60]  }
0x4f: {  	v61 =	vld [tilespmem:$0x70]  }
0x50: {  	v62 =	vld [tilespmem:$0x80]  }
0x51: {  	v63 =	vld [tilespmem:$0x90]  }
0x52: {  	[tilespmem:$0x1DF80] =	vst v59  }
0x53: {  	[tilespmem:$0x1DF90] =	vst v60  }
0x54: {  	[tilespmem:$0x1DFA0] =	vst v61  }
0x55: {  	[tilespmem:$0x1DFB0] =	vst v62  }
0x56: {  	[tilespmem:$0x1DFC0] =	vst v63  }
0x57: {  	[tilespmem:s25], [sflag:$0x2] =	stream.indirect.gather [hbm4b:s4+s19], $0x80, s24, s19, $0xb8;
	[tilespmem:$0x1E100] =	vst v63  }
0x58: {  	s5 =	simm.s32 $0x130;
	s6 =	simm.s32 $0x0;
	s14 =	simm.s32 $0x27D0  }
0x59: {  	[tilespmem:s28], [sflag:$0x2] =	stream.indirect.gather [hbm4b:s4+s19], $0x80, s26, s19, $0xb8;
	[tilespmem:$0x1E100] =	vst v63  }
.LBB2_2:
0x5a: {  	_ =	swait.ge [sflag:s16], $0x1400  }
0x5b: {  	[sflag:s16] =	ssyncset.done $0x0  }
0x5c: {  	[sflag:s16] =	ssyncadd.s32 $0xFFFFEC00  }
0x5d: {  	_ =	swait.ge [sflag:s16], $0x1400  }
0x5e: {  	[sflag:s16] =	ssyncset.done $0x0  }
0x5f: {  	[sflag:s16] =	ssyncadd.s32 $0xFFFFEC00  }
0x60: {  	v0 =	vld [tilespmem:s14+$0xFFFFFFB0];
	_ =	sdelay $0x4  }
0x61: {  	[tilespmem:$0x1E000] =	vst v0  }
0x62: {  	v0 =	vld [tilespmem:s14+$0xFFFFFFC0];
	_ =	sdelay $0x4  }
0x63: {  	[tilespmem:$0x1E010] =	vst v0  }
0x64: {  	v0 =	vld [tilespmem:s14+$0xFFFFFFD0];
	_ =	sdelay $0x4  }
0x65: {  	[tilespmem:$0x1E020] =	vst v0  }
0x66: {  	v0 =	vld [tilespmem:s14+$0xFFFFFFE0];
	_ =	sdelay $0x4  }
0x67: {  	[tilespmem:$0x1E030] =	vst v0  }
0x68: {  	v0 =	vld [tilespmem:s14+$0xFFFFFFF0];
	_ =	sdelay $0x4  }
0x69: {  	[tilespmem:$0x1E040] =	vst v0  }
0x6a: {  	[spmem:s2] =	stream.indirect.scatter.add.f32 [tilespmem:s21], [sflag:$0x3], $0x80, s30, s29, $0xb8;
	[tilespmem:$0x1E100] =	vst v63  }
0x6b: {  	_ =	swait.ge [sflag:s18], $0x2800  }
0x6c: {  	[sflag:s18] =	ssyncset.done $0x0  }
0x6d: {  	[sflag:s18] =	ssyncadd.s32 $0xFFFFD800  }
0x6e: {  	v62 =	vld [tilespmem:s5+$0xFFFFFF70];
	_ =	sdelay $0x4  }
0x6f: {  	[tilespmem:$0x1DF00] =	vst v62  }
0x70: {  	v0 =	vld [tilespmem:s5+$0xFFFFFF80];
	_ =	sdelay $0x4  }
0x71: {  	[tilespmem:$0x1DF10] =	vst v0  }
0x72: {  	v0 =	vld [tilespmem:s5+$0xFFFFFF90];
	_ =	sdelay $0x4  }
0x73: {  	[tilespmem:$0x1DF20] =	vst v0  }
0x74: {  	v0 =	vld [tilespmem:s5+$0xFFFFFFA0];
	_ =	sdelay $0x4  }
0x75: {  	[tilespmem:$0x1DF30] =	vst v0  }
0x76: {  	v0 =	vld [tilespmem:s5+$0xFFFFFFB0];
	_ =	sdelay $0x4  }
0x77: {  	[tilespmem:$0x1DF40] =	vst v0  }
0x78: {  	[tilespmem:s21], [sflag:$0x1] =	stream.indirect.gather [hbm4b:s4+s19], $0x80, s20, s19, $0xb8;
	[tilespmem:$0x1E100] =	vst v63  }
0x79: {  	_ = 	snop  }
0x7a: {  	[tilespmem:s23], [sflag:$0x1] =	stream.indirect.gather [hbm4b:s4+s19], $0x80, s22, s19, $0xb8;
	[tilespmem:$0x1E100] =	vst v63  }
0x7b: {  	_ =	swait.ge [sflag:s17], $0x1400  }
0x7c: {  	[sflag:s17] =	ssyncset.done $0x0  }
0x7d: {  	[sflag:s17] =	ssyncadd.s32 $0xFFFFEC00  }
0x7e: {  	_ =	swait.ge [sflag:s17], $0x1400  }
0x7f: {  	[sflag:s17] =	ssyncset.done $0x0  }
0x80: {  	[sflag:s17] =	ssyncadd.s32 $0xFFFFEC00  }
0x81: {  	v63 =	vld [tilespmem:s14+$0x0];
	_ =	sdelay $0x4  }
0x82: {  	[tilespmem:$0x1E080] =	vst v63  }
0x83: {  	v0 =	vld [tilespmem:s14+$0x10];
	_ =	sdelay $0x4  }
0x84: {  	[tilespmem:$0x1E090] =	vst v0  }
0x85: {  	v0 =	vld [tilespmem:s14+$0x20];
	_ =	sdelay $0x4  }
0x86: {  	s8 =	sand.u32 $0x3FE0, s6;
	[tilespmem:$0x1E0A0] =	vst v0  }
0x87: {  	v0 =	vld [tilespmem:s8+$0x2800];
	_ =	sdelay $0x4  }
0x88: {  	[tilespmem:$0x1E0B0] =	vst v0  }
0x89: {  	v0 =	vld [tilespmem:s14+$0x40];
	_ =	sdelay $0x3  }
0x8a: {  	p0 =	seq.s32 s6, $0x2620  }
.Ltmp2:
0x8b: {  	[tilespmem:$0x1E0C0] =	vst v0;
	(pc) =	sbr.rel @p0 .LBB2_4-.Ltmp2, $4  }
0x8c: {  	[spmem:s2] =	stream.indirect.scatter.add.f32 [tilespmem:s25], [sflag:$0x4], $0x80, s31, s29, $0xb8;
	[tilespmem:$0x1E100] =	vst v63  }
0x8d: {  	_ =	swait.ge [sflag:s0], $0x2800  }
0x8e: {  	[sflag:s0] =	ssyncset.done $0x0  }
0x8f: {  	[sflag:s0] =	ssyncadd.s32 $0xFFFFD800  }
0x90: {  	v0 =	vld [tilespmem:s5+$0xFFFFFFC0];
	_ =	sdelay $0x4  }
0x91: {  	[tilespmem:$0x1DF80] =	vst v0  }
0x92: {  	v0 =	vld [tilespmem:s5+$0xFFFFFFD0];
	_ =	sdelay $0x4  }
0x93: {  	[tilespmem:$0x1DF90] =	vst v0  }
0x94: {  	v0 =	vld [tilespmem:s5+$0xFFFFFFE0];
	_ =	sdelay $0x4  }
0x95: {  	[tilespmem:$0x1DFA0] =	vst v0  }
0x96: {  	v0 =	vld [tilespmem:s5+$0xFFFFFFF0];
	_ =	sdelay $0x4  }
0x97: {  	[tilespmem:$0x1DFB0] =	vst v0  }
0x98: {  	v0 =	vld [tilespmem:s5+$0x0];
	_ =	sdelay $0x3  }
.Ltmp3:
0x99: {  	_ = 	snop;
	(pc) =	sbr.rel .LBB2_2-.Ltmp3, $4  }
0x9a: {  	[tilespmem:$0x1DFC0] =	vst v0  }
0x9b: {  	[tilespmem:s25], [sflag:$0x2] =	stream.indirect.gather [hbm4b:s4+s19], $0x80, s24, s19, $0xb8;
	[tilespmem:$0x1E100] =	vst v63  }
0x9c: {  	s6 =	sadd.s32 $0xA0, s6;
	s14 =	sadd.s32 $0xA0, s14;
	s5 =	sadd.s32 $0xA0, s5  }
0x9d: {  	[tilespmem:s28], [sflag:$0x2] =	stream.indirect.gather [hbm4b:s4+s19], $0x80, s26, s19, $0xb8;
	[tilespmem:$0x1E100] =	vst v63  }
.LBB2_5:
0x9e: {  	_ =	sfence.sel $0x180000  }
0x9f: {  	[bflag:$0x0] =	sbarrier.arrive $0xFFFF  }
0xa0: {  	_ =	strace $0x9000004A  }
0xa1: {  	s0 =	stileid.u32;
	[bflag:$0x2] =	sbarrier.arrive $0xFFFF  }
0xa2: {  	p0 =	sne.s32 s0, $0x0;
	s0 =	rddreg [dreg:$0x2]  }
0xa3: {  	s0 =	sadd.s32 @!p0 $0x100000, s0  }
0xa4: {  	[sflag:s0] =	ssyncadd.tile.s32 @!p0 $0x1;
	_ =	shalt  }
.Lfunc_end2:
_tile_overlayer_lowered:
.L_overlay_start_2:
0xa5: {  	(tag) =	ssettag $0x2  }
0xa6: {  	s0 =	rddreg [dreg:$0x0];
	s2 =	stileid.u32  }
0xa7: {  	s1 =	rddreg [dreg:$0x1];
	p0 =	sne.s32 s2, $0x0  }
0xa8: {  	s3 =	rddreg [dreg:$0x2];
	[bflag:$0x3] =	sbarrier.arrive $0xFFFF;
	s2 =	simm.s32 @!p0 $0x1C05  }
0xa9: {  	[timem:s3], [sflag:s2] =	dma.local @!p0 [hbm:s0], s1  }
0xaa: {  	s0 =	simm.s32 @!p0 $0x5  }
0xab: {  	_ =	swait.ge @!p0 [sflag:s0], s1  }
0xac: {  	s1 =	ssub.s32 @!p0 $0x0, s1;
	[sflag:s0] =	ssyncset.done @!p0 $0x0  }
0xad: {  	[sflag:s0] =	ssyncadd.s32 @!p0 s1  }
0xae: {  	[bflag:$0x3] =	sbarrier.arrive $0xFFFF  }
0xaf: {  	_ =	shalt  }

// kernel: kernel.17.cloned.1.call-start
scs
__scs_entry_jumppad:
0x0: {  	(pc) =	sbr.rel $0x88, $3  }
0x1: {  	(tag) =	ssettag $0x0;
	lr =	simm.s32 $0x1  }
0x2: {  	[smem:$0x3F95] =	sst lr;
	_ =	strace $0xD0000000  }
0x3: {  	_ = 	snop  }
0x4: {  	_ = 	snop  }
0x5: {  	_ = 	snop  }
0x6: {  	_ = 	snop  }
0x7: {  	_ = 	snop  }
__scs_overlays_trampoline_lowered:
0x8: {  	[smem:$0x3FA4] =	sst s0  }
0x9: {  	[smem:$0x3FA5] =	sst s1  }
0xa: {  	[smem:$0x3FA6] =	sst s2  }
0xb: {  	[smem:$0x3FA7] =	sst s3  }
0xc: {  	[smem:$0x3FA8] =	sst s4  }
0xd: {  	[smem:$0x3FA9] =	sst s5  }
0xe: {  	[smem:$0x3FAA] =	sst s6  }
0xf: {  	[smem:$0x3FAB] =	sst s7  }
0x10: {  	[smem:$0x3FAC] =	sst s8  }
0x11: {  	[smem:$0x3FAD] =	sst s9;
	s0 =	simm.s32 @!p0 $0x0  }
0x12: {  	s1 =	sld [smem:$0x3F93];
	s0 =	simm.s32 @p0 $0x1  }
0x13: {  	[smem:$0x3FAE] =	sst s0;
	s0 =	simm.s32 @!p1 $0x0  }
0x14: {  	s2 =	sld [smem:$0x3F92];
	s0 =	simm.s32 @p1 $0x1  }
0x15: {  	[smem:$0x3FAF] =	sst s0;
	s0 =	simm.s32 @!p2 $0x0  }
0x16: {  	s3 =	sld [smem:$0x3FDB];
	s0 =	simm.s32 @p2 $0x1  }
0x17: {  	s4 =	simm.s32 $0x1BF5;
	[smem:$0x3FB1] =	sst s0  }
0x18: {  	s0 =	sld [smem:$0x3F94];
	_ =	swait.ge [sflag:s4], $0x0  }
0x19: {  	s7 =	sld [smem:$0x3F95]  }
0x1a: {  	s8 =	sadd.s32 $0xFFFFE003, lr  }
0x1b: {  	s9 =	sadd.s32 $0xFFFFFEF7, lr;
	s5 =	simm.s32 $0xFFFFFFFF;
	p2 =	slt.u32 s8, $0xFFFFF086  }
0x1c: {  	p1 =	slt.u32 s9, $0xF7A;
	s5 =	simm.s32 @!p2 $0x0  }
0x1d: {  	s5 =	simm.s32 @p1 $0x1;
	p0 =	seq.s32 s7, s2  }
0x1e: {  	s7 =	smul.u32 @!p0 $0xF7A, s2;
	p2 =	seq.s32 @!p0 s5, $0x0  }
0x1f: {  	s9 =	smul.u32 $0xF7A, s1;
	s8 =	simm.s32 @!p0 $0x1BF5;
	p2 =	por !p2, p0  }
0x20: {  	[sflag:s8] =	ssyncset.s32 @!p0 $0xFFFFF086;
	s6 =	sadd.s32 @!p0 s3, s7;
	s7 =	simm.s32 @!p0 $0x108  }
0x21: {  	s3 =	sadd.s32 s3, s9;
	s6 =	sadd.s32 @!p0 $0x88, s6;
	s7 =	simm.s32 @p2 $0x1082  }
0x22: {  	[simem:s7], [sflag:s8] =	dma.local @!p0 [hbm:s6], $0xF7A  }
0x23: {  	s9 =	sor.u32 $0xD0000000, s2;
	s6 =	simm.s32 $0x108;
	_ =	swait.ge @!p0 [sflag:s8], $0x0  }
0x24: {  	s3 =	sadd.s32 $0x88, s3;
	s6 =	simm.s32 @!p1 $0x1082;
	[sflag:s4] =	ssyncset.s32 $0xFFFFF086  }
0x25: {  	[simem:s6], [sflag:s4] =	dma.local [hbm:s3], $0xF7A  }
0x26: {  	[smem:$0x3F95] =	sst s1;
	(tag) =	ssettag s2;
	_ =	strace s9  }
0x27: {  	s1 =	sld [smem:$0x3FA5]  }
0x28: {  	s2 =	sld [smem:$0x3FA6]  }
0x29: {  	s4 =	sld [smem:$0x3FA8]  }
0x2a: {  	p0 =	seq.s32 s5, $0x0;
	s5 =	sld [smem:$0x3FA9]  }
0x2b: {  	s6 =	sld [smem:$0x3FAA]  }
0x2c: {  	s7 =	sld [smem:$0x3FAB]  }
0x2d: {  	s3 =	simm.s32 $0x108;
	s8 =	sld [smem:$0x3FAC]  }
0x2e: {  	s3 =	simm.s32 @!p0 $0x1082;
	s9 =	sld [smem:$0x3FAD]  }
0x2f: {  	lr =	sadd.s32 s0, s3;
	s0 =	sld [smem:$0x3FA4]  }
0x30: {  	s3 =	sld [smem:$0x3FA7]  }
0x31: {  	[smem:$0x3FB0] =	sst s10  }
0x32: {  	s10 =	sld [smem:$0x3FAE];
	_ =	sdelay $0x3  }
0x33: {  	p0 =	seq.s32 s10, $0x1;
	s10 =	sld [smem:$0x3FB0];
	_ =	sdelay $0x3  }
0x34: {  	[smem:$0x3FB0] =	sst s10  }
0x35: {  	s10 =	sld [smem:$0x3FAF];
	_ =	sdelay $0x3  }
0x36: {  	p1 =	seq.s32 s10, $0x1;
	s10 =	sld [smem:$0x3FB0];
	_ =	sdelay $0x3  }
0x37: {  	[smem:$0x3FB0] =	sst s10  }
0x38: {  	s10 =	sld [smem:$0x3FB1]  }
0x39: {  	_ = 	snop;
	(pc) =	sbr.ind lr, $3  }
0x3a: {  	_ = 	snop  }
0x3b: {  	_ = 	snop  }
0x3c: {  	p2 =	seq.s32 s10, $0x1;
	s10 =	sld [smem:$0x3FB0]  }
0x3d: {  	_ =	shalt  }
0x3e: {  	_ =	shalt  }
0x3f: {  	_ =	shalt  }
0x40: {  	_ =	shalt  }
0x41: {  	_ =	shalt  }
0x42: {  	_ =	shalt  }
0x43: {  	_ =	shalt  }
0x44: {  	_ =	shalt  }
0x45: {  	_ =	shalt  }
0x46: {  	_ =	shalt  }
0x47: {  	_ =	shalt  }
0x48: {  	_ =	shalt  }
0x49: {  	_ =	shalt  }
0x4a: {  	_ =	shalt  }
0x4b: {  	_ =	shalt  }
0x4c: {  	_ =	shalt  }
0x4d: {  	_ =	shalt  }
0x4e: {  	_ =	shalt  }
0x4f: {  	_ =	shalt  }
0x50: {  	_ =	shalt  }
0x51: {  	_ =	shalt  }
0x52: {  	_ =	shalt  }
0x53: {  	_ =	shalt  }
0x54: {  	_ =	shalt  }
0x55: {  	_ =	shalt  }
0x56: {  	_ =	shalt  }
0x57: {  	_ =	shalt  }
0x58: {  	_ =	shalt  }
0x59: {  	_ =	shalt  }
0x5a: {  	_ =	shalt  }
0x5b: {  	_ =	shalt  }
0x5c: {  	_ =	shalt  }
0x5d: {  	_ =	shalt  }
0x5e: {  	_ =	shalt  }
0x5f: {  	_ =	shalt  }
0x60: {  	_ =	shalt  }
0x61: {  	_ =	shalt  }
0x62: {  	_ =	shalt  }
0x63: {  	_ =	shalt  }
0x64: {  	_ =	shalt  }
0x65: {  	_ =	shalt  }
0x66: {  	_ =	shalt  }
0x67: {  	_ =	shalt  }
0x68: {  	_ =	shalt  }
0x69: {  	_ =	shalt  }
0x6a: {  	_ =	shalt  }
0x6b: {  	_ =	shalt  }
0x6c: {  	_ =	shalt  }
0x6d: {  	_ =	shalt  }
0x6e: {  	_ =	shalt  }
0x6f: {  	_ =	shalt  }
0x70: {  	_ =	shalt  }
0x71: {  	_ =	shalt  }
0x72: {  	_ =	shalt  }
0x73: {  	_ =	shalt  }
0x74: {  	_ =	shalt  }
0x75: {  	_ =	shalt  }
0x76: {  	_ =	shalt  }
0x77: {  	_ =	shalt  }
0x78: {  	_ =	shalt  }
0x79: {  	_ =	shalt  }
0x7a: {  	_ =	shalt  }
0x7b: {  	_ =	shalt  }
0x7c: {  	_ =	shalt  }
0x7d: {  	_ =	shalt  }
0x7e: {  	_ =	shalt  }
0x7f: {  	_ =	shalt  }
0x80: {  	_ =	shalt  }
0x81: {  	_ =	shalt  }
0x82: {  	_ =	shalt  }
0x83: {  	_ =	shalt  }
0x84: {  	_ =	shalt  }
0x85: {  	_ =	shalt  }
0x86: {  	_ =	shalt  }
0x87: {  	_ =	shalt  }
.Lfunc_end0:
.L_simem_size_0:
called_computation.2_lowered:
.L_overlay_start_0:
0x88: {  	s2 =	sld [smem:$0x3FD9]  }
0x89: {  	s3 =	sld [smem:$0x3FFE];
	_ =	sdelay $0x1  }
0x8a: {  	s1 =	srdreg.scid  }
0x8b: {  	s0 =	sand.u32 $0x1, s1  }
0x8c: {  	s16 =	sshll.u32 s0, $0xA;
	s2 =	sadd.s32 s3, s2  }
0x8d: {  	s2 =	sadd.s32 s2, s16  }
0x8e: {  	[smem:$0x3FBC] =	sst s2  }
0x8f: {  	_ = 	snop  }
0x90: {  	(tm) =	ssettm $0x1  }
0x91: {  	s17 =	sld [smem:$0x3FFB];
	_ =	sdelay $0x3  }
0x92: {  	_ =	strace s17  }
0x93: {  	s2 =	sld [smem:$0x3FFC];
	_ =	sdelay $0x3  }
0x94: {  	_ =	strace s2  }
0x95: {  	s2 =	sld [smem:$0x3FFD];
	_ =	sdelay $0x3  }
0x96: {  	_ =	strace s2  }
0x97: {  	_ =	strace $0x8FFFFFFF  }
0x98: {  	s18 =	sld [smem:$0x3FDB];
	_ =	sdelay $0x1  }
0x99: {  	s19 =	simm.s32 $_scs_section_size  }
0x9a: {  	s4 =	simm.s32 $_size__tile_overlayer_lowered;
	s5 =	simm.s32 $_tile_overlayer_lowered  }
0x9b: {  	s22 =	simm.s32 $0x1BFF;
	s21 =	sshll.u32 s5, $0x1;
	s2 =	sadd.s32 s19, s18  }
0x9c: {  	s6 =	simm.s32 $0x0;
	s20 =	sshll.u32 s4, $0x1;
	s4 =	sadd.s32 s21, s2  }
0x9d: {  	[timem:s6], [sflag:s22] =	dma.local [hbm:s4], s20  }
0x9e: {  	_ =	swait.ge [sflag:s22], s20  }
0x9f: {  	s3 =	ssub.s32 $0x0, s20;
	[sflag:s22] =	ssyncset.done $0x0  }
0xa0: {  	[sflag:s22] =	ssyncadd.s32 s3;
	_ =	sdelay $0x1  }
0xa1: {  	s23 =	simm.s32 $0x1B8B  }
0xa2: {  	_ =	swait.ge [sflag:s23], $0x1  }
0xa3: {  	[sflag:s23] =	ssyncset.done $0x0  }
0xa4: {  	s25 =	simm.s32 $0x1B8E;
	s24 =	sld [smem:$0x3FFE];
	[sflag:s23] =	ssyncadd.s32 $0xFFFFFFFF  }
0xa5: {  	s26 =	simm.s32 $execute0_lowered;
	[smem:$0x3FD2] =	sst s25  }
0xa6: {  	s4 =	sshll.u32 s26, $0x1;
	_ =	strace $0x8000004C;
	[dreg:$0x1] =	wrdreg $0xFFFFFFFF  }
0xa7: {  	s28 =	simm.s32 $_size_execute0_lowered;
	s2 =	sadd.s32 s2, s4;
	[dreg:$0x0] =	wrdreg $0x0  }
0xa8: {  	s4 =	sshll.u32 s28, $0x1;
	[dreg:$0x2] =	wrdreg s2  }
0xa9: {  	[dreg:$0x3] =	wrdreg s4  }
0xaa: {  	[dreg:$0x4] =	wrdreg $0xC0  }
0xab: {  	_ =	task [dreg:s6], $0x5FFFF  }
0xac: {  	[dreg:$0x1] =	wrdreg $0xFFFFFFFF  }
0xad: {  	[dreg:$0x0] =	wrdreg $0x60  }
0xae: {  	[dreg:$0x2] =	wrdreg s24  }
0xaf: {  	[dreg:$0x3] =	wrdreg $0x4F000  }
0xb0: {  	[dreg:$0x4] =	wrdreg $0x9  }
0xb1: {  	_ =	task.clear_ibuf [dreg:s6], $0x5FFFF;
	_ =	strace $0x9000004C  }
0xb2: {  	s29 =	simm.s32 $0x9;
	_ =	strace $0x8000004E  }
0xb3: {  	_ =	swait.ge [sflag:s29], $0x1  }
0xb4: {  	[sflag:s29] =	ssyncadd.s32 $0xFFFFFFFF  }
0xb5: {  	_ =	strace $0x9000004E  }
0xb6: {  	_ =	sfence  }
0xb7: {  	s30 =	sld [smem:$0x0];
	_ =	sdelay $0x2  }
0xb8: {  	s31 =	sshll.u32 s1, $0xD;
	s1 =	sshrl.u32 s1, $0x2  }
0xb9: {  	s3 =	sand.u32 $0x4000, s31;
	s1 =	sadd.s32 s1, s30  }
0xba: {  	s0 =	sor.u32 s3, s0;
	s1 =	sshll.u32 s1, $0x11  }
0xbb: {  	s0 =	sor.u32 s1, s0  }
0xbc: {  	s0 =	sadd.s32 $0x8F2B, s0  }
0xbd: {  	[sflag:s0] =	ssyncadd.remote.s32 $0x1  }
0xbe: {  	_ =	sfence.sel $0xFFFF  }
0xbf: {  	[dreg:$0x0] =	wrdreg $0xFFFFFFFF;
	(pc) =	sbr.abs _section_cstart, $3  }
0xc0: {  	[dreg:$0x1] =	wrdreg $0xFFFFFFFF  }
0xc1: {  	_ =	task.clear_ibuf [dreg:s6], $0x2FFFF;
	_ =	strace $0x9FFFFFFF  }
0xc2: {  	(tm) =	ssettm $0x7FFFFFFF  }
0xc3: {  	_ =	shalt  }
tec
execute0_lowered:
.L_overlay_start_1:
0x0: {  	(tag) =	ssettag $0x1  }
0x1: {  	s0 =	rddreg [dreg:$0x0]  }
0x2: {  	s2 =	rddreg [dreg:$0x1]  }
0x3: {  	s1 =	srdreg.scid;
	s8 =	stileid.u32  }
0x4: {  	s6 =	simm.s32 $0x0;
	s12 =	simm.s32 $0x80;
	s13 =	simm.s32 $0x400  }
0x5: {  	s16 =	simm.s32 $0x1;
	s17 =	simm.s32 $0x2;
	s18 =	simm.s32 $0x3  }
0x6: {  	s19 =	simm.s32 $0x28;
	s20 =	simm.s32 $0x1DF00;
	s28 =	simm.s32 $0x1CB00  }
0x7: {  	s29 =	simm.s32 $0x50;
	s30 =	simm.s32 $0x1E000;
	s31 =	simm.s32 $0x1E080  }
0x8: {  	s1 =	sand.u32 $0x1, s1;
	s3 =	sshrl.u32 s8, $0x2;
	s22 =	smul.u32 $0x14000, s8  }
0x9: {  	s4 =	sshll.u32 s8, $0x8;
	[smem:$0x7FF] =	sst s6;
	s7 =	smul.u32 $0x50000, s8  }
0xa: {  	s9 =	sadd.s32 $0xDF400, s0;
	s3 =	smul.u32 $0x13C00, s3;
	s5 =	sshll.u32 s1, $0x7  }
0xb: {  	s4 =	sand.u32 $0x300, s4;
	s21 =	smul.u32 $0x140000, s1;
	_ =	strace $0x8000004D  }
0xc: {  	s1 =	ssub.s32 $0x2, s1;
	[dreg:$0x3] =	wrdreg s9;
	s4 =	sor.u32 s5, s4  }
0xd: {  	s23 =	sshrl.u32 s1, $0x1;
	s25 =	sshrl.u32 s7, $0x2;
	s7 =	sshll.u32 s8, $0x6  }
0xe: {  	s3 =	sor.u32 s3, s4;
	s4 =	sadd.s32 $0xB8200, s0;
	s5 =	sadd.s32 s22, s21  }
0xf: {  	s1 =	ssub.s32 s1, s23;
	s26 =	sadd.s32 s25, s2;
	s9 =	sor.u32 $0x1C03, s7  }
0x10: {  	s21 =	simm.s32 $0x18F00;
	s22 =	simm.s32 $0x1DF28;
	s23 =	simm.s32 $0x1A300  }
0x11: {  	s25 =	simm.s32 $0x1B700;
	s3 =	sshrl.u32 s3, $0x3;
	s5 =	sshrl.u32 s5, $0x3  }
.Ltmp0:
0x12: {  	s11 =	smax.u32 s1, $0x1;
	s15 =	sshrl.u32 s26, $0x3;
	(pc) =	sbr.rel .LBB2_1-.Ltmp0, $4  }
0x13: {  	s26 =	simm.s32 $0x1DFA8;
	s1 =	simm.s32 $0x5;
	s3 =	sadd.s32 s3, s0  }
0x14: {  	s0 =	sadd.s32 s5, s0;
	s24 =	sadd.s32 $0x3000, s3;
	s3 =	sadd.s32 $0xCE00, s3  }
0x15: {  	s10 =	sadd.s32 $0xE1C00, s0;
	s0 =	simm.s32 $0x4;
	[dreg:$0x4] =	wrdreg s24  }
0x16: {  	[dreg:$0x5] =	wrdreg s3;
	s24 =	simm.s32 $0x1DF80;
	s3 =	simm.s32 $0x0  }
.LBB2_4:
0x17: {  	_ =	swait.ge [sflag:s16], $0x1400  }
0x18: {  	[sflag:s16] =	ssyncset.done $0x0  }
0x19: {  	[sflag:s16] =	ssyncadd.s32 $0xFFFFEC00  }
0x1a: {  	_ =	swait.ge [sflag:s16], $0x1400  }
0x1b: {  	[sflag:s16] =	ssyncset.done $0x0  }
0x1c: {  	[sflag:s16] =	ssyncadd.s32 $0xFFFFEC00  }
0x1d: {  	v0 =	vld [tilespmem:$0x4E40]  }
0x1e: {  	v1 =	vld [tilespmem:$0x4E50]  }
0x1f: {  	v2 =	vld [tilespmem:$0x4E60]  }
0x20: {  	v3 =	vld [tilespmem:$0x4E70]  }
0x21: {  	v4 =	vld [tilespmem:$0x4E80]  }
0x22: {  	[tilespmem:$0x1E000] =	vst v0  }
0x23: {  	[tilespmem:$0x1E010] =	vst v1  }
0x24: {  	[tilespmem:$0x1E020] =	vst v2  }
0x25: {  	[tilespmem:$0x1E030] =	vst v3  }
0x26: {  	[tilespmem:$0x1E040] =	vst v4  }
0x27: {  	[spmem:s2] =	stream.indirect.scatter.add.f32 [tilespmem:s21], [sflag:$0x3], $0x80, s30, s29, $0xb8;
	[tilespmem:$0x1E100] =	vst v63  }
0x28: {  	_ =	swait.ge [sflag:s18], $0x2800  }
0x29: {  	s3 =	sadd.s32 $0x1, s3;
	[sflag:s18] =	ssyncset.done $0x0  }
0x2a: {  	p0 =	sne.s32 s3, s11;
	[sflag:s18] =	ssyncadd.s32 $0xFFFFD800  }
.Ltmp1:
0x2b: {  	s5 =	sor.u32 $0x1C05, s7;
	[bflag:$0x0] =	sbarrier.arrive $0xFFFF;
	(pc) =	sbr.rel @!p0 .LBB2_5-.Ltmp1, $4  }
0x2c: {  	[hbm:s10], [sflag:s5] =	dma.local [spmem:s15], $0x2800  }
0x2d: {  	_ =	swait.ge [sflag:s1], $0x2800  }
0x2e: {  	[sflag:s1] =	ssyncset.done $0x0  }
0x2f: {  	[sflag:s1] =	ssyncadd.s32 $0xFFFFD800  }
.LBB2_1:
0x30: {  	s6 =	rddreg [dreg:$0x4]  }
0x31: {  	s5 =	simm.s32 $0x0;
	s14 =	rddreg [dreg:$0x3]  }
0x32: {  	[tilespmem:s5], [sflag:$0x1] =	stream.strided.gather [hbm4b:s6+s12], $0x2780, s13, s12, $0x38;
	[tilespmem:$0x1E100] =	vst v63  }
0x33: {  	s8 =	simm.s32 $0x2780;
	s6 =	rddreg [dreg:$0x5]  }
0x34: {  	[tilespmem:s8], [sflag:$0x2] =	stream.strided.gather [hbm4b:s6+s12], $0x2780, s13, s12, $0x38;
	[tilespmem:$0x1E100] =	vst v63  }
0x35: {  	[spmem:s15], [sflag:s9] =	dma.local [hbm:s14], $0x2800  }
0x36: {  	_ =	swait.ge [sflag:s16], $0x2780  }
0x37: {  	[sflag:s16] =	ssyncset.done $0x0  }
0x38: {  	[sflag:s16] =	ssyncadd.s32 $0xFFFFD880  }
0x39: {  	_ =	swait.ge [sflag:s17], $0x2780  }
0x3a: {  	[sflag:s17] =	ssyncset.done $0x0  }
0x3b: {  	[sflag:s17] =	ssyncadd.s32 $0xFFFFD880  }
0x3c: {  	_ =	swait.ge [sflag:s18], $0x2800  }
0x3d: {  	[sflag:s18] =	ssyncset.done $0x0  }
0x3e: {  	[sflag:s18] =	ssyncadd.s32 $0xFFFFD800  }
0x3f: {  	[bflag:$0x0] =	sbarrier.arrive $0xFFFF  }
0x40: {  	v0 =	vld [tilespmem:$0x0]  }
0x41: {  	v1 =	vld [tilespmem:$0x10]  }
0x42: {  	v2 =	vld [tilespmem:$0x20]  }
0x43: {  	v3 =	vld [tilespmem:$0x30]  }
0x44: {  	v4 =	vld [tilespmem:$0x40]  }
0x45: {  	[tilespmem:$0x1DF00] =	vst v0  }
0x46: {  	[tilespmem:$0x1DF10] =	vst v1  }
0x47: {  	[tilespmem:$0x1DF20] =	vst v2  }
0x48: {  	[tilespmem:$0x1DF30] =	vst v3  }
0x49: {  	[tilespmem:$0x1DF40] =	vst v4  }
0x4a: {  	[tilespmem:s21], [sflag:$0x1] =	stream.indirect.gather [hbm4b:s4+s19], $0x80, s20, s19, $0xb8;
	[tilespmem:$0x1E100] =	vst v63  }
0x4b: {  	_ = 	snop  }
0x4c: {  	[tilespmem:s23], [sflag:$0x1] =	stream.indirect.gather [hbm4b:s4+s19], $0x80, s22, s19, $0xb8;
	[tilespmem:$0x1E100] =	vst v63  }
0x4d: {  	v59 =	vld [tilespmem:$0x50]  }
0x4e: {  	v60 =	vld [tilespmem:$0x60]  }
0x4f: {  	v61 =	vld [tilespmem:$0x70]  }
0x50: {  	v62 =	vld [tilespmem:$0x80]  }
0x51: {  	v63 =	vld [tilespmem:$0x90]  }
0x52: {  	[tilespmem:$0x1DF80] =	vst v59  }
0x53: {  	[tilespmem:$0x1DF90] =	vst v60  }
0x54: {  	[tilespmem:$0x1DFA0] =	vst v61  }
0x55: {  	[tilespmem:$0x1DFB0] =	vst v62  }
0x56: {  	[tilespmem:$0x1DFC0] =	vst v63  }
0x57: {  	[tilespmem:s25], [sflag:$0x2] =	stream.indirect.gather [hbm4b:s4+s19], $0x80, s24, s19, $0xb8;
	[tilespmem:$0x1E100] =	vst v63  }
0x58: {  	s5 =	simm.s32 $0x130;
	s6 =	simm.s32 $0x0;
	s14 =	simm.s32 $0x27D0  }
0x59: {  	[tilespmem:s28], [sflag:$0x2] =	stream.indirect.gather [hbm4b:s4+s19], $0x80, s26, s19, $0xb8;
	[tilespmem:$0x1E100] =	vst v63  }
.LBB2_2:
0x5a: {  	_ =	swait.ge [sflag:s16], $0x1400  }
0x5b: {  	[sflag:s16] =	ssyncset.done $0x0  }
0x5c: {  	[sflag:s16] =	ssyncadd.s32 $0xFFFFEC00  }
0x5d: {  	_ =	swait.ge [sflag:s16], $0x1400  }
0x5e: {  	[sflag:s16] =	ssyncset.done $0x0  }
0x5f: {  	[sflag:s16] =	ssyncadd.s32 $0xFFFFEC00  }
0x60: {  	v0 =	vld [tilespmem:s14+$0xFFFFFFB0];
	_ =	sdelay $0x4  }
0x61: {  	[tilespmem:$0x1E000] =	vst v0  }
0x62: {  	v0 =	vld [tilespmem:s14+$0xFFFFFFC0];
	_ =	sdelay $0x4  }
0x63: {  	[tilespmem:$0x1E010] =	vst v0  }
0x64: {  	v0 =	vld [tilespmem:s14+$0xFFFFFFD0];
	_ =	sdelay $0x4  }
0x65: {  	[tilespmem:$0x1E020] =	vst v0  }
0x66: {  	v0 =	vld [tilespmem:s14+$0xFFFFFFE0];
	_ =	sdelay $0x4  }
0x67: {  	[tilespmem:$0x1E030] =	vst v0  }
0x68: {  	v0 =	vld [tilespmem:s14+$0xFFFFFFF0];
	_ =	sdelay $0x4  }
0x69: {  	[tilespmem:$0x1E040] =	vst v0  }
0x6a: {  	[spmem:s2] =	stream.indirect.scatter.add.f32 [tilespmem:s21], [sflag:$0x3], $0x80, s30, s29, $0xb8;
	[tilespmem:$0x1E100] =	vst v63  }
0x6b: {  	_ =	swait.ge [sflag:s18], $0x2800  }
0x6c: {  	[sflag:s18] =	ssyncset.done $0x0  }
0x6d: {  	[sflag:s18] =	ssyncadd.s32 $0xFFFFD800  }
0x6e: {  	v62 =	vld [tilespmem:s5+$0xFFFFFF70];
	_ =	sdelay $0x4  }
0x6f: {  	[tilespmem:$0x1DF00] =	vst v62  }
0x70: {  	v0 =	vld [tilespmem:s5+$0xFFFFFF80];
	_ =	sdelay $0x4  }
0x71: {  	[tilespmem:$0x1DF10] =	vst v0  }
0x72: {  	v0 =	vld [tilespmem:s5+$0xFFFFFF90];
	_ =	sdelay $0x4  }
0x73: {  	[tilespmem:$0x1DF20] =	vst v0  }
0x74: {  	v0 =	vld [tilespmem:s5+$0xFFFFFFA0];
	_ =	sdelay $0x4  }
0x75: {  	[tilespmem:$0x1DF30] =	vst v0  }
0x76: {  	v0 =	vld [tilespmem:s5+$0xFFFFFFB0];
	_ =	sdelay $0x4  }
0x77: {  	[tilespmem:$0x1DF40] =	vst v0  }
0x78: {  	[tilespmem:s21], [sflag:$0x1] =	stream.indirect.gather [hbm4b:s4+s19], $0x80, s20, s19, $0xb8;
	[tilespmem:$0x1E100] =	vst v63  }
0x79: {  	_ = 	snop  }
0x7a: {  	[tilespmem:s23], [sflag:$0x1] =	stream.indirect.gather [hbm4b:s4+s19], $0x80, s22, s19, $0xb8;
	[tilespmem:$0x1E100] =	vst v63  }
0x7b: {  	_ =	swait.ge [sflag:s17], $0x1400  }
0x7c: {  	[sflag:s17] =	ssyncset.done $0x0  }
0x7d: {  	[sflag:s17] =	ssyncadd.s32 $0xFFFFEC00  }
0x7e: {  	_ =	swait.ge [sflag:s17], $0x1400  }
0x7f: {  	[sflag:s17] =	ssyncset.done $0x0  }
0x80: {  	[sflag:s17] =	ssyncadd.s32 $0xFFFFEC00  }
0x81: {  	v63 =	vld [tilespmem:s14+$0x0];
	_ =	sdelay $0x4  }
0x82: {  	[tilespmem:$0x1E080] =	vst v63  }
0x83: {  	v0 =	vld [tilespmem:s14+$0x10];
	_ =	sdelay $0x4  }
0x84: {  	[tilespmem:$0x1E090] =	vst v0  }
0x85: {  	v0 =	vld [tilespmem:s14+$0x20];
	_ =	sdelay $0x4  }
0x86: {  	s8 =	sand.u32 $0x3FE0, s6;
	[tilespmem:$0x1E0A0] =	vst v0  }
0x87: {  	v0 =	vld [tilespmem:s8+$0x2800];
	_ =	sdelay $0x4  }
0x88: {  	[tilespmem:$0x1E0B0] =	vst v0  }
0x89: {  	v0 =	vld [tilespmem:s14+$0x40];
	_ =	sdelay $0x3  }
0x8a: {  	p0 =	seq.s32 s6, $0x2620  }
.Ltmp2:
0x8b: {  	[tilespmem:$0x1E0C0] =	vst v0;
	(pc) =	sbr.rel @p0 .LBB2_4-.Ltmp2, $4  }
0x8c: {  	[spmem:s2] =	stream.indirect.scatter.add.f32 [tilespmem:s25], [sflag:$0x4], $0x80, s31, s29, $0xb8;
	[tilespmem:$0x1E100] =	vst v63  }
0x8d: {  	_ =	swait.ge [sflag:s0], $0x2800  }
0x8e: {  	[sflag:s0] =	ssyncset.done $0x0  }
0x8f: {  	[sflag:s0] =	ssyncadd.s32 $0xFFFFD800  }
0x90: {  	v0 =	vld [tilespmem:s5+$0xFFFFFFC0];
	_ =	sdelay $0x4  }
0x91: {  	[tilespmem:$0x1DF80] =	vst v0  }
0x92: {  	v0 =	vld [tilespmem:s5+$0xFFFFFFD0];
	_ =	sdelay $0x4  }
0x93: {  	[tilespmem:$0x1DF90] =	vst v0  }
0x94: {  	v0 =	vld [tilespmem:s5+$0xFFFFFFE0];
	_ =	sdelay $0x4  }
0x95: {  	[tilespmem:$0x1DFA0] =	vst v0  }
0x96: {  	v0 =	vld [tilespmem:s5+$0xFFFFFFF0];
	_ =	sdelay $0x4  }
0x97: {  	[tilespmem:$0x1DFB0] =	vst v0  }
0x98: {  	v0 =	vld [tilespmem:s5+$0x0];
	_ =	sdelay $0x3  }
.Ltmp3:
0x99: {  	_ = 	snop;
	(pc) =	sbr.rel .LBB2_2-.Ltmp3, $4  }
0x9a: {  	[tilespmem:$0x1DFC0] =	vst v0  }
0x9b: {  	[tilespmem:s25], [sflag:$0x2] =	stream.indirect.gather [hbm4b:s4+s19], $0x80, s24, s19, $0xb8;
	[tilespmem:$0x1E100] =	vst v63  }
0x9c: {  	s6 =	sadd.s32 $0xA0, s6;
	s14 =	sadd.s32 $0xA0, s14;
	s5 =	sadd.s32 $0xA0, s5  }
0x9d: {  	[tilespmem:s28], [sflag:$0x2] =	stream.indirect.gather [hbm4b:s4+s19], $0x80, s26, s19, $0xb8;
	[tilespmem:$0x1E100] =	vst v63  }
.LBB2_5:
0x9e: {  	_ =	sfence.sel $0x180000  }
0x9f: {  	[bflag:$0x0] =	sbarrier.arrive $0xFFFF  }
0xa0: {  	_ =	strace $0x9000004D  }
0xa1: {  	s0 =	stileid.u32;
	[bflag:$0x2] =	sbarrier.arrive $0xFFFF  }
0xa2: {  	p0 =	sne.s32 s0, $0x0;
	s0 =	rddreg [dreg:$0x2]  }
0xa3: {  	s0 =	sadd.s32 @!p0 $0x100000, s0  }
0xa4: {  	[sflag:s0] =	ssyncadd.tile.s32 @!p0 $0x1;
	_ =	shalt  }
.Lfunc_end2:
_tile_overlayer_lowered:
.L_overlay_start_2:
0xa5: {  	(tag) =	ssettag $0x2  }
0xa6: {  	s0 =	rddreg [dreg:$0x0];
	s2 =	stileid.u32  }
0xa7: {  	s1 =	rddreg [dreg:$0x1];
	p0 =	sne.s32 s2, $0x0  }
0xa8: {  	s3 =	rddreg [dreg:$0x2];
	[bflag:$0x3] =	sbarrier.arrive $0xFFFF;
	s2 =	simm.s32 @!p0 $0x1C05  }
0xa9: {  	[timem:s3], [sflag:s2] =	dma.local @!p0 [hbm:s0], s1  }
0xaa: {  	s0 =	simm.s32 @!p0 $0x5  }
0xab: {  	_ =	swait.ge @!p0 [sflag:s0], s1  }
0xac: {  	s1 =	ssub.s32 @!p0 $0x0, s1;
	[sflag:s0] =	ssyncset.done @!p0 $0x0  }
0xad: {  	[sflag:s0] =	ssyncadd.s32 @!p0 s1  }
0xae: {  	[bflag:$0x3] =	sbarrier.arrive $0xFFFF  }
0xaf: {  	_ =	shalt  }

// kernel: kernel.20.cloned.1.call-start
scs
__scs_entry_jumppad:
0x0: {  	(pc) =	sbr.rel $0x88, $3  }
0x1: {  	(tag) =	ssettag $0x0;
	lr =	simm.s32 $0x1  }
0x2: {  	[smem:$0x3F95] =	sst lr;
	_ =	strace $0xD0000000  }
0x3: {  	_ = 	snop  }
0x4: {  	_ = 	snop  }
0x5: {  	_ = 	snop  }
0x6: {  	_ = 	snop  }
0x7: {  	_ = 	snop  }
__scs_overlays_trampoline_lowered:
0x8: {  	[smem:$0x3FA4] =	sst s0  }
0x9: {  	[smem:$0x3FA5] =	sst s1  }
0xa: {  	[smem:$0x3FA6] =	sst s2  }
0xb: {  	[smem:$0x3FA7] =	sst s3  }
0xc: {  	[smem:$0x3FA8] =	sst s4  }
0xd: {  	[smem:$0x3FA9] =	sst s5  }
0xe: {  	[smem:$0x3FAA] =	sst s6  }
0xf: {  	[smem:$0x3FAB] =	sst s7  }
0x10: {  	[smem:$0x3FAC] =	sst s8  }
0x11: {  	[smem:$0x3FAD] =	sst s9;
	s0 =	simm.s32 @!p0 $0x0  }
0x12: {  	s1 =	sld [smem:$0x3F93];
	s0 =	simm.s32 @p0 $0x1  }
0x13: {  	[smem:$0x3FAE] =	sst s0;
	s0 =	simm.s32 @!p1 $0x0  }
0x14: {  	s2 =	sld [smem:$0x3F92];
	s0 =	simm.s32 @p1 $0x1  }
0x15: {  	[smem:$0x3FAF] =	sst s0;
	s0 =	simm.s32 @!p2 $0x0  }
0x16: {  	s3 =	sld [smem:$0x3FDB];
	s0 =	simm.s32 @p2 $0x1  }
0x17: {  	s4 =	simm.s32 $0x1BF5;
	[smem:$0x3FB1] =	sst s0  }
0x18: {  	s0 =	sld [smem:$0x3F94];
	_ =	swait.ge [sflag:s4], $0x0  }
0x19: {  	s7 =	sld [smem:$0x3F95]  }
0x1a: {  	s8 =	sadd.s32 $0xFFFFE003, lr  }
0x1b: {  	s9 =	sadd.s32 $0xFFFFFEF7, lr;
	s5 =	simm.s32 $0xFFFFFFFF;
	p2 =	slt.u32 s8, $0xFFFFF086  }
0x1c: {  	p1 =	slt.u32 s9, $0xF7A;
	s5 =	simm.s32 @!p2 $0x0  }
0x1d: {  	s5 =	simm.s32 @p1 $0x1;
	p0 =	seq.s32 s7, s2  }
0x1e: {  	s7 =	smul.u32 @!p0 $0xF7A, s2;
	p2 =	seq.s32 @!p0 s5, $0x0  }
0x1f: {  	s9 =	smul.u32 $0xF7A, s1;
	s8 =	simm.s32 @!p0 $0x1BF5;
	p2 =	por !p2, p0  }
0x20: {  	[sflag:s8] =	ssyncset.s32 @!p0 $0xFFFFF086;
	s6 =	sadd.s32 @!p0 s3, s7;
	s7 =	simm.s32 @!p0 $0x108  }
0x21: {  	s3 =	sadd.s32 s3, s9;
	s6 =	sadd.s32 @!p0 $0x88, s6;
	s7 =	simm.s32 @p2 $0x1082  }
0x22: {  	[simem:s7], [sflag:s8] =	dma.local @!p0 [hbm:s6], $0xF7A  }
0x23: {  	s9 =	sor.u32 $0xD0000000, s2;
	s6 =	simm.s32 $0x108;
	_ =	swait.ge @!p0 [sflag:s8], $0x0  }
0x24: {  	s3 =	sadd.s32 $0x88, s3;
	s6 =	simm.s32 @!p1 $0x1082;
	[sflag:s4] =	ssyncset.s32 $0xFFFFF086  }
0x25: {  	[simem:s6], [sflag:s4] =	dma.local [hbm:s3], $0xF7A  }
0x26: {  	[smem:$0x3F95] =	sst s1;
	(tag) =	ssettag s2;
	_ =	strace s9  }
0x27: {  	s1 =	sld [smem:$0x3FA5]  }
0x28: {  	s2 =	sld [smem:$0x3FA6]  }
0x29: {  	s4 =	sld [smem:$0x3FA8]  }
0x2a: {  	p0 =	seq.s32 s5, $0x0;
	s5 =	sld [smem:$0x3FA9]  }
0x2b: {  	s6 =	sld [smem:$0x3FAA]  }
0x2c: {  	s7 =	sld [smem:$0x3FAB]  }
0x2d: {  	s3 =	simm.s32 $0x108;
	s8 =	sld [smem:$0x3FAC]  }
0x2e: {  	s3 =	simm.s32 @!p0 $0x1082;
	s9 =	sld [smem:$0x3FAD]  }
0x2f: {  	lr =	sadd.s32 s0, s3;
	s0 =	sld [smem:$0x3FA4]  }
0x30: {  	s3 =	sld [smem:$0x3FA7]  }
0x31: {  	[smem:$0x3FB0] =	sst s10  }
0x32: {  	s10 =	sld [smem:$0x3FAE];
	_ =	sdelay $0x3  }
0x33: {  	p0 =	seq.s32 s10, $0x1;
	s10 =	sld [smem:$0x3FB0];
	_ =	sdelay $0x3  }
0x34: {  	[smem:$0x3FB0] =	sst s10  }
0x35: {  	s10 =	sld [smem:$0x3FAF];
	_ =	sdelay $0x3  }
0x36: {  	p1 =	seq.s32 s10, $0x1;
	s10 =	sld [smem:$0x3FB0];
	_ =	sdelay $0x3  }
0x37: {  	[smem:$0x3FB0] =	sst s10  }
0x38: {  	s10 =	sld [smem:$0x3FB1]  }
0x39: {  	_ = 	snop;
	(pc) =	sbr.ind lr, $3  }
0x3a: {  	_ = 	snop  }
0x3b: {  	_ = 	snop  }
0x3c: {  	p2 =	seq.s32 s10, $0x1;
	s10 =	sld [smem:$0x3FB0]  }
0x3d: {  	_ =	shalt  }
0x3e: {  	_ =	shalt  }
0x3f: {  	_ =	shalt  }
0x40: {  	_ =	shalt  }
0x41: {  	_ =	shalt  }
0x42: {  	_ =	shalt  }
0x43: {  	_ =	shalt  }
0x44: {  	_ =	shalt  }
0x45: {  	_ =	shalt  }
0x46: {  	_ =	shalt  }
0x47: {  	_ =	shalt  }
0x48: {  	_ =	shalt  }
0x49: {  	_ =	shalt  }
0x4a: {  	_ =	shalt  }
0x4b: {  	_ =	shalt  }
0x4c: {  	_ =	shalt  }
0x4d: {  	_ =	shalt  }
0x4e: {  	_ =	shalt  }
0x4f: {  	_ =	shalt  }
0x50: {  	_ =	shalt  }
0x51: {  	_ =	shalt  }
0x52: {  	_ =	shalt  }
0x53: {  	_ =	shalt  }
0x54: {  	_ =	shalt  }
0x55: {  	_ =	shalt  }
0x56: {  	_ =	shalt  }
0x57: {  	_ =	shalt  }
0x58: {  	_ =	shalt  }
0x59: {  	_ =	shalt  }
0x5a: {  	_ =	shalt  }
0x5b: {  	_ =	shalt  }
0x5c: {  	_ =	shalt  }
0x5d: {  	_ =	shalt  }
0x5e: {  	_ =	shalt  }
0x5f: {  	_ =	shalt  }
0x60: {  	_ =	shalt  }
0x61: {  	_ =	shalt  }
0x62: {  	_ =	shalt  }
0x63: {  	_ =	shalt  }
0x64: {  	_ =	shalt  }
0x65: {  	_ =	shalt  }
0x66: {  	_ =	shalt  }
0x67: {  	_ =	shalt  }
0x68: {  	_ =	shalt  }
0x69: {  	_ =	shalt  }
0x6a: {  	_ =	shalt  }
0x6b: {  	_ =	shalt  }
0x6c: {  	_ =	shalt  }
0x6d: {  	_ =	shalt  }
0x6e: {  	_ =	shalt  }
0x6f: {  	_ =	shalt  }
0x70: {  	_ =	shalt  }
0x71: {  	_ =	shalt  }
0x72: {  	_ =	shalt  }
0x73: {  	_ =	shalt  }
0x74: {  	_ =	shalt  }
0x75: {  	_ =	shalt  }
0x76: {  	_ =	shalt  }
0x77: {  	_ =	shalt  }
0x78: {  	_ =	shalt  }
0x79: {  	_ =	shalt  }
0x7a: {  	_ =	shalt  }
0x7b: {  	_ =	shalt  }
0x7c: {  	_ =	shalt  }
0x7d: {  	_ =	shalt  }
0x7e: {  	_ =	shalt  }
0x7f: {  	_ =	shalt  }
0x80: {  	_ =	shalt  }
0x81: {  	_ =	shalt  }
0x82: {  	_ =	shalt  }
0x83: {  	_ =	shalt  }
0x84: {  	_ =	shalt  }
0x85: {  	_ =	shalt  }
0x86: {  	_ =	shalt  }
0x87: {  	_ =	shalt  }
.Lfunc_end0:
.L_simem_size_0:
called_computation.3_lowered:
.L_overlay_start_0:
0x88: {  	s2 =	sld [smem:$0x3FD9]  }
0x89: {  	s3 =	sld [smem:$0x3FFE];
	_ =	sdelay $0x1  }
0x8a: {  	s1 =	srdreg.scid  }
0x8b: {  	s0 =	sand.u32 $0x1, s1  }
0x8c: {  	s16 =	sshll.u32 s0, $0xA;
	s2 =	sadd.s32 s3, s2  }
0x8d: {  	s2 =	sadd.s32 s2, s16  }
0x8e: {  	[smem:$0x3FBC] =	sst s2  }
0x8f: {  	_ = 	snop  }
0x90: {  	(tm) =	ssettm $0x1  }
0x91: {  	s17 =	sld [smem:$0x3FFB];
	_ =	sdelay $0x3  }
0x92: {  	_ =	strace s17  }
0x93: {  	s2 =	sld [smem:$0x3FFC];
	_ =	sdelay $0x3  }
0x94: {  	_ =	strace s2  }
0x95: {  	s2 =	sld [smem:$0x3FFD];
	_ =	sdelay $0x3  }
0x96: {  	_ =	strace s2  }
0x97: {  	_ =	strace $0x8FFFFFFF  }
0x98: {  	s18 =	sld [smem:$0x3FDB];
	_ =	sdelay $0x1  }
0x99: {  	s19 =	simm.s32 $_scs_section_size  }
0x9a: {  	s4 =	simm.s32 $_size__tile_overlayer_lowered;
	s5 =	simm.s32 $_tile_overlayer_lowered  }
0x9b: {  	s22 =	simm.s32 $0x1BFF;
	s21 =	sshll.u32 s5, $0x1;
	s2 =	sadd.s32 s19, s18  }
0x9c: {  	s6 =	simm.s32 $0x0;
	s20 =	sshll.u32 s4, $0x1;
	s4 =	sadd.s32 s21, s2  }
0x9d: {  	[timem:s6], [sflag:s22] =	dma.local [hbm:s4], s20  }
0x9e: {  	_ =	swait.ge [sflag:s22], s20  }
0x9f: {  	s3 =	ssub.s32 $0x0, s20;
	[sflag:s22] =	ssyncset.done $0x0  }
0xa0: {  	[sflag:s22] =	ssyncadd.s32 s3;
	_ =	sdelay $0x1  }
0xa1: {  	s23 =	simm.s32 $0x1B8B  }
0xa2: {  	_ =	swait.ge [sflag:s23], $0x1  }
0xa3: {  	[sflag:s23] =	ssyncset.done $0x0  }
0xa4: {  	s25 =	simm.s32 $0x1B8E;
	s24 =	sld [smem:$0x3FFE];
	[sflag:s23] =	ssyncadd.s32 $0xFFFFFFFF  }
0xa5: {  	s26 =	simm.s32 $execute0_lowered;
	[smem:$0x3FD2] =	sst s25  }
0xa6: {  	s4 =	sshll.u32 s26, $0x1;
	_ =	strace $0x8000004F;
	[dreg:$0x1] =	wrdreg $0xFFFFFFFF  }
0xa7: {  	s28 =	simm.s32 $_size_execute0_lowered;
	s2 =	sadd.s32 s2, s4;
	[dreg:$0x0] =	wrdreg $0x0  }
0xa8: {  	s4 =	sshll.u32 s28, $0x1;
	[dreg:$0x2] =	wrdreg s2  }
0xa9: {  	[dreg:$0x3] =	wrdreg s4  }
0xaa: {  	[dreg:$0x4] =	wrdreg $0xC0  }
0xab: {  	_ =	task [dreg:s6], $0x5FFFF  }
0xac: {  	[dreg:$0x1] =	wrdreg $0xFFFFFFFF  }
0xad: {  	[dreg:$0x0] =	wrdreg $0x60  }
0xae: {  	[dreg:$0x2] =	wrdreg s24  }
0xaf: {  	[dreg:$0x3] =	wrdreg $0x4F000  }
0xb0: {  	[dreg:$0x4] =	wrdreg $0x9  }
0xb1: {  	_ =	task.clear_ibuf [dreg:s6], $0x5FFFF;
	_ =	strace $0x9000004F  }
0xb2: {  	s29 =	simm.s32 $0x9;
	_ =	strace $0x80000051  }
0xb3: {  	_ =	swait.ge [sflag:s29], $0x1  }
0xb4: {  	[sflag:s29] =	ssyncadd.s32 $0xFFFFFFFF  }
0xb5: {  	_ =	strace $0x90000051  }
0xb6: {  	_ =	sfence  }
0xb7: {  	s30 =	sld [smem:$0x0];
	_ =	sdelay $0x2  }
0xb8: {  	s31 =	sshll.u32 s1, $0xD;
	s1 =	sshrl.u32 s1, $0x2  }
0xb9: {  	s3 =	sand.u32 $0x4000, s31;
	s1 =	sadd.s32 s1, s30  }
0xba: {  	s0 =	sor.u32 s3, s0;
	s1 =	sshll.u32 s1, $0x11  }
0xbb: {  	s0 =	sor.u32 s1, s0  }
0xbc: {  	s0 =	sadd.s32 $0x8F2B, s0  }
0xbd: {  	[sflag:s0] =	ssyncadd.remote.s32 $0x1  }
0xbe: {  	_ =	sfence.sel $0xFFFF  }
0xbf: {  	[dreg:$0x0] =	wrdreg $0xFFFFFFFF;
	(pc) =	sbr.abs _section_cstart, $3  }
0xc0: {  	[dreg:$0x1] =	wrdreg $0xFFFFFFFF  }
0xc1: {  	_ =	task.clear_ibuf [dreg:s6], $0x2FFFF;
	_ =	strace $0x9FFFFFFF  }
0xc2: {  	(tm) =	ssettm $0x7FFFFFFF  }
0xc3: {  	_ =	shalt  }
tec
execute0_lowered:
.L_overlay_start_1:
0x0: {  	(tag) =	ssettag $0x1  }
0x1: {  	s0 =	rddreg [dreg:$0x0]  }
0x2: {  	s2 =	rddreg [dreg:$0x1]  }
0x3: {  	s1 =	srdreg.scid;
	s8 =	stileid.u32  }
0x4: {  	s6 =	simm.s32 $0x0;
	s12 =	simm.s32 $0x80;
	s13 =	simm.s32 $0x400  }
0x5: {  	s16 =	simm.s32 $0x1;
	s17 =	simm.s32 $0x2;
	s18 =	simm.s32 $0x3  }
0x6: {  	s19 =	simm.s32 $0x28;
	s20 =	simm.s32 $0x1DF00;
	s28 =	simm.s32 $0x1CB00  }
0x7: {  	s29 =	simm.s32 $0x50;
	s30 =	simm.s32 $0x1E000;
	s31 =	simm.s32 $0x1E080  }
0x8: {  	s1 =	sand.u32 $0x1, s1;
	s3 =	sshrl.u32 s8, $0x2;
	s22 =	smul.u32 $0x14000, s8  }
0x9: {  	s4 =	sshll.u32 s8, $0x8;
	[smem:$0x7FF] =	sst s6;
	s7 =	smul.u32 $0x50000, s8  }
0xa: {  	s9 =	sadd.s32 $0xDF400, s0;
	s3 =	smul.u32 $0x13C00, s3;
	s5 =	sshll.u32 s1, $0x7  }
0xb: {  	s4 =	sand.u32 $0x300, s4;
	s21 =	smul.u32 $0x140000, s1;
	_ =	strace $0x80000050  }
0xc: {  	s1 =	ssub.s32 $0x2, s1;
	[dreg:$0x3] =	wrdreg s9;
	s4 =	sor.u32 s5, s4  }
0xd: {  	s23 =	sshrl.u32 s1, $0x1;
	s25 =	sshrl.u32 s7, $0x2;
	s7 =	sshll.u32 s8, $0x6  }
0xe: {  	s3 =	sor.u32 s3, s4;
	s4 =	sadd.s32 $0xB8200, s0;
	s5 =	sadd.s32 s22, s21  }
0xf: {  	s1 =	ssub.s32 s1, s23;
	s26 =	sadd.s32 s25, s2;
	s9 =	sor.u32 $0x1C03, s7  }
0x10: {  	s21 =	simm.s32 $0x18F00;
	s22 =	simm.s32 $0x1DF28;
	s23 =	simm.s32 $0x1A300  }
0x11: {  	s25 =	simm.s32 $0x1B700;
	s3 =	sshrl.u32 s3, $0x3;
	s5 =	sshrl.u32 s5, $0x3  }
.Ltmp0:
0x12: {  	s11 =	smax.u32 s1, $0x1;
	s15 =	sshrl.u32 s26, $0x3;
	(pc) =	sbr.rel .LBB2_1-.Ltmp0, $4  }
0x13: {  	s26 =	simm.s32 $0x1DFA8;
	s1 =	simm.s32 $0x5;
	s3 =	sadd.s32 s3, s0  }
0x14: {  	s0 =	sadd.s32 s5, s0;
	s24 =	sadd.s32 $0x3000, s3;
	s3 =	sadd.s32 $0xCE00, s3  }
0x15: {  	s10 =	sadd.s32 $0xE1C00, s0;
	s0 =	simm.s32 $0x4;
	[dreg:$0x4] =	wrdreg s24  }
0x16: {  	[dreg:$0x5] =	wrdreg s3;
	s24 =	simm.s32 $0x1DF80;
	s3 =	simm.s32 $0x0  }
.LBB2_4:
0x17: {  	_ =	swait.ge [sflag:s16], $0x1400  }
0x18: {  	[sflag:s16] =	ssyncset.done $0x0  }
0x19: {  	[sflag:s16] =	ssyncadd.s32 $0xFFFFEC00  }
0x1a: {  	_ =	swait.ge [sflag:s16], $0x1400  }
0x1b: {  	[sflag:s16] =	ssyncset.done $0x0  }
0x1c: {  	[sflag:s16] =	ssyncadd.s32 $0xFFFFEC00  }
0x1d: {  	v0 =	vld [tilespmem:$0x4E40]  }
0x1e: {  	v1 =	vld [tilespmem:$0x4E50]  }
0x1f: {  	v2 =	vld [tilespmem:$0x4E60]  }
0x20: {  	v3 =	vld [tilespmem:$0x4E70]  }
0x21: {  	v4 =	vld [tilespmem:$0x4E80]  }
0x22: {  	[tilespmem:$0x1E000] =	vst v0  }
0x23: {  	[tilespmem:$0x1E010] =	vst v1  }
0x24: {  	[tilespmem:$0x1E020] =	vst v2  }
0x25: {  	[tilespmem:$0x1E030] =	vst v3  }
0x26: {  	[tilespmem:$0x1E040] =	vst v4  }
0x27: {  	[spmem:s2] =	stream.indirect.scatter.add.f32 [tilespmem:s21], [sflag:$0x3], $0x80, s30, s29, $0xb8;
	[tilespmem:$0x1E100] =	vst v63  }
0x28: {  	_ =	swait.ge [sflag:s18], $0x2800  }
0x29: {  	s3 =	sadd.s32 $0x1, s3;
	[sflag:s18] =	ssyncset.done $0x0  }
0x2a: {  	p0 =	sne.s32 s3, s11;
	[sflag:s18] =	ssyncadd.s32 $0xFFFFD800  }
.Ltmp1:
0x2b: {  	s5 =	sor.u32 $0x1C05, s7;
	[bflag:$0x0] =	sbarrier.arrive $0xFFFF;
	(pc) =	sbr.rel @!p0 .LBB2_5-.Ltmp1, $4  }
0x2c: {  	[hbm:s10], [sflag:s5] =	dma.local [spmem:s15], $0x2800  }
0x2d: {  	_ =	swait.ge [sflag:s1], $0x2800  }
0x2e: {  	[sflag:s1] =	ssyncset.done $0x0  }
0x2f: {  	[sflag:s1] =	ssyncadd.s32 $0xFFFFD800  }
.LBB2_1:
0x30: {  	s6 =	rddreg [dreg:$0x4]  }
0x31: {  	s5 =	simm.s32 $0x0;
	s14 =	rddreg [dreg:$0x3]  }
0x32: {  	[tilespmem:s5], [sflag:$0x1] =	stream.strided.gather [hbm4b:s6+s12], $0x2780, s13, s12, $0x38;
	[tilespmem:$0x1E100] =	vst v63  }
0x33: {  	s8 =	simm.s32 $0x2780;
	s6 =	rddreg [dreg:$0x5]  }
0x34: {  	[tilespmem:s8], [sflag:$0x2] =	stream.strided.gather [hbm4b:s6+s12], $0x2780, s13, s12, $0x38;
	[tilespmem:$0x1E100] =	vst v63  }
0x35: {  	[spmem:s15], [sflag:s9] =	dma.local [hbm:s14], $0x2800  }
0x36: {  	_ =	swait.ge [sflag:s16], $0x2780  }
0x37: {  	[sflag:s16] =	ssyncset.done $0x0  }
0x38: {  	[sflag:s16] =	ssyncadd.s32 $0xFFFFD880  }
0x39: {  	_ =	swait.ge [sflag:s17], $0x2780  }
0x3a: {  	[sflag:s17] =	ssyncset.done $0x0  }
0x3b: {  	[sflag:s17] =	ssyncadd.s32 $0xFFFFD880  }
0x3c: {  	_ =	swait.ge [sflag:s18], $0x2800  }
0x3d: {  	[sflag:s18] =	ssyncset.done $0x0  }
0x3e: {  	[sflag:s18] =	ssyncadd.s32 $0xFFFFD800  }
0x3f: {  	[bflag:$0x0] =	sbarrier.arrive $0xFFFF  }
0x40: {  	v0 =	vld [tilespmem:$0x0]  }
0x41: {  	v1 =	vld [tilespmem:$0x10]  }
0x42: {  	v2 =	vld [tilespmem:$0x20]  }
0x43: {  	v3 =	vld [tilespmem:$0x30]  }
0x44: {  	v4 =	vld [tilespmem:$0x40]  }
0x45: {  	[tilespmem:$0x1DF00] =	vst v0  }
0x46: {  	[tilespmem:$0x1DF10] =	vst v1  }
0x47: {  	[tilespmem:$0x1DF20] =	vst v2  }
0x48: {  	[tilespmem:$0x1DF30] =	vst v3  }
0x49: {  	[tilespmem:$0x1DF40] =	vst v4  }
0x4a: {  	[tilespmem:s21], [sflag:$0x1] =	stream.indirect.gather [hbm4b:s4+s19], $0x80, s20, s19, $0xb8;
	[tilespmem:$0x1E100] =	vst v63  }
0x4b: {  	_ = 	snop  }
0x4c: {  	[tilespmem:s23], [sflag:$0x1] =	stream.indirect.gather [hbm4b:s4+s19], $0x80, s22, s19, $0xb8;
	[tilespmem:$0x1E100] =	vst v63  }
0x4d: {  	v59 =	vld [tilespmem:$0x50]  }
0x4e: {  	v60 =	vld [tilespmem:$0x60]  }
0x4f: {  	v61 =	vld [tilespmem:$0x70]  }
0x50: {  	v62 =	vld [tilespmem:$0x80]  }
0x51: {  	v63 =	vld [tilespmem:$0x90]  }
0x52: {  	[tilespmem:$0x1DF80] =	vst v59  }
0x53: {  	[tilespmem:$0x1DF90] =	vst v60  }
0x54: {  	[tilespmem:$0x1DFA0] =	vst v61  }
0x55: {  	[tilespmem:$0x1DFB0] =	vst v62  }
0x56: {  	[tilespmem:$0x1DFC0] =	vst v63  }
0x57: {  	[tilespmem:s25], [sflag:$0x2] =	stream.indirect.gather [hbm4b:s4+s19], $0x80, s24, s19, $0xb8;
	[tilespmem:$0x1E100] =	vst v63  }
0x58: {  	s5 =	simm.s32 $0x130;
	s6 =	simm.s32 $0x0;
	s14 =	simm.s32 $0x27D0  }
0x59: {  	[tilespmem:s28], [sflag:$0x2] =	stream.indirect.gather [hbm4b:s4+s19], $0x80, s26, s19, $0xb8;
	[tilespmem:$0x1E100] =	vst v63  }
.LBB2_2:
0x5a: {  	_ =	swait.ge [sflag:s16], $0x1400  }
0x5b: {  	[sflag:s16] =	ssyncset.done $0x0  }
0x5c: {  	[sflag:s16] =	ssyncadd.s32 $0xFFFFEC00  }
0x5d: {  	_ =	swait.ge [sflag:s16], $0x1400  }
0x5e: {  	[sflag:s16] =	ssyncset.done $0x0  }
0x5f: {  	[sflag:s16] =	ssyncadd.s32 $0xFFFFEC00  }
0x60: {  	v0 =	vld [tilespmem:s14+$0xFFFFFFB0];
	_ =	sdelay $0x4  }
0x61: {  	[tilespmem:$0x1E000] =	vst v0  }
0x62: {  	v0 =	vld [tilespmem:s14+$0xFFFFFFC0];
	_ =	sdelay $0x4  }
0x63: {  	[tilespmem:$0x1E010] =	vst v0  }
0x64: {  	v0 =	vld [tilespmem:s14+$0xFFFFFFD0];
	_ =	sdelay $0x4  }
0x65: {  	[tilespmem:$0x1E020] =	vst v0  }
0x66: {  	v0 =	vld [tilespmem:s14+$0xFFFFFFE0];
	_ =	sdelay $0x4  }
0x67: {  	[tilespmem:$0x1E030] =	vst v0  }
0x68: {  	v0 =	vld [tilespmem:s14+$0xFFFFFFF0];
	_ =	sdelay $0x4  }
0x69: {  	[tilespmem:$0x1E040] =	vst v0  }
0x6a: {  	[spmem:s2] =	stream.indirect.scatter.add.f32 [tilespmem:s21], [sflag:$0x3], $0x80, s30, s29, $0xb8;
	[tilespmem:$0x1E100] =	vst v63  }
0x6b: {  	_ =	swait.ge [sflag:s18], $0x2800  }
0x6c: {  	[sflag:s18] =	ssyncset.done $0x0  }
0x6d: {  	[sflag:s18] =	ssyncadd.s32 $0xFFFFD800  }
0x6e: {  	v62 =	vld [tilespmem:s5+$0xFFFFFF70];
	_ =	sdelay $0x4  }
0x6f: {  	[tilespmem:$0x1DF00] =	vst v62  }
0x70: {  	v0 =	vld [tilespmem:s5+$0xFFFFFF80];
	_ =	sdelay $0x4  }
0x71: {  	[tilespmem:$0x1DF10] =	vst v0  }
0x72: {  	v0 =	vld [tilespmem:s5+$0xFFFFFF90];
	_ =	sdelay $0x4  }
0x73: {  	[tilespmem:$0x1DF20] =	vst v0  }
0x74: {  	v0 =	vld [tilespmem:s5+$0xFFFFFFA0];
	_ =	sdelay $0x4  }
0x75: {  	[tilespmem:$0x1DF30] =	vst v0  }
0x76: {  	v0 =	vld [tilespmem:s5+$0xFFFFFFB0];
	_ =	sdelay $0x4  }
0x77: {  	[tilespmem:$0x1DF40] =	vst v0  }
0x78: {  	[tilespmem:s21], [sflag:$0x1] =	stream.indirect.gather [hbm4b:s4+s19], $0x80, s20, s19, $0xb8;
	[tilespmem:$0x1E100] =	vst v63  }
0x79: {  	_ = 	snop  }
0x7a: {  	[tilespmem:s23], [sflag:$0x1] =	stream.indirect.gather [hbm4b:s4+s19], $0x80, s22, s19, $0xb8;
	[tilespmem:$0x1E100] =	vst v63  }
0x7b: {  	_ =	swait.ge [sflag:s17], $0x1400  }
0x7c: {  	[sflag:s17] =	ssyncset.done $0x0  }
0x7d: {  	[sflag:s17] =	ssyncadd.s32 $0xFFFFEC00  }
0x7e: {  	_ =	swait.ge [sflag:s17], $0x1400  }
0x7f: {  	[sflag:s17] =	ssyncset.done $0x0  }
0x80: {  	[sflag:s17] =	ssyncadd.s32 $0xFFFFEC00  }
0x81: {  	v63 =	vld [tilespmem:s14+$0x0];
	_ =	sdelay $0x4  }
0x82: {  	[tilespmem:$0x1E080] =	vst v63  }
0x83: {  	v0 =	vld [tilespmem:s14+$0x10];
	_ =	sdelay $0x4  }
0x84: {  	[tilespmem:$0x1E090] =	vst v0  }
0x85: {  	v0 =	vld [tilespmem:s14+$0x20];
	_ =	sdelay $0x4  }
0x86: {  	s8 =	sand.u32 $0x3FE0, s6;
	[tilespmem:$0x1E0A0] =	vst v0  }
0x87: {  	v0 =	vld [tilespmem:s8+$0x2800];
	_ =	sdelay $0x4  }
0x88: {  	[tilespmem:$0x1E0B0] =	vst v0  }
0x89: {  	v0 =	vld [tilespmem:s14+$0x40];
	_ =	sdelay $0x3  }
0x8a: {  	p0 =	seq.s32 s6, $0x2620  }
.Ltmp2:
0x8b: {  	[tilespmem:$0x1E0C0] =	vst v0;
	(pc) =	sbr.rel @p0 .LBB2_4-.Ltmp2, $4  }
0x8c: {  	[spmem:s2] =	stream.indirect.scatter.add.f32 [tilespmem:s25], [sflag:$0x4], $0x80, s31, s29, $0xb8;
	[tilespmem:$0x1E100] =	vst v63  }
0x8d: {  	_ =	swait.ge [sflag:s0], $0x2800  }
0x8e: {  	[sflag:s0] =	ssyncset.done $0x0  }
0x8f: {  	[sflag:s0] =	ssyncadd.s32 $0xFFFFD800  }
0x90: {  	v0 =	vld [tilespmem:s5+$0xFFFFFFC0];
	_ =	sdelay $0x4  }
0x91: {  	[tilespmem:$0x1DF80] =	vst v0  }
0x92: {  	v0 =	vld [tilespmem:s5+$0xFFFFFFD0];
	_ =	sdelay $0x4  }
0x93: {  	[tilespmem:$0x1DF90] =	vst v0  }
0x94: {  	v0 =	vld [tilespmem:s5+$0xFFFFFFE0];
	_ =	sdelay $0x4  }
0x95: {  	[tilespmem:$0x1DFA0] =	vst v0  }
0x96: {  	v0 =	vld [tilespmem:s5+$0xFFFFFFF0];
	_ =	sdelay $0x4  }
0x97: {  	[tilespmem:$0x1DFB0] =	vst v0  }
0x98: {  	v0 =	vld [tilespmem:s5+$0x0];
	_ =	sdelay $0x3  }
.Ltmp3:
0x99: {  	_ = 	snop;
	(pc) =	sbr.rel .LBB2_2-.Ltmp3, $4  }
0x9a: {  	[tilespmem:$0x1DFC0] =	vst v0  }
0x9b: {  	[tilespmem:s25], [sflag:$0x2] =	stream.indirect.gather [hbm4b:s4+s19], $0x80, s24, s19, $0xb8;
	[tilespmem:$0x1E100] =	vst v63  }
0x9c: {  	s6 =	sadd.s32 $0xA0, s6;
	s14 =	sadd.s32 $0xA0, s14;
	s5 =	sadd.s32 $0xA0, s5  }
0x9d: {  	[tilespmem:s28], [sflag:$0x2] =	stream.indirect.gather [hbm4b:s4+s19], $0x80, s26, s19, $0xb8;
	[tilespmem:$0x1E100] =	vst v63  }
.LBB2_5:
0x9e: {  	_ =	sfence.sel $0x180000  }
0x9f: {  	[bflag:$0x0] =	sbarrier.arrive $0xFFFF  }
0xa0: {  	_ =	strace $0x90000050  }
0xa1: {  	s0 =	stileid.u32;
	[bflag:$0x2] =	sbarrier.arrive $0xFFFF  }
0xa2: {  	p0 =	sne.s32 s0, $0x0;
	s0 =	rddreg [dreg:$0x2]  }
0xa3: {  	s0 =	sadd.s32 @!p0 $0x100000, s0  }
0xa4: {  	[sflag:s0] =	ssyncadd.tile.s32 @!p0 $0x1;
	_ =	shalt  }
.Lfunc_end2:
_tile_overlayer_lowered:
.L_overlay_start_2:
0xa5: {  	(tag) =	ssettag $0x2  }
0xa6: {  	s0 =	rddreg [dreg:$0x0];
	s2 =	stileid.u32  }
0xa7: {  	s1 =	rddreg [dreg:$0x1];
	p0 =	sne.s32 s2, $0x0  }
0xa8: {  	s3 =	rddreg [dreg:$0x2];
	[bflag:$0x3] =	sbarrier.arrive $0xFFFF;
	s2 =	simm.s32 @!p0 $0x1C05  }
0xa9: {  	[timem:s3], [sflag:s2] =	dma.local @!p0 [hbm:s0], s1  }
0xaa: {  	s0 =	simm.s32 @!p0 $0x5  }
0xab: {  	_ =	swait.ge @!p0 [sflag:s0], s1  }
0xac: {  	s1 =	ssub.s32 @!p0 $0x0, s1;
	[sflag:s0] =	ssyncset.done @!p0 $0x0  }
0xad: {  	[sflag:s0] =	ssyncadd.s32 @!p0 s1  }
0xae: {  	[bflag:$0x3] =	sbarrier.arrive $0xFFFF  }
0xaf: {  	_ =	shalt  }

</sc_bundles>
